<compile_context>
chip_gen: v7x
topology: tpu7x:2x2x1
jax: 0.10.2.dev20260603
libtpu: 0.0.44.dev20260713+nightly
codegen_flags: <defaults>
</compile_context>

<pallas_src>
import functools

import jax
import jax.numpy as jnp
from jax import lax
from jax.experimental import pallas as pl
from jax.experimental.pallas import tpu as pltpu
from jax.experimental.pallas import tpu_sc as plsc

N_ROWS = 32
N_COLS = 100000
K = 8
INV_T = 0.5
L = 16
U = 10
STEP = U * L
TB = 128
CH0 = 3840
CH = 32000
NCH = 3
MAIN = CH0 + NCH * CH
ALIGNED_END = MAIN + TB
NP_COLS = ALIGNED_END + TB
ZN = 12800
NZ7 = 7
ZREM = NP_COLS - NZ7 * ZN
CPL = 256
CAND = CPL * L
BLK = 128
BIG_NEG = -3.0e38
I32_MAX = 2**31 - 1

_mesh = plsc.VectorSubcoreMesh(core_axis_name="c", subcore_axis_name="s")


@functools.partial(
    pl.kernel,
    mesh=_mesh,
    compiler_params=pltpu.CompilerParams(needs_layout_passes=False),
    out_type=jax.ShapeDtypeStruct((N_ROWS, NP_COLS), jnp.float32),
    scratch_types=[
        pltpu.VMEM((N_COLS,), jnp.float32),
        pltpu.VMEM((ZN,), jnp.float32),
        pltpu.VMEM((CAND,), jnp.float32),
        pltpu.VMEM((CAND,), jnp.int32),
        pltpu.VMEM((K * BLK,), jnp.float32),
        pltpu.VMEM((TB,), jnp.float32),
        pltpu.VMEM((L,), jnp.int32),
        pltpu.SemaphoreType.DMA((NCH + 3,)),
        pltpu.SemaphoreType.DMA,
        pltpu.SemaphoreType.DMA,
    ],
)
def _diff_topk_rows(
    cls_hbm, flat_hbm, out_hbm,
    row, zbuf, cand_v, cand_i, wblk, tbuf, posbuf, sems_in, sem_z, sem_b,
):
    cid = lax.axis_index("c")
    sid = lax.axis_index("s")
    wid = sid * 2 + cid

    row_hbm = cls_hbm.at[wid]
    orow_hbm = out_hbm.at[wid]

    in0 = pltpu.async_copy(
        row_hbm.at[pl.ds(0, CH0)], row.at[pl.ds(0, CH0)], sems_in.at[0]
    )
    in_copies = [
        pltpu.async_copy(
            row_hbm.at[pl.ds(CH0 + c * CH, CH)],
            row.at[pl.ds(CH0 + c * CH, CH)],
            sems_in.at[c + 1],
        )
        for c in range(NCH)
    ]
    in_t0 = pltpu.async_copy(
        row_hbm.at[pl.ds(MAIN, TB)], row.at[pl.ds(MAIN, TB)],
        sems_in.at[NCH + 1],
    )
    tail_off = wid * N_COLS + ALIGNED_END
    p = lax.rem(tail_off, TB)
    in_t1 = pltpu.async_copy(
        flat_hbm.at[pl.ds(pl.multiple_of(tail_off - p, TB), TB)],
        tbuf,
        sems_in.at[NCH + 2],
    )

    lanes = lax.iota(jnp.int32, L)
    neg = jnp.full((L,), BIG_NEG, jnp.float32)
    imax_v = jnp.full((L,), I32_MAX, jnp.int32)
    zf = jnp.zeros((L,), jnp.float32)

    def init_cand(i, c):
        cand_v[pl.ds(i * L, L)] = neg
        cand_i[pl.ds(i * L, L)] = imax_v
        return c

    lax.fori_loop(0, CAND // L, init_cand, 0)

    def init_z(i, c):
        base = i * STEP
        for u in range(U):
            zbuf[pl.ds(base + u * L, L)] = zf
        return c

    lax.fori_loop(0, ZN // STEP, init_z, 0)

    def init_w(i, c):
        wblk[pl.ds(i * L, L)] = zf
        return c

    lax.fori_loop(0, K * BLK // L, init_w, 0)

    z_copies = [
        pltpu.async_copy(zbuf, orow_hbm.at[pl.ds(z * ZN, ZN)], sem_z)
        for z in range(NZ7)
    ]
    z_copies.append(
        pltpu.async_copy(
            zbuf.at[pl.ds(0, ZREM)],
            orow_hbm.at[pl.ds(NZ7 * ZN, ZREM)],
            sem_z,
        )
    )

    in0.wait()

    def pre_body(i, carry):
        m0, m1 = carry
        base = i * STEP
        for u in range(U):
            v = row[pl.ds(base + u * L, L)]
            if u % 2 == 0:
                m0 = jnp.maximum(m0, v)
            else:
                m1 = jnp.maximum(m1, v)
        return (m0, m1)

    m0, m1 = lax.fori_loop(0, CH0 // STEP, pre_body, (neg, neg))
    mv = jnp.maximum(m0, m1)
    for _ in range(K - 1):
        cur = jnp.max(mv)
        mv = jnp.where(mv == cur, neg, mv)
    thr = jnp.max(mv)

    lim = CAND - L + lanes
    posbuf[pl.ds(0, L)] = lanes

    def scan_body(i, carry, _off=0):
        acc = list(carry)
        base = _off + i * STEP
        vs = []
        msks = []
        for u in range(U):
            v = row[pl.ds(base + u * L, L)]
            e = jnp.exp(v * INV_T)
            acc[u % 4] = acc[u % 4] + e
            vs.append(v)
            msks.append(v >= thr)
        anym = msks[0]
        for u in range(1, U):
            anym = anym | msks[u]

        @pl.when(jnp.max(jnp.where(anym, 1, 0)) > 0)
        def _collect():
            posv = posbuf[pl.ds(0, L)]
            for u in range(U):
                off = base + u * L
                pos = jnp.minimum(posv, lim)
                plsc.store_scatter(cand_v, [pos], vs[u], mask=msks[u])
                plsc.store_scatter(cand_i, [pos], off + lanes, mask=msks[u])
                posv = posv + jnp.where(msks[u], L, 0)
            posbuf[pl.ds(0, L)] = posv

        return tuple(acc)

    carry = lax.fori_loop(
        0, CH0 // STEP, functools.partial(scan_body, _off=0), (zf, zf, zf, zf)
    )
    for c in range(NCH):
        in_copies[c].wait()
        carry = lax.fori_loop(
            0,
            CH // STEP,
            functools.partial(scan_body, _off=CH0 + c * CH),
            carry,
        )
    in_t0.wait()
    in_t1.wait()
    for u in range(2):
        row[pl.ds(ALIGNED_END + u * L, L)] = tbuf[pl.ds(p + u * L, L)]
    carry = lax.fori_loop(
        0,
        (N_COLS - MAIN) // STEP,
        functools.partial(scan_body, _off=MAIN),
        carry,
    )
    a0, a1, a2, a3 = carry
    s_total = jnp.sum((a0 + a1) + (a2 + a3))
    posv = posbuf[pl.ds(0, L)]
    n_slots = jnp.max(posv - lanes) // L

    chosen_v = []
    chosen_i = []
    for j in range(K):

        def sel_body(c, carry, _chosen_i=tuple(chosen_i)):
            bv, bi = carry
            v = cand_v[pl.ds(c * L, L)]
            ii = cand_i[pl.ds(c * L, L)]
            better = (v > bv) | ((v == bv) & (ii < bi))
            for pj in _chosen_i:
                better = better & (ii != pj)
            bv = jnp.where(better, v, bv)
            bi = jnp.where(better, ii, bi)
            return (bv, bi)

        bv, bi = lax.fori_loop(0, n_slots, sel_body, (neg, imax_v))
        vj = jnp.max(bv)
        ij = jnp.min(jnp.where(bv == vj, bi, imax_v))
        chosen_v.append(vj)
        chosen_i.append(ij)

    v_vec = neg
    i_vec = jnp.zeros((L,), jnp.int32)
    for j in range(K):
        sel = lanes == j
        v_vec = jnp.where(sel, chosen_v[j], v_vec)
        i_vec = jnp.where(sel, chosen_i[j], i_vec)
    e_vec = jnp.exp(v_vec * INV_T)
    d_vec = s_total - (plsc.cumsum(e_vec) - e_vec)
    w_vec = e_vec / d_vec

    for z in z_copies:
        z.wait()
    valid = lanes < K
    b_copies = []
    for j in range(K):
        base_j = jnp.bitwise_and(chosen_i[j], -BLK)
        local = i_vec - base_j
        msk = valid & (local >= 0) & (local < BLK)
        idx = j * BLK + jnp.minimum(jnp.maximum(local, 0), BLK - 1)
        plsc.store_scatter(wblk, [idx], w_vec, mask=msk)
        b_copies.append(
            pltpu.async_copy(
                wblk.at[pl.ds(j * BLK, BLK)],
                orow_hbm.at[pl.ds(pl.multiple_of(base_j, BLK), BLK)],
                sem_b,
            )
        )
    for b in b_copies:
        b.wait()


def kernel(normu, cls):
    padded = _diff_topk_rows(cls, cls.reshape(-1))
    return (normu, padded[:, :N_COLS])

# --- scband reference (transcript-rebuilt; emitter-appended) ---
"""Pipeline reference for scband-latents-83081847374567 (READ-ONLY COPY).

The authoritative reference and input builder live on the scoring server;
editing this copy changes nothing except your own understanding.
"""

import jax, jax.numpy as jnp
import numpy as np


def differentiable_topk(x, k, temperature=1.0):
    n, dim = x.shape
    rows = jnp.arange(n)[:, None]
    topk_tensors = []
    for i in range(k):
        is_last = i == (k - 1)
        sm = jax.nn.softmax(x / temperature, axis=-1)
        values, indices = jax.lax.top_k(sm, 1)
        topks = jnp.zeros_like(x).at[rows, indices].set(values)
        topk_tensors.append(topks)
        if not is_last:
            x = x.at[rows, indices].set(-jnp.inf)
    topks = jnp.concatenate(topk_tensors, axis=-1)
    return topks.reshape(n, k, dim).sum(axis=1)


def setup_inputs(seed: int = 0) -> dict:
    key = jax.random.key(seed)
    k1, k2 = jax.random.split(key)
    normu = jax.random.normal(k1, (32, 128), dtype=jnp.float32)
    cls = -3.9 + 0.3 * jax.random.normal(k2, (32, 100000), dtype=jnp.float32)
    return {"normu": normu, "cls": cls}


def reference(normu, cls):
    # Latents.forward with max_classes=8 set: differentiable_topk path
    classes = differentiable_topk(cls, 8, temperature=2.0)
    return (normu, classes)

if __name__ == "__main__":
    import jax
    _d = setup_inputs()
    print(jax.jit(kernel)(*tuple(_d.values())))

</pallas_src>

<mosaic_0001>
#map = affine_map<(d0, d1) -> (0, 0)>
#map1 = affine_map<(d0, d1) -> (0)>
module attributes {stable_mosaic.version = 14 : i64} {
  func.func @_diff_topk_rows(%arg0: i32, %arg1: i32, %arg2: memref<32x100000xf32, #tpu.memory_space<hbm>>, %arg3: memref<3200000xf32, #tpu.memory_space<hbm>>, %arg4: memref<32x100096xf32, #tpu.memory_space<hbm>>, %arg5: memref<100000xf32, #tpu.memory_space<vmem>>, %arg6: memref<12800xf32, #tpu.memory_space<vmem>>, %arg7: memref<4096xf32, #tpu.memory_space<vmem>>, %arg8: memref<4096xi32, #tpu.memory_space<vmem>>, %arg9: memref<1024xf32, #tpu.memory_space<vmem>>, %arg10: memref<128xf32, #tpu.memory_space<vmem>>, %arg11: memref<16xi32, #tpu.memory_space<vmem>>, %arg12: memref<6x!tpu.dma_semaphore, #tpu.memory_space<semaphore_mem>>, %arg13: memref<!tpu.dma_semaphore, #tpu.memory_space<semaphore_mem>>, %arg14: memref<!tpu.dma_semaphore, #tpu.memory_space<semaphore_mem>>) attributes {dimension_semantics = [#tpu.dimension_semantics<core_parallel>, #tpu.dimension_semantics<subcore_parallel>], iteration_bounds = array<i64: 2, 16>, scalar_prefetch = 0 : i64, scratch_operands = 10 : i64, tpu.core_type = #tpu.core_type<sc_vector_subcore>, window_params = [{transform_indices = #map}, {transform_indices = #map1}, {transform_indices = #map}]} {
    %mul3A = arith.constant 2 : i32
    %mul3A_0 = arith.muli %arg1, %mul3A : i32
    %add3A = arith.addi %mul3A_0, %arg0 : i32
    %dma_start3A = arith.constant 0 : i32
    %dma_start3A_1 = arith.constant 0 : i32
    %dma_start3A_2 = tpu.memref_slice %arg5[%dma_start3A_1] : memref<100000xf32, #tpu.memory_space<vmem>> -> memref<3840xf32, #tpu.memory_space<vmem>>
    %dma_start3A_3 = arith.constant 0 : i32
    %dma_start3A_4 = tpu.memref_slice %arg2[%add3A, %dma_start3A_3] : memref<32x100000xf32, #tpu.memory_space<hbm>> -> memref<1x100000xf32, #tpu.memory_space<hbm>>
    %dma_start3A_5 = tpu.memref_squeeze %dma_start3A_4 : memref<1x100000xf32, #tpu.memory_space<hbm>> -> memref<100000xf32, #tpu.memory_space<hbm>>
    %dma_start3A_6 = arith.constant 0 : i32
    %dma_start3A_7 = tpu.memref_slice %dma_start3A_5[%dma_start3A_6] : memref<100000xf32, #tpu.memory_space<hbm>> -> memref<3840xf32, #tpu.memory_space<hbm>>
    %dma_start3A_8 = tpu.memref_slice %arg12[%dma_start3A] : memref<6x!tpu.dma_semaphore, #tpu.memory_space<semaphore_mem>> -> memref<1x!tpu.dma_semaphore, #tpu.memory_space<semaphore_mem>>
    %dma_start3A_9 = tpu.memref_squeeze %dma_start3A_8 : memref<1x!tpu.dma_semaphore, #tpu.memory_space<semaphore_mem>> -> memref<!tpu.dma_semaphore, #tpu.memory_space<semaphore_mem>>
    %dma_start3A_10 = arith.constant 0 : i32
    %dma_start3A_11 = tpu.memref_slice %arg5[%dma_start3A_10] : memref<100000xf32, #tpu.memory_space<vmem>> -> memref<3840xf32, #tpu.memory_space<vmem>>
    %dma_start3A_12 = arith.constant 0 : i32
    %dma_start3A_13 = tpu.memref_slice %arg2[%add3A, %dma_start3A_12] : memref<32x100000xf32, #tpu.memory_space<hbm>> -> memref<1x100000xf32, #tpu.memory_space<hbm>>
    %dma_start3A_14 = tpu.memref_squeeze %dma_start3A_13 : memref<1x100000xf32, #tpu.memory_space<hbm>> -> memref<100000xf32, #tpu.memory_space<hbm>>
    %dma_start3A_15 = arith.constant 0 : i32
    %dma_start3A_16 = tpu.memref_slice %dma_start3A_14[%dma_start3A_15] : memref<100000xf32, #tpu.memory_space<hbm>> -> memref<3840xf32, #tpu.memory_space<hbm>>
    tpu.enqueue_dma source(%dma_start3A_16 : memref<3840xf32, #tpu.memory_space<hbm>>) target(%dma_start3A_11 : memref<3840xf32, #tpu.memory_space<vmem>>) target_semaphore(%dma_start3A_9 : memref<!tpu.dma_semaphore, #tpu.memory_space<semaphore_mem>>)
    %dma_start3A_17 = arith.constant 1 : i32
    %dma_start3A_18 = arith.constant 3840 : i32
    %dma_start3A_19 = tpu.memref_slice %arg5[%dma_start3A_18] : memref<100000xf32, #tpu.memory_space<vmem>> -> memref<32000xf32, #tpu.memory_space<vmem>>
    %dma_start3A_20 = arith.constant 0 : i32
    %dma_start3A_21 = tpu.memref_slice %arg2[%add3A, %dma_start3A_20] : memref<32x100000xf32, #tpu.memory_space<hbm>> -> memref<1x100000xf32, #tpu.memory_space<hbm>>
    %dma_start3A_22 = tpu.memref_squeeze %dma_start3A_21 : memref<1x100000xf32, #tpu.memory_space<hbm>> -> memref<100000xf32, #tpu.memory_space<hbm>>
    %dma_start3A_23 = arith.constant 3840 : i32
    %dma_start3A_24 = tpu.memref_slice %dma_start3A_22[%dma_start3A_23] : memref<100000xf32, #tpu.memory_space<hbm>> -> memref<32000xf32, #tpu.memory_space<hbm>>
    %dma_start3A_25 = tpu.memref_slice %arg12[%dma_start3A_17] : memref<6x!tpu.dma_semaphore, #tpu.memory_space<semaphore_mem>> -> memref<1x!tpu.dma_semaphore, #tpu.memory_space<semaphore_mem>>
    %dma_start3A_26 = tpu.memref_squeeze %dma_start3A_25 : memref<1x!tpu.dma_semaphore, #tpu.memory_space<semaphore_mem>> -> memref<!tpu.dma_semaphore, #tpu.memory_space<semaphore_mem>>
    %dma_start3A_27 = arith.constant 3840 : i32
    %dma_start3A_28 = tpu.memref_slice %arg5[%dma_start3A_27] : memref<100000xf32, #tpu.memory_space<vmem>> -> memref<32000xf32, #tpu.memory_space<vmem>>
    %dma_start3A_29 = arith.constant 0 : i32
    %dma_start3A_30 = tpu.memref_slice %arg2[%add3A, %dma_start3A_29] : memref<32x100000xf32, #tpu.memory_space<hbm>> -> memref<1x100000xf32, #tpu.memory_space<hbm>>
    %dma_start3A_31 = tpu.memref_squeeze %dma_start3A_30 : memref<1x100000xf32, #tpu.memory_space<hbm>> -> memref<100000xf32, #tpu.memory_space<hbm>>
    %dma_start3A_32 = arith.constant 3840 : i32
    %dma_start3A_33 = tpu.memref_slice %dma_start3A_31[%dma_start3A_32] : memref<100000xf32, #tpu.memory_space<hbm>> -> memref<32000xf32, #tpu.memory_space<hbm>>
    tpu.enqueue_dma source(%dma_start3A_33 : memref<32000xf32, #tpu.memory_space<hbm>>) target(%dma_start3A_28 : memref<32000xf32, #tpu.memory_space<vmem>>) target_semaphore(%dma_start3A_26 : memref<!tpu.dma_semaphore, #tpu.memory_space<semaphore_mem>>)
    %dma_start3A_34 = arith.constant 2 : i32
    %dma_start3A_35 = arith.constant 35840 : i32
    %dma_start3A_36 = tpu.memref_slice %arg5[%dma_start3A_35] : memref<100000xf32, #tpu.memory_space<vmem>> -> memref<32000xf32, #tpu.memory_space<vmem>>
    %dma_start3A_37 = arith.constant 0 : i32
    %dma_start3A_38 = tpu.memref_slice %arg2[%add3A, %dma_start3A_37] : memref<32x100000xf32, #tpu.memory_space<hbm>> -> memref<1x100000xf32, #tpu.memory_space<hbm>>
    %dma_start3A_39 = tpu.memref_squeeze %dma_start3A_38 : memref<1x100000xf32, #tpu.memory_space<hbm>> -> memref<100000xf32, #tpu.memory_space<hbm>>
    %dma_start3A_40 = arith.constant 35840 : i32
    %dma_start3A_41 = tpu.memref_slice %dma_start3A_39[%dma_start3A_40] : memref<100000xf32, #tpu.memory_space<hbm>> -> memref<32000xf32, #tpu.memory_space<hbm>>
    %dma_start3A_42 = tpu.memref_slice %arg12[%dma_start3A_34] : memref<6x!tpu.dma_semaphore, #tpu.memory_space<semaphore_mem>> -> memref<1x!tpu.dma_semaphore, #tpu.memory_space<semaphore_mem>>
    %dma_start3A_43 = tpu.memref_squeeze %dma_start3A_42 : memref<1x!tpu.dma_semaphore, #tpu.memory_space<semaphore_mem>> -> memref<!tpu.dma_semaphore, #tpu.memory_space<semaphore_mem>>
    %dma_start3A_44 = arith.constant 35840 : i32
    %dma_start3A_45 = tpu.memref_slice %arg5[%dma_start3A_44] : memref<100000xf32, #tpu.memory_space<vmem>> -> memref<32000xf32, #tpu.memory_space<vmem>>
    %dma_start3A_46 = arith.constant 0 : i32
    %dma_start3A_47 = tpu.memref_slice %arg2[%add3A, %dma_start3A_46] : memref<32x100000xf32, #tpu.memory_space<hbm>> -> memref<1x100000xf32, #tpu.memory_space<hbm>>
    %dma_start3A_48 = tpu.memref_squeeze %dma_start3A_47 : memref<1x100000xf32, #tpu.memory_space<hbm>> -> memref<100000xf32, #tpu.memory_space<hbm>>
    %dma_start3A_49 = arith.constant 35840 : i32
    %dma_start3A_50 = tpu.memref_slice %dma_start3A_48[%dma_start3A_49] : memref<100000xf32, #tpu.memory_space<hbm>> -> memref<32000xf32, #tpu.memory_space<hbm>>
    tpu.enqueue_dma source(%dma_start3A_50 : memref<32000xf32, #tpu.memory_space<hbm>>) target(%dma_start3A_45 : memref<32000xf32, #tpu.memory_space<vmem>>) target_semaphore(%dma_start3A_43 : memref<!tpu.dma_semaphore, #tpu.memory_space<semaphore_mem>>)
    %dma_start3A_51 = arith.constant 3 : i32
    %dma_start3A_52 = arith.constant 67840 : i32
    %dma_start3A_53 = tpu.memref_slice %arg5[%dma_start3A_52] : memref<100000xf32, #tpu.memory_space<vmem>> -> memref<32000xf32, #tpu.memory_space<vmem>>
    %dma_start3A_54 = arith.constant 0 : i32
    %dma_start3A_55 = tpu.memref_slice %arg2[%add3A, %dma_start3A_54] : memref<32x100000xf32, #tpu.memory_space<hbm>> -> memref<1x100000xf32, #tpu.memory_space<hbm>>
    %dma_start3A_56 = tpu.memref_squeeze %dma_start3A_55 : memref<1x100000xf32, #tpu.memory_space<hbm>> -> memref<100000xf32, #tpu.memory_space<hbm>>
    %dma_start3A_57 = arith.constant 67840 : i32
    %dma_start3A_58 = tpu.memref_slice %dma_start3A_56[%dma_start3A_57] : memref<100000xf32, #tpu.memory_space<hbm>> -> memref<32000xf32, #tpu.memory_space<hbm>>
    %dma_start3A_59 = tpu.memref_slice %arg12[%dma_start3A_51] : memref<6x!tpu.dma_semaphore, #tpu.memory_space<semaphore_mem>> -> memref<1x!tpu.dma_semaphore, #tpu.memory_space<semaphore_mem>>
    %dma_start3A_60 = tpu.memref_squeeze %dma_start3A_59 : memref<1x!tpu.dma_semaphore, #tpu.memory_space<semaphore_mem>> -> memref<!tpu.dma_semaphore, #tpu.memory_space<semaphore_mem>>
    %dma_start3A_61 = arith.constant 67840 : i32
    %dma_start3A_62 = tpu.memref_slice %arg5[%dma_start3A_61] : memref<100000xf32, #tpu.memory_space<vmem>> -> memref<32000xf32, #tpu.memory_space<vmem>>
    %dma_start3A_63 = arith.constant 0 : i32
    %dma_start3A_64 = tpu.memref_slice %arg2[%add3A, %dma_start3A_63] : memref<32x100000xf32, #tpu.memory_space<hbm>> -> memref<1x100000xf32, #tpu.memory_space<hbm>>
    %dma_start3A_65 = tpu.memref_squeeze %dma_start3A_64 : memref<1x100000xf32, #tpu.memory_space<hbm>> -> memref<100000xf32, #tpu.memory_space<hbm>>
    %dma_start3A_66 = arith.constant 67840 : i32
    %dma_start3A_67 = tpu.memref_slice %dma_start3A_65[%dma_start3A_66] : memref<100000xf32, #tpu.memory_space<hbm>> -> memref<32000xf32, #tpu.memory_space<hbm>>
    tpu.enqueue_dma source(%dma_start3A_67 : memref<32000xf32, #tpu.memory_space<hbm>>) target(%dma_start3A_62 : memref<32000xf32, #tpu.memory_space<vmem>>) target_semaphore(%dma_start3A_60 : memref<!tpu.dma_semaphore, #tpu.memory_space<semaphore_mem>>)
    %dma_start3A_68 = arith.constant 4 : i32
    %dma_start3A_69 = arith.constant 99840 : i32
    %dma_start3A_70 = tpu.memref_slice %arg5[%dma_start3A_69] : memref<100000xf32, #tpu.memory_space<vmem>> -> memref<128xf32, #tpu.memory_space<vmem>>
    %dma_start3A_71 = arith.constant 0 : i32
    %dma_start3A_72 = tpu.memref_slice %arg2[%add3A, %dma_start3A_71] : memref<32x100000xf32, #tpu.memory_space<hbm>> -> memref<1x100000xf32, #tpu.memory_space<hbm>>
    %dma_start3A_73 = tpu.memref_squeeze %dma_start3A_72 : memref<1x100000xf32, #tpu.memory_space<hbm>> -> memref<100000xf32, #tpu.memory_space<hbm>>
    %dma_start3A_74 = arith.constant 99840 : i32
    %dma_start3A_75 = tpu.memref_slice %dma_start3A_73[%dma_start3A_74] : memref<100000xf32, #tpu.memory_space<hbm>> -> memref<128xf32, #tpu.memory_space<hbm>>
    %dma_start3A_76 = tpu.memref_slice %arg12[%dma_start3A_68] : memref<6x!tpu.dma_semaphore, #tpu.memory_space<semaphore_mem>> -> memref<1x!tpu.dma_semaphore, #tpu.memory_space<semaphore_mem>>
    %dma_start3A_77 = tpu.memref_squeeze %dma_start3A_76 : memref<1x!tpu.dma_semaphore, #tpu.memory_space<semaphore_mem>> -> memref<!tpu.dma_semaphore, #tpu.memory_space<semaphore_mem>>
    %dma_start3A_78 = arith.constant 99840 : i32
    %dma_start3A_79 = tpu.memref_slice %arg5[%dma_start3A_78] : memref<100000xf32, #tpu.memory_space<vmem>> -> memref<128xf32, #tpu.memory_space<vmem>>
    %dma_start3A_80 = arith.constant 0 : i32
    %dma_start3A_81 = tpu.memref_slice %arg2[%add3A, %dma_start3A_80] : memref<32x100000xf32, #tpu.memory_space<hbm>> -> memref<1x100000xf32, #tpu.memory_space<hbm>>
    %dma_start3A_82 = tpu.memref_squeeze %dma_start3A_81 : memref<1x100000xf32, #tpu.memory_space<hbm>> -> memref<100000xf32, #tpu.memory_space<hbm>>
    %dma_start3A_83 = arith.constant 99840 : i32
    %dma_start3A_84 = tpu.memref_slice %dma_start3A_82[%dma_start3A_83] : memref<100000xf32, #tpu.memory_space<hbm>> -> memref<128xf32, #tpu.memory_space<hbm>>
    tpu.enqueue_dma source(%dma_start3A_84 : memref<128xf32, #tpu.memory_space<hbm>>) target(%dma_start3A_79 : memref<128xf32, #tpu.memory_space<vmem>>) target_semaphore(%dma_start3A_77 : memref<!tpu.dma_semaphore, #tpu.memory_space<semaphore_mem>>)
    %mul3A_85 = arith.constant 100000 : i32
    %mul3A_86 = arith.muli %add3A, %mul3A_85 : i32
    %add3A_87 = arith.constant 99968 : i32
    %add3A_88 = arith.addi %mul3A_86, %add3A_87 : i32
    %rem3A = arith.constant 128 : i32
    %rem3A_89 = arith.remsi %add3A_88, %rem3A : i32
    %sub3A = arith.subi %add3A_88, %rem3A_89 : i32
    %multiple_of3A = tpu.assume_multiple %sub3A, 128 : i32
    %dma_start3A_90 = arith.constant 5 : i32
    %dma_start3A_91 = tpu.memref_slice %arg3[%multiple_of3A] : memref<3200000xf32, #tpu.memory_space<hbm>> -> memref<128xf32, #tpu.memory_space<hbm>>
    %dma_start3A_92 = tpu.memref_slice %arg12[%dma_start3A_90] : memref<6x!tpu.dma_semaphore, #tpu.memory_space<semaphore_mem>> -> memref<1x!tpu.dma_semaphore, #tpu.memory_space<semaphore_mem>>
    %dma_start3A_93 = tpu.memref_squeeze %dma_start3A_92 : memref<1x!tpu.dma_semaphore, #tpu.memory_space<semaphore_mem>> -> memref<!tpu.dma_semaphore, #tpu.memory_space<semaphore_mem>>
    %dma_start3A_94 = tpu.memref_slice %arg3[%multiple_of3A] : memref<3200000xf32, #tpu.memory_space<hbm>> -> memref<128xf32, #tpu.memory_space<hbm>>
    tpu.enqueue_dma source(%dma_start3A_94 : memref<128xf32, #tpu.memory_space<hbm>>) target(%arg10 : memref<128xf32, #tpu.memory_space<vmem>>) target_semaphore(%dma_start3A_93 : memref<!tpu.dma_semaphore, #tpu.memory_space<semaphore_mem>>)
    %iota3A = tpu.iota {dimensions = array<i32: 0>} : vector<16xi32>
    %broadcast_in_dim3A = arith.constant -3.000000e+38 : f32
    %broadcast_in_dim3A_95 = vector.broadcast %broadcast_in_dim3A : f32 to vector<16xf32>
    %broadcast_in_dim3A_96 = arith.constant 2147483647 : i32
    %broadcast_in_dim3A_97 = vector.broadcast %broadcast_in_dim3A_96 : i32 to vector<16xi32>
    %broadcast_in_dim3A_98 = arith.constant 0.000000e+00 : f32
    %broadcast_in_dim3A_99 = vector.broadcast %broadcast_in_dim3A_98 : f32 to vector<16xf32>
    %scan3A = arith.constant 0 : i32
    %scan3A_100 = arith.constant 0 : i32
    %scan3A_101 = arith.constant 256 : i32
    %scan3A_102 = arith.addi %scan3A_100, %scan3A_101 : i32
    %scan3A_103 = arith.constant 1 : i32
    scf.for %scan3A_1285 = %scan3A_100 to %scan3A_102 step %scan3A_103  : i32 {
      %mul3A_1286 = arith.constant 16 : i32
      %mul3A_1287 = arith.muli %scan3A_1285, %mul3A_1286 : i32
      %swap3A_1288 = arith.index_cast %mul3A_1287 : i32 to index
      %swap3A_1289 = tpu.vector_load %arg7[%swap3A_1288] {strides = array<i32>} : memref<4096xf32, #tpu.memory_space<vmem>>, vector<16xf32>,
      tpu.vector_store %arg7[%swap3A_1288], %broadcast_in_dim3A_95 {strides = array<i32>} : memref<4096xf32, #tpu.memory_space<vmem>>, vector<16xf32>,
      %mul3A_1290 = arith.constant 16 : i32
      %mul3A_1291 = arith.muli %scan3A_1285, %mul3A_1290 : i32
      %swap3A_1292 = arith.index_cast %mul3A_1291 : i32 to index
      %swap3A_1293 = tpu.vector_load %arg8[%swap3A_1292] {strides = array<i32>} : memref<4096xi32, #tpu.memory_space<vmem>>, vector<16xi32>,
      tpu.vector_store %arg8[%swap3A_1292], %broadcast_in_dim3A_97 {strides = array<i32>} : memref<4096xi32, #tpu.memory_space<vmem>>, vector<16xi32>,
    }
    %scan3A_104 = arith.constant 256 : i32
    %scan3A_105 = arith.constant 0 : i32
    %scan3A_106 = arith.constant 0 : i32
    %scan3A_107 = arith.constant 80 : i32
    %scan3A_108 = arith.addi %scan3A_106, %scan3A_107 : i32
    %scan3A_109 = arith.constant 1 : i32
    scf.for %scan3A_1285 = %scan3A_106 to %scan3A_108 step %scan3A_109  : i32 {
      %mul3A_1286 = arith.constant 160 : i32
      %mul3A_1287 = arith.muli %scan3A_1285, %mul3A_1286 : i32
      %add3A_1288 = arith.constant 0 : i32
      %add3A_1289 = arith.addi %mul3A_1287, %add3A_1288 : i32
      %swap3A_1290 = arith.index_cast %add3A_1289 : i32 to index
      %swap3A_1291 = tpu.vector_load %arg6[%swap3A_1290] {strides = array<i32>} : memref<12800xf32, #tpu.memory_space<vmem>>, vector<16xf32>,
      tpu.vector_store %arg6[%swap3A_1290], %broadcast_in_dim3A_99 {strides = array<i32>} : memref<12800xf32, #tpu.memory_space<vmem>>, vector<16xf32>,
      %add3A_1292 = arith.constant 16 : i32
      %add3A_1293 = arith.addi %mul3A_1287, %add3A_1292 : i32
      %swap3A_1294 = arith.index_cast %add3A_1293 : i32 to index
      %swap3A_1295 = tpu.vector_load %arg6[%swap3A_1294] {strides = array<i32>} : memref<12800xf32, #tpu.memory_space<vmem>>, vector<16xf32>,
      tpu.vector_store %arg6[%swap3A_1294], %broadcast_in_dim3A_99 {strides = array<i32>} : memref<12800xf32, #tpu.memory_space<vmem>>, vector<16xf32>,
      %add3A_1296 = arith.constant 32 : i32
      %add3A_1297 = arith.addi %mul3A_1287, %add3A_1296 : i32
      %swap3A_1298 = arith.index_cast %add3A_1297 : i32 to index
      %swap3A_1299 = tpu.vector_load %arg6[%swap3A_1298] {strides = array<i32>} : memref<12800xf32, #tpu.memory_space<vmem>>, vector<16xf32>,
      tpu.vector_store %arg6[%swap3A_1298], %broadcast_in_dim3A_99 {strides = array<i32>} : memref<12800xf32, #tpu.memory_space<vmem>>, vector<16xf32>,
      %add3A_1300 = arith.constant 48 : i32
      %add3A_1301 = arith.addi %mul3A_1287, %add3A_1300 : i32
      %swap3A_1302 = arith.index_cast %add3A_1301 : i32 to index
      %swap3A_1303 = tpu.vector_load %arg6[%swap3A_1302] {strides = array<i32>} : memref<12800xf32, #tpu.memory_space<vmem>>, vector<16xf32>,
      tpu.vector_store %arg6[%swap3A_1302], %broadcast_in_dim3A_99 {strides = array<i32>} : memref<12800xf32, #tpu.memory_space<vmem>>, vector<16xf32>,
      %add3A_1304 = arith.constant 64 : i32
      %add3A_1305 = arith.addi %mul3A_1287, %add3A_1304 : i32
      %swap3A_1306 = arith.index_cast %add3A_1305 : i32 to index
      %swap3A_1307 = tpu.vector_load %arg6[%swap3A_1306] {strides = array<i32>} : memref<12800xf32, #tpu.memory_space<vmem>>, vector<16xf32>,
      tpu.vector_store %arg6[%swap3A_1306], %broadcast_in_dim3A_99 {strides = array<i32>} : memref<12800xf32, #tpu.memory_space<vmem>>, vector<16xf32>,
      %add3A_1308 = arith.constant 80 : i32
      %add3A_1309 = arith.addi %mul3A_1287, %add3A_1308 : i32
      %swap3A_1310 = arith.index_cast %add3A_1309 : i32 to index
      %swap3A_1311 = tpu.vector_load %arg6[%swap3A_1310] {strides = array<i32>} : memref<12800xf32, #tpu.memory_space<vmem>>, vector<16xf32>,
      tpu.vector_store %arg6[%swap3A_1310], %broadcast_in_dim3A_99 {strides = array<i32>} : memref<12800xf32, #tpu.memory_space<vmem>>, vector<16xf32>,
      %add3A_1312 = arith.constant 96 : i32
      %add3A_1313 = arith.addi %mul3A_1287, %add3A_1312 : i32
      %swap3A_1314 = arith.index_cast %add3A_1313 : i32 to index
      %swap3A_1315 = tpu.vector_load %arg6[%swap3A_1314] {strides = array<i32>} : memref<12800xf32, #tpu.memory_space<vmem>>, vector<16xf32>,
      tpu.vector_store %arg6[%swap3A_1314], %broadcast_in_dim3A_99 {strides = array<i32>} : memref<12800xf32, #tpu.memory_space<vmem>>, vector<16xf32>,
      %add3A_1316 = arith.constant 112 : i32
      %add3A_1317 = arith.addi %mul3A_1287, %add3A_1316 : i32
      %swap3A_1318 = arith.index_cast %add3A_1317 : i32 to index
      %swap3A_1319 = tpu.vector_load %arg6[%swap3A_1318] {strides = array<i32>} : memref<12800xf32, #tpu.memory_space<vmem>>, vector<16xf32>,
      tpu.vector_store %arg6[%swap3A_1318], %broadcast_in_dim3A_99 {strides = array<i32>} : memref<12800xf32, #tpu.memory_space<vmem>>, vector<16xf32>,
      %add3A_1320 = arith.constant 128 : i32
      %add3A_1321 = arith.addi %mul3A_1287, %add3A_1320 : i32
      %swap3A_1322 = arith.index_cast %add3A_1321 : i32 to index
      %swap3A_1323 = tpu.vector_load %arg6[%swap3A_1322] {strides = array<i32>} : memref<12800xf32, #tpu.memory_space<vmem>>, vector<16xf32>,
      tpu.vector_store %arg6[%swap3A_1322], %broadcast_in_dim3A_99 {strides = array<i32>} : memref<12800xf32, #tpu.memory_space<vmem>>, vector<16xf32>,
      %add3A_1324 = arith.constant 144 : i32
      %add3A_1325 = arith.addi %mul3A_1287, %add3A_1324 : i32
      %swap3A_1326 = arith.index_cast %add3A_1325 : i32 to index
      %swap3A_1327 = tpu.vector_load %arg6[%swap3A_1326] {strides = array<i32>} : memref<12800xf32, #tpu.memory_space<vmem>>, vector<16xf32>,
      tpu.vector_store %arg6[%swap3A_1326], %broadcast_in_dim3A_99 {strides = array<i32>} : memref<12800xf32, #tpu.memory_space<vmem>>, vector<16xf32>,
    }
    %scan3A_110 = arith.constant 80 : i32
    %scan3A_111 = arith.constant 0 : i32
    %scan3A_112 = arith.constant 0 : i32
    %scan3A_113 = arith.constant 64 : i32
    %scan3A_114 = arith.addi %scan3A_112, %scan3A_113 : i32
    %scan3A_115 = arith.constant 1 : i32
    scf.for %scan3A_1285 = %scan3A_112 to %scan3A_114 step %scan3A_115  : i32 {
      %mul3A_1286 = arith.constant 16 : i32
      %mul3A_1287 = arith.muli %scan3A_1285, %mul3A_1286 : i32
      %swap3A_1288 = arith.index_cast %mul3A_1287 : i32 to index
      %swap3A_1289 = tpu.vector_load %arg9[%swap3A_1288] {strides = array<i32>} : memref<1024xf32, #tpu.memory_space<vmem>>, vector<16xf32>,
      tpu.vector_store %arg9[%swap3A_1288], %broadcast_in_dim3A_99 {strides = array<i32>} : memref<1024xf32, #tpu.memory_space<vmem>>, vector<16xf32>,
    }
    %scan3A_116 = arith.constant 64 : i32
    %dma_start3A_117 = arith.constant 0 : i32
    %dma_start3A_118 = tpu.memref_slice %arg4[%add3A, %dma_start3A_117] : memref<32x100096xf32, #tpu.memory_space<hbm>> -> memref<1x100096xf32, #tpu.memory_space<hbm>>
    %dma_start3A_119 = tpu.memref_squeeze %dma_start3A_118 : memref<1x100096xf32, #tpu.memory_space<hbm>> -> memref<100096xf32, #tpu.memory_space<hbm>>
    %dma_start3A_120 = arith.constant 0 : i32
    %dma_start3A_121 = tpu.memref_slice %dma_start3A_119[%dma_start3A_120] : memref<100096xf32, #tpu.memory_space<hbm>> -> memref<12800xf32, #tpu.memory_space<hbm>>
    %dma_start3A_122 = arith.constant 0 : i32
    %dma_start3A_123 = tpu.memref_slice %arg4[%add3A, %dma_start3A_122] : memref<32x100096xf32, #tpu.memory_space<hbm>> -> memref<1x100096xf32, #tpu.memory_space<hbm>>
    %dma_start3A_124 = tpu.memref_squeeze %dma_start3A_123 : memref<1x100096xf32, #tpu.memory_space<hbm>> -> memref<100096xf32, #tpu.memory_space<hbm>>
    %dma_start3A_125 = arith.constant 0 : i32
    %dma_start3A_126 = tpu.memref_slice %dma_start3A_124[%dma_start3A_125] : memref<100096xf32, #tpu.memory_space<hbm>> -> memref<12800xf32, #tpu.memory_space<hbm>>
    tpu.enqueue_dma source(%arg6 : memref<12800xf32, #tpu.memory_space<vmem>>) target(%dma_start3A_126 : memref<12800xf32, #tpu.memory_space<hbm>>) target_semaphore(%arg13 : memref<!tpu.dma_semaphore, #tpu.memory_space<semaphore_mem>>)
    %dma_start3A_127 = arith.constant 0 : i32
    %dma_start3A_128 = tpu.memref_slice %arg4[%add3A, %dma_start3A_127] : memref<32x100096xf32, #tpu.memory_space<hbm>> -> memref<1x100096xf32, #tpu.memory_space<hbm>>
    %dma_start3A_129 = tpu.memref_squeeze %dma_start3A_128 : memref<1x100096xf32, #tpu.memory_space<hbm>> -> memref<100096xf32, #tpu.memory_space<hbm>>
    %dma_start3A_130 = arith.constant 12800 : i32
    %dma_start3A_131 = tpu.memref_slice %dma_start3A_129[%dma_start3A_130] : memref<100096xf32, #tpu.memory_space<hbm>> -> memref<12800xf32, #tpu.memory_space<hbm>>
    %dma_start3A_132 = arith.constant 0 : i32
    %dma_start3A_133 = tpu.memref_slice %arg4[%add3A, %dma_start3A_132] : memref<32x100096xf32, #tpu.memory_space<hbm>> -> memref<1x100096xf32, #tpu.memory_space<hbm>>
    %dma_start3A_134 = tpu.memref_squeeze %dma_start3A_133 : memref<1x100096xf32, #tpu.memory_space<hbm>> -> memref<100096xf32, #tpu.memory_space<hbm>>
    %dma_start3A_135 = arith.constant 12800 : i32
    %dma_start3A_136 = tpu.memref_slice %dma_start3A_134[%dma_start3A_135] : memref<100096xf32, #tpu.memory_space<hbm>> -> memref<12800xf32, #tpu.memory_space<hbm>>
    tpu.enqueue_dma source(%arg6 : memref<12800xf32, #tpu.memory_space<vmem>>) target(%dma_start3A_136 : memref<12800xf32, #tpu.memory_space<hbm>>) target_semaphore(%arg13 : memref<!tpu.dma_semaphore, #tpu.memory_space<semaphore_mem>>)
    %dma_start3A_137 = arith.constant 0 : i32
    %dma_start3A_138 = tpu.memref_slice %arg4[%add3A, %dma_start3A_137] : memref<32x100096xf32, #tpu.memory_space<hbm>> -> memref<1x100096xf32, #tpu.memory_space<hbm>>
    %dma_start3A_139 = tpu.memref_squeeze %dma_start3A_138 : memref<1x100096xf32, #tpu.memory_space<hbm>> -> memref<100096xf32, #tpu.memory_space<hbm>>
    %dma_start3A_140 = arith.constant 25600 : i32
    %dma_start3A_141 = tpu.memref_slice %dma_start3A_139[%dma_start3A_140] : memref<100096xf32, #tpu.memory_space<hbm>> -> memref<12800xf32, #tpu.memory_space<hbm>>
    %dma_start3A_142 = arith.constant 0 : i32
    %dma_start3A_143 = tpu.memref_slice %arg4[%add3A, %dma_start3A_142] : memref<32x100096xf32, #tpu.memory_space<hbm>> -> memref<1x100096xf32, #tpu.memory_space<hbm>>
    %dma_start3A_144 = tpu.memref_squeeze %dma_start3A_143 : memref<1x100096xf32, #tpu.memory_space<hbm>> -> memref<100096xf32, #tpu.memory_space<hbm>>
    %dma_start3A_145 = arith.constant 25600 : i32
    %dma_start3A_146 = tpu.memref_slice %dma_start3A_144[%dma_start3A_145] : memref<100096xf32, #tpu.memory_space<hbm>> -> memref<12800xf32, #tpu.memory_space<hbm>>
    tpu.enqueue_dma source(%arg6 : memref<12800xf32, #tpu.memory_space<vmem>>) target(%dma_start3A_146 : memref<12800xf32, #tpu.memory_space<hbm>>) target_semaphore(%arg13 : memref<!tpu.dma_semaphore, #tpu.memory_space<semaphore_mem>>)
    %dma_start3A_147 = arith.constant 0 : i32
    %dma_start3A_148 = tpu.memref_slice %arg4[%add3A, %dma_start3A_147] : memref<32x100096xf32, #tpu.memory_space<hbm>> -> memref<1x100096xf32, #tpu.memory_space<hbm>>
    %dma_start3A_149 = tpu.memref_squeeze %dma_start3A_148 : memref<1x100096xf32, #tpu.memory_space<hbm>> -> memref<100096xf32, #tpu.memory_space<hbm>>
    %dma_start3A_150 = arith.constant 38400 : i32
    %dma_start3A_151 = tpu.memref_slice %dma_start3A_149[%dma_start3A_150] : memref<100096xf32, #tpu.memory_space<hbm>> -> memref<12800xf32, #tpu.memory_space<hbm>>
    %dma_start3A_152 = arith.constant 0 : i32
    %dma_start3A_153 = tpu.memref_slice %arg4[%add3A, %dma_start3A_152] : memref<32x100096xf32, #tpu.memory_space<hbm>> -> memref<1x100096xf32, #tpu.memory_space<hbm>>
    %dma_start3A_154 = tpu.memref_squeeze %dma_start3A_153 : memref<1x100096xf32, #tpu.memory_space<hbm>> -> memref<100096xf32, #tpu.memory_space<hbm>>
    %dma_start3A_155 = arith.constant 38400 : i32
    %dma_start3A_156 = tpu.memref_slice %dma_start3A_154[%dma_start3A_155] : memref<100096xf32, #tpu.memory_space<hbm>> -> memref<12800xf32, #tpu.memory_space<hbm>>
    tpu.enqueue_dma source(%arg6 : memref<12800xf32, #tpu.memory_space<vmem>>) target(%dma_start3A_156 : memref<12800xf32, #tpu.memory_space<hbm>>) target_semaphore(%arg13 : memref<!tpu.dma_semaphore, #tpu.memory_space<semaphore_mem>>)
    %dma_start3A_157 = arith.constant 0 : i32
    %dma_start3A_158 = tpu.memref_slice %arg4[%add3A, %dma_start3A_157] : memref<32x100096xf32, #tpu.memory_space<hbm>> -> memref<1x100096xf32, #tpu.memory_space<hbm>>
    %dma_start3A_159 = tpu.memref_squeeze %dma_start3A_158 : memref<1x100096xf32, #tpu.memory_space<hbm>> -> memref<100096xf32, #tpu.memory_space<hbm>>
    %dma_start3A_160 = arith.constant 51200 : i32
    %dma_start3A_161 = tpu.memref_slice %dma_start3A_159[%dma_start3A_160] : memref<100096xf32, #tpu.memory_space<hbm>> -> memref<12800xf32, #tpu.memory_space<hbm>>
    %dma_start3A_162 = arith.constant 0 : i32
    %dma_start3A_163 = tpu.memref_slice %arg4[%add3A, %dma_start3A_162] : memref<32x100096xf32, #tpu.memory_space<hbm>> -> memref<1x100096xf32, #tpu.memory_space<hbm>>
    %dma_start3A_164 = tpu.memref_squeeze %dma_start3A_163 : memref<1x100096xf32, #tpu.memory_space<hbm>> -> memref<100096xf32, #tpu.memory_space<hbm>>
    %dma_start3A_165 = arith.constant 51200 : i32
    %dma_start3A_166 = tpu.memref_slice %dma_start3A_164[%dma_start3A_165] : memref<100096xf32, #tpu.memory_space<hbm>> -> memref<12800xf32, #tpu.memory_space<hbm>>
    tpu.enqueue_dma source(%arg6 : memref<12800xf32, #tpu.memory_space<vmem>>) target(%dma_start3A_166 : memref<12800xf32, #tpu.memory_space<hbm>>) target_semaphore(%arg13 : memref<!tpu.dma_semaphore, #tpu.memory_space<semaphore_mem>>)
    %dma_start3A_167 = arith.constant 0 : i32
    %dma_start3A_168 = tpu.memref_slice %arg4[%add3A, %dma_start3A_167] : memref<32x100096xf32, #tpu.memory_space<hbm>> -> memref<1x100096xf32, #tpu.memory_space<hbm>>
    %dma_start3A_169 = tpu.memref_squeeze %dma_start3A_168 : memref<1x100096xf32, #tpu.memory_space<hbm>> -> memref<100096xf32, #tpu.memory_space<hbm>>
    %dma_start3A_170 = arith.constant 64000 : i32
    %dma_start3A_171 = tpu.memref_slice %dma_start3A_169[%dma_start3A_170] : memref<100096xf32, #tpu.memory_space<hbm>> -> memref<12800xf32, #tpu.memory_space<hbm>>
    %dma_start3A_172 = arith.constant 0 : i32
    %dma_start3A_173 = tpu.memref_slice %arg4[%add3A, %dma_start3A_172] : memref<32x100096xf32, #tpu.memory_space<hbm>> -> memref<1x100096xf32, #tpu.memory_space<hbm>>
    %dma_start3A_174 = tpu.memref_squeeze %dma_start3A_173 : memref<1x100096xf32, #tpu.memory_space<hbm>> -> memref<100096xf32, #tpu.memory_space<hbm>>
    %dma_start3A_175 = arith.constant 64000 : i32
    %dma_start3A_176 = tpu.memref_slice %dma_start3A_174[%dma_start3A_175] : memref<100096xf32, #tpu.memory_space<hbm>> -> memref<12800xf32, #tpu.memory_space<hbm>>
    tpu.enqueue_dma source(%arg6 : memref<12800xf32, #tpu.memory_space<vmem>>) target(%dma_start3A_176 : memref<12800xf32, #tpu.memory_space<hbm>>) target_semaphore(%arg13 : memref<!tpu.dma_semaphore, #tpu.memory_space<semaphore_mem>>)
    %dma_start3A_177 = arith.constant 0 : i32
    %dma_start3A_178 = tpu.memref_slice %arg4[%add3A, %dma_start3A_177] : memref<32x100096xf32, #tpu.memory_space<hbm>> -> memref<1x100096xf32, #tpu.memory_space<hbm>>
    %dma_start3A_179 = tpu.memref_squeeze %dma_start3A_178 : memref<1x100096xf32, #tpu.memory_space<hbm>> -> memref<100096xf32, #tpu.memory_space<hbm>>
    %dma_start3A_180 = arith.constant 76800 : i32
    %dma_start3A_181 = tpu.memref_slice %dma_start3A_179[%dma_start3A_180] : memref<100096xf32, #tpu.memory_space<hbm>> -> memref<12800xf32, #tpu.memory_space<hbm>>
    %dma_start3A_182 = arith.constant 0 : i32
    %dma_start3A_183 = tpu.memref_slice %arg4[%add3A, %dma_start3A_182] : memref<32x100096xf32, #tpu.memory_space<hbm>> -> memref<1x100096xf32, #tpu.memory_space<hbm>>
    %dma_start3A_184 = tpu.memref_squeeze %dma_start3A_183 : memref<1x100096xf32, #tpu.memory_space<hbm>> -> memref<100096xf32, #tpu.memory_space<hbm>>
    %dma_start3A_185 = arith.constant 76800 : i32
    %dma_start3A_186 = tpu.memref_slice %dma_start3A_184[%dma_start3A_185] : memref<100096xf32, #tpu.memory_space<hbm>> -> memref<12800xf32, #tpu.memory_space<hbm>>
    tpu.enqueue_dma source(%arg6 : memref<12800xf32, #tpu.memory_space<vmem>>) target(%dma_start3A_186 : memref<12800xf32, #tpu.memory_space<hbm>>) target_semaphore(%arg13 : memref<!tpu.dma_semaphore, #tpu.memory_space<semaphore_mem>>)
    %dma_start3A_187 = arith.constant 0 : i32
    %dma_start3A_188 = tpu.memref_slice %arg6[%dma_start3A_187] : memref<12800xf32, #tpu.memory_space<vmem>> -> memref<10496xf32, #tpu.memory_space<vmem>>
    %dma_start3A_189 = arith.constant 0 : i32
    %dma_start3A_190 = tpu.memref_slice %arg4[%add3A, %dma_start3A_189] : memref<32x100096xf32, #tpu.memory_space<hbm>> -> memref<1x100096xf32, #tpu.memory_space<hbm>>
    %dma_start3A_191 = tpu.memref_squeeze %dma_start3A_190 : memref<1x100096xf32, #tpu.memory_space<hbm>> -> memref<100096xf32, #tpu.memory_space<hbm>>
    %dma_start3A_192 = arith.constant 89600 : i32
    %dma_start3A_193 = tpu.memref_slice %dma_start3A_191[%dma_start3A_192] : memref<100096xf32, #tpu.memory_space<hbm>> -> memref<10496xf32, #tpu.memory_space<hbm>>
    %dma_start3A_194 = arith.constant 0 : i32
    %dma_start3A_195 = tpu.memref_slice %arg4[%add3A, %dma_start3A_194] : memref<32x100096xf32, #tpu.memory_space<hbm>> -> memref<1x100096xf32, #tpu.memory_space<hbm>>
    %dma_start3A_196 = tpu.memref_squeeze %dma_start3A_195 : memref<1x100096xf32, #tpu.memory_space<hbm>> -> memref<100096xf32, #tpu.memory_space<hbm>>
    %dma_start3A_197 = arith.constant 89600 : i32
    %dma_start3A_198 = tpu.memref_slice %dma_start3A_196[%dma_start3A_197] : memref<100096xf32, #tpu.memory_space<hbm>> -> memref<10496xf32, #tpu.memory_space<hbm>>
    %dma_start3A_199 = arith.constant 0 : i32
    %dma_start3A_200 = tpu.memref_slice %arg6[%dma_start3A_199] : memref<12800xf32, #tpu.memory_space<vmem>> -> memref<10496xf32, #tpu.memory_space<vmem>>
    tpu.enqueue_dma source(%dma_start3A_200 : memref<10496xf32, #tpu.memory_space<vmem>>) target(%dma_start3A_198 : memref<10496xf32, #tpu.memory_space<hbm>>) target_semaphore(%arg13 : memref<!tpu.dma_semaphore, #tpu.memory_space<semaphore_mem>>)
    %dma_wait3A = arith.constant 0 : i32
    %dma_wait3A_201 = arith.constant 0 : i32
    %dma_wait3A_202 = tpu.memref_slice %arg5[%dma_wait3A_201] : memref<100000xf32, #tpu.memory_space<vmem>> -> memref<3840xf32, #tpu.memory_space<vmem>>
    %dma_wait3A_203 = arith.constant 0 : i32
    %dma_wait3A_204 = tpu.memref_slice %arg2[%add3A, %dma_wait3A_203] : memref<32x100000xf32, #tpu.memory_space<hbm>> -> memref<1x100000xf32, #tpu.memory_space<hbm>>
    %dma_wait3A_205 = tpu.memref_squeeze %dma_wait3A_204 : memref<1x100000xf32, #tpu.memory_space<hbm>> -> memref<100000xf32, #tpu.memory_space<hbm>>
    %dma_wait3A_206 = arith.constant 0 : i32
    %dma_wait3A_207 = tpu.memref_slice %dma_wait3A_205[%dma_wait3A_206] : memref<100000xf32, #tpu.memory_space<hbm>> -> memref<3840xf32, #tpu.memory_space<hbm>>
    %dma_wait3A_208 = tpu.memref_slice %arg12[%dma_wait3A] : memref<6x!tpu.dma_semaphore, #tpu.memory_space<semaphore_mem>> -> memref<1x!tpu.dma_semaphore, #tpu.memory_space<semaphore_mem>>
    %dma_wait3A_209 = tpu.memref_squeeze %dma_wait3A_208 : memref<1x!tpu.dma_semaphore, #tpu.memory_space<semaphore_mem>> -> memref<!tpu.dma_semaphore, #tpu.memory_space<semaphore_mem>>
    %dma_wait3A_210 = arith.constant 0 : i32
    %dma_wait3A_211 = tpu.memref_slice %arg5[%dma_wait3A_210] : memref<100000xf32, #tpu.memory_space<vmem>> -> memref<3840xf32, #tpu.memory_space<vmem>>
    %dma_wait3A_212 = arith.constant 0 : i32
    %dma_wait3A_213 = tpu.memref_slice %arg2[%add3A, %dma_wait3A_212] : memref<32x100000xf32, #tpu.memory_space<hbm>> -> memref<1x100000xf32, #tpu.memory_space<hbm>>
    %dma_wait3A_214 = tpu.memref_squeeze %dma_wait3A_213 : memref<1x100000xf32, #tpu.memory_space<hbm>> -> memref<100000xf32, #tpu.memory_space<hbm>>
    %dma_wait3A_215 = arith.constant 0 : i32
    %dma_wait3A_216 = tpu.memref_slice %dma_wait3A_214[%dma_wait3A_215] : memref<100000xf32, #tpu.memory_space<hbm>> -> memref<3840xf32, #tpu.memory_space<hbm>>
    tpu.wait_dma2 semaphore(%dma_wait3A_209 : memref<!tpu.dma_semaphore, #tpu.memory_space<semaphore_mem>>) src(%dma_wait3A_216 : memref<3840xf32, #tpu.memory_space<hbm>>) dst(%dma_wait3A_211 : memref<3840xf32, #tpu.memory_space<vmem>>)
    %scan3A_217 = arith.constant 0 : i32
    %scan3A_218 = arith.constant 24 : i32
    %scan3A_219 = arith.addi %scan3A_217, %scan3A_218 : i32
    %scan3A_220 = arith.constant 1 : i32
    %scan3A_221:2 = scf.for %scan3A_1285 = %scan3A_217 to %scan3A_219 step %scan3A_220 iter_args(%scan3A_1286 = %broadcast_in_dim3A_95, %scan3A_1287 = %broadcast_in_dim3A_95) -> (vector<16xf32>, vector<16xf32>)  : i32 {
      %mul3A_1288 = arith.constant 160 : i32
      %mul3A_1289 = arith.muli %scan3A_1285, %mul3A_1288 : i32
      %add3A_1290 = arith.constant 0 : i32
      %add3A_1291 = arith.addi %mul3A_1289, %add3A_1290 : i32
      %get3A_1292 = arith.index_cast %add3A_1291 : i32 to index
      %get3A_1293 = tpu.vector_load %arg5[%get3A_1292] {strides = array<i32>} : memref<100000xf32, #tpu.memory_space<vmem>>, vector<16xf32>,
      %max3A_1294 = arith.maximumf %scan3A_1286, %get3A_1293 : vector<16xf32>
      %add3A_1295 = arith.constant 16 : i32
      %add3A_1296 = arith.addi %mul3A_1289, %add3A_1295 : i32
      %get3A_1297 = arith.index_cast %add3A_1296 : i32 to index
      %get3A_1298 = tpu.vector_load %arg5[%get3A_1297] {strides = array<i32>} : memref<100000xf32, #tpu.memory_space<vmem>>, vector<16xf32>,
      %max3A_1299 = arith.maximumf %scan3A_1287, %get3A_1298 : vector<16xf32>
      %add3A_1300 = arith.constant 32 : i32
      %add3A_1301 = arith.addi %mul3A_1289, %add3A_1300 : i32
      %get3A_1302 = arith.index_cast %add3A_1301 : i32 to index
      %get3A_1303 = tpu.vector_load %arg5[%get3A_1302] {strides = array<i32>} : memref<100000xf32, #tpu.memory_space<vmem>>, vector<16xf32>,
      %max3A_1304 = arith.maximumf %max3A_1294, %get3A_1303 : vector<16xf32>
      %add3A_1305 = arith.constant 48 : i32
      %add3A_1306 = arith.addi %mul3A_1289, %add3A_1305 : i32
      %get3A_1307 = arith.index_cast %add3A_1306 : i32 to index
      %get3A_1308 = tpu.vector_load %arg5[%get3A_1307] {strides = array<i32>} : memref<100000xf32, #tpu.memory_space<vmem>>, vector<16xf32>,
      %max3A_1309 = arith.maximumf %max3A_1299, %get3A_1308 : vector<16xf32>
      %add3A_1310 = arith.constant 64 : i32
      %add3A_1311 = arith.addi %mul3A_1289, %add3A_1310 : i32
      %get3A_1312 = arith.index_cast %add3A_1311 : i32 to index
      %get3A_1313 = tpu.vector_load %arg5[%get3A_1312] {strides = array<i32>} : memref<100000xf32, #tpu.memory_space<vmem>>, vector<16xf32>,
      %max3A_1314 = arith.maximumf %max3A_1304, %get3A_1313 : vector<16xf32>
      %add3A_1315 = arith.constant 80 : i32
      %add3A_1316 = arith.addi %mul3A_1289, %add3A_1315 : i32
      %get3A_1317 = arith.index_cast %add3A_1316 : i32 to index
      %get3A_1318 = tpu.vector_load %arg5[%get3A_1317] {strides = array<i32>} : memref<100000xf32, #tpu.memory_space<vmem>>, vector<16xf32>,
      %max3A_1319 = arith.maximumf %max3A_1309, %get3A_1318 : vector<16xf32>
      %add3A_1320 = arith.constant 96 : i32
      %add3A_1321 = arith.addi %mul3A_1289, %add3A_1320 : i32
      %get3A_1322 = arith.index_cast %add3A_1321 : i32 to index
      %get3A_1323 = tpu.vector_load %arg5[%get3A_1322] {strides = array<i32>} : memref<100000xf32, #tpu.memory_space<vmem>>, vector<16xf32>,
      %max3A_1324 = arith.maximumf %max3A_1314, %get3A_1323 : vector<16xf32>
      %add3A_1325 = arith.constant 112 : i32
      %add3A_1326 = arith.addi %mul3A_1289, %add3A_1325 : i32
      %get3A_1327 = arith.index_cast %add3A_1326 : i32 to index
      %get3A_1328 = tpu.vector_load %arg5[%get3A_1327] {strides = array<i32>} : memref<100000xf32, #tpu.memory_space<vmem>>, vector<16xf32>,
      %max3A_1329 = arith.maximumf %max3A_1319, %get3A_1328 : vector<16xf32>
      %add3A_1330 = arith.constant 128 : i32
      %add3A_1331 = arith.addi %mul3A_1289, %add3A_1330 : i32
      %get3A_1332 = arith.index_cast %add3A_1331 : i32 to index
      %get3A_1333 = tpu.vector_load %arg5[%get3A_1332] {strides = array<i32>} : memref<100000xf32, #tpu.memory_space<vmem>>, vector<16xf32>,
      %max3A_1334 = arith.maximumf %max3A_1324, %get3A_1333 : vector<16xf32>
      %add3A_1335 = arith.constant 144 : i32
      %add3A_1336 = arith.addi %mul3A_1289, %add3A_1335 : i32
      %get3A_1337 = arith.index_cast %add3A_1336 : i32 to index
      %get3A_1338 = tpu.vector_load %arg5[%get3A_1337] {strides = array<i32>} : memref<100000xf32, #tpu.memory_space<vmem>>, vector<16xf32>,
      %max3A_1339 = arith.maximumf %max3A_1329, %get3A_1338 : vector<16xf32>
      scf.yield %max3A_1334, %max3A_1339 : vector<16xf32>, vector<16xf32>
    }
    %scan3A_222 = arith.constant 24 : i32
    %max3A = arith.maximumf %scan3A_221#0, %scan3A_221#1 : vector<16xf32>
    %reduce_max3A = arith.constant true
    %reduce_max3A_223 = vector.broadcast %reduce_max3A : i1 to vector<16xi1>
    %reduce_max3A_224 = tpu.scan <max>, %max3A masked %reduce_max3A_223 : vector<16xf32>, vector<16xi1> -> vector<16xf32>
    %reduce_max3A_225 = vector.extract %reduce_max3A_224[15] : f32 from vector<16xf32>
    %eq3A = vector.broadcast %reduce_max3A_225 : f32 to vector<16xf32>
    %eq3A_226 = arith.cmpf oeq, %max3A, %eq3A : vector<16xf32>
    %select_n3A = arith.select %eq3A_226, %broadcast_in_dim3A_95, %max3A : vector<16xi1>, vector<16xf32>
    %reduce_max3A_227 = arith.constant true
    %reduce_max3A_228 = vector.broadcast %reduce_max3A_227 : i1 to vector<16xi1>
    %reduce_max3A_229 = tpu.scan <max>, %select_n3A masked %reduce_max3A_228 : vector<16xf32>, vector<16xi1> -> vector<16xf32>
    %reduce_max3A_230 = vector.extract %reduce_max3A_229[15] : f32 from vector<16xf32>
    %eq3A_231 = vector.broadcast %reduce_max3A_230 : f32 to vector<16xf32>
    %eq3A_232 = arith.cmpf oeq, %select_n3A, %eq3A_231 : vector<16xf32>
    %select_n3A_233 = arith.select %eq3A_232, %broadcast_in_dim3A_95, %select_n3A : vector<16xi1>, vector<16xf32>
    %reduce_max3A_234 = arith.constant true
    %reduce_max3A_235 = vector.broadcast %reduce_max3A_234 : i1 to vector<16xi1>
    %reduce_max3A_236 = tpu.scan <max>, %select_n3A_233 masked %reduce_max3A_235 : vector<16xf32>, vector<16xi1> -> vector<16xf32>
    %reduce_max3A_237 = vector.extract %reduce_max3A_236[15] : f32 from vector<16xf32>
    %eq3A_238 = vector.broadcast %reduce_max3A_237 : f32 to vector<16xf32>
    %eq3A_239 = arith.cmpf oeq, %select_n3A_233, %eq3A_238 : vector<16xf32>
    %select_n3A_240 = arith.select %eq3A_239, %broadcast_in_dim3A_95, %select_n3A_233 : vector<16xi1>, vector<16xf32>
    %reduce_max3A_241 = arith.constant true
    %reduce_max3A_242 = vector.broadcast %reduce_max3A_241 : i1 to vector<16xi1>
    %reduce_max3A_243 = tpu.scan <max>, %select_n3A_240 masked %reduce_max3A_242 : vector<16xf32>, vector<16xi1> -> vector<16xf32>
    %reduce_max3A_244 = vector.extract %reduce_max3A_243[15] : f32 from vector<16xf32>
    %eq3A_245 = vector.broadcast %reduce_max3A_244 : f32 to vector<16xf32>
    %eq3A_246 = arith.cmpf oeq, %select_n3A_240, %eq3A_245 : vector<16xf32>
    %select_n3A_247 = arith.select %eq3A_246, %broadcast_in_dim3A_95, %select_n3A_240 : vector<16xi1>, vector<16xf32>
    %reduce_max3A_248 = arith.constant true
    %reduce_max3A_249 = vector.broadcast %reduce_max3A_248 : i1 to vector<16xi1>
    %reduce_max3A_250 = tpu.scan <max>, %select_n3A_247 masked %reduce_max3A_249 : vector<16xf32>, vector<16xi1> -> vector<16xf32>
    %reduce_max3A_251 = vector.extract %reduce_max3A_250[15] : f32 from vector<16xf32>
    %eq3A_252 = vector.broadcast %reduce_max3A_251 : f32 to vector<16xf32>
    %eq3A_253 = arith.cmpf oeq, %select_n3A_247, %eq3A_252 : vector<16xf32>
    %select_n3A_254 = arith.select %eq3A_253, %broadcast_in_dim3A_95, %select_n3A_247 : vector<16xi1>, vector<16xf32>
    %reduce_max3A_255 = arith.constant true
    %reduce_max3A_256 = vector.broadcast %reduce_max3A_255 : i1 to vector<16xi1>
    %reduce_max3A_257 = tpu.scan <max>, %select_n3A_254 masked %reduce_max3A_256 : vector<16xf32>, vector<16xi1> -> vector<16xf32>
    %reduce_max3A_258 = vector.extract %reduce_max3A_257[15] : f32 from vector<16xf32>
    %eq3A_259 = vector.broadcast %reduce_max3A_258 : f32 to vector<16xf32>
    %eq3A_260 = arith.cmpf oeq, %select_n3A_254, %eq3A_259 : vector<16xf32>
    %select_n3A_261 = arith.select %eq3A_260, %broadcast_in_dim3A_95, %select_n3A_254 : vector<16xi1>, vector<16xf32>
    %reduce_max3A_262 = arith.constant true
    %reduce_max3A_263 = vector.broadcast %reduce_max3A_262 : i1 to vector<16xi1>
    %reduce_max3A_264 = tpu.scan <max>, %select_n3A_261 masked %reduce_max3A_263 : vector<16xf32>, vector<16xi1> -> vector<16xf32>
    %reduce_max3A_265 = vector.extract %reduce_max3A_264[15] : f32 from vector<16xf32>
    %eq3A_266 = vector.broadcast %reduce_max3A_265 : f32 to vector<16xf32>
    %eq3A_267 = arith.cmpf oeq, %select_n3A_261, %eq3A_266 : vector<16xf32>
    %select_n3A_268 = arith.select %eq3A_267, %broadcast_in_dim3A_95, %select_n3A_261 : vector<16xi1>, vector<16xf32>
    %reduce_max3A_269 = arith.constant true
    %reduce_max3A_270 = vector.broadcast %reduce_max3A_269 : i1 to vector<16xi1>
    %reduce_max3A_271 = tpu.scan <max>, %select_n3A_268 masked %reduce_max3A_270 : vector<16xf32>, vector<16xi1> -> vector<16xf32>
    %reduce_max3A_272 = vector.extract %reduce_max3A_271[15] : f32 from vector<16xf32>
    %add3A_273 = arith.constant 4080 : i32
    %add3A_274 = vector.broadcast %add3A_273 : i32 to vector<16xi32>
    %add3A_275 = arith.addi %add3A_274, %iota3A : vector<16xi32>
    %swap3A = arith.constant 0 : index
    %swap3A_276 = tpu.vector_load %arg11[%swap3A] {strides = array<i32>} : memref<16xi32, #tpu.memory_space<vmem>>, vector<16xi32>,
    tpu.vector_store %arg11[%swap3A], %iota3A {strides = array<i32>} : memref<16xi32, #tpu.memory_space<vmem>>, vector<16xi32>,
    %scan3A_277 = arith.constant 0 : i32
    %scan3A_278 = arith.constant 24 : i32
    %scan3A_279 = arith.addi %scan3A_277, %scan3A_278 : i32
    %scan3A_280 = arith.constant 1 : i32
    %scan3A_281:4 = scf.for %scan3A_1285 = %scan3A_277 to %scan3A_279 step %scan3A_280 iter_args(%scan3A_1286 = %broadcast_in_dim3A_99, %scan3A_1287 = %broadcast_in_dim3A_99, %scan3A_1288 = %broadcast_in_dim3A_99, %scan3A_1289 = %broadcast_in_dim3A_99) -> (vector<16xf32>, vector<16xf32>, vector<16xf32>, vector<16xf32>)  : i32 {
      %mul3A_1290 = arith.constant 160 : i32
      %mul3A_1291 = arith.muli %scan3A_1285, %mul3A_1290 : i32
      %add3A_1292 = arith.constant 0 : i32
      %add3A_1293 = arith.addi %add3A_1292, %mul3A_1291 : i32
      %add3A_1294 = arith.constant 0 : i32
      %add3A_1295 = arith.addi %add3A_1293, %add3A_1294 : i32
      %get3A_1296 = arith.index_cast %add3A_1295 : i32 to index
      %get3A_1297 = tpu.vector_load %arg5[%get3A_1296] {strides = array<i32>} : memref<100000xf32, #tpu.memory_space<vmem>>, vector<16xf32>,
      %mul3A_1298 = arith.constant 5.000000e-01 : f32
      %mul3A_1299 = vector.broadcast %mul3A_1298 : f32 to vector<16xf32>
      %mul3A_1300 = arith.mulf %get3A_1297, %mul3A_1299 : vector<16xf32>
      %exp3A_1301 = math.exp %mul3A_1300 : vector<16xf32>
      %add3A_1302 = arith.addf %scan3A_1286, %exp3A_1301 : vector<16xf32>
      %ge3A_1303 = vector.broadcast %reduce_max3A_272 : f32 to vector<16xf32>
      %ge3A_1304 = arith.cmpf oge, %get3A_1297, %ge3A_1303 : vector<16xf32>
      %add3A_1305 = arith.constant 16 : i32
      %add3A_1306 = arith.addi %add3A_1293, %add3A_1305 : i32
      %get3A_1307 = arith.index_cast %add3A_1306 : i32 to index
      %get3A_1308 = tpu.vector_load %arg5[%get3A_1307] {strides = array<i32>} : memref<100000xf32, #tpu.memory_space<vmem>>, vector<16xf32>,
      %mul3A_1309 = arith.constant 5.000000e-01 : f32
      %mul3A_1310 = vector.broadcast %mul3A_1309 : f32 to vector<16xf32>
      %mul3A_1311 = arith.mulf %get3A_1308, %mul3A_1310 : vector<16xf32>
      %exp3A_1312 = math.exp %mul3A_1311 : vector<16xf32>
      %add3A_1313 = arith.addf %scan3A_1287, %exp3A_1312 : vector<16xf32>
      %ge3A_1314 = vector.broadcast %reduce_max3A_272 : f32 to vector<16xf32>
      %ge3A_1315 = arith.cmpf oge, %get3A_1308, %ge3A_1314 : vector<16xf32>
      %add3A_1316 = arith.constant 32 : i32
      %add3A_1317 = arith.addi %add3A_1293, %add3A_1316 : i32
      %get3A_1318 = arith.index_cast %add3A_1317 : i32 to index
      %get3A_1319 = tpu.vector_load %arg5[%get3A_1318] {strides = array<i32>} : memref<100000xf32, #tpu.memory_space<vmem>>, vector<16xf32>,
      %mul3A_1320 = arith.constant 5.000000e-01 : f32
      %mul3A_1321 = vector.broadcast %mul3A_1320 : f32 to vector<16xf32>
      %mul3A_1322 = arith.mulf %get3A_1319, %mul3A_1321 : vector<16xf32>
      %exp3A_1323 = math.exp %mul3A_1322 : vector<16xf32>
      %add3A_1324 = arith.addf %scan3A_1288, %exp3A_1323 : vector<16xf32>
      %ge3A_1325 = vector.broadcast %reduce_max3A_272 : f32 to vector<16xf32>
      %ge3A_1326 = arith.cmpf oge, %get3A_1319, %ge3A_1325 : vector<16xf32>
      %add3A_1327 = arith.constant 48 : i32
      %add3A_1328 = arith.addi %add3A_1293, %add3A_1327 : i32
      %get3A_1329 = arith.index_cast %add3A_1328 : i32 to index
      %get3A_1330 = tpu.vector_load %arg5[%get3A_1329] {strides = array<i32>} : memref<100000xf32, #tpu.memory_space<vmem>>, vector<16xf32>,
      %mul3A_1331 = arith.constant 5.000000e-01 : f32
      %mul3A_1332 = vector.broadcast %mul3A_1331 : f32 to vector<16xf32>
      %mul3A_1333 = arith.mulf %get3A_1330, %mul3A_1332 : vector<16xf32>
      %exp3A_1334 = math.exp %mul3A_1333 : vector<16xf32>
      %add3A_1335 = arith.addf %scan3A_1289, %exp3A_1334 : vector<16xf32>
      %ge3A_1336 = vector.broadcast %reduce_max3A_272 : f32 to vector<16xf32>
      %ge3A_1337 = arith.cmpf oge, %get3A_1330, %ge3A_1336 : vector<16xf32>
      %add3A_1338 = arith.constant 64 : i32
      %add3A_1339 = arith.addi %add3A_1293, %add3A_1338 : i32
      %get3A_1340 = arith.index_cast %add3A_1339 : i32 to index
      %get3A_1341 = tpu.vector_load %arg5[%get3A_1340] {strides = array<i32>} : memref<100000xf32, #tpu.memory_space<vmem>>, vector<16xf32>,
      %mul3A_1342 = arith.constant 5.000000e-01 : f32
      %mul3A_1343 = vector.broadcast %mul3A_1342 : f32 to vector<16xf32>
      %mul3A_1344 = arith.mulf %get3A_1341, %mul3A_1343 : vector<16xf32>
      %exp3A_1345 = math.exp %mul3A_1344 : vector<16xf32>
      %add3A_1346 = arith.addf %add3A_1302, %exp3A_1345 : vector<16xf32>
      %ge3A_1347 = vector.broadcast %reduce_max3A_272 : f32 to vector<16xf32>
      %ge3A_1348 = arith.cmpf oge, %get3A_1341, %ge3A_1347 : vector<16xf32>
      %add3A_1349 = arith.constant 80 : i32
      %add3A_1350 = arith.addi %add3A_1293, %add3A_1349 : i32
      %get3A_1351 = arith.index_cast %add3A_1350 : i32 to index
      %get3A_1352 = tpu.vector_load %arg5[%get3A_1351] {strides = array<i32>} : memref<100000xf32, #tpu.memory_space<vmem>>, vector<16xf32>,
      %mul3A_1353 = arith.constant 5.000000e-01 : f32
      %mul3A_1354 = vector.broadcast %mul3A_1353 : f32 to vector<16xf32>
      %mul3A_1355 = arith.mulf %get3A_1352, %mul3A_1354 : vector<16xf32>
      %exp3A_1356 = math.exp %mul3A_1355 : vector<16xf32>
      %add3A_1357 = arith.addf %add3A_1313, %exp3A_1356 : vector<16xf32>
      %ge3A_1358 = vector.broadcast %reduce_max3A_272 : f32 to vector<16xf32>
      %ge3A_1359 = arith.cmpf oge, %get3A_1352, %ge3A_1358 : vector<16xf32>
      %add3A_1360 = arith.constant 96 : i32
      %add3A_1361 = arith.addi %add3A_1293, %add3A_1360 : i32
      %get3A_1362 = arith.index_cast %add3A_1361 : i32 to index
      %get3A_1363 = tpu.vector_load %arg5[%get3A_1362] {strides = array<i32>} : memref<100000xf32, #tpu.memory_space<vmem>>, vector<16xf32>,
      %mul3A_1364 = arith.constant 5.000000e-01 : f32
      %mul3A_1365 = vector.broadcast %mul3A_1364 : f32 to vector<16xf32>
      %mul3A_1366 = arith.mulf %get3A_1363, %mul3A_1365 : vector<16xf32>
      %exp3A_1367 = math.exp %mul3A_1366 : vector<16xf32>
      %add3A_1368 = arith.addf %add3A_1324, %exp3A_1367 : vector<16xf32>
      %ge3A_1369 = vector.broadcast %reduce_max3A_272 : f32 to vector<16xf32>
      %ge3A_1370 = arith.cmpf oge, %get3A_1363, %ge3A_1369 : vector<16xf32>
      %add3A_1371 = arith.constant 112 : i32
      %add3A_1372 = arith.addi %add3A_1293, %add3A_1371 : i32
      %get3A_1373 = arith.index_cast %add3A_1372 : i32 to index
      %get3A_1374 = tpu.vector_load %arg5[%get3A_1373] {strides = array<i32>} : memref<100000xf32, #tpu.memory_space<vmem>>, vector<16xf32>,
      %mul3A_1375 = arith.constant 5.000000e-01 : f32
      %mul3A_1376 = vector.broadcast %mul3A_1375 : f32 to vector<16xf32>
      %mul3A_1377 = arith.mulf %get3A_1374, %mul3A_1376 : vector<16xf32>
      %exp3A_1378 = math.exp %mul3A_1377 : vector<16xf32>
      %add3A_1379 = arith.addf %add3A_1335, %exp3A_1378 : vector<16xf32>
      %ge3A_1380 = vector.broadcast %reduce_max3A_272 : f32 to vector<16xf32>
      %ge3A_1381 = arith.cmpf oge, %get3A_1374, %ge3A_1380 : vector<16xf32>
      %add3A_1382 = arith.constant 128 : i32
      %add3A_1383 = arith.addi %add3A_1293, %add3A_1382 : i32
      %get3A_1384 = arith.index_cast %add3A_1383 : i32 to index
      %get3A_1385 = tpu.vector_load %arg5[%get3A_1384] {strides = array<i32>} : memref<100000xf32, #tpu.memory_space<vmem>>, vector<16xf32>,
      %mul3A_1386 = arith.constant 5.000000e-01 : f32
      %mul3A_1387 = vector.broadcast %mul3A_1386 : f32 to vector<16xf32>
      %mul3A_1388 = arith.mulf %get3A_1385, %mul3A_1387 : vector<16xf32>
      %exp3A_1389 = math.exp %mul3A_1388 : vector<16xf32>
      %add3A_1390 = arith.addf %add3A_1346, %exp3A_1389 : vector<16xf32>
      %ge3A_1391 = vector.broadcast %reduce_max3A_272 : f32 to vector<16xf32>
      %ge3A_1392 = arith.cmpf oge, %get3A_1385, %ge3A_1391 : vector<16xf32>
      %add3A_1393 = arith.constant 144 : i32
      %add3A_1394 = arith.addi %add3A_1293, %add3A_1393 : i32
      %get3A_1395 = arith.index_cast %add3A_1394 : i32 to index
      %get3A_1396 = tpu.vector_load %arg5[%get3A_1395] {strides = array<i32>} : memref<100000xf32, #tpu.memory_space<vmem>>, vector<16xf32>,
      %mul3A_1397 = arith.constant 5.000000e-01 : f32
      %mul3A_1398 = vector.broadcast %mul3A_1397 : f32 to vector<16xf32>
      %mul3A_1399 = arith.mulf %get3A_1396, %mul3A_1398 : vector<16xf32>
      %exp3A_1400 = math.exp %mul3A_1399 : vector<16xf32>
      %add3A_1401 = arith.addf %add3A_1357, %exp3A_1400 : vector<16xf32>
      %ge3A_1402 = vector.broadcast %reduce_max3A_272 : f32 to vector<16xf32>
      %ge3A_1403 = arith.cmpf oge, %get3A_1396, %ge3A_1402 : vector<16xf32>
      %or3A_1404 = arith.ori %ge3A_1304, %ge3A_1315 : vector<16xi1>
      %or3A_1405 = arith.ori %or3A_1404, %ge3A_1326 : vector<16xi1>
      %or3A_1406 = arith.ori %or3A_1405, %ge3A_1337 : vector<16xi1>
      %or3A_1407 = arith.ori %or3A_1406, %ge3A_1348 : vector<16xi1>
      %or3A_1408 = arith.ori %or3A_1407, %ge3A_1359 : vector<16xi1>
      %or3A_1409 = arith.ori %or3A_1408, %ge3A_1370 : vector<16xi1>
      %or3A_1410 = arith.ori %or3A_1409, %ge3A_1381 : vector<16xi1>
      %or3A_1411 = arith.ori %or3A_1410, %ge3A_1392 : vector<16xi1>
      %or3A_1412 = arith.ori %or3A_1411, %ge3A_1403 : vector<16xi1>
      %jit3A_1413 = arith.constant 1 : i32
      %jit3A_1414 = arith.constant 0 : i32
      %broadcast_in_dim3A_1415 = vector.broadcast %jit3A_1413 : i32 to vector<16xi32>
      %broadcast_in_dim3A_1416 = vector.broadcast %jit3A_1414 : i32 to vector<16xi32>
      %select_n3A_1417 = arith.select %or3A_1412, %broadcast_in_dim3A_1415, %broadcast_in_dim3A_1416 : vector<16xi1>, vector<16xi32>
      %reduce_max3A_1418 = arith.constant true
      %reduce_max3A_1419 = vector.broadcast %reduce_max3A_1418 : i1 to vector<16xi1>
      %reduce_max3A_1420 = arith.constant -2147483648 : i32
      %reduce_max3A_1421 = vector.broadcast %reduce_max3A_1420 : i32 to vector<16xi32>
      %reduce_max3A_1422 = arith.xori %select_n3A_1417, %reduce_max3A_1421 : vector<16xi32>
      %reduce_max3A_1423 = tpu.scan <max>, %reduce_max3A_1422 masked %reduce_max3A_1419 : vector<16xi32>, vector<16xi1> -> vector<16xi32>
      %reduce_max3A_1424 = arith.xori %reduce_max3A_1423, %reduce_max3A_1421 : vector<16xi32>
      %reduce_max3A_1425 = vector.extract %reduce_max3A_1424[15] : i32 from vector<16xi32>
      %gt3A_1426 = arith.constant 0 : i32
      %gt3A_1427 = arith.cmpi sgt, %reduce_max3A_1425, %gt3A_1426 : i32
      %convert_element_type3A_1428 = arith.extui %gt3A_1427 : i1 to i32
      %cond3A_1429 = arith.constant 0 : i32
      %cond3A_1430 = arith.cmpi ne, %convert_element_type3A_1428, %cond3A_1429 : i32
      scf.if %cond3A_1430 {
        %get3A_1431 = arith.constant 0 : index
        %get3A_1432 = tpu.vector_load %arg11[%get3A_1431] {strides = array<i32>} : memref<16xi32, #tpu.memory_space<vmem>>, vector<16xi32>,
        %add3A_1433 = arith.constant 0 : i32
        %add3A_1434 = arith.addi %add3A_1293, %add3A_1433 : i32
        %min3A_1435 = arith.minsi %get3A_1432, %add3A_275 : vector<16xi32>
        tpu.vector_store_idx %arg7[%min3A_1435], %get3A_1297 masked %ge3A_1304 : memref<4096xf32, #tpu.memory_space<vmem>>[vector<16xi32>], vector<16xf32>, vector<16xi1>
        %add3A_1436 = vector.broadcast %add3A_1434 : i32 to vector<16xi32>
        %add3A_1437 = arith.addi %add3A_1436, %iota3A : vector<16xi32>
        tpu.vector_store_idx %arg8[%min3A_1435], %add3A_1437 masked %ge3A_1304 : memref<4096xi32, #tpu.memory_space<vmem>>[vector<16xi32>], vector<16xi32>, vector<16xi1>
        %jit3A_1438 = arith.constant 16 : i32
        %jit3A_1439 = arith.constant 0 : i32
        %broadcast_in_dim3A_1440 = vector.broadcast %jit3A_1438 : i32 to vector<16xi32>
        %broadcast_in_dim3A_1441 = vector.broadcast %jit3A_1439 : i32 to vector<16xi32>
        %select_n3A_1442 = arith.select %ge3A_1304, %broadcast_in_dim3A_1440, %broadcast_in_dim3A_1441 : vector<16xi1>, vector<16xi32>
        %add3A_1443 = arith.addi %get3A_1432, %select_n3A_1442 : vector<16xi32>
        %add3A_1444 = arith.constant 16 : i32
        %add3A_1445 = arith.addi %add3A_1293, %add3A_1444 : i32
        %min3A_1446 = arith.minsi %add3A_1443, %add3A_275 : vector<16xi32>
        tpu.vector_store_idx %arg7[%min3A_1446], %get3A_1308 masked %ge3A_1315 : memref<4096xf32, #tpu.memory_space<vmem>>[vector<16xi32>], vector<16xf32>, vector<16xi1>
        %add3A_1447 = vector.broadcast %add3A_1445 : i32 to vector<16xi32>
        %add3A_1448 = arith.addi %add3A_1447, %iota3A : vector<16xi32>
        tpu.vector_store_idx %arg8[%min3A_1446], %add3A_1448 masked %ge3A_1315 : memref<4096xi32, #tpu.memory_space<vmem>>[vector<16xi32>], vector<16xi32>, vector<16xi1>
        %jit3A_1449 = arith.constant 16 : i32
        %jit3A_1450 = arith.constant 0 : i32
        %broadcast_in_dim3A_1451 = vector.broadcast %jit3A_1449 : i32 to vector<16xi32>
        %broadcast_in_dim3A_1452 = vector.broadcast %jit3A_1450 : i32 to vector<16xi32>
        %select_n3A_1453 = arith.select %ge3A_1315, %broadcast_in_dim3A_1451, %broadcast_in_dim3A_1452 : vector<16xi1>, vector<16xi32>
        %add3A_1454 = arith.addi %add3A_1443, %select_n3A_1453 : vector<16xi32>
        %add3A_1455 = arith.constant 32 : i32
        %add3A_1456 = arith.addi %add3A_1293, %add3A_1455 : i32
        %min3A_1457 = arith.minsi %add3A_1454, %add3A_275 : vector<16xi32>
        tpu.vector_store_idx %arg7[%min3A_1457], %get3A_1319 masked %ge3A_1326 : memref<4096xf32, #tpu.memory_space<vmem>>[vector<16xi32>], vector<16xf32>, vector<16xi1>
        %add3A_1458 = vector.broadcast %add3A_1456 : i32 to vector<16xi32>
        %add3A_1459 = arith.addi %add3A_1458, %iota3A : vector<16xi32>
        tpu.vector_store_idx %arg8[%min3A_1457], %add3A_1459 masked %ge3A_1326 : memref<4096xi32, #tpu.memory_space<vmem>>[vector<16xi32>], vector<16xi32>, vector<16xi1>
        %jit3A_1460 = arith.constant 16 : i32
        %jit3A_1461 = arith.constant 0 : i32
        %broadcast_in_dim3A_1462 = vector.broadcast %jit3A_1460 : i32 to vector<16xi32>
        %broadcast_in_dim3A_1463 = vector.broadcast %jit3A_1461 : i32 to vector<16xi32>
        %select_n3A_1464 = arith.select %ge3A_1326, %broadcast_in_dim3A_1462, %broadcast_in_dim3A_1463 : vector<16xi1>, vector<16xi32>
        %add3A_1465 = arith.addi %add3A_1454, %select_n3A_1464 : vector<16xi32>
        %add3A_1466 = arith.constant 48 : i32
        %add3A_1467 = arith.addi %add3A_1293, %add3A_1466 : i32
        %min3A_1468 = arith.minsi %add3A_1465, %add3A_275 : vector<16xi32>
        tpu.vector_store_idx %arg7[%min3A_1468], %get3A_1330 masked %ge3A_1337 : memref<4096xf32, #tpu.memory_space<vmem>>[vector<16xi32>], vector<16xf32>, vector<16xi1>
        %add3A_1469 = vector.broadcast %add3A_1467 : i32 to vector<16xi32>
        %add3A_1470 = arith.addi %add3A_1469, %iota3A : vector<16xi32>
        tpu.vector_store_idx %arg8[%min3A_1468], %add3A_1470 masked %ge3A_1337 : memref<4096xi32, #tpu.memory_space<vmem>>[vector<16xi32>], vector<16xi32>, vector<16xi1>
        %jit3A_1471 = arith.constant 16 : i32
        %jit3A_1472 = arith.constant 0 : i32
        %broadcast_in_dim3A_1473 = vector.broadcast %jit3A_1471 : i32 to vector<16xi32>
        %broadcast_in_dim3A_1474 = vector.broadcast %jit3A_1472 : i32 to vector<16xi32>
        %select_n3A_1475 = arith.select %ge3A_1337, %broadcast_in_dim3A_1473, %broadcast_in_dim3A_1474 : vector<16xi1>, vector<16xi32>
        %add3A_1476 = arith.addi %add3A_1465, %select_n3A_1475 : vector<16xi32>
        %add3A_1477 = arith.constant 64 : i32
        %add3A_1478 = arith.addi %add3A_1293, %add3A_1477 : i32
        %min3A_1479 = arith.minsi %add3A_1476, %add3A_275 : vector<16xi32>
        tpu.vector_store_idx %arg7[%min3A_1479], %get3A_1341 masked %ge3A_1348 : memref<4096xf32, #tpu.memory_space<vmem>>[vector<16xi32>], vector<16xf32>, vector<16xi1>
        %add3A_1480 = vector.broadcast %add3A_1478 : i32 to vector<16xi32>
        %add3A_1481 = arith.addi %add3A_1480, %iota3A : vector<16xi32>
        tpu.vector_store_idx %arg8[%min3A_1479], %add3A_1481 masked %ge3A_1348 : memref<4096xi32, #tpu.memory_space<vmem>>[vector<16xi32>], vector<16xi32>, vector<16xi1>
        %jit3A_1482 = arith.constant 16 : i32
        %jit3A_1483 = arith.constant 0 : i32
        %broadcast_in_dim3A_1484 = vector.broadcast %jit3A_1482 : i32 to vector<16xi32>
        %broadcast_in_dim3A_1485 = vector.broadcast %jit3A_1483 : i32 to vector<16xi32>
        %select_n3A_1486 = arith.select %ge3A_1348, %broadcast_in_dim3A_1484, %broadcast_in_dim3A_1485 : vector<16xi1>, vector<16xi32>
        %add3A_1487 = arith.addi %add3A_1476, %select_n3A_1486 : vector<16xi32>
        %add3A_1488 = arith.constant 80 : i32
        %add3A_1489 = arith.addi %add3A_1293, %add3A_1488 : i32
        %min3A_1490 = arith.minsi %add3A_1487, %add3A_275 : vector<16xi32>
        tpu.vector_store_idx %arg7[%min3A_1490], %get3A_1352 masked %ge3A_1359 : memref<4096xf32, #tpu.memory_space<vmem>>[vector<16xi32>], vector<16xf32>, vector<16xi1>
        %add3A_1491 = vector.broadcast %add3A_1489 : i32 to vector<16xi32>
        %add3A_1492 = arith.addi %add3A_1491, %iota3A : vector<16xi32>
        tpu.vector_store_idx %arg8[%min3A_1490], %add3A_1492 masked %ge3A_1359 : memref<4096xi32, #tpu.memory_space<vmem>>[vector<16xi32>], vector<16xi32>, vector<16xi1>
        %jit3A_1493 = arith.constant 16 : i32
        %jit3A_1494 = arith.constant 0 : i32
        %broadcast_in_dim3A_1495 = vector.broadcast %jit3A_1493 : i32 to vector<16xi32>
        %broadcast_in_dim3A_1496 = vector.broadcast %jit3A_1494 : i32 to vector<16xi32>
        %select_n3A_1497 = arith.select %ge3A_1359, %broadcast_in_dim3A_1495, %broadcast_in_dim3A_1496 : vector<16xi1>, vector<16xi32>
        %add3A_1498 = arith.addi %add3A_1487, %select_n3A_1497 : vector<16xi32>
        %add3A_1499 = arith.constant 96 : i32
        %add3A_1500 = arith.addi %add3A_1293, %add3A_1499 : i32
        %min3A_1501 = arith.minsi %add3A_1498, %add3A_275 : vector<16xi32>
        tpu.vector_store_idx %arg7[%min3A_1501], %get3A_1363 masked %ge3A_1370 : memref<4096xf32, #tpu.memory_space<vmem>>[vector<16xi32>], vector<16xf32>, vector<16xi1>
        %add3A_1502 = vector.broadcast %add3A_1500 : i32 to vector<16xi32>
        %add3A_1503 = arith.addi %add3A_1502, %iota3A : vector<16xi32>
        tpu.vector_store_idx %arg8[%min3A_1501], %add3A_1503 masked %ge3A_1370 : memref<4096xi32, #tpu.memory_space<vmem>>[vector<16xi32>], vector<16xi32>, vector<16xi1>
        %jit3A_1504 = arith.constant 16 : i32
        %jit3A_1505 = arith.constant 0 : i32
        %broadcast_in_dim3A_1506 = vector.broadcast %jit3A_1504 : i32 to vector<16xi32>
        %broadcast_in_dim3A_1507 = vector.broadcast %jit3A_1505 : i32 to vector<16xi32>
        %select_n3A_1508 = arith.select %ge3A_1370, %broadcast_in_dim3A_1506, %broadcast_in_dim3A_1507 : vector<16xi1>, vector<16xi32>
        %add3A_1509 = arith.addi %add3A_1498, %select_n3A_1508 : vector<16xi32>
        %add3A_1510 = arith.constant 112 : i32
        %add3A_1511 = arith.addi %add3A_1293, %add3A_1510 : i32
        %min3A_1512 = arith.minsi %add3A_1509, %add3A_275 : vector<16xi32>
        tpu.vector_store_idx %arg7[%min3A_1512], %get3A_1374 masked %ge3A_1381 : memref<4096xf32, #tpu.memory_space<vmem>>[vector<16xi32>], vector<16xf32>, vector<16xi1>
        %add3A_1513 = vector.broadcast %add3A_1511 : i32 to vector<16xi32>
        %add3A_1514 = arith.addi %add3A_1513, %iota3A : vector<16xi32>
        tpu.vector_store_idx %arg8[%min3A_1512], %add3A_1514 masked %ge3A_1381 : memref<4096xi32, #tpu.memory_space<vmem>>[vector<16xi32>], vector<16xi32>, vector<16xi1>
        %jit3A_1515 = arith.constant 16 : i32
        %jit3A_1516 = arith.constant 0 : i32
        %broadcast_in_dim3A_1517 = vector.broadcast %jit3A_1515 : i32 to vector<16xi32>
        %broadcast_in_dim3A_1518 = vector.broadcast %jit3A_1516 : i32 to vector<16xi32>
        %select_n3A_1519 = arith.select %ge3A_1381, %broadcast_in_dim3A_1517, %broadcast_in_dim3A_1518 : vector<16xi1>, vector<16xi32>
        %add3A_1520 = arith.addi %add3A_1509, %select_n3A_1519 : vector<16xi32>
        %add3A_1521 = arith.constant 128 : i32
        %add3A_1522 = arith.addi %add3A_1293, %add3A_1521 : i32
        %min3A_1523 = arith.minsi %add3A_1520, %add3A_275 : vector<16xi32>
        tpu.vector_store_idx %arg7[%min3A_1523], %get3A_1385 masked %ge3A_1392 : memref<4096xf32, #tpu.memory_space<vmem>>[vector<16xi32>], vector<16xf32>, vector<16xi1>
        %add3A_1524 = vector.broadcast %add3A_1522 : i32 to vector<16xi32>
        %add3A_1525 = arith.addi %add3A_1524, %iota3A : vector<16xi32>
        tpu.vector_store_idx %arg8[%min3A_1523], %add3A_1525 masked %ge3A_1392 : memref<4096xi32, #tpu.memory_space<vmem>>[vector<16xi32>], vector<16xi32>, vector<16xi1>
        %jit3A_1526 = arith.constant 16 : i32
        %jit3A_1527 = arith.constant 0 : i32
        %broadcast_in_dim3A_1528 = vector.broadcast %jit3A_1526 : i32 to vector<16xi32>
        %broadcast_in_dim3A_1529 = vector.broadcast %jit3A_1527 : i32 to vector<16xi32>
        %select_n3A_1530 = arith.select %ge3A_1392, %broadcast_in_dim3A_1528, %broadcast_in_dim3A_1529 : vector<16xi1>, vector<16xi32>
        %add3A_1531 = arith.addi %add3A_1520, %select_n3A_1530 : vector<16xi32>
        %add3A_1532 = arith.constant 144 : i32
        %add3A_1533 = arith.addi %add3A_1293, %add3A_1532 : i32
        %min3A_1534 = arith.minsi %add3A_1531, %add3A_275 : vector<16xi32>
        tpu.vector_store_idx %arg7[%min3A_1534], %get3A_1396 masked %ge3A_1403 : memref<4096xf32, #tpu.memory_space<vmem>>[vector<16xi32>], vector<16xf32>, vector<16xi1>
        %add3A_1535 = vector.broadcast %add3A_1533 : i32 to vector<16xi32>
        %add3A_1536 = arith.addi %add3A_1535, %iota3A : vector<16xi32>
        tpu.vector_store_idx %arg8[%min3A_1534], %add3A_1536 masked %ge3A_1403 : memref<4096xi32, #tpu.memory_space<vmem>>[vector<16xi32>], vector<16xi32>, vector<16xi1>
        %jit3A_1537 = arith.constant 16 : i32
        %jit3A_1538 = arith.constant 0 : i32
        %broadcast_in_dim3A_1539 = vector.broadcast %jit3A_1537 : i32 to vector<16xi32>
        %broadcast_in_dim3A_1540 = vector.broadcast %jit3A_1538 : i32 to vector<16xi32>
        %select_n3A_1541 = arith.select %ge3A_1403, %broadcast_in_dim3A_1539, %broadcast_in_dim3A_1540 : vector<16xi1>, vector<16xi32>
        %add3A_1542 = arith.addi %add3A_1531, %select_n3A_1541 : vector<16xi32>
        %swap3A_1543 = arith.constant 0 : index
        %swap3A_1544 = tpu.vector_load %arg11[%swap3A_1543] {strides = array<i32>} : memref<16xi32, #tpu.memory_space<vmem>>, vector<16xi32>,
        tpu.vector_store %arg11[%swap3A_1543], %add3A_1542 {strides = array<i32>} : memref<16xi32, #tpu.memory_space<vmem>>, vector<16xi32>,
      } else {
      }
      scf.yield %add3A_1390, %add3A_1401, %add3A_1368, %add3A_1379 : vector<16xf32>, vector<16xf32>, vector<16xf32>, vector<16xf32>
    }
    %scan3A_282 = arith.constant 24 : i32
    %dma_wait3A_283 = arith.constant 1 : i32
    %dma_wait3A_284 = arith.constant 3840 : i32
    %dma_wait3A_285 = tpu.memref_slice %arg5[%dma_wait3A_284] : memref<100000xf32, #tpu.memory_space<vmem>> -> memref<32000xf32, #tpu.memory_space<vmem>>
    %dma_wait3A_286 = arith.constant 0 : i32
    %dma_wait3A_287 = tpu.memref_slice %arg2[%add3A, %dma_wait3A_286] : memref<32x100000xf32, #tpu.memory_space<hbm>> -> memref<1x100000xf32, #tpu.memory_space<hbm>>
    %dma_wait3A_288 = tpu.memref_squeeze %dma_wait3A_287 : memref<1x100000xf32, #tpu.memory_space<hbm>> -> memref<100000xf32, #tpu.memory_space<hbm>>
    %dma_wait3A_289 = arith.constant 3840 : i32
    %dma_wait3A_290 = tpu.memref_slice %dma_wait3A_288[%dma_wait3A_289] : memref<100000xf32, #tpu.memory_space<hbm>> -> memref<32000xf32, #tpu.memory_space<hbm>>
    %dma_wait3A_291 = tpu.memref_slice %arg12[%dma_wait3A_283] : memref<6x!tpu.dma_semaphore, #tpu.memory_space<semaphore_mem>> -> memref<1x!tpu.dma_semaphore, #tpu.memory_space<semaphore_mem>>
    %dma_wait3A_292 = tpu.memref_squeeze %dma_wait3A_291 : memref<1x!tpu.dma_semaphore, #tpu.memory_space<semaphore_mem>> -> memref<!tpu.dma_semaphore, #tpu.memory_space<semaphore_mem>>
    %dma_wait3A_293 = arith.constant 3840 : i32
    %dma_wait3A_294 = tpu.memref_slice %arg5[%dma_wait3A_293] : memref<100000xf32, #tpu.memory_space<vmem>> -> memref<32000xf32, #tpu.memory_space<vmem>>
    %dma_wait3A_295 = arith.constant 0 : i32
    %dma_wait3A_296 = tpu.memref_slice %arg2[%add3A, %dma_wait3A_295] : memref<32x100000xf32, #tpu.memory_space<hbm>> -> memref<1x100000xf32, #tpu.memory_space<hbm>>
    %dma_wait3A_297 = tpu.memref_squeeze %dma_wait3A_296 : memref<1x100000xf32, #tpu.memory_space<hbm>> -> memref<100000xf32, #tpu.memory_space<hbm>>
    %dma_wait3A_298 = arith.constant 3840 : i32
    %dma_wait3A_299 = tpu.memref_slice %dma_wait3A_297[%dma_wait3A_298] : memref<100000xf32, #tpu.memory_space<hbm>> -> memref<32000xf32, #tpu.memory_space<hbm>>
    tpu.wait_dma2 semaphore(%dma_wait3A_292 : memref<!tpu.dma_semaphore, #tpu.memory_space<semaphore_mem>>) src(%dma_wait3A_299 : memref<32000xf32, #tpu.memory_space<hbm>>) dst(%dma_wait3A_294 : memref<32000xf32, #tpu.memory_space<vmem>>)
    %scan3A_300 = arith.constant 0 : i32
    %scan3A_301 = arith.constant 200 : i32
    %scan3A_302 = arith.addi %scan3A_300, %scan3A_301 : i32
    %scan3A_303 = arith.constant 1 : i32
    %scan3A_304:4 = scf.for %scan3A_1285 = %scan3A_300 to %scan3A_302 step %scan3A_303 iter_args(%scan3A_1286 = %scan3A_281#0, %scan3A_1287 = %scan3A_281#1, %scan3A_1288 = %scan3A_281#2, %scan3A_1289 = %scan3A_281#3) -> (vector<16xf32>, vector<16xf32>, vector<16xf32>, vector<16xf32>)  : i32 {
      %mul3A_1290 = arith.constant 160 : i32
      %mul3A_1291 = arith.muli %scan3A_1285, %mul3A_1290 : i32
      %add3A_1292 = arith.constant 3840 : i32
      %add3A_1293 = arith.addi %add3A_1292, %mul3A_1291 : i32
      %add3A_1294 = arith.constant 0 : i32
      %add3A_1295 = arith.addi %add3A_1293, %add3A_1294 : i32
      %get3A_1296 = arith.index_cast %add3A_1295 : i32 to index
      %get3A_1297 = tpu.vector_load %arg5[%get3A_1296] {strides = array<i32>} : memref<100000xf32, #tpu.memory_space<vmem>>, vector<16xf32>,
      %mul3A_1298 = arith.constant 5.000000e-01 : f32
      %mul3A_1299 = vector.broadcast %mul3A_1298 : f32 to vector<16xf32>
      %mul3A_1300 = arith.mulf %get3A_1297, %mul3A_1299 : vector<16xf32>
      %exp3A_1301 = math.exp %mul3A_1300 : vector<16xf32>
      %add3A_1302 = arith.addf %scan3A_1286, %exp3A_1301 : vector<16xf32>
      %ge3A_1303 = vector.broadcast %reduce_max3A_272 : f32 to vector<16xf32>
      %ge3A_1304 = arith.cmpf oge, %get3A_1297, %ge3A_1303 : vector<16xf32>
      %add3A_1305 = arith.constant 16 : i32
      %add3A_1306 = arith.addi %add3A_1293, %add3A_1305 : i32
      %get3A_1307 = arith.index_cast %add3A_1306 : i32 to index
      %get3A_1308 = tpu.vector_load %arg5[%get3A_1307] {strides = array<i32>} : memref<100000xf32, #tpu.memory_space<vmem>>, vector<16xf32>,
      %mul3A_1309 = arith.constant 5.000000e-01 : f32
      %mul3A_1310 = vector.broadcast %mul3A_1309 : f32 to vector<16xf32>
      %mul3A_1311 = arith.mulf %get3A_1308, %mul3A_1310 : vector<16xf32>
      %exp3A_1312 = math.exp %mul3A_1311 : vector<16xf32>
      %add3A_1313 = arith.addf %scan3A_1287, %exp3A_1312 : vector<16xf32>
      %ge3A_1314 = vector.broadcast %reduce_max3A_272 : f32 to vector<16xf32>
      %ge3A_1315 = arith.cmpf oge, %get3A_1308, %ge3A_1314 : vector<16xf32>
      %add3A_1316 = arith.constant 32 : i32
      %add3A_1317 = arith.addi %add3A_1293, %add3A_1316 : i32
      %get3A_1318 = arith.index_cast %add3A_1317 : i32 to index
      %get3A_1319 = tpu.vector_load %arg5[%get3A_1318] {strides = array<i32>} : memref<100000xf32, #tpu.memory_space<vmem>>, vector<16xf32>,
      %mul3A_1320 = arith.constant 5.000000e-01 : f32
      %mul3A_1321 = vector.broadcast %mul3A_1320 : f32 to vector<16xf32>
      %mul3A_1322 = arith.mulf %get3A_1319, %mul3A_1321 : vector<16xf32>
      %exp3A_1323 = math.exp %mul3A_1322 : vector<16xf32>
      %add3A_1324 = arith.addf %scan3A_1288, %exp3A_1323 : vector<16xf32>
      %ge3A_1325 = vector.broadcast %reduce_max3A_272 : f32 to vector<16xf32>
      %ge3A_1326 = arith.cmpf oge, %get3A_1319, %ge3A_1325 : vector<16xf32>
      %add3A_1327 = arith.constant 48 : i32
      %add3A_1328 = arith.addi %add3A_1293, %add3A_1327 : i32
      %get3A_1329 = arith.index_cast %add3A_1328 : i32 to index
      %get3A_1330 = tpu.vector_load %arg5[%get3A_1329] {strides = array<i32>} : memref<100000xf32, #tpu.memory_space<vmem>>, vector<16xf32>,
      %mul3A_1331 = arith.constant 5.000000e-01 : f32
      %mul3A_1332 = vector.broadcast %mul3A_1331 : f32 to vector<16xf32>
      %mul3A_1333 = arith.mulf %get3A_1330, %mul3A_1332 : vector<16xf32>
      %exp3A_1334 = math.exp %mul3A_1333 : vector<16xf32>
      %add3A_1335 = arith.addf %scan3A_1289, %exp3A_1334 : vector<16xf32>
      %ge3A_1336 = vector.broadcast %reduce_max3A_272 : f32 to vector<16xf32>
      %ge3A_1337 = arith.cmpf oge, %get3A_1330, %ge3A_1336 : vector<16xf32>
      %add3A_1338 = arith.constant 64 : i32
      %add3A_1339 = arith.addi %add3A_1293, %add3A_1338 : i32
      %get3A_1340 = arith.index_cast %add3A_1339 : i32 to index
      %get3A_1341 = tpu.vector_load %arg5[%get3A_1340] {strides = array<i32>} : memref<100000xf32, #tpu.memory_space<vmem>>, vector<16xf32>,
      %mul3A_1342 = arith.constant 5.000000e-01 : f32
      %mul3A_1343 = vector.broadcast %mul3A_1342 : f32 to vector<16xf32>
      %mul3A_1344 = arith.mulf %get3A_1341, %mul3A_1343 : vector<16xf32>
      %exp3A_1345 = math.exp %mul3A_1344 : vector<16xf32>
      %add3A_1346 = arith.addf %add3A_1302, %exp3A_1345 : vector<16xf32>
      %ge3A_1347 = vector.broadcast %reduce_max3A_272 : f32 to vector<16xf32>
      %ge3A_1348 = arith.cmpf oge, %get3A_1341, %ge3A_1347 : vector<16xf32>
      %add3A_1349 = arith.constant 80 : i32
      %add3A_1350 = arith.addi %add3A_1293, %add3A_1349 : i32
      %get3A_1351 = arith.index_cast %add3A_1350 : i32 to index
      %get3A_1352 = tpu.vector_load %arg5[%get3A_1351] {strides = array<i32>} : memref<100000xf32, #tpu.memory_space<vmem>>, vector<16xf32>,
      %mul3A_1353 = arith.constant 5.000000e-01 : f32
      %mul3A_1354 = vector.broadcast %mul3A_1353 : f32 to vector<16xf32>
      %mul3A_1355 = arith.mulf %get3A_1352, %mul3A_1354 : vector<16xf32>
      %exp3A_1356 = math.exp %mul3A_1355 : vector<16xf32>
      %add3A_1357 = arith.addf %add3A_1313, %exp3A_1356 : vector<16xf32>
      %ge3A_1358 = vector.broadcast %reduce_max3A_272 : f32 to vector<16xf32>
      %ge3A_1359 = arith.cmpf oge, %get3A_1352, %ge3A_1358 : vector<16xf32>
      %add3A_1360 = arith.constant 96 : i32
      %add3A_1361 = arith.addi %add3A_1293, %add3A_1360 : i32
      %get3A_1362 = arith.index_cast %add3A_1361 : i32 to index
      %get3A_1363 = tpu.vector_load %arg5[%get3A_1362] {strides = array<i32>} : memref<100000xf32, #tpu.memory_space<vmem>>, vector<16xf32>,
      %mul3A_1364 = arith.constant 5.000000e-01 : f32
      %mul3A_1365 = vector.broadcast %mul3A_1364 : f32 to vector<16xf32>
      %mul3A_1366 = arith.mulf %get3A_1363, %mul3A_1365 : vector<16xf32>
      %exp3A_1367 = math.exp %mul3A_1366 : vector<16xf32>
      %add3A_1368 = arith.addf %add3A_1324, %exp3A_1367 : vector<16xf32>
      %ge3A_1369 = vector.broadcast %reduce_max3A_272 : f32 to vector<16xf32>
      %ge3A_1370 = arith.cmpf oge, %get3A_1363, %ge3A_1369 : vector<16xf32>
      %add3A_1371 = arith.constant 112 : i32
      %add3A_1372 = arith.addi %add3A_1293, %add3A_1371 : i32
      %get3A_1373 = arith.index_cast %add3A_1372 : i32 to index
      %get3A_1374 = tpu.vector_load %arg5[%get3A_1373] {strides = array<i32>} : memref<100000xf32, #tpu.memory_space<vmem>>, vector<16xf32>,
      %mul3A_1375 = arith.constant 5.000000e-01 : f32
      %mul3A_1376 = vector.broadcast %mul3A_1375 : f32 to vector<16xf32>
      %mul3A_1377 = arith.mulf %get3A_1374, %mul3A_1376 : vector<16xf32>
      %exp3A_1378 = math.exp %mul3A_1377 : vector<16xf32>
      %add3A_1379 = arith.addf %add3A_1335, %exp3A_1378 : vector<16xf32>
      %ge3A_1380 = vector.broadcast %reduce_max3A_272 : f32 to vector<16xf32>
      %ge3A_1381 = arith.cmpf oge, %get3A_1374, %ge3A_1380 : vector<16xf32>
      %add3A_1382 = arith.constant 128 : i32
      %add3A_1383 = arith.addi %add3A_1293, %add3A_1382 : i32
      %get3A_1384 = arith.index_cast %add3A_1383 : i32 to index
      %get3A_1385 = tpu.vector_load %arg5[%get3A_1384] {strides = array<i32>} : memref<100000xf32, #tpu.memory_space<vmem>>, vector<16xf32>,
      %mul3A_1386 = arith.constant 5.000000e-01 : f32
      %mul3A_1387 = vector.broadcast %mul3A_1386 : f32 to vector<16xf32>
      %mul3A_1388 = arith.mulf %get3A_1385, %mul3A_1387 : vector<16xf32>
      %exp3A_1389 = math.exp %mul3A_1388 : vector<16xf32>
      %add3A_1390 = arith.addf %add3A_1346, %exp3A_1389 : vector<16xf32>
      %ge3A_1391 = vector.broadcast %reduce_max3A_272 : f32 to vector<16xf32>
      %ge3A_1392 = arith.cmpf oge, %get3A_1385, %ge3A_1391 : vector<16xf32>
      %add3A_1393 = arith.constant 144 : i32
      %add3A_1394 = arith.addi %add3A_1293, %add3A_1393 : i32
      %get3A_1395 = arith.index_cast %add3A_1394 : i32 to index
      %get3A_1396 = tpu.vector_load %arg5[%get3A_1395] {strides = array<i32>} : memref<100000xf32, #tpu.memory_space<vmem>>, vector<16xf32>,
      %mul3A_1397 = arith.constant 5.000000e-01 : f32
      %mul3A_1398 = vector.broadcast %mul3A_1397 : f32 to vector<16xf32>
      %mul3A_1399 = arith.mulf %get3A_1396, %mul3A_1398 : vector<16xf32>
      %exp3A_1400 = math.exp %mul3A_1399 : vector<16xf32>
      %add3A_1401 = arith.addf %add3A_1357, %exp3A_1400 : vector<16xf32>
      %ge3A_1402 = vector.broadcast %reduce_max3A_272 : f32 to vector<16xf32>
      %ge3A_1403 = arith.cmpf oge, %get3A_1396, %ge3A_1402 : vector<16xf32>
      %or3A_1404 = arith.ori %ge3A_1304, %ge3A_1315 : vector<16xi1>
      %or3A_1405 = arith.ori %or3A_1404, %ge3A_1326 : vector<16xi1>
      %or3A_1406 = arith.ori %or3A_1405, %ge3A_1337 : vector<16xi1>
      %or3A_1407 = arith.ori %or3A_1406, %ge3A_1348 : vector<16xi1>
      %or3A_1408 = arith.ori %or3A_1407, %ge3A_1359 : vector<16xi1>
      %or3A_1409 = arith.ori %or3A_1408, %ge3A_1370 : vector<16xi1>
      %or3A_1410 = arith.ori %or3A_1409, %ge3A_1381 : vector<16xi1>
      %or3A_1411 = arith.ori %or3A_1410, %ge3A_1392 : vector<16xi1>
      %or3A_1412 = arith.ori %or3A_1411, %ge3A_1403 : vector<16xi1>
      %jit3A_1413 = arith.constant 1 : i32
      %jit3A_1414 = arith.constant 0 : i32
      %broadcast_in_dim3A_1415 = vector.broadcast %jit3A_1413 : i32 to vector<16xi32>
      %broadcast_in_dim3A_1416 = vector.broadcast %jit3A_1414 : i32 to vector<16xi32>
      %select_n3A_1417 = arith.select %or3A_1412, %broadcast_in_dim3A_1415, %broadcast_in_dim3A_1416 : vector<16xi1>, vector<16xi32>
      %reduce_max3A_1418 = arith.constant true
      %reduce_max3A_1419 = vector.broadcast %reduce_max3A_1418 : i1 to vector<16xi1>
      %reduce_max3A_1420 = arith.constant -2147483648 : i32
      %reduce_max3A_1421 = vector.broadcast %reduce_max3A_1420 : i32 to vector<16xi32>
      %reduce_max3A_1422 = arith.xori %select_n3A_1417, %reduce_max3A_1421 : vector<16xi32>
      %reduce_max3A_1423 = tpu.scan <max>, %reduce_max3A_1422 masked %reduce_max3A_1419 : vector<16xi32>, vector<16xi1> -> vector<16xi32>
      %reduce_max3A_1424 = arith.xori %reduce_max3A_1423, %reduce_max3A_1421 : vector<16xi32>
      %reduce_max3A_1425 = vector.extract %reduce_max3A_1424[15] : i32 from vector<16xi32>
      %gt3A_1426 = arith.constant 0 : i32
      %gt3A_1427 = arith.cmpi sgt, %reduce_max3A_1425, %gt3A_1426 : i32
      %convert_element_type3A_1428 = arith.extui %gt3A_1427 : i1 to i32
      %cond3A_1429 = arith.constant 0 : i32
      %cond3A_1430 = arith.cmpi ne, %convert_element_type3A_1428, %cond3A_1429 : i32
      scf.if %cond3A_1430 {
        %get3A_1431 = arith.constant 0 : index
        %get3A_1432 = tpu.vector_load %arg11[%get3A_1431] {strides = array<i32>} : memref<16xi32, #tpu.memory_space<vmem>>, vector<16xi32>,
        %add3A_1433 = arith.constant 0 : i32
        %add3A_1434 = arith.addi %add3A_1293, %add3A_1433 : i32
        %min3A_1435 = arith.minsi %get3A_1432, %add3A_275 : vector<16xi32>
        tpu.vector_store_idx %arg7[%min3A_1435], %get3A_1297 masked %ge3A_1304 : memref<4096xf32, #tpu.memory_space<vmem>>[vector<16xi32>], vector<16xf32>, vector<16xi1>
        %add3A_1436 = vector.broadcast %add3A_1434 : i32 to vector<16xi32>
        %add3A_1437 = arith.addi %add3A_1436, %iota3A : vector<16xi32>
        tpu.vector_store_idx %arg8[%min3A_1435], %add3A_1437 masked %ge3A_1304 : memref<4096xi32, #tpu.memory_space<vmem>>[vector<16xi32>], vector<16xi32>, vector<16xi1>
        %jit3A_1438 = arith.constant 16 : i32
        %jit3A_1439 = arith.constant 0 : i32
        %broadcast_in_dim3A_1440 = vector.broadcast %jit3A_1438 : i32 to vector<16xi32>
        %broadcast_in_dim3A_1441 = vector.broadcast %jit3A_1439 : i32 to vector<16xi32>
        %select_n3A_1442 = arith.select %ge3A_1304, %broadcast_in_dim3A_1440, %broadcast_in_dim3A_1441 : vector<16xi1>, vector<16xi32>
        %add3A_1443 = arith.addi %get3A_1432, %select_n3A_1442 : vector<16xi32>
        %add3A_1444 = arith.constant 16 : i32
        %add3A_1445 = arith.addi %add3A_1293, %add3A_1444 : i32
        %min3A_1446 = arith.minsi %add3A_1443, %add3A_275 : vector<16xi32>
        tpu.vector_store_idx %arg7[%min3A_1446], %get3A_1308 masked %ge3A_1315 : memref<4096xf32, #tpu.memory_space<vmem>>[vector<16xi32>], vector<16xf32>, vector<16xi1>
        %add3A_1447 = vector.broadcast %add3A_1445 : i32 to vector<16xi32>
        %add3A_1448 = arith.addi %add3A_1447, %iota3A : vector<16xi32>
        tpu.vector_store_idx %arg8[%min3A_1446], %add3A_1448 masked %ge3A_1315 : memref<4096xi32, #tpu.memory_space<vmem>>[vector<16xi32>], vector<16xi32>, vector<16xi1>
        %jit3A_1449 = arith.constant 16 : i32
        %jit3A_1450 = arith.constant 0 : i32
        %broadcast_in_dim3A_1451 = vector.broadcast %jit3A_1449 : i32 to vector<16xi32>
        %broadcast_in_dim3A_1452 = vector.broadcast %jit3A_1450 : i32 to vector<16xi32>
        %select_n3A_1453 = arith.select %ge3A_1315, %broadcast_in_dim3A_1451, %broadcast_in_dim3A_1452 : vector<16xi1>, vector<16xi32>
        %add3A_1454 = arith.addi %add3A_1443, %select_n3A_1453 : vector<16xi32>
        %add3A_1455 = arith.constant 32 : i32
        %add3A_1456 = arith.addi %add3A_1293, %add3A_1455 : i32
        %min3A_1457 = arith.minsi %add3A_1454, %add3A_275 : vector<16xi32>
        tpu.vector_store_idx %arg7[%min3A_1457], %get3A_1319 masked %ge3A_1326 : memref<4096xf32, #tpu.memory_space<vmem>>[vector<16xi32>], vector<16xf32>, vector<16xi1>
        %add3A_1458 = vector.broadcast %add3A_1456 : i32 to vector<16xi32>
        %add3A_1459 = arith.addi %add3A_1458, %iota3A : vector<16xi32>
        tpu.vector_store_idx %arg8[%min3A_1457], %add3A_1459 masked %ge3A_1326 : memref<4096xi32, #tpu.memory_space<vmem>>[vector<16xi32>], vector<16xi32>, vector<16xi1>
        %jit3A_1460 = arith.constant 16 : i32
        %jit3A_1461 = arith.constant 0 : i32
        %broadcast_in_dim3A_1462 = vector.broadcast %jit3A_1460 : i32 to vector<16xi32>
        %broadcast_in_dim3A_1463 = vector.broadcast %jit3A_1461 : i32 to vector<16xi32>
        %select_n3A_1464 = arith.select %ge3A_1326, %broadcast_in_dim3A_1462, %broadcast_in_dim3A_1463 : vector<16xi1>, vector<16xi32>
        %add3A_1465 = arith.addi %add3A_1454, %select_n3A_1464 : vector<16xi32>
        %add3A_1466 = arith.constant 48 : i32
        %add3A_1467 = arith.addi %add3A_1293, %add3A_1466 : i32
        %min3A_1468 = arith.minsi %add3A_1465, %add3A_275 : vector<16xi32>
        tpu.vector_store_idx %arg7[%min3A_1468], %get3A_1330 masked %ge3A_1337 : memref<4096xf32, #tpu.memory_space<vmem>>[vector<16xi32>], vector<16xf32>, vector<16xi1>
        %add3A_1469 = vector.broadcast %add3A_1467 : i32 to vector<16xi32>
        %add3A_1470 = arith.addi %add3A_1469, %iota3A : vector<16xi32>
        tpu.vector_store_idx %arg8[%min3A_1468], %add3A_1470 masked %ge3A_1337 : memref<4096xi32, #tpu.memory_space<vmem>>[vector<16xi32>], vector<16xi32>, vector<16xi1>
        %jit3A_1471 = arith.constant 16 : i32
        %jit3A_1472 = arith.constant 0 : i32
        %broadcast_in_dim3A_1473 = vector.broadcast %jit3A_1471 : i32 to vector<16xi32>
        %broadcast_in_dim3A_1474 = vector.broadcast %jit3A_1472 : i32 to vector<16xi32>
        %select_n3A_1475 = arith.select %ge3A_1337, %broadcast_in_dim3A_1473, %broadcast_in_dim3A_1474 : vector<16xi1>, vector<16xi32>
        %add3A_1476 = arith.addi %add3A_1465, %select_n3A_1475 : vector<16xi32>
        %add3A_1477 = arith.constant 64 : i32
        %add3A_1478 = arith.addi %add3A_1293, %add3A_1477 : i32
        %min3A_1479 = arith.minsi %add3A_1476, %add3A_275 : vector<16xi32>
        tpu.vector_store_idx %arg7[%min3A_1479], %get3A_1341 masked %ge3A_1348 : memref<4096xf32, #tpu.memory_space<vmem>>[vector<16xi32>], vector<16xf32>, vector<16xi1>
        %add3A_1480 = vector.broadcast %add3A_1478 : i32 to vector<16xi32>
        %add3A_1481 = arith.addi %add3A_1480, %iota3A : vector<16xi32>
        tpu.vector_store_idx %arg8[%min3A_1479], %add3A_1481 masked %ge3A_1348 : memref<4096xi32, #tpu.memory_space<vmem>>[vector<16xi32>], vector<16xi32>, vector<16xi1>
        %jit3A_1482 = arith.constant 16 : i32
        %jit3A_1483 = arith.constant 0 : i32
        %broadcast_in_dim3A_1484 = vector.broadcast %jit3A_1482 : i32 to vector<16xi32>
        %broadcast_in_dim3A_1485 = vector.broadcast %jit3A_1483 : i32 to vector<16xi32>
        %select_n3A_1486 = arith.select %ge3A_1348, %broadcast_in_dim3A_1484, %broadcast_in_dim3A_1485 : vector<16xi1>, vector<16xi32>
        %add3A_1487 = arith.addi %add3A_1476, %select_n3A_1486 : vector<16xi32>
        %add3A_1488 = arith.constant 80 : i32
        %add3A_1489 = arith.addi %add3A_1293, %add3A_1488 : i32
        %min3A_1490 = arith.minsi %add3A_1487, %add3A_275 : vector<16xi32>
        tpu.vector_store_idx %arg7[%min3A_1490], %get3A_1352 masked %ge3A_1359 : memref<4096xf32, #tpu.memory_space<vmem>>[vector<16xi32>], vector<16xf32>, vector<16xi1>
        %add3A_1491 = vector.broadcast %add3A_1489 : i32 to vector<16xi32>
        %add3A_1492 = arith.addi %add3A_1491, %iota3A : vector<16xi32>
        tpu.vector_store_idx %arg8[%min3A_1490], %add3A_1492 masked %ge3A_1359 : memref<4096xi32, #tpu.memory_space<vmem>>[vector<16xi32>], vector<16xi32>, vector<16xi1>
        %jit3A_1493 = arith.constant 16 : i32
        %jit3A_1494 = arith.constant 0 : i32
        %broadcast_in_dim3A_1495 = vector.broadcast %jit3A_1493 : i32 to vector<16xi32>
        %broadcast_in_dim3A_1496 = vector.broadcast %jit3A_1494 : i32 to vector<16xi32>
        %select_n3A_1497 = arith.select %ge3A_1359, %broadcast_in_dim3A_1495, %broadcast_in_dim3A_1496 : vector<16xi1>, vector<16xi32>
        %add3A_1498 = arith.addi %add3A_1487, %select_n3A_1497 : vector<16xi32>
        %add3A_1499 = arith.constant 96 : i32
        %add3A_1500 = arith.addi %add3A_1293, %add3A_1499 : i32
        %min3A_1501 = arith.minsi %add3A_1498, %add3A_275 : vector<16xi32>
        tpu.vector_store_idx %arg7[%min3A_1501], %get3A_1363 masked %ge3A_1370 : memref<4096xf32, #tpu.memory_space<vmem>>[vector<16xi32>], vector<16xf32>, vector<16xi1>
        %add3A_1502 = vector.broadcast %add3A_1500 : i32 to vector<16xi32>
        %add3A_1503 = arith.addi %add3A_1502, %iota3A : vector<16xi32>
        tpu.vector_store_idx %arg8[%min3A_1501], %add3A_1503 masked %ge3A_1370 : memref<4096xi32, #tpu.memory_space<vmem>>[vector<16xi32>], vector<16xi32>, vector<16xi1>
        %jit3A_1504 = arith.constant 16 : i32
        %jit3A_1505 = arith.constant 0 : i32
        %broadcast_in_dim3A_1506 = vector.broadcast %jit3A_1504 : i32 to vector<16xi32>
        %broadcast_in_dim3A_1507 = vector.broadcast %jit3A_1505 : i32 to vector<16xi32>
        %select_n3A_1508 = arith.select %ge3A_1370, %broadcast_in_dim3A_1506, %broadcast_in_dim3A_1507 : vector<16xi1>, vector<16xi32>
        %add3A_1509 = arith.addi %add3A_1498, %select_n3A_1508 : vector<16xi32>
        %add3A_1510 = arith.constant 112 : i32
        %add3A_1511 = arith.addi %add3A_1293, %add3A_1510 : i32
        %min3A_1512 = arith.minsi %add3A_1509, %add3A_275 : vector<16xi32>
        tpu.vector_store_idx %arg7[%min3A_1512], %get3A_1374 masked %ge3A_1381 : memref<4096xf32, #tpu.memory_space<vmem>>[vector<16xi32>], vector<16xf32>, vector<16xi1>
        %add3A_1513 = vector.broadcast %add3A_1511 : i32 to vector<16xi32>
        %add3A_1514 = arith.addi %add3A_1513, %iota3A : vector<16xi32>
        tpu.vector_store_idx %arg8[%min3A_1512], %add3A_1514 masked %ge3A_1381 : memref<4096xi32, #tpu.memory_space<vmem>>[vector<16xi32>], vector<16xi32>, vector<16xi1>
        %jit3A_1515 = arith.constant 16 : i32
        %jit3A_1516 = arith.constant 0 : i32
        %broadcast_in_dim3A_1517 = vector.broadcast %jit3A_1515 : i32 to vector<16xi32>
        %broadcast_in_dim3A_1518 = vector.broadcast %jit3A_1516 : i32 to vector<16xi32>
        %select_n3A_1519 = arith.select %ge3A_1381, %broadcast_in_dim3A_1517, %broadcast_in_dim3A_1518 : vector<16xi1>, vector<16xi32>
        %add3A_1520 = arith.addi %add3A_1509, %select_n3A_1519 : vector<16xi32>
        %add3A_1521 = arith.constant 128 : i32
        %add3A_1522 = arith.addi %add3A_1293, %add3A_1521 : i32
        %min3A_1523 = arith.minsi %add3A_1520, %add3A_275 : vector<16xi32>
        tpu.vector_store_idx %arg7[%min3A_1523], %get3A_1385 masked %ge3A_1392 : memref<4096xf32, #tpu.memory_space<vmem>>[vector<16xi32>], vector<16xf32>, vector<16xi1>
        %add3A_1524 = vector.broadcast %add3A_1522 : i32 to vector<16xi32>
        %add3A_1525 = arith.addi %add3A_1524, %iota3A : vector<16xi32>
        tpu.vector_store_idx %arg8[%min3A_1523], %add3A_1525 masked %ge3A_1392 : memref<4096xi32, #tpu.memory_space<vmem>>[vector<16xi32>], vector<16xi32>, vector<16xi1>
        %jit3A_1526 = arith.constant 16 : i32
        %jit3A_1527 = arith.constant 0 : i32
        %broadcast_in_dim3A_1528 = vector.broadcast %jit3A_1526 : i32 to vector<16xi32>
        %broadcast_in_dim3A_1529 = vector.broadcast %jit3A_1527 : i32 to vector<16xi32>
        %select_n3A_1530 = arith.select %ge3A_1392, %broadcast_in_dim3A_1528, %broadcast_in_dim3A_1529 : vector<16xi1>, vector<16xi32>
        %add3A_1531 = arith.addi %add3A_1520, %select_n3A_1530 : vector<16xi32>
        %add3A_1532 = arith.constant 144 : i32
        %add3A_1533 = arith.addi %add3A_1293, %add3A_1532 : i32
        %min3A_1534 = arith.minsi %add3A_1531, %add3A_275 : vector<16xi32>
        tpu.vector_store_idx %arg7[%min3A_1534], %get3A_1396 masked %ge3A_1403 : memref<4096xf32, #tpu.memory_space<vmem>>[vector<16xi32>], vector<16xf32>, vector<16xi1>
        %add3A_1535 = vector.broadcast %add3A_1533 : i32 to vector<16xi32>
        %add3A_1536 = arith.addi %add3A_1535, %iota3A : vector<16xi32>
        tpu.vector_store_idx %arg8[%min3A_1534], %add3A_1536 masked %ge3A_1403 : memref<4096xi32, #tpu.memory_space<vmem>>[vector<16xi32>], vector<16xi32>, vector<16xi1>
        %jit3A_1537 = arith.constant 16 : i32
        %jit3A_1538 = arith.constant 0 : i32
        %broadcast_in_dim3A_1539 = vector.broadcast %jit3A_1537 : i32 to vector<16xi32>
        %broadcast_in_dim3A_1540 = vector.broadcast %jit3A_1538 : i32 to vector<16xi32>
        %select_n3A_1541 = arith.select %ge3A_1403, %broadcast_in_dim3A_1539, %broadcast_in_dim3A_1540 : vector<16xi1>, vector<16xi32>
        %add3A_1542 = arith.addi %add3A_1531, %select_n3A_1541 : vector<16xi32>
        %swap3A_1543 = arith.constant 0 : index
        %swap3A_1544 = tpu.vector_load %arg11[%swap3A_1543] {strides = array<i32>} : memref<16xi32, #tpu.memory_space<vmem>>, vector<16xi32>,
        tpu.vector_store %arg11[%swap3A_1543], %add3A_1542 {strides = array<i32>} : memref<16xi32, #tpu.memory_space<vmem>>, vector<16xi32>,
      } else {
      }
      scf.yield %add3A_1390, %add3A_1401, %add3A_1368, %add3A_1379 : vector<16xf32>, vector<16xf32>, vector<16xf32>, vector<16xf32>
    }
    %scan3A_305 = arith.constant 200 : i32
    %dma_wait3A_306 = arith.constant 2 : i32
    %dma_wait3A_307 = arith.constant 35840 : i32
    %dma_wait3A_308 = tpu.memref_slice %arg5[%dma_wait3A_307] : memref<100000xf32, #tpu.memory_space<vmem>> -> memref<32000xf32, #tpu.memory_space<vmem>>
    %dma_wait3A_309 = arith.constant 0 : i32
    %dma_wait3A_310 = tpu.memref_slice %arg2[%add3A, %dma_wait3A_309] : memref<32x100000xf32, #tpu.memory_space<hbm>> -> memref<1x100000xf32, #tpu.memory_space<hbm>>
    %dma_wait3A_311 = tpu.memref_squeeze %dma_wait3A_310 : memref<1x100000xf32, #tpu.memory_space<hbm>> -> memref<100000xf32, #tpu.memory_space<hbm>>
    %dma_wait3A_312 = arith.constant 35840 : i32
    %dma_wait3A_313 = tpu.memref_slice %dma_wait3A_311[%dma_wait3A_312] : memref<100000xf32, #tpu.memory_space<hbm>> -> memref<32000xf32, #tpu.memory_space<hbm>>
    %dma_wait3A_314 = tpu.memref_slice %arg12[%dma_wait3A_306] : memref<6x!tpu.dma_semaphore, #tpu.memory_space<semaphore_mem>> -> memref<1x!tpu.dma_semaphore, #tpu.memory_space<semaphore_mem>>
    %dma_wait3A_315 = tpu.memref_squeeze %dma_wait3A_314 : memref<1x!tpu.dma_semaphore, #tpu.memory_space<semaphore_mem>> -> memref<!tpu.dma_semaphore, #tpu.memory_space<semaphore_mem>>
    %dma_wait3A_316 = arith.constant 35840 : i32
    %dma_wait3A_317 = tpu.memref_slice %arg5[%dma_wait3A_316] : memref<100000xf32, #tpu.memory_space<vmem>> -> memref<32000xf32, #tpu.memory_space<vmem>>
    %dma_wait3A_318 = arith.constant 0 : i32
    %dma_wait3A_319 = tpu.memref_slice %arg2[%add3A, %dma_wait3A_318] : memref<32x100000xf32, #tpu.memory_space<hbm>> -> memref<1x100000xf32, #tpu.memory_space<hbm>>
    %dma_wait3A_320 = tpu.memref_squeeze %dma_wait3A_319 : memref<1x100000xf32, #tpu.memory_space<hbm>> -> memref<100000xf32, #tpu.memory_space<hbm>>
    %dma_wait3A_321 = arith.constant 35840 : i32
    %dma_wait3A_322 = tpu.memref_slice %dma_wait3A_320[%dma_wait3A_321] : memref<100000xf32, #tpu.memory_space<hbm>> -> memref<32000xf32, #tpu.memory_space<hbm>>
    tpu.wait_dma2 semaphore(%dma_wait3A_315 : memref<!tpu.dma_semaphore, #tpu.memory_space<semaphore_mem>>) src(%dma_wait3A_322 : memref<32000xf32, #tpu.memory_space<hbm>>) dst(%dma_wait3A_317 : memref<32000xf32, #tpu.memory_space<vmem>>)
    %scan3A_323 = arith.constant 0 : i32
    %scan3A_324 = arith.constant 200 : i32
    %scan3A_325 = arith.addi %scan3A_323, %scan3A_324 : i32
    %scan3A_326 = arith.constant 1 : i32
    %scan3A_327:4 = scf.for %scan3A_1285 = %scan3A_323 to %scan3A_325 step %scan3A_326 iter_args(%scan3A_1286 = %scan3A_304#0, %scan3A_1287 = %scan3A_304#1, %scan3A_1288 = %scan3A_304#2, %scan3A_1289 = %scan3A_304#3) -> (vector<16xf32>, vector<16xf32>, vector<16xf32>, vector<16xf32>)  : i32 {
      %mul3A_1290 = arith.constant 160 : i32
      %mul3A_1291 = arith.muli %scan3A_1285, %mul3A_1290 : i32
      %add3A_1292 = arith.constant 35840 : i32
      %add3A_1293 = arith.addi %add3A_1292, %mul3A_1291 : i32
      %add3A_1294 = arith.constant 0 : i32
      %add3A_1295 = arith.addi %add3A_1293, %add3A_1294 : i32
      %get3A_1296 = arith.index_cast %add3A_1295 : i32 to index
      %get3A_1297 = tpu.vector_load %arg5[%get3A_1296] {strides = array<i32>} : memref<100000xf32, #tpu.memory_space<vmem>>, vector<16xf32>,
      %mul3A_1298 = arith.constant 5.000000e-01 : f32
      %mul3A_1299 = vector.broadcast %mul3A_1298 : f32 to vector<16xf32>
      %mul3A_1300 = arith.mulf %get3A_1297, %mul3A_1299 : vector<16xf32>
      %exp3A_1301 = math.exp %mul3A_1300 : vector<16xf32>
      %add3A_1302 = arith.addf %scan3A_1286, %exp3A_1301 : vector<16xf32>
      %ge3A_1303 = vector.broadcast %reduce_max3A_272 : f32 to vector<16xf32>
      %ge3A_1304 = arith.cmpf oge, %get3A_1297, %ge3A_1303 : vector<16xf32>
      %add3A_1305 = arith.constant 16 : i32
      %add3A_1306 = arith.addi %add3A_1293, %add3A_1305 : i32
      %get3A_1307 = arith.index_cast %add3A_1306 : i32 to index
      %get3A_1308 = tpu.vector_load %arg5[%get3A_1307] {strides = array<i32>} : memref<100000xf32, #tpu.memory_space<vmem>>, vector<16xf32>,
      %mul3A_1309 = arith.constant 5.000000e-01 : f32
      %mul3A_1310 = vector.broadcast %mul3A_1309 : f32 to vector<16xf32>
      %mul3A_1311 = arith.mulf %get3A_1308, %mul3A_1310 : vector<16xf32>
      %exp3A_1312 = math.exp %mul3A_1311 : vector<16xf32>
      %add3A_1313 = arith.addf %scan3A_1287, %exp3A_1312 : vector<16xf32>
      %ge3A_1314 = vector.broadcast %reduce_max3A_272 : f32 to vector<16xf32>
      %ge3A_1315 = arith.cmpf oge, %get3A_1308, %ge3A_1314 : vector<16xf32>
      %add3A_1316 = arith.constant 32 : i32
      %add3A_1317 = arith.addi %add3A_1293, %add3A_1316 : i32
      %get3A_1318 = arith.index_cast %add3A_1317 : i32 to index
      %get3A_1319 = tpu.vector_load %arg5[%get3A_1318] {strides = array<i32>} : memref<100000xf32, #tpu.memory_space<vmem>>, vector<16xf32>,
      %mul3A_1320 = arith.constant 5.000000e-01 : f32
      %mul3A_1321 = vector.broadcast %mul3A_1320 : f32 to vector<16xf32>
      %mul3A_1322 = arith.mulf %get3A_1319, %mul3A_1321 : vector<16xf32>
      %exp3A_1323 = math.exp %mul3A_1322 : vector<16xf32>
      %add3A_1324 = arith.addf %scan3A_1288, %exp3A_1323 : vector<16xf32>
      %ge3A_1325 = vector.broadcast %reduce_max3A_272 : f32 to vector<16xf32>
      %ge3A_1326 = arith.cmpf oge, %get3A_1319, %ge3A_1325 : vector<16xf32>
      %add3A_1327 = arith.constant 48 : i32
      %add3A_1328 = arith.addi %add3A_1293, %add3A_1327 : i32
      %get3A_1329 = arith.index_cast %add3A_1328 : i32 to index
      %get3A_1330 = tpu.vector_load %arg5[%get3A_1329] {strides = array<i32>} : memref<100000xf32, #tpu.memory_space<vmem>>, vector<16xf32>,
      %mul3A_1331 = arith.constant 5.000000e-01 : f32
      %mul3A_1332 = vector.broadcast %mul3A_1331 : f32 to vector<16xf32>
      %mul3A_1333 = arith.mulf %get3A_1330, %mul3A_1332 : vector<16xf32>
      %exp3A_1334 = math.exp %mul3A_1333 : vector<16xf32>
      %add3A_1335 = arith.addf %scan3A_1289, %exp3A_1334 : vector<16xf32>
      %ge3A_1336 = vector.broadcast %reduce_max3A_272 : f32 to vector<16xf32>
      %ge3A_1337 = arith.cmpf oge, %get3A_1330, %ge3A_1336 : vector<16xf32>
      %add3A_1338 = arith.constant 64 : i32
      %add3A_1339 = arith.addi %add3A_1293, %add3A_1338 : i32
      %get3A_1340 = arith.index_cast %add3A_1339 : i32 to index
      %get3A_1341 = tpu.vector_load %arg5[%get3A_1340] {strides = array<i32>} : memref<100000xf32, #tpu.memory_space<vmem>>, vector<16xf32>,
      %mul3A_1342 = arith.constant 5.000000e-01 : f32
      %mul3A_1343 = vector.broadcast %mul3A_1342 : f32 to vector<16xf32>
      %mul3A_1344 = arith.mulf %get3A_1341, %mul3A_1343 : vector<16xf32>
      %exp3A_1345 = math.exp %mul3A_1344 : vector<16xf32>
      %add3A_1346 = arith.addf %add3A_1302, %exp3A_1345 : vector<16xf32>
      %ge3A_1347 = vector.broadcast %reduce_max3A_272 : f32 to vector<16xf32>
      %ge3A_1348 = arith.cmpf oge, %get3A_1341, %ge3A_1347 : vector<16xf32>
      %add3A_1349 = arith.constant 80 : i32
      %add3A_1350 = arith.addi %add3A_1293, %add3A_1349 : i32
      %get3A_1351 = arith.index_cast %add3A_1350 : i32 to index
      %get3A_1352 = tpu.vector_load %arg5[%get3A_1351] {strides = array<i32>} : memref<100000xf32, #tpu.memory_space<vmem>>, vector<16xf32>,
      %mul3A_1353 = arith.constant 5.000000e-01 : f32
      %mul3A_1354 = vector.broadcast %mul3A_1353 : f32 to vector<16xf32>
      %mul3A_1355 = arith.mulf %get3A_1352, %mul3A_1354 : vector<16xf32>
      %exp3A_1356 = math.exp %mul3A_1355 : vector<16xf32>
      %add3A_1357 = arith.addf %add3A_1313, %exp3A_1356 : vector<16xf32>
      %ge3A_1358 = vector.broadcast %reduce_max3A_272 : f32 to vector<16xf32>
      %ge3A_1359 = arith.cmpf oge, %get3A_1352, %ge3A_1358 : vector<16xf32>
      %add3A_1360 = arith.constant 96 : i32
      %add3A_1361 = arith.addi %add3A_1293, %add3A_1360 : i32
      %get3A_1362 = arith.index_cast %add3A_1361 : i32 to index
      %get3A_1363 = tpu.vector_load %arg5[%get3A_1362] {strides = array<i32>} : memref<100000xf32, #tpu.memory_space<vmem>>, vector<16xf32>,
      %mul3A_1364 = arith.constant 5.000000e-01 : f32
      %mul3A_1365 = vector.broadcast %mul3A_1364 : f32 to vector<16xf32>
      %mul3A_1366 = arith.mulf %get3A_1363, %mul3A_1365 : vector<16xf32>
      %exp3A_1367 = math.exp %mul3A_1366 : vector<16xf32>
      %add3A_1368 = arith.addf %add3A_1324, %exp3A_1367 : vector<16xf32>
      %ge3A_1369 = vector.broadcast %reduce_max3A_272 : f32 to vector<16xf32>
      %ge3A_1370 = arith.cmpf oge, %get3A_1363, %ge3A_1369 : vector<16xf32>
      %add3A_1371 = arith.constant 112 : i32
      %add3A_1372 = arith.addi %add3A_1293, %add3A_1371 : i32
      %get3A_1373 = arith.index_cast %add3A_1372 : i32 to index
      %get3A_1374 = tpu.vector_load %arg5[%get3A_1373] {strides = array<i32>} : memref<100000xf32, #tpu.memory_space<vmem>>, vector<16xf32>,
      %mul3A_1375 = arith.constant 5.000000e-01 : f32
      %mul3A_1376 = vector.broadcast %mul3A_1375 : f32 to vector<16xf32>
      %mul3A_1377 = arith.mulf %get3A_1374, %mul3A_1376 : vector<16xf32>
      %exp3A_1378 = math.exp %mul3A_1377 : vector<16xf32>
      %add3A_1379 = arith.addf %add3A_1335, %exp3A_1378 : vector<16xf32>
      %ge3A_1380 = vector.broadcast %reduce_max3A_272 : f32 to vector<16xf32>
      %ge3A_1381 = arith.cmpf oge, %get3A_1374, %ge3A_1380 : vector<16xf32>
      %add3A_1382 = arith.constant 128 : i32
      %add3A_1383 = arith.addi %add3A_1293, %add3A_1382 : i32
      %get3A_1384 = arith.index_cast %add3A_1383 : i32 to index
      %get3A_1385 = tpu.vector_load %arg5[%get3A_1384] {strides = array<i32>} : memref<100000xf32, #tpu.memory_space<vmem>>, vector<16xf32>,
      %mul3A_1386 = arith.constant 5.000000e-01 : f32
      %mul3A_1387 = vector.broadcast %mul3A_1386 : f32 to vector<16xf32>
      %mul3A_1388 = arith.mulf %get3A_1385, %mul3A_1387 : vector<16xf32>
      %exp3A_1389 = math.exp %mul3A_1388 : vector<16xf32>
      %add3A_1390 = arith.addf %add3A_1346, %exp3A_1389 : vector<16xf32>
      %ge3A_1391 = vector.broadcast %reduce_max3A_272 : f32 to vector<16xf32>
      %ge3A_1392 = arith.cmpf oge, %get3A_1385, %ge3A_1391 : vector<16xf32>
      %add3A_1393 = arith.constant 144 : i32
      %add3A_1394 = arith.addi %add3A_1293, %add3A_1393 : i32
      %get3A_1395 = arith.index_cast %add3A_1394 : i32 to index
      %get3A_1396 = tpu.vector_load %arg5[%get3A_1395] {strides = array<i32>} : memref<100000xf32, #tpu.memory_space<vmem>>, vector<16xf32>,
      %mul3A_1397 = arith.constant 5.000000e-01 : f32
      %mul3A_1398 = vector.broadcast %mul3A_1397 : f32 to vector<16xf32>
      %mul3A_1399 = arith.mulf %get3A_1396, %mul3A_1398 : vector<16xf32>
      %exp3A_1400 = math.exp %mul3A_1399 : vector<16xf32>
      %add3A_1401 = arith.addf %add3A_1357, %exp3A_1400 : vector<16xf32>
      %ge3A_1402 = vector.broadcast %reduce_max3A_272 : f32 to vector<16xf32>
      %ge3A_1403 = arith.cmpf oge, %get3A_1396, %ge3A_1402 : vector<16xf32>
      %or3A_1404 = arith.ori %ge3A_1304, %ge3A_1315 : vector<16xi1>
      %or3A_1405 = arith.ori %or3A_1404, %ge3A_1326 : vector<16xi1>
      %or3A_1406 = arith.ori %or3A_1405, %ge3A_1337 : vector<16xi1>
      %or3A_1407 = arith.ori %or3A_1406, %ge3A_1348 : vector<16xi1>
      %or3A_1408 = arith.ori %or3A_1407, %ge3A_1359 : vector<16xi1>
      %or3A_1409 = arith.ori %or3A_1408, %ge3A_1370 : vector<16xi1>
      %or3A_1410 = arith.ori %or3A_1409, %ge3A_1381 : vector<16xi1>
      %or3A_1411 = arith.ori %or3A_1410, %ge3A_1392 : vector<16xi1>
      %or3A_1412 = arith.ori %or3A_1411, %ge3A_1403 : vector<16xi1>
      %jit3A_1413 = arith.constant 1 : i32
      %jit3A_1414 = arith.constant 0 : i32
      %broadcast_in_dim3A_1415 = vector.broadcast %jit3A_1413 : i32 to vector<16xi32>
      %broadcast_in_dim3A_1416 = vector.broadcast %jit3A_1414 : i32 to vector<16xi32>
      %select_n3A_1417 = arith.select %or3A_1412, %broadcast_in_dim3A_1415, %broadcast_in_dim3A_1416 : vector<16xi1>, vector<16xi32>
      %reduce_max3A_1418 = arith.constant true
      %reduce_max3A_1419 = vector.broadcast %reduce_max3A_1418 : i1 to vector<16xi1>
      %reduce_max3A_1420 = arith.constant -2147483648 : i32
      %reduce_max3A_1421 = vector.broadcast %reduce_max3A_1420 : i32 to vector<16xi32>
      %reduce_max3A_1422 = arith.xori %select_n3A_1417, %reduce_max3A_1421 : vector<16xi32>
      %reduce_max3A_1423 = tpu.scan <max>, %reduce_max3A_1422 masked %reduce_max3A_1419 : vector<16xi32>, vector<16xi1> -> vector<16xi32>
      %reduce_max3A_1424 = arith.xori %reduce_max3A_1423, %reduce_max3A_1421 : vector<16xi32>
      %reduce_max3A_1425 = vector.extract %reduce_max3A_1424[15] : i32 from vector<16xi32>
      %gt3A_1426 = arith.constant 0 : i32
      %gt3A_1427 = arith.cmpi sgt, %reduce_max3A_1425, %gt3A_1426 : i32
      %convert_element_type3A_1428 = arith.extui %gt3A_1427 : i1 to i32
      %cond3A_1429 = arith.constant 0 : i32
      %cond3A_1430 = arith.cmpi ne, %convert_element_type3A_1428, %cond3A_1429 : i32
      scf.if %cond3A_1430 {
        %get3A_1431 = arith.constant 0 : index
        %get3A_1432 = tpu.vector_load %arg11[%get3A_1431] {strides = array<i32>} : memref<16xi32, #tpu.memory_space<vmem>>, vector<16xi32>,
        %add3A_1433 = arith.constant 0 : i32
        %add3A_1434 = arith.addi %add3A_1293, %add3A_1433 : i32
        %min3A_1435 = arith.minsi %get3A_1432, %add3A_275 : vector<16xi32>
        tpu.vector_store_idx %arg7[%min3A_1435], %get3A_1297 masked %ge3A_1304 : memref<4096xf32, #tpu.memory_space<vmem>>[vector<16xi32>], vector<16xf32>, vector<16xi1>
        %add3A_1436 = vector.broadcast %add3A_1434 : i32 to vector<16xi32>
        %add3A_1437 = arith.addi %add3A_1436, %iota3A : vector<16xi32>
        tpu.vector_store_idx %arg8[%min3A_1435], %add3A_1437 masked %ge3A_1304 : memref<4096xi32, #tpu.memory_space<vmem>>[vector<16xi32>], vector<16xi32>, vector<16xi1>
        %jit3A_1438 = arith.constant 16 : i32
        %jit3A_1439 = arith.constant 0 : i32
        %broadcast_in_dim3A_1440 = vector.broadcast %jit3A_1438 : i32 to vector<16xi32>
        %broadcast_in_dim3A_1441 = vector.broadcast %jit3A_1439 : i32 to vector<16xi32>
        %select_n3A_1442 = arith.select %ge3A_1304, %broadcast_in_dim3A_1440, %broadcast_in_dim3A_1441 : vector<16xi1>, vector<16xi32>
        %add3A_1443 = arith.addi %get3A_1432, %select_n3A_1442 : vector<16xi32>
        %add3A_1444 = arith.constant 16 : i32
        %add3A_1445 = arith.addi %add3A_1293, %add3A_1444 : i32
        %min3A_1446 = arith.minsi %add3A_1443, %add3A_275 : vector<16xi32>
        tpu.vector_store_idx %arg7[%min3A_1446], %get3A_1308 masked %ge3A_1315 : memref<4096xf32, #tpu.memory_space<vmem>>[vector<16xi32>], vector<16xf32>, vector<16xi1>
        %add3A_1447 = vector.broadcast %add3A_1445 : i32 to vector<16xi32>
        %add3A_1448 = arith.addi %add3A_1447, %iota3A : vector<16xi32>
        tpu.vector_store_idx %arg8[%min3A_1446], %add3A_1448 masked %ge3A_1315 : memref<4096xi32, #tpu.memory_space<vmem>>[vector<16xi32>], vector<16xi32>, vector<16xi1>
        %jit3A_1449 = arith.constant 16 : i32
        %jit3A_1450 = arith.constant 0 : i32
        %broadcast_in_dim3A_1451 = vector.broadcast %jit3A_1449 : i32 to vector<16xi32>
        %broadcast_in_dim3A_1452 = vector.broadcast %jit3A_1450 : i32 to vector<16xi32>
        %select_n3A_1453 = arith.select %ge3A_1315, %broadcast_in_dim3A_1451, %broadcast_in_dim3A_1452 : vector<16xi1>, vector<16xi32>
        %add3A_1454 = arith.addi %add3A_1443, %select_n3A_1453 : vector<16xi32>
        %add3A_1455 = arith.constant 32 : i32
        %add3A_1456 = arith.addi %add3A_1293, %add3A_1455 : i32
        %min3A_1457 = arith.minsi %add3A_1454, %add3A_275 : vector<16xi32>
        tpu.vector_store_idx %arg7[%min3A_1457], %get3A_1319 masked %ge3A_1326 : memref<4096xf32, #tpu.memory_space<vmem>>[vector<16xi32>], vector<16xf32>, vector<16xi1>
        %add3A_1458 = vector.broadcast %add3A_1456 : i32 to vector<16xi32>
        %add3A_1459 = arith.addi %add3A_1458, %iota3A : vector<16xi32>
        tpu.vector_store_idx %arg8[%min3A_1457], %add3A_1459 masked %ge3A_1326 : memref<4096xi32, #tpu.memory_space<vmem>>[vector<16xi32>], vector<16xi32>, vector<16xi1>
        %jit3A_1460 = arith.constant 16 : i32
        %jit3A_1461 = arith.constant 0 : i32
        %broadcast_in_dim3A_1462 = vector.broadcast %jit3A_1460 : i32 to vector<16xi32>
        %broadcast_in_dim3A_1463 = vector.broadcast %jit3A_1461 : i32 to vector<16xi32>
        %select_n3A_1464 = arith.select %ge3A_1326, %broadcast_in_dim3A_1462, %broadcast_in_dim3A_1463 : vector<16xi1>, vector<16xi32>
        %add3A_1465 = arith.addi %add3A_1454, %select_n3A_1464 : vector<16xi32>
        %add3A_1466 = arith.constant 48 : i32
        %add3A_1467 = arith.addi %add3A_1293, %add3A_1466 : i32
        %min3A_1468 = arith.minsi %add3A_1465, %add3A_275 : vector<16xi32>
        tpu.vector_store_idx %arg7[%min3A_1468], %get3A_1330 masked %ge3A_1337 : memref<4096xf32, #tpu.memory_space<vmem>>[vector<16xi32>], vector<16xf32>, vector<16xi1>
        %add3A_1469 = vector.broadcast %add3A_1467 : i32 to vector<16xi32>
        %add3A_1470 = arith.addi %add3A_1469, %iota3A : vector<16xi32>
        tpu.vector_store_idx %arg8[%min3A_1468], %add3A_1470 masked %ge3A_1337 : memref<4096xi32, #tpu.memory_space<vmem>>[vector<16xi32>], vector<16xi32>, vector<16xi1>
        %jit3A_1471 = arith.constant 16 : i32
        %jit3A_1472 = arith.constant 0 : i32
        %broadcast_in_dim3A_1473 = vector.broadcast %jit3A_1471 : i32 to vector<16xi32>
        %broadcast_in_dim3A_1474 = vector.broadcast %jit3A_1472 : i32 to vector<16xi32>
        %select_n3A_1475 = arith.select %ge3A_1337, %broadcast_in_dim3A_1473, %broadcast_in_dim3A_1474 : vector<16xi1>, vector<16xi32>
        %add3A_1476 = arith.addi %add3A_1465, %select_n3A_1475 : vector<16xi32>
        %add3A_1477 = arith.constant 64 : i32
        %add3A_1478 = arith.addi %add3A_1293, %add3A_1477 : i32
        %min3A_1479 = arith.minsi %add3A_1476, %add3A_275 : vector<16xi32>
        tpu.vector_store_idx %arg7[%min3A_1479], %get3A_1341 masked %ge3A_1348 : memref<4096xf32, #tpu.memory_space<vmem>>[vector<16xi32>], vector<16xf32>, vector<16xi1>
        %add3A_1480 = vector.broadcast %add3A_1478 : i32 to vector<16xi32>
        %add3A_1481 = arith.addi %add3A_1480, %iota3A : vector<16xi32>
        tpu.vector_store_idx %arg8[%min3A_1479], %add3A_1481 masked %ge3A_1348 : memref<4096xi32, #tpu.memory_space<vmem>>[vector<16xi32>], vector<16xi32>, vector<16xi1>
        %jit3A_1482 = arith.constant 16 : i32
        %jit3A_1483 = arith.constant 0 : i32
        %broadcast_in_dim3A_1484 = vector.broadcast %jit3A_1482 : i32 to vector<16xi32>
        %broadcast_in_dim3A_1485 = vector.broadcast %jit3A_1483 : i32 to vector<16xi32>
        %select_n3A_1486 = arith.select %ge3A_1348, %broadcast_in_dim3A_1484, %broadcast_in_dim3A_1485 : vector<16xi1>, vector<16xi32>
        %add3A_1487 = arith.addi %add3A_1476, %select_n3A_1486 : vector<16xi32>
        %add3A_1488 = arith.constant 80 : i32
        %add3A_1489 = arith.addi %add3A_1293, %add3A_1488 : i32
        %min3A_1490 = arith.minsi %add3A_1487, %add3A_275 : vector<16xi32>
        tpu.vector_store_idx %arg7[%min3A_1490], %get3A_1352 masked %ge3A_1359 : memref<4096xf32, #tpu.memory_space<vmem>>[vector<16xi32>], vector<16xf32>, vector<16xi1>
        %add3A_1491 = vector.broadcast %add3A_1489 : i32 to vector<16xi32>
        %add3A_1492 = arith.addi %add3A_1491, %iota3A : vector<16xi32>
        tpu.vector_store_idx %arg8[%min3A_1490], %add3A_1492 masked %ge3A_1359 : memref<4096xi32, #tpu.memory_space<vmem>>[vector<16xi32>], vector<16xi32>, vector<16xi1>
        %jit3A_1493 = arith.constant 16 : i32
        %jit3A_1494 = arith.constant 0 : i32
        %broadcast_in_dim3A_1495 = vector.broadcast %jit3A_1493 : i32 to vector<16xi32>
        %broadcast_in_dim3A_1496 = vector.broadcast %jit3A_1494 : i32 to vector<16xi32>
        %select_n3A_1497 = arith.select %ge3A_1359, %broadcast_in_dim3A_1495, %broadcast_in_dim3A_1496 : vector<16xi1>, vector<16xi32>
        %add3A_1498 = arith.addi %add3A_1487, %select_n3A_1497 : vector<16xi32>
        %add3A_1499 = arith.constant 96 : i32
        %add3A_1500 = arith.addi %add3A_1293, %add3A_1499 : i32
        %min3A_1501 = arith.minsi %add3A_1498, %add3A_275 : vector<16xi32>
        tpu.vector_store_idx %arg7[%min3A_1501], %get3A_1363 masked %ge3A_1370 : memref<4096xf32, #tpu.memory_space<vmem>>[vector<16xi32>], vector<16xf32>, vector<16xi1>
        %add3A_1502 = vector.broadcast %add3A_1500 : i32 to vector<16xi32>
        %add3A_1503 = arith.addi %add3A_1502, %iota3A : vector<16xi32>
        tpu.vector_store_idx %arg8[%min3A_1501], %add3A_1503 masked %ge3A_1370 : memref<4096xi32, #tpu.memory_space<vmem>>[vector<16xi32>], vector<16xi32>, vector<16xi1>
        %jit3A_1504 = arith.constant 16 : i32
        %jit3A_1505 = arith.constant 0 : i32
        %broadcast_in_dim3A_1506 = vector.broadcast %jit3A_1504 : i32 to vector<16xi32>
        %broadcast_in_dim3A_1507 = vector.broadcast %jit3A_1505 : i32 to vector<16xi32>
        %select_n3A_1508 = arith.select %ge3A_1370, %broadcast_in_dim3A_1506, %broadcast_in_dim3A_1507 : vector<16xi1>, vector<16xi32>
        %add3A_1509 = arith.addi %add3A_1498, %select_n3A_1508 : vector<16xi32>
        %add3A_1510 = arith.constant 112 : i32
        %add3A_1511 = arith.addi %add3A_1293, %add3A_1510 : i32
        %min3A_1512 = arith.minsi %add3A_1509, %add3A_275 : vector<16xi32>
        tpu.vector_store_idx %arg7[%min3A_1512], %get3A_1374 masked %ge3A_1381 : memref<4096xf32, #tpu.memory_space<vmem>>[vector<16xi32>], vector<16xf32>, vector<16xi1>
        %add3A_1513 = vector.broadcast %add3A_1511 : i32 to vector<16xi32>
        %add3A_1514 = arith.addi %add3A_1513, %iota3A : vector<16xi32>
        tpu.vector_store_idx %arg8[%min3A_1512], %add3A_1514 masked %ge3A_1381 : memref<4096xi32, #tpu.memory_space<vmem>>[vector<16xi32>], vector<16xi32>, vector<16xi1>
        %jit3A_1515 = arith.constant 16 : i32
        %jit3A_1516 = arith.constant 0 : i32
        %broadcast_in_dim3A_1517 = vector.broadcast %jit3A_1515 : i32 to vector<16xi32>
        %broadcast_in_dim3A_1518 = vector.broadcast %jit3A_1516 : i32 to vector<16xi32>
        %select_n3A_1519 = arith.select %ge3A_1381, %broadcast_in_dim3A_1517, %broadcast_in_dim3A_1518 : vector<16xi1>, vector<16xi32>
        %add3A_1520 = arith.addi %add3A_1509, %select_n3A_1519 : vector<16xi32>
        %add3A_1521 = arith.constant 128 : i32
        %add3A_1522 = arith.addi %add3A_1293, %add3A_1521 : i32
        %min3A_1523 = arith.minsi %add3A_1520, %add3A_275 : vector<16xi32>
        tpu.vector_store_idx %arg7[%min3A_1523], %get3A_1385 masked %ge3A_1392 : memref<4096xf32, #tpu.memory_space<vmem>>[vector<16xi32>], vector<16xf32>, vector<16xi1>
        %add3A_1524 = vector.broadcast %add3A_1522 : i32 to vector<16xi32>
        %add3A_1525 = arith.addi %add3A_1524, %iota3A : vector<16xi32>
        tpu.vector_store_idx %arg8[%min3A_1523], %add3A_1525 masked %ge3A_1392 : memref<4096xi32, #tpu.memory_space<vmem>>[vector<16xi32>], vector<16xi32>, vector<16xi1>
        %jit3A_1526 = arith.constant 16 : i32
        %jit3A_1527 = arith.constant 0 : i32
        %broadcast_in_dim3A_1528 = vector.broadcast %jit3A_1526 : i32 to vector<16xi32>
        %broadcast_in_dim3A_1529 = vector.broadcast %jit3A_1527 : i32 to vector<16xi32>
        %select_n3A_1530 = arith.select %ge3A_1392, %broadcast_in_dim3A_1528, %broadcast_in_dim3A_1529 : vector<16xi1>, vector<16xi32>
        %add3A_1531 = arith.addi %add3A_1520, %select_n3A_1530 : vector<16xi32>
        %add3A_1532 = arith.constant 144 : i32
        %add3A_1533 = arith.addi %add3A_1293, %add3A_1532 : i32
        %min3A_1534 = arith.minsi %add3A_1531, %add3A_275 : vector<16xi32>
        tpu.vector_store_idx %arg7[%min3A_1534], %get3A_1396 masked %ge3A_1403 : memref<4096xf32, #tpu.memory_space<vmem>>[vector<16xi32>], vector<16xf32>, vector<16xi1>
        %add3A_1535 = vector.broadcast %add3A_1533 : i32 to vector<16xi32>
        %add3A_1536 = arith.addi %add3A_1535, %iota3A : vector<16xi32>
        tpu.vector_store_idx %arg8[%min3A_1534], %add3A_1536 masked %ge3A_1403 : memref<4096xi32, #tpu.memory_space<vmem>>[vector<16xi32>], vector<16xi32>, vector<16xi1>
        %jit3A_1537 = arith.constant 16 : i32
        %jit3A_1538 = arith.constant 0 : i32
        %broadcast_in_dim3A_1539 = vector.broadcast %jit3A_1537 : i32 to vector<16xi32>
        %broadcast_in_dim3A_1540 = vector.broadcast %jit3A_1538 : i32 to vector<16xi32>
        %select_n3A_1541 = arith.select %ge3A_1403, %broadcast_in_dim3A_1539, %broadcast_in_dim3A_1540 : vector<16xi1>, vector<16xi32>
        %add3A_1542 = arith.addi %add3A_1531, %select_n3A_1541 : vector<16xi32>
        %swap3A_1543 = arith.constant 0 : index
        %swap3A_1544 = tpu.vector_load %arg11[%swap3A_1543] {strides = array<i32>} : memref<16xi32, #tpu.memory_space<vmem>>, vector<16xi32>,
        tpu.vector_store %arg11[%swap3A_1543], %add3A_1542 {strides = array<i32>} : memref<16xi32, #tpu.memory_space<vmem>>, vector<16xi32>,
      } else {
      }
      scf.yield %add3A_1390, %add3A_1401, %add3A_1368, %add3A_1379 : vector<16xf32>, vector<16xf32>, vector<16xf32>, vector<16xf32>
    }
    %scan3A_328 = arith.constant 200 : i32
    %dma_wait3A_329 = arith.constant 3 : i32
    %dma_wait3A_330 = arith.constant 67840 : i32
    %dma_wait3A_331 = tpu.memref_slice %arg5[%dma_wait3A_330] : memref<100000xf32, #tpu.memory_space<vmem>> -> memref<32000xf32, #tpu.memory_space<vmem>>
    %dma_wait3A_332 = arith.constant 0 : i32
    %dma_wait3A_333 = tpu.memref_slice %arg2[%add3A, %dma_wait3A_332] : memref<32x100000xf32, #tpu.memory_space<hbm>> -> memref<1x100000xf32, #tpu.memory_space<hbm>>
    %dma_wait3A_334 = tpu.memref_squeeze %dma_wait3A_333 : memref<1x100000xf32, #tpu.memory_space<hbm>> -> memref<100000xf32, #tpu.memory_space<hbm>>
    %dma_wait3A_335 = arith.constant 67840 : i32
    %dma_wait3A_336 = tpu.memref_slice %dma_wait3A_334[%dma_wait3A_335] : memref<100000xf32, #tpu.memory_space<hbm>> -> memref<32000xf32, #tpu.memory_space<hbm>>
    %dma_wait3A_337 = tpu.memref_slice %arg12[%dma_wait3A_329] : memref<6x!tpu.dma_semaphore, #tpu.memory_space<semaphore_mem>> -> memref<1x!tpu.dma_semaphore, #tpu.memory_space<semaphore_mem>>
    %dma_wait3A_338 = tpu.memref_squeeze %dma_wait3A_337 : memref<1x!tpu.dma_semaphore, #tpu.memory_space<semaphore_mem>> -> memref<!tpu.dma_semaphore, #tpu.memory_space<semaphore_mem>>
    %dma_wait3A_339 = arith.constant 67840 : i32
    %dma_wait3A_340 = tpu.memref_slice %arg5[%dma_wait3A_339] : memref<100000xf32, #tpu.memory_space<vmem>> -> memref<32000xf32, #tpu.memory_space<vmem>>
    %dma_wait3A_341 = arith.constant 0 : i32
    %dma_wait3A_342 = tpu.memref_slice %arg2[%add3A, %dma_wait3A_341] : memref<32x100000xf32, #tpu.memory_space<hbm>> -> memref<1x100000xf32, #tpu.memory_space<hbm>>
    %dma_wait3A_343 = tpu.memref_squeeze %dma_wait3A_342 : memref<1x100000xf32, #tpu.memory_space<hbm>> -> memref<100000xf32, #tpu.memory_space<hbm>>
    %dma_wait3A_344 = arith.constant 67840 : i32
    %dma_wait3A_345 = tpu.memref_slice %dma_wait3A_343[%dma_wait3A_344] : memref<100000xf32, #tpu.memory_space<hbm>> -> memref<32000xf32, #tpu.memory_space<hbm>>
    tpu.wait_dma2 semaphore(%dma_wait3A_338 : memref<!tpu.dma_semaphore, #tpu.memory_space<semaphore_mem>>) src(%dma_wait3A_345 : memref<32000xf32, #tpu.memory_space<hbm>>) dst(%dma_wait3A_340 : memref<32000xf32, #tpu.memory_space<vmem>>)
    %scan3A_346 = arith.constant 0 : i32
    %scan3A_347 = arith.constant 200 : i32
    %scan3A_348 = arith.addi %scan3A_346, %scan3A_347 : i32
    %scan3A_349 = arith.constant 1 : i32
    %scan3A_350:4 = scf.for %scan3A_1285 = %scan3A_346 to %scan3A_348 step %scan3A_349 iter_args(%scan3A_1286 = %scan3A_327#0, %scan3A_1287 = %scan3A_327#1, %scan3A_1288 = %scan3A_327#2, %scan3A_1289 = %scan3A_327#3) -> (vector<16xf32>, vector<16xf32>, vector<16xf32>, vector<16xf32>)  : i32 {
      %mul3A_1290 = arith.constant 160 : i32
      %mul3A_1291 = arith.muli %scan3A_1285, %mul3A_1290 : i32
      %add3A_1292 = arith.constant 67840 : i32
      %add3A_1293 = arith.addi %add3A_1292, %mul3A_1291 : i32
      %add3A_1294 = arith.constant 0 : i32
      %add3A_1295 = arith.addi %add3A_1293, %add3A_1294 : i32
      %get3A_1296 = arith.index_cast %add3A_1295 : i32 to index
      %get3A_1297 = tpu.vector_load %arg5[%get3A_1296] {strides = array<i32>} : memref<100000xf32, #tpu.memory_space<vmem>>, vector<16xf32>,
      %mul3A_1298 = arith.constant 5.000000e-01 : f32
      %mul3A_1299 = vector.broadcast %mul3A_1298 : f32 to vector<16xf32>
      %mul3A_1300 = arith.mulf %get3A_1297, %mul3A_1299 : vector<16xf32>
      %exp3A_1301 = math.exp %mul3A_1300 : vector<16xf32>
      %add3A_1302 = arith.addf %scan3A_1286, %exp3A_1301 : vector<16xf32>
      %ge3A_1303 = vector.broadcast %reduce_max3A_272 : f32 to vector<16xf32>
      %ge3A_1304 = arith.cmpf oge, %get3A_1297, %ge3A_1303 : vector<16xf32>
      %add3A_1305 = arith.constant 16 : i32
      %add3A_1306 = arith.addi %add3A_1293, %add3A_1305 : i32
      %get3A_1307 = arith.index_cast %add3A_1306 : i32 to index
      %get3A_1308 = tpu.vector_load %arg5[%get3A_1307] {strides = array<i32>} : memref<100000xf32, #tpu.memory_space<vmem>>, vector<16xf32>,
      %mul3A_1309 = arith.constant 5.000000e-01 : f32
      %mul3A_1310 = vector.broadcast %mul3A_1309 : f32 to vector<16xf32>
      %mul3A_1311 = arith.mulf %get3A_1308, %mul3A_1310 : vector<16xf32>
      %exp3A_1312 = math.exp %mul3A_1311 : vector<16xf32>
      %add3A_1313 = arith.addf %scan3A_1287, %exp3A_1312 : vector<16xf32>
      %ge3A_1314 = vector.broadcast %reduce_max3A_272 : f32 to vector<16xf32>
      %ge3A_1315 = arith.cmpf oge, %get3A_1308, %ge3A_1314 : vector<16xf32>
      %add3A_1316 = arith.constant 32 : i32
      %add3A_1317 = arith.addi %add3A_1293, %add3A_1316 : i32
      %get3A_1318 = arith.index_cast %add3A_1317 : i32 to index
      %get3A_1319 = tpu.vector_load %arg5[%get3A_1318] {strides = array<i32>} : memref<100000xf32, #tpu.memory_space<vmem>>, vector<16xf32>,
      %mul3A_1320 = arith.constant 5.000000e-01 : f32
      %mul3A_1321 = vector.broadcast %mul3A_1320 : f32 to vector<16xf32>
      %mul3A_1322 = arith.mulf %get3A_1319, %mul3A_1321 : vector<16xf32>
      %exp3A_1323 = math.exp %mul3A_1322 : vector<16xf32>
      %add3A_1324 = arith.addf %scan3A_1288, %exp3A_1323 : vector<16xf32>
      %ge3A_1325 = vector.broadcast %reduce_max3A_272 : f32 to vector<16xf32>
      %ge3A_1326 = arith.cmpf oge, %get3A_1319, %ge3A_1325 : vector<16xf32>
      %add3A_1327 = arith.constant 48 : i32
      %add3A_1328 = arith.addi %add3A_1293, %add3A_1327 : i32
      %get3A_1329 = arith.index_cast %add3A_1328 : i32 to index
      %get3A_1330 = tpu.vector_load %arg5[%get3A_1329] {strides = array<i32>} : memref<100000xf32, #tpu.memory_space<vmem>>, vector<16xf32>,
      %mul3A_1331 = arith.constant 5.000000e-01 : f32
      %mul3A_1332 = vector.broadcast %mul3A_1331 : f32 to vector<16xf32>
      %mul3A_1333 = arith.mulf %get3A_1330, %mul3A_1332 : vector<16xf32>
      %exp3A_1334 = math.exp %mul3A_1333 : vector<16xf32>
      %add3A_1335 = arith.addf %scan3A_1289, %exp3A_1334 : vector<16xf32>
      %ge3A_1336 = vector.broadcast %reduce_max3A_272 : f32 to vector<16xf32>
      %ge3A_1337 = arith.cmpf oge, %get3A_1330, %ge3A_1336 : vector<16xf32>
      %add3A_1338 = arith.constant 64 : i32
      %add3A_1339 = arith.addi %add3A_1293, %add3A_1338 : i32
      %get3A_1340 = arith.index_cast %add3A_1339 : i32 to index
      %get3A_1341 = tpu.vector_load %arg5[%get3A_1340] {strides = array<i32>} : memref<100000xf32, #tpu.memory_space<vmem>>, vector<16xf32>,
      %mul3A_1342 = arith.constant 5.000000e-01 : f32
      %mul3A_1343 = vector.broadcast %mul3A_1342 : f32 to vector<16xf32>
      %mul3A_1344 = arith.mulf %get3A_1341, %mul3A_1343 : vector<16xf32>
      %exp3A_1345 = math.exp %mul3A_1344 : vector<16xf32>
      %add3A_1346 = arith.addf %add3A_1302, %exp3A_1345 : vector<16xf32>
      %ge3A_1347 = vector.broadcast %reduce_max3A_272 : f32 to vector<16xf32>
      %ge3A_1348 = arith.cmpf oge, %get3A_1341, %ge3A_1347 : vector<16xf32>
      %add3A_1349 = arith.constant 80 : i32
      %add3A_1350 = arith.addi %add3A_1293, %add3A_1349 : i32
      %get3A_1351 = arith.index_cast %add3A_1350 : i32 to index
      %get3A_1352 = tpu.vector_load %arg5[%get3A_1351] {strides = array<i32>} : memref<100000xf32, #tpu.memory_space<vmem>>, vector<16xf32>,
      %mul3A_1353 = arith.constant 5.000000e-01 : f32
      %mul3A_1354 = vector.broadcast %mul3A_1353 : f32 to vector<16xf32>
      %mul3A_1355 = arith.mulf %get3A_1352, %mul3A_1354 : vector<16xf32>
      %exp3A_1356 = math.exp %mul3A_1355 : vector<16xf32>
      %add3A_1357 = arith.addf %add3A_1313, %exp3A_1356 : vector<16xf32>
      %ge3A_1358 = vector.broadcast %reduce_max3A_272 : f32 to vector<16xf32>
      %ge3A_1359 = arith.cmpf oge, %get3A_1352, %ge3A_1358 : vector<16xf32>
      %add3A_1360 = arith.constant 96 : i32
      %add3A_1361 = arith.addi %add3A_1293, %add3A_1360 : i32
      %get3A_1362 = arith.index_cast %add3A_1361 : i32 to index
      %get3A_1363 = tpu.vector_load %arg5[%get3A_1362] {strides = array<i32>} : memref<100000xf32, #tpu.memory_space<vmem>>, vector<16xf32>,
      %mul3A_1364 = arith.constant 5.000000e-01 : f32
      %mul3A_1365 = vector.broadcast %mul3A_1364 : f32 to vector<16xf32>
      %mul3A_1366 = arith.mulf %get3A_1363, %mul3A_1365 : vector<16xf32>
      %exp3A_1367 = math.exp %mul3A_1366 : vector<16xf32>
      %add3A_1368 = arith.addf %add3A_1324, %exp3A_1367 : vector<16xf32>
      %ge3A_1369 = vector.broadcast %reduce_max3A_272 : f32 to vector<16xf32>
      %ge3A_1370 = arith.cmpf oge, %get3A_1363, %ge3A_1369 : vector<16xf32>
      %add3A_1371 = arith.constant 112 : i32
      %add3A_1372 = arith.addi %add3A_1293, %add3A_1371 : i32
      %get3A_1373 = arith.index_cast %add3A_1372 : i32 to index
      %get3A_1374 = tpu.vector_load %arg5[%get3A_1373] {strides = array<i32>} : memref<100000xf32, #tpu.memory_space<vmem>>, vector<16xf32>,
      %mul3A_1375 = arith.constant 5.000000e-01 : f32
      %mul3A_1376 = vector.broadcast %mul3A_1375 : f32 to vector<16xf32>
      %mul3A_1377 = arith.mulf %get3A_1374, %mul3A_1376 : vector<16xf32>
      %exp3A_1378 = math.exp %mul3A_1377 : vector<16xf32>
      %add3A_1379 = arith.addf %add3A_1335, %exp3A_1378 : vector<16xf32>
      %ge3A_1380 = vector.broadcast %reduce_max3A_272 : f32 to vector<16xf32>
      %ge3A_1381 = arith.cmpf oge, %get3A_1374, %ge3A_1380 : vector<16xf32>
      %add3A_1382 = arith.constant 128 : i32
      %add3A_1383 = arith.addi %add3A_1293, %add3A_1382 : i32
      %get3A_1384 = arith.index_cast %add3A_1383 : i32 to index
      %get3A_1385 = tpu.vector_load %arg5[%get3A_1384] {strides = array<i32>} : memref<100000xf32, #tpu.memory_space<vmem>>, vector<16xf32>,
      %mul3A_1386 = arith.constant 5.000000e-01 : f32
      %mul3A_1387 = vector.broadcast %mul3A_1386 : f32 to vector<16xf32>
      %mul3A_1388 = arith.mulf %get3A_1385, %mul3A_1387 : vector<16xf32>
      %exp3A_1389 = math.exp %mul3A_1388 : vector<16xf32>
      %add3A_1390 = arith.addf %add3A_1346, %exp3A_1389 : vector<16xf32>
      %ge3A_1391 = vector.broadcast %reduce_max3A_272 : f32 to vector<16xf32>
      %ge3A_1392 = arith.cmpf oge, %get3A_1385, %ge3A_1391 : vector<16xf32>
      %add3A_1393 = arith.constant 144 : i32
      %add3A_1394 = arith.addi %add3A_1293, %add3A_1393 : i32
      %get3A_1395 = arith.index_cast %add3A_1394 : i32 to index
      %get3A_1396 = tpu.vector_load %arg5[%get3A_1395] {strides = array<i32>} : memref<100000xf32, #tpu.memory_space<vmem>>, vector<16xf32>,
      %mul3A_1397 = arith.constant 5.000000e-01 : f32
      %mul3A_1398 = vector.broadcast %mul3A_1397 : f32 to vector<16xf32>
      %mul3A_1399 = arith.mulf %get3A_1396, %mul3A_1398 : vector<16xf32>
      %exp3A_1400 = math.exp %mul3A_1399 : vector<16xf32>
      %add3A_1401 = arith.addf %add3A_1357, %exp3A_1400 : vector<16xf32>
      %ge3A_1402 = vector.broadcast %reduce_max3A_272 : f32 to vector<16xf32>
      %ge3A_1403 = arith.cmpf oge, %get3A_1396, %ge3A_1402 : vector<16xf32>
      %or3A_1404 = arith.ori %ge3A_1304, %ge3A_1315 : vector<16xi1>
      %or3A_1405 = arith.ori %or3A_1404, %ge3A_1326 : vector<16xi1>
      %or3A_1406 = arith.ori %or3A_1405, %ge3A_1337 : vector<16xi1>
      %or3A_1407 = arith.ori %or3A_1406, %ge3A_1348 : vector<16xi1>
      %or3A_1408 = arith.ori %or3A_1407, %ge3A_1359 : vector<16xi1>
      %or3A_1409 = arith.ori %or3A_1408, %ge3A_1370 : vector<16xi1>
      %or3A_1410 = arith.ori %or3A_1409, %ge3A_1381 : vector<16xi1>
      %or3A_1411 = arith.ori %or3A_1410, %ge3A_1392 : vector<16xi1>
      %or3A_1412 = arith.ori %or3A_1411, %ge3A_1403 : vector<16xi1>
      %jit3A_1413 = arith.constant 1 : i32
      %jit3A_1414 = arith.constant 0 : i32
      %broadcast_in_dim3A_1415 = vector.broadcast %jit3A_1413 : i32 to vector<16xi32>
      %broadcast_in_dim3A_1416 = vector.broadcast %jit3A_1414 : i32 to vector<16xi32>
      %select_n3A_1417 = arith.select %or3A_1412, %broadcast_in_dim3A_1415, %broadcast_in_dim3A_1416 : vector<16xi1>, vector<16xi32>
      %reduce_max3A_1418 = arith.constant true
      %reduce_max3A_1419 = vector.broadcast %reduce_max3A_1418 : i1 to vector<16xi1>
      %reduce_max3A_1420 = arith.constant -2147483648 : i32
      %reduce_max3A_1421 = vector.broadcast %reduce_max3A_1420 : i32 to vector<16xi32>
      %reduce_max3A_1422 = arith.xori %select_n3A_1417, %reduce_max3A_1421 : vector<16xi32>
      %reduce_max3A_1423 = tpu.scan <max>, %reduce_max3A_1422 masked %reduce_max3A_1419 : vector<16xi32>, vector<16xi1> -> vector<16xi32>
      %reduce_max3A_1424 = arith.xori %reduce_max3A_1423, %reduce_max3A_1421 : vector<16xi32>
      %reduce_max3A_1425 = vector.extract %reduce_max3A_1424[15] : i32 from vector<16xi32>
      %gt3A_1426 = arith.constant 0 : i32
      %gt3A_1427 = arith.cmpi sgt, %reduce_max3A_1425, %gt3A_1426 : i32
      %convert_element_type3A_1428 = arith.extui %gt3A_1427 : i1 to i32
      %cond3A_1429 = arith.constant 0 : i32
      %cond3A_1430 = arith.cmpi ne, %convert_element_type3A_1428, %cond3A_1429 : i32
      scf.if %cond3A_1430 {
        %get3A_1431 = arith.constant 0 : index
        %get3A_1432 = tpu.vector_load %arg11[%get3A_1431] {strides = array<i32>} : memref<16xi32, #tpu.memory_space<vmem>>, vector<16xi32>,
        %add3A_1433 = arith.constant 0 : i32
        %add3A_1434 = arith.addi %add3A_1293, %add3A_1433 : i32
        %min3A_1435 = arith.minsi %get3A_1432, %add3A_275 : vector<16xi32>
        tpu.vector_store_idx %arg7[%min3A_1435], %get3A_1297 masked %ge3A_1304 : memref<4096xf32, #tpu.memory_space<vmem>>[vector<16xi32>], vector<16xf32>, vector<16xi1>
        %add3A_1436 = vector.broadcast %add3A_1434 : i32 to vector<16xi32>
        %add3A_1437 = arith.addi %add3A_1436, %iota3A : vector<16xi32>
        tpu.vector_store_idx %arg8[%min3A_1435], %add3A_1437 masked %ge3A_1304 : memref<4096xi32, #tpu.memory_space<vmem>>[vector<16xi32>], vector<16xi32>, vector<16xi1>
        %jit3A_1438 = arith.constant 16 : i32
        %jit3A_1439 = arith.constant 0 : i32
        %broadcast_in_dim3A_1440 = vector.broadcast %jit3A_1438 : i32 to vector<16xi32>
        %broadcast_in_dim3A_1441 = vector.broadcast %jit3A_1439 : i32 to vector<16xi32>
        %select_n3A_1442 = arith.select %ge3A_1304, %broadcast_in_dim3A_1440, %broadcast_in_dim3A_1441 : vector<16xi1>, vector<16xi32>
        %add3A_1443 = arith.addi %get3A_1432, %select_n3A_1442 : vector<16xi32>
        %add3A_1444 = arith.constant 16 : i32
        %add3A_1445 = arith.addi %add3A_1293, %add3A_1444 : i32
        %min3A_1446 = arith.minsi %add3A_1443, %add3A_275 : vector<16xi32>
        tpu.vector_store_idx %arg7[%min3A_1446], %get3A_1308 masked %ge3A_1315 : memref<4096xf32, #tpu.memory_space<vmem>>[vector<16xi32>], vector<16xf32>, vector<16xi1>
        %add3A_1447 = vector.broadcast %add3A_1445 : i32 to vector<16xi32>
        %add3A_1448 = arith.addi %add3A_1447, %iota3A : vector<16xi32>
        tpu.vector_store_idx %arg8[%min3A_1446], %add3A_1448 masked %ge3A_1315 : memref<4096xi32, #tpu.memory_space<vmem>>[vector<16xi32>], vector<16xi32>, vector<16xi1>
        %jit3A_1449 = arith.constant 16 : i32
        %jit3A_1450 = arith.constant 0 : i32
        %broadcast_in_dim3A_1451 = vector.broadcast %jit3A_1449 : i32 to vector<16xi32>
        %broadcast_in_dim3A_1452 = vector.broadcast %jit3A_1450 : i32 to vector<16xi32>
        %select_n3A_1453 = arith.select %ge3A_1315, %broadcast_in_dim3A_1451, %broadcast_in_dim3A_1452 : vector<16xi1>, vector<16xi32>
        %add3A_1454 = arith.addi %add3A_1443, %select_n3A_1453 : vector<16xi32>
        %add3A_1455 = arith.constant 32 : i32
        %add3A_1456 = arith.addi %add3A_1293, %add3A_1455 : i32
        %min3A_1457 = arith.minsi %add3A_1454, %add3A_275 : vector<16xi32>
        tpu.vector_store_idx %arg7[%min3A_1457], %get3A_1319 masked %ge3A_1326 : memref<4096xf32, #tpu.memory_space<vmem>>[vector<16xi32>], vector<16xf32>, vector<16xi1>
        %add3A_1458 = vector.broadcast %add3A_1456 : i32 to vector<16xi32>
        %add3A_1459 = arith.addi %add3A_1458, %iota3A : vector<16xi32>
        tpu.vector_store_idx %arg8[%min3A_1457], %add3A_1459 masked %ge3A_1326 : memref<4096xi32, #tpu.memory_space<vmem>>[vector<16xi32>], vector<16xi32>, vector<16xi1>
        %jit3A_1460 = arith.constant 16 : i32
        %jit3A_1461 = arith.constant 0 : i32
        %broadcast_in_dim3A_1462 = vector.broadcast %jit3A_1460 : i32 to vector<16xi32>
        %broadcast_in_dim3A_1463 = vector.broadcast %jit3A_1461 : i32 to vector<16xi32>
        %select_n3A_1464 = arith.select %ge3A_1326, %broadcast_in_dim3A_1462, %broadcast_in_dim3A_1463 : vector<16xi1>, vector<16xi32>
        %add3A_1465 = arith.addi %add3A_1454, %select_n3A_1464 : vector<16xi32>
        %add3A_1466 = arith.constant 48 : i32
        %add3A_1467 = arith.addi %add3A_1293, %add3A_1466 : i32
        %min3A_1468 = arith.minsi %add3A_1465, %add3A_275 : vector<16xi32>
        tpu.vector_store_idx %arg7[%min3A_1468], %get3A_1330 masked %ge3A_1337 : memref<4096xf32, #tpu.memory_space<vmem>>[vector<16xi32>], vector<16xf32>, vector<16xi1>
        %add3A_1469 = vector.broadcast %add3A_1467 : i32 to vector<16xi32>
        %add3A_1470 = arith.addi %add3A_1469, %iota3A : vector<16xi32>
        tpu.vector_store_idx %arg8[%min3A_1468], %add3A_1470 masked %ge3A_1337 : memref<4096xi32, #tpu.memory_space<vmem>>[vector<16xi32>], vector<16xi32>, vector<16xi1>
        %jit3A_1471 = arith.constant 16 : i32
        %jit3A_1472 = arith.constant 0 : i32
        %broadcast_in_dim3A_1473 = vector.broadcast %jit3A_1471 : i32 to vector<16xi32>
        %broadcast_in_dim3A_1474 = vector.broadcast %jit3A_1472 : i32 to vector<16xi32>
        %select_n3A_1475 = arith.select %ge3A_1337, %broadcast_in_dim3A_1473, %broadcast_in_dim3A_1474 : vector<16xi1>, vector<16xi32>
        %add3A_1476 = arith.addi %add3A_1465, %select_n3A_1475 : vector<16xi32>
        %add3A_1477 = arith.constant 64 : i32
        %add3A_1478 = arith.addi %add3A_1293, %add3A_1477 : i32
        %min3A_1479 = arith.minsi %add3A_1476, %add3A_275 : vector<16xi32>
        tpu.vector_store_idx %arg7[%min3A_1479], %get3A_1341 masked %ge3A_1348 : memref<4096xf32, #tpu.memory_space<vmem>>[vector<16xi32>], vector<16xf32>, vector<16xi1>
        %add3A_1480 = vector.broadcast %add3A_1478 : i32 to vector<16xi32>
        %add3A_1481 = arith.addi %add3A_1480, %iota3A : vector<16xi32>
        tpu.vector_store_idx %arg8[%min3A_1479], %add3A_1481 masked %ge3A_1348 : memref<4096xi32, #tpu.memory_space<vmem>>[vector<16xi32>], vector<16xi32>, vector<16xi1>
        %jit3A_1482 = arith.constant 16 : i32
        %jit3A_1483 = arith.constant 0 : i32
        %broadcast_in_dim3A_1484 = vector.broadcast %jit3A_1482 : i32 to vector<16xi32>
        %broadcast_in_dim3A_1485 = vector.broadcast %jit3A_1483 : i32 to vector<16xi32>
        %select_n3A_1486 = arith.select %ge3A_1348, %broadcast_in_dim3A_1484, %broadcast_in_dim3A_1485 : vector<16xi1>, vector<16xi32>
        %add3A_1487 = arith.addi %add3A_1476, %select_n3A_1486 : vector<16xi32>
        %add3A_1488 = arith.constant 80 : i32
        %add3A_1489 = arith.addi %add3A_1293, %add3A_1488 : i32
        %min3A_1490 = arith.minsi %add3A_1487, %add3A_275 : vector<16xi32>
        tpu.vector_store_idx %arg7[%min3A_1490], %get3A_1352 masked %ge3A_1359 : memref<4096xf32, #tpu.memory_space<vmem>>[vector<16xi32>], vector<16xf32>, vector<16xi1>
        %add3A_1491 = vector.broadcast %add3A_1489 : i32 to vector<16xi32>
        %add3A_1492 = arith.addi %add3A_1491, %iota3A : vector<16xi32>
        tpu.vector_store_idx %arg8[%min3A_1490], %add3A_1492 masked %ge3A_1359 : memref<4096xi32, #tpu.memory_space<vmem>>[vector<16xi32>], vector<16xi32>, vector<16xi1>
        %jit3A_1493 = arith.constant 16 : i32
        %jit3A_1494 = arith.constant 0 : i32
        %broadcast_in_dim3A_1495 = vector.broadcast %jit3A_1493 : i32 to vector<16xi32>
        %broadcast_in_dim3A_1496 = vector.broadcast %jit3A_1494 : i32 to vector<16xi32>
        %select_n3A_1497 = arith.select %ge3A_1359, %broadcast_in_dim3A_1495, %broadcast_in_dim3A_1496 : vector<16xi1>, vector<16xi32>
        %add3A_1498 = arith.addi %add3A_1487, %select_n3A_1497 : vector<16xi32>
        %add3A_1499 = arith.constant 96 : i32
        %add3A_1500 = arith.addi %add3A_1293, %add3A_1499 : i32
        %min3A_1501 = arith.minsi %add3A_1498, %add3A_275 : vector<16xi32>
        tpu.vector_store_idx %arg7[%min3A_1501], %get3A_1363 masked %ge3A_1370 : memref<4096xf32, #tpu.memory_space<vmem>>[vector<16xi32>], vector<16xf32>, vector<16xi1>
        %add3A_1502 = vector.broadcast %add3A_1500 : i32 to vector<16xi32>
        %add3A_1503 = arith.addi %add3A_1502, %iota3A : vector<16xi32>
        tpu.vector_store_idx %arg8[%min3A_1501], %add3A_1503 masked %ge3A_1370 : memref<4096xi32, #tpu.memory_space<vmem>>[vector<16xi32>], vector<16xi32>, vector<16xi1>
        %jit3A_1504 = arith.constant 16 : i32
        %jit3A_1505 = arith.constant 0 : i32
        %broadcast_in_dim3A_1506 = vector.broadcast %jit3A_1504 : i32 to vector<16xi32>
        %broadcast_in_dim3A_1507 = vector.broadcast %jit3A_1505 : i32 to vector<16xi32>
        %select_n3A_1508 = arith.select %ge3A_1370, %broadcast_in_dim3A_1506, %broadcast_in_dim3A_1507 : vector<16xi1>, vector<16xi32>
        %add3A_1509 = arith.addi %add3A_1498, %select_n3A_1508 : vector<16xi32>
        %add3A_1510 = arith.constant 112 : i32
        %add3A_1511 = arith.addi %add3A_1293, %add3A_1510 : i32
        %min3A_1512 = arith.minsi %add3A_1509, %add3A_275 : vector<16xi32>
        tpu.vector_store_idx %arg7[%min3A_1512], %get3A_1374 masked %ge3A_1381 : memref<4096xf32, #tpu.memory_space<vmem>>[vector<16xi32>], vector<16xf32>, vector<16xi1>
        %add3A_1513 = vector.broadcast %add3A_1511 : i32 to vector<16xi32>
        %add3A_1514 = arith.addi %add3A_1513, %iota3A : vector<16xi32>
        tpu.vector_store_idx %arg8[%min3A_1512], %add3A_1514 masked %ge3A_1381 : memref<4096xi32, #tpu.memory_space<vmem>>[vector<16xi32>], vector<16xi32>, vector<16xi1>
        %jit3A_1515 = arith.constant 16 : i32
        %jit3A_1516 = arith.constant 0 : i32
        %broadcast_in_dim3A_1517 = vector.broadcast %jit3A_1515 : i32 to vector<16xi32>
        %broadcast_in_dim3A_1518 = vector.broadcast %jit3A_1516 : i32 to vector<16xi32>
        %select_n3A_1519 = arith.select %ge3A_1381, %broadcast_in_dim3A_1517, %broadcast_in_dim3A_1518 : vector<16xi1>, vector<16xi32>
        %add3A_1520 = arith.addi %add3A_1509, %select_n3A_1519 : vector<16xi32>
        %add3A_1521 = arith.constant 128 : i32
        %add3A_1522 = arith.addi %add3A_1293, %add3A_1521 : i32
        %min3A_1523 = arith.minsi %add3A_1520, %add3A_275 : vector<16xi32>
        tpu.vector_store_idx %arg7[%min3A_1523], %get3A_1385 masked %ge3A_1392 : memref<4096xf32, #tpu.memory_space<vmem>>[vector<16xi32>], vector<16xf32>, vector<16xi1>
        %add3A_1524 = vector.broadcast %add3A_1522 : i32 to vector<16xi32>
        %add3A_1525 = arith.addi %add3A_1524, %iota3A : vector<16xi32>
        tpu.vector_store_idx %arg8[%min3A_1523], %add3A_1525 masked %ge3A_1392 : memref<4096xi32, #tpu.memory_space<vmem>>[vector<16xi32>], vector<16xi32>, vector<16xi1>
        %jit3A_1526 = arith.constant 16 : i32
        %jit3A_1527 = arith.constant 0 : i32
        %broadcast_in_dim3A_1528 = vector.broadcast %jit3A_1526 : i32 to vector<16xi32>
        %broadcast_in_dim3A_1529 = vector.broadcast %jit3A_1527 : i32 to vector<16xi32>
        %select_n3A_1530 = arith.select %ge3A_1392, %broadcast_in_dim3A_1528, %broadcast_in_dim3A_1529 : vector<16xi1>, vector<16xi32>
        %add3A_1531 = arith.addi %add3A_1520, %select_n3A_1530 : vector<16xi32>
        %add3A_1532 = arith.constant 144 : i32
        %add3A_1533 = arith.addi %add3A_1293, %add3A_1532 : i32
        %min3A_1534 = arith.minsi %add3A_1531, %add3A_275 : vector<16xi32>
        tpu.vector_store_idx %arg7[%min3A_1534], %get3A_1396 masked %ge3A_1403 : memref<4096xf32, #tpu.memory_space<vmem>>[vector<16xi32>], vector<16xf32>, vector<16xi1>
        %add3A_1535 = vector.broadcast %add3A_1533 : i32 to vector<16xi32>
        %add3A_1536 = arith.addi %add3A_1535, %iota3A : vector<16xi32>
        tpu.vector_store_idx %arg8[%min3A_1534], %add3A_1536 masked %ge3A_1403 : memref<4096xi32, #tpu.memory_space<vmem>>[vector<16xi32>], vector<16xi32>, vector<16xi1>
        %jit3A_1537 = arith.constant 16 : i32
        %jit3A_1538 = arith.constant 0 : i32
        %broadcast_in_dim3A_1539 = vector.broadcast %jit3A_1537 : i32 to vector<16xi32>
        %broadcast_in_dim3A_1540 = vector.broadcast %jit3A_1538 : i32 to vector<16xi32>
        %select_n3A_1541 = arith.select %ge3A_1403, %broadcast_in_dim3A_1539, %broadcast_in_dim3A_1540 : vector<16xi1>, vector<16xi32>
        %add3A_1542 = arith.addi %add3A_1531, %select_n3A_1541 : vector<16xi32>
        %swap3A_1543 = arith.constant 0 : index
        %swap3A_1544 = tpu.vector_load %arg11[%swap3A_1543] {strides = array<i32>} : memref<16xi32, #tpu.memory_space<vmem>>, vector<16xi32>,
        tpu.vector_store %arg11[%swap3A_1543], %add3A_1542 {strides = array<i32>} : memref<16xi32, #tpu.memory_space<vmem>>, vector<16xi32>,
      } else {
      }
      scf.yield %add3A_1390, %add3A_1401, %add3A_1368, %add3A_1379 : vector<16xf32>, vector<16xf32>, vector<16xf32>, vector<16xf32>
    }
    %scan3A_351 = arith.constant 200 : i32
    %dma_wait3A_352 = arith.constant 4 : i32
    %dma_wait3A_353 = arith.constant 99840 : i32
    %dma_wait3A_354 = tpu.memref_slice %arg5[%dma_wait3A_353] : memref<100000xf32, #tpu.memory_space<vmem>> -> memref<128xf32, #tpu.memory_space<vmem>>
    %dma_wait3A_355 = arith.constant 0 : i32
    %dma_wait3A_356 = tpu.memref_slice %arg2[%add3A, %dma_wait3A_355] : memref<32x100000xf32, #tpu.memory_space<hbm>> -> memref<1x100000xf32, #tpu.memory_space<hbm>>
    %dma_wait3A_357 = tpu.memref_squeeze %dma_wait3A_356 : memref<1x100000xf32, #tpu.memory_space<hbm>> -> memref<100000xf32, #tpu.memory_space<hbm>>
    %dma_wait3A_358 = arith.constant 99840 : i32
    %dma_wait3A_359 = tpu.memref_slice %dma_wait3A_357[%dma_wait3A_358] : memref<100000xf32, #tpu.memory_space<hbm>> -> memref<128xf32, #tpu.memory_space<hbm>>
    %dma_wait3A_360 = tpu.memref_slice %arg12[%dma_wait3A_352] : memref<6x!tpu.dma_semaphore, #tpu.memory_space<semaphore_mem>> -> memref<1x!tpu.dma_semaphore, #tpu.memory_space<semaphore_mem>>
    %dma_wait3A_361 = tpu.memref_squeeze %dma_wait3A_360 : memref<1x!tpu.dma_semaphore, #tpu.memory_space<semaphore_mem>> -> memref<!tpu.dma_semaphore, #tpu.memory_space<semaphore_mem>>
    %dma_wait3A_362 = arith.constant 99840 : i32
    %dma_wait3A_363 = tpu.memref_slice %arg5[%dma_wait3A_362] : memref<100000xf32, #tpu.memory_space<vmem>> -> memref<128xf32, #tpu.memory_space<vmem>>
    %dma_wait3A_364 = arith.constant 0 : i32
    %dma_wait3A_365 = tpu.memref_slice %arg2[%add3A, %dma_wait3A_364] : memref<32x100000xf32, #tpu.memory_space<hbm>> -> memref<1x100000xf32, #tpu.memory_space<hbm>>
    %dma_wait3A_366 = tpu.memref_squeeze %dma_wait3A_365 : memref<1x100000xf32, #tpu.memory_space<hbm>> -> memref<100000xf32, #tpu.memory_space<hbm>>
    %dma_wait3A_367 = arith.constant 99840 : i32
    %dma_wait3A_368 = tpu.memref_slice %dma_wait3A_366[%dma_wait3A_367] : memref<100000xf32, #tpu.memory_space<hbm>> -> memref<128xf32, #tpu.memory_space<hbm>>
    tpu.wait_dma2 semaphore(%dma_wait3A_361 : memref<!tpu.dma_semaphore, #tpu.memory_space<semaphore_mem>>) src(%dma_wait3A_368 : memref<128xf32, #tpu.memory_space<hbm>>) dst(%dma_wait3A_363 : memref<128xf32, #tpu.memory_space<vmem>>)
    %dma_wait3A_369 = arith.constant 5 : i32
    %dma_wait3A_370 = tpu.memref_slice %arg3[%multiple_of3A] : memref<3200000xf32, #tpu.memory_space<hbm>> -> memref<128xf32, #tpu.memory_space<hbm>>
    %dma_wait3A_371 = tpu.memref_slice %arg12[%dma_wait3A_369] : memref<6x!tpu.dma_semaphore, #tpu.memory_space<semaphore_mem>> -> memref<1x!tpu.dma_semaphore, #tpu.memory_space<semaphore_mem>>
    %dma_wait3A_372 = tpu.memref_squeeze %dma_wait3A_371 : memref<1x!tpu.dma_semaphore, #tpu.memory_space<semaphore_mem>> -> memref<!tpu.dma_semaphore, #tpu.memory_space<semaphore_mem>>
    %dma_wait3A_373 = tpu.memref_slice %arg3[%multiple_of3A] : memref<3200000xf32, #tpu.memory_space<hbm>> -> memref<128xf32, #tpu.memory_space<hbm>>
    tpu.wait_dma2 semaphore(%dma_wait3A_372 : memref<!tpu.dma_semaphore, #tpu.memory_space<semaphore_mem>>) src(%dma_wait3A_373 : memref<128xf32, #tpu.memory_space<hbm>>) dst(%arg10 : memref<128xf32, #tpu.memory_space<vmem>>)
    %add3A_374 = arith.constant 0 : i32
    %add3A_375 = arith.addi %rem3A_89, %add3A_374 : i32
    %get3A = arith.index_cast %add3A_375 : i32 to index
    %get3A_376 = tpu.vector_load %arg10[%get3A] {strides = array<i32>} : memref<128xf32, #tpu.memory_space<vmem>>, vector<16xf32>,
    %swap3A_377 = arith.constant 99968 : index
    %swap3A_378 = tpu.vector_load %arg5[%swap3A_377] {strides = array<i32>} : memref<100000xf32, #tpu.memory_space<vmem>>, vector<16xf32>,
    tpu.vector_store %arg5[%swap3A_377], %get3A_376 {strides = array<i32>} : memref<100000xf32, #tpu.memory_space<vmem>>, vector<16xf32>,
    %add3A_379 = arith.constant 16 : i32
    %add3A_380 = arith.addi %rem3A_89, %add3A_379 : i32
    %get3A_381 = arith.index_cast %add3A_380 : i32 to index
    %get3A_382 = tpu.vector_load %arg10[%get3A_381] {strides = array<i32>} : memref<128xf32, #tpu.memory_space<vmem>>, vector<16xf32>,
    %swap3A_383 = arith.constant 99984 : index
    %swap3A_384 = tpu.vector_load %arg5[%swap3A_383] {strides = array<i32>} : memref<100000xf32, #tpu.memory_space<vmem>>, vector<16xf32>,
    tpu.vector_store %arg5[%swap3A_383], %get3A_382 {strides = array<i32>} : memref<100000xf32, #tpu.memory_space<vmem>>, vector<16xf32>,
    %scan3A_385 = arith.constant 0 : i32
    %mul3A_386 = arith.constant 160 : i32
    %mul3A_387 = arith.muli %scan3A_385, %mul3A_386 : i32
    %add3A_388 = arith.constant 99840 : i32
    %add3A_389 = arith.addi %add3A_388, %mul3A_387 : i32
    %add3A_390 = arith.constant 0 : i32
    %add3A_391 = arith.addi %add3A_389, %add3A_390 : i32
    %get3A_392 = arith.index_cast %add3A_391 : i32 to index
    %get3A_393 = tpu.vector_load %arg5[%get3A_392] {strides = array<i32>} : memref<100000xf32, #tpu.memory_space<vmem>>, vector<16xf32>,
    %mul3A_394 = arith.constant 5.000000e-01 : f32
    %mul3A_395 = vector.broadcast %mul3A_394 : f32 to vector<16xf32>
    %mul3A_396 = arith.mulf %get3A_393, %mul3A_395 : vector<16xf32>
    %exp3A = math.exp %mul3A_396 : vector<16xf32>
    %add3A_397 = arith.addf %scan3A_350#0, %exp3A : vector<16xf32>
    %ge3A = vector.broadcast %reduce_max3A_272 : f32 to vector<16xf32>
    %ge3A_398 = arith.cmpf oge, %get3A_393, %ge3A : vector<16xf32>
    %add3A_399 = arith.constant 16 : i32
    %add3A_400 = arith.addi %add3A_389, %add3A_399 : i32
    %get3A_401 = arith.index_cast %add3A_400 : i32 to index
    %get3A_402 = tpu.vector_load %arg5[%get3A_401] {strides = array<i32>} : memref<100000xf32, #tpu.memory_space<vmem>>, vector<16xf32>,
    %mul3A_403 = arith.constant 5.000000e-01 : f32
    %mul3A_404 = vector.broadcast %mul3A_403 : f32 to vector<16xf32>
    %mul3A_405 = arith.mulf %get3A_402, %mul3A_404 : vector<16xf32>
    %exp3A_406 = math.exp %mul3A_405 : vector<16xf32>
    %add3A_407 = arith.addf %scan3A_350#1, %exp3A_406 : vector<16xf32>
    %ge3A_408 = vector.broadcast %reduce_max3A_272 : f32 to vector<16xf32>
    %ge3A_409 = arith.cmpf oge, %get3A_402, %ge3A_408 : vector<16xf32>
    %add3A_410 = arith.constant 32 : i32
    %add3A_411 = arith.addi %add3A_389, %add3A_410 : i32
    %get3A_412 = arith.index_cast %add3A_411 : i32 to index
    %get3A_413 = tpu.vector_load %arg5[%get3A_412] {strides = array<i32>} : memref<100000xf32, #tpu.memory_space<vmem>>, vector<16xf32>,
    %mul3A_414 = arith.constant 5.000000e-01 : f32
    %mul3A_415 = vector.broadcast %mul3A_414 : f32 to vector<16xf32>
    %mul3A_416 = arith.mulf %get3A_413, %mul3A_415 : vector<16xf32>
    %exp3A_417 = math.exp %mul3A_416 : vector<16xf32>
    %add3A_418 = arith.addf %scan3A_350#2, %exp3A_417 : vector<16xf32>
    %ge3A_419 = vector.broadcast %reduce_max3A_272 : f32 to vector<16xf32>
    %ge3A_420 = arith.cmpf oge, %get3A_413, %ge3A_419 : vector<16xf32>
    %add3A_421 = arith.constant 48 : i32
    %add3A_422 = arith.addi %add3A_389, %add3A_421 : i32
    %get3A_423 = arith.index_cast %add3A_422 : i32 to index
    %get3A_424 = tpu.vector_load %arg5[%get3A_423] {strides = array<i32>} : memref<100000xf32, #tpu.memory_space<vmem>>, vector<16xf32>,
    %mul3A_425 = arith.constant 5.000000e-01 : f32
    %mul3A_426 = vector.broadcast %mul3A_425 : f32 to vector<16xf32>
    %mul3A_427 = arith.mulf %get3A_424, %mul3A_426 : vector<16xf32>
    %exp3A_428 = math.exp %mul3A_427 : vector<16xf32>
    %add3A_429 = arith.addf %scan3A_350#3, %exp3A_428 : vector<16xf32>
    %ge3A_430 = vector.broadcast %reduce_max3A_272 : f32 to vector<16xf32>
    %ge3A_431 = arith.cmpf oge, %get3A_424, %ge3A_430 : vector<16xf32>
    %add3A_432 = arith.constant 64 : i32
    %add3A_433 = arith.addi %add3A_389, %add3A_432 : i32
    %get3A_434 = arith.index_cast %add3A_433 : i32 to index
    %get3A_435 = tpu.vector_load %arg5[%get3A_434] {strides = array<i32>} : memref<100000xf32, #tpu.memory_space<vmem>>, vector<16xf32>,
    %mul3A_436 = arith.constant 5.000000e-01 : f32
    %mul3A_437 = vector.broadcast %mul3A_436 : f32 to vector<16xf32>
    %mul3A_438 = arith.mulf %get3A_435, %mul3A_437 : vector<16xf32>
    %exp3A_439 = math.exp %mul3A_438 : vector<16xf32>
    %add3A_440 = arith.addf %add3A_397, %exp3A_439 : vector<16xf32>
    %ge3A_441 = vector.broadcast %reduce_max3A_272 : f32 to vector<16xf32>
    %ge3A_442 = arith.cmpf oge, %get3A_435, %ge3A_441 : vector<16xf32>
    %add3A_443 = arith.constant 80 : i32
    %add3A_444 = arith.addi %add3A_389, %add3A_443 : i32
    %get3A_445 = arith.index_cast %add3A_444 : i32 to index
    %get3A_446 = tpu.vector_load %arg5[%get3A_445] {strides = array<i32>} : memref<100000xf32, #tpu.memory_space<vmem>>, vector<16xf32>,
    %mul3A_447 = arith.constant 5.000000e-01 : f32
    %mul3A_448 = vector.broadcast %mul3A_447 : f32 to vector<16xf32>
    %mul3A_449 = arith.mulf %get3A_446, %mul3A_448 : vector<16xf32>
    %exp3A_450 = math.exp %mul3A_449 : vector<16xf32>
    %add3A_451 = arith.addf %add3A_407, %exp3A_450 : vector<16xf32>
    %ge3A_452 = vector.broadcast %reduce_max3A_272 : f32 to vector<16xf32>
    %ge3A_453 = arith.cmpf oge, %get3A_446, %ge3A_452 : vector<16xf32>
    %add3A_454 = arith.constant 96 : i32
    %add3A_455 = arith.addi %add3A_389, %add3A_454 : i32
    %get3A_456 = arith.index_cast %add3A_455 : i32 to index
    %get3A_457 = tpu.vector_load %arg5[%get3A_456] {strides = array<i32>} : memref<100000xf32, #tpu.memory_space<vmem>>, vector<16xf32>,
    %mul3A_458 = arith.constant 5.000000e-01 : f32
    %mul3A_459 = vector.broadcast %mul3A_458 : f32 to vector<16xf32>
    %mul3A_460 = arith.mulf %get3A_457, %mul3A_459 : vector<16xf32>
    %exp3A_461 = math.exp %mul3A_460 : vector<16xf32>
    %add3A_462 = arith.addf %add3A_418, %exp3A_461 : vector<16xf32>
    %ge3A_463 = vector.broadcast %reduce_max3A_272 : f32 to vector<16xf32>
    %ge3A_464 = arith.cmpf oge, %get3A_457, %ge3A_463 : vector<16xf32>
    %add3A_465 = arith.constant 112 : i32
    %add3A_466 = arith.addi %add3A_389, %add3A_465 : i32
    %get3A_467 = arith.index_cast %add3A_466 : i32 to index
    %get3A_468 = tpu.vector_load %arg5[%get3A_467] {strides = array<i32>} : memref<100000xf32, #tpu.memory_space<vmem>>, vector<16xf32>,
    %mul3A_469 = arith.constant 5.000000e-01 : f32
    %mul3A_470 = vector.broadcast %mul3A_469 : f32 to vector<16xf32>
    %mul3A_471 = arith.mulf %get3A_468, %mul3A_470 : vector<16xf32>
    %exp3A_472 = math.exp %mul3A_471 : vector<16xf32>
    %add3A_473 = arith.addf %add3A_429, %exp3A_472 : vector<16xf32>
    %ge3A_474 = vector.broadcast %reduce_max3A_272 : f32 to vector<16xf32>
    %ge3A_475 = arith.cmpf oge, %get3A_468, %ge3A_474 : vector<16xf32>
    %add3A_476 = arith.constant 128 : i32
    %add3A_477 = arith.addi %add3A_389, %add3A_476 : i32
    %get3A_478 = arith.index_cast %add3A_477 : i32 to index
    %get3A_479 = tpu.vector_load %arg5[%get3A_478] {strides = array<i32>} : memref<100000xf32, #tpu.memory_space<vmem>>, vector<16xf32>,
    %mul3A_480 = arith.constant 5.000000e-01 : f32
    %mul3A_481 = vector.broadcast %mul3A_480 : f32 to vector<16xf32>
    %mul3A_482 = arith.mulf %get3A_479, %mul3A_481 : vector<16xf32>
    %exp3A_483 = math.exp %mul3A_482 : vector<16xf32>
    %add3A_484 = arith.addf %add3A_440, %exp3A_483 : vector<16xf32>
    %ge3A_485 = vector.broadcast %reduce_max3A_272 : f32 to vector<16xf32>
    %ge3A_486 = arith.cmpf oge, %get3A_479, %ge3A_485 : vector<16xf32>
    %add3A_487 = arith.constant 144 : i32
    %add3A_488 = arith.addi %add3A_389, %add3A_487 : i32
    %get3A_489 = arith.index_cast %add3A_488 : i32 to index
    %get3A_490 = tpu.vector_load %arg5[%get3A_489] {strides = array<i32>} : memref<100000xf32, #tpu.memory_space<vmem>>, vector<16xf32>,
    %mul3A_491 = arith.constant 5.000000e-01 : f32
    %mul3A_492 = vector.broadcast %mul3A_491 : f32 to vector<16xf32>
    %mul3A_493 = arith.mulf %get3A_490, %mul3A_492 : vector<16xf32>
    %exp3A_494 = math.exp %mul3A_493 : vector<16xf32>
    %add3A_495 = arith.addf %add3A_451, %exp3A_494 : vector<16xf32>
    %ge3A_496 = vector.broadcast %reduce_max3A_272 : f32 to vector<16xf32>
    %ge3A_497 = arith.cmpf oge, %get3A_490, %ge3A_496 : vector<16xf32>
    %or3A = arith.ori %ge3A_398, %ge3A_409 : vector<16xi1>
    %or3A_498 = arith.ori %or3A, %ge3A_420 : vector<16xi1>
    %or3A_499 = arith.ori %or3A_498, %ge3A_431 : vector<16xi1>
    %or3A_500 = arith.ori %or3A_499, %ge3A_442 : vector<16xi1>
    %or3A_501 = arith.ori %or3A_500, %ge3A_453 : vector<16xi1>
    %or3A_502 = arith.ori %or3A_501, %ge3A_464 : vector<16xi1>
    %or3A_503 = arith.ori %or3A_502, %ge3A_475 : vector<16xi1>
    %or3A_504 = arith.ori %or3A_503, %ge3A_486 : vector<16xi1>
    %or3A_505 = arith.ori %or3A_504, %ge3A_497 : vector<16xi1>
    %jit3A = arith.constant 1 : i32
    %jit3A_506 = arith.constant 0 : i32
    %broadcast_in_dim3A_507 = vector.broadcast %jit3A : i32 to vector<16xi32>
    %broadcast_in_dim3A_508 = vector.broadcast %jit3A_506 : i32 to vector<16xi32>
    %select_n3A_509 = arith.select %or3A_505, %broadcast_in_dim3A_507, %broadcast_in_dim3A_508 : vector<16xi1>, vector<16xi32>
    %reduce_max3A_510 = arith.constant true
    %reduce_max3A_511 = vector.broadcast %reduce_max3A_510 : i1 to vector<16xi1>
    %reduce_max3A_512 = arith.constant -2147483648 : i32
    %reduce_max3A_513 = vector.broadcast %reduce_max3A_512 : i32 to vector<16xi32>
    %reduce_max3A_514 = arith.xori %select_n3A_509, %reduce_max3A_513 : vector<16xi32>
    %reduce_max3A_515 = tpu.scan <max>, %reduce_max3A_514 masked %reduce_max3A_511 : vector<16xi32>, vector<16xi1> -> vector<16xi32>
    %reduce_max3A_516 = arith.xori %reduce_max3A_515, %reduce_max3A_513 : vector<16xi32>
    %reduce_max3A_517 = vector.extract %reduce_max3A_516[15] : i32 from vector<16xi32>
    %gt3A = arith.constant 0 : i32
    %gt3A_518 = arith.cmpi sgt, %reduce_max3A_517, %gt3A : i32
    %convert_element_type3A = arith.extui %gt3A_518 : i1 to i32
    %cond3A = arith.constant 0 : i32
    %cond3A_519 = arith.cmpi ne, %convert_element_type3A, %cond3A : i32
    scf.if %cond3A_519 {
      %get3A_1285 = arith.constant 0 : index
      %get3A_1286 = tpu.vector_load %arg11[%get3A_1285] {strides = array<i32>} : memref<16xi32, #tpu.memory_space<vmem>>, vector<16xi32>,
      %add3A_1287 = arith.constant 0 : i32
      %add3A_1288 = arith.addi %add3A_389, %add3A_1287 : i32
      %min3A_1289 = arith.minsi %get3A_1286, %add3A_275 : vector<16xi32>
      tpu.vector_store_idx %arg7[%min3A_1289], %get3A_393 masked %ge3A_398 : memref<4096xf32, #tpu.memory_space<vmem>>[vector<16xi32>], vector<16xf32>, vector<16xi1>
      %add3A_1290 = vector.broadcast %add3A_1288 : i32 to vector<16xi32>
      %add3A_1291 = arith.addi %add3A_1290, %iota3A : vector<16xi32>
      tpu.vector_store_idx %arg8[%min3A_1289], %add3A_1291 masked %ge3A_398 : memref<4096xi32, #tpu.memory_space<vmem>>[vector<16xi32>], vector<16xi32>, vector<16xi1>
      %jit3A_1292 = arith.constant 16 : i32
      %jit3A_1293 = arith.constant 0 : i32
      %broadcast_in_dim3A_1294 = vector.broadcast %jit3A_1292 : i32 to vector<16xi32>
      %broadcast_in_dim3A_1295 = vector.broadcast %jit3A_1293 : i32 to vector<16xi32>
      %select_n3A_1296 = arith.select %ge3A_398, %broadcast_in_dim3A_1294, %broadcast_in_dim3A_1295 : vector<16xi1>, vector<16xi32>
      %add3A_1297 = arith.addi %get3A_1286, %select_n3A_1296 : vector<16xi32>
      %add3A_1298 = arith.constant 16 : i32
      %add3A_1299 = arith.addi %add3A_389, %add3A_1298 : i32
      %min3A_1300 = arith.minsi %add3A_1297, %add3A_275 : vector<16xi32>
      tpu.vector_store_idx %arg7[%min3A_1300], %get3A_402 masked %ge3A_409 : memref<4096xf32, #tpu.memory_space<vmem>>[vector<16xi32>], vector<16xf32>, vector<16xi1>
      %add3A_1301 = vector.broadcast %add3A_1299 : i32 to vector<16xi32>
      %add3A_1302 = arith.addi %add3A_1301, %iota3A : vector<16xi32>
      tpu.vector_store_idx %arg8[%min3A_1300], %add3A_1302 masked %ge3A_409 : memref<4096xi32, #tpu.memory_space<vmem>>[vector<16xi32>], vector<16xi32>, vector<16xi1>
      %jit3A_1303 = arith.constant 16 : i32
      %jit3A_1304 = arith.constant 0 : i32
      %broadcast_in_dim3A_1305 = vector.broadcast %jit3A_1303 : i32 to vector<16xi32>
      %broadcast_in_dim3A_1306 = vector.broadcast %jit3A_1304 : i32 to vector<16xi32>
      %select_n3A_1307 = arith.select %ge3A_409, %broadcast_in_dim3A_1305, %broadcast_in_dim3A_1306 : vector<16xi1>, vector<16xi32>
      %add3A_1308 = arith.addi %add3A_1297, %select_n3A_1307 : vector<16xi32>
      %add3A_1309 = arith.constant 32 : i32
      %add3A_1310 = arith.addi %add3A_389, %add3A_1309 : i32
      %min3A_1311 = arith.minsi %add3A_1308, %add3A_275 : vector<16xi32>
      tpu.vector_store_idx %arg7[%min3A_1311], %get3A_413 masked %ge3A_420 : memref<4096xf32, #tpu.memory_space<vmem>>[vector<16xi32>], vector<16xf32>, vector<16xi1>
      %add3A_1312 = vector.broadcast %add3A_1310 : i32 to vector<16xi32>
      %add3A_1313 = arith.addi %add3A_1312, %iota3A : vector<16xi32>
      tpu.vector_store_idx %arg8[%min3A_1311], %add3A_1313 masked %ge3A_420 : memref<4096xi32, #tpu.memory_space<vmem>>[vector<16xi32>], vector<16xi32>, vector<16xi1>
      %jit3A_1314 = arith.constant 16 : i32
      %jit3A_1315 = arith.constant 0 : i32
      %broadcast_in_dim3A_1316 = vector.broadcast %jit3A_1314 : i32 to vector<16xi32>
      %broadcast_in_dim3A_1317 = vector.broadcast %jit3A_1315 : i32 to vector<16xi32>
      %select_n3A_1318 = arith.select %ge3A_420, %broadcast_in_dim3A_1316, %broadcast_in_dim3A_1317 : vector<16xi1>, vector<16xi32>
      %add3A_1319 = arith.addi %add3A_1308, %select_n3A_1318 : vector<16xi32>
      %add3A_1320 = arith.constant 48 : i32
      %add3A_1321 = arith.addi %add3A_389, %add3A_1320 : i32
      %min3A_1322 = arith.minsi %add3A_1319, %add3A_275 : vector<16xi32>
      tpu.vector_store_idx %arg7[%min3A_1322], %get3A_424 masked %ge3A_431 : memref<4096xf32, #tpu.memory_space<vmem>>[vector<16xi32>], vector<16xf32>, vector<16xi1>
      %add3A_1323 = vector.broadcast %add3A_1321 : i32 to vector<16xi32>
      %add3A_1324 = arith.addi %add3A_1323, %iota3A : vector<16xi32>
      tpu.vector_store_idx %arg8[%min3A_1322], %add3A_1324 masked %ge3A_431 : memref<4096xi32, #tpu.memory_space<vmem>>[vector<16xi32>], vector<16xi32>, vector<16xi1>
      %jit3A_1325 = arith.constant 16 : i32
      %jit3A_1326 = arith.constant 0 : i32
      %broadcast_in_dim3A_1327 = vector.broadcast %jit3A_1325 : i32 to vector<16xi32>
      %broadcast_in_dim3A_1328 = vector.broadcast %jit3A_1326 : i32 to vector<16xi32>
      %select_n3A_1329 = arith.select %ge3A_431, %broadcast_in_dim3A_1327, %broadcast_in_dim3A_1328 : vector<16xi1>, vector<16xi32>
      %add3A_1330 = arith.addi %add3A_1319, %select_n3A_1329 : vector<16xi32>
      %add3A_1331 = arith.constant 64 : i32
      %add3A_1332 = arith.addi %add3A_389, %add3A_1331 : i32
      %min3A_1333 = arith.minsi %add3A_1330, %add3A_275 : vector<16xi32>
      tpu.vector_store_idx %arg7[%min3A_1333], %get3A_435 masked %ge3A_442 : memref<4096xf32, #tpu.memory_space<vmem>>[vector<16xi32>], vector<16xf32>, vector<16xi1>
      %add3A_1334 = vector.broadcast %add3A_1332 : i32 to vector<16xi32>
      %add3A_1335 = arith.addi %add3A_1334, %iota3A : vector<16xi32>
      tpu.vector_store_idx %arg8[%min3A_1333], %add3A_1335 masked %ge3A_442 : memref<4096xi32, #tpu.memory_space<vmem>>[vector<16xi32>], vector<16xi32>, vector<16xi1>
      %jit3A_1336 = arith.constant 16 : i32
      %jit3A_1337 = arith.constant 0 : i32
      %broadcast_in_dim3A_1338 = vector.broadcast %jit3A_1336 : i32 to vector<16xi32>
      %broadcast_in_dim3A_1339 = vector.broadcast %jit3A_1337 : i32 to vector<16xi32>
      %select_n3A_1340 = arith.select %ge3A_442, %broadcast_in_dim3A_1338, %broadcast_in_dim3A_1339 : vector<16xi1>, vector<16xi32>
      %add3A_1341 = arith.addi %add3A_1330, %select_n3A_1340 : vector<16xi32>
      %add3A_1342 = arith.constant 80 : i32
      %add3A_1343 = arith.addi %add3A_389, %add3A_1342 : i32
      %min3A_1344 = arith.minsi %add3A_1341, %add3A_275 : vector<16xi32>
      tpu.vector_store_idx %arg7[%min3A_1344], %get3A_446 masked %ge3A_453 : memref<4096xf32, #tpu.memory_space<vmem>>[vector<16xi32>], vector<16xf32>, vector<16xi1>
      %add3A_1345 = vector.broadcast %add3A_1343 : i32 to vector<16xi32>
      %add3A_1346 = arith.addi %add3A_1345, %iota3A : vector<16xi32>
      tpu.vector_store_idx %arg8[%min3A_1344], %add3A_1346 masked %ge3A_453 : memref<4096xi32, #tpu.memory_space<vmem>>[vector<16xi32>], vector<16xi32>, vector<16xi1>
      %jit3A_1347 = arith.constant 16 : i32
      %jit3A_1348 = arith.constant 0 : i32
      %broadcast_in_dim3A_1349 = vector.broadcast %jit3A_1347 : i32 to vector<16xi32>
      %broadcast_in_dim3A_1350 = vector.broadcast %jit3A_1348 : i32 to vector<16xi32>
      %select_n3A_1351 = arith.select %ge3A_453, %broadcast_in_dim3A_1349, %broadcast_in_dim3A_1350 : vector<16xi1>, vector<16xi32>
      %add3A_1352 = arith.addi %add3A_1341, %select_n3A_1351 : vector<16xi32>
      %add3A_1353 = arith.constant 96 : i32
      %add3A_1354 = arith.addi %add3A_389, %add3A_1353 : i32
      %min3A_1355 = arith.minsi %add3A_1352, %add3A_275 : vector<16xi32>
      tpu.vector_store_idx %arg7[%min3A_1355], %get3A_457 masked %ge3A_464 : memref<4096xf32, #tpu.memory_space<vmem>>[vector<16xi32>], vector<16xf32>, vector<16xi1>
      %add3A_1356 = vector.broadcast %add3A_1354 : i32 to vector<16xi32>
      %add3A_1357 = arith.addi %add3A_1356, %iota3A : vector<16xi32>
      tpu.vector_store_idx %arg8[%min3A_1355], %add3A_1357 masked %ge3A_464 : memref<4096xi32, #tpu.memory_space<vmem>>[vector<16xi32>], vector<16xi32>, vector<16xi1>
      %jit3A_1358 = arith.constant 16 : i32
      %jit3A_1359 = arith.constant 0 : i32
      %broadcast_in_dim3A_1360 = vector.broadcast %jit3A_1358 : i32 to vector<16xi32>
      %broadcast_in_dim3A_1361 = vector.broadcast %jit3A_1359 : i32 to vector<16xi32>
      %select_n3A_1362 = arith.select %ge3A_464, %broadcast_in_dim3A_1360, %broadcast_in_dim3A_1361 : vector<16xi1>, vector<16xi32>
      %add3A_1363 = arith.addi %add3A_1352, %select_n3A_1362 : vector<16xi32>
      %add3A_1364 = arith.constant 112 : i32
      %add3A_1365 = arith.addi %add3A_389, %add3A_1364 : i32
      %min3A_1366 = arith.minsi %add3A_1363, %add3A_275 : vector<16xi32>
      tpu.vector_store_idx %arg7[%min3A_1366], %get3A_468 masked %ge3A_475 : memref<4096xf32, #tpu.memory_space<vmem>>[vector<16xi32>], vector<16xf32>, vector<16xi1>
      %add3A_1367 = vector.broadcast %add3A_1365 : i32 to vector<16xi32>
      %add3A_1368 = arith.addi %add3A_1367, %iota3A : vector<16xi32>
      tpu.vector_store_idx %arg8[%min3A_1366], %add3A_1368 masked %ge3A_475 : memref<4096xi32, #tpu.memory_space<vmem>>[vector<16xi32>], vector<16xi32>, vector<16xi1>
      %jit3A_1369 = arith.constant 16 : i32
      %jit3A_1370 = arith.constant 0 : i32
      %broadcast_in_dim3A_1371 = vector.broadcast %jit3A_1369 : i32 to vector<16xi32>
      %broadcast_in_dim3A_1372 = vector.broadcast %jit3A_1370 : i32 to vector<16xi32>
      %select_n3A_1373 = arith.select %ge3A_475, %broadcast_in_dim3A_1371, %broadcast_in_dim3A_1372 : vector<16xi1>, vector<16xi32>
      %add3A_1374 = arith.addi %add3A_1363, %select_n3A_1373 : vector<16xi32>
      %add3A_1375 = arith.constant 128 : i32
      %add3A_1376 = arith.addi %add3A_389, %add3A_1375 : i32
      %min3A_1377 = arith.minsi %add3A_1374, %add3A_275 : vector<16xi32>
      tpu.vector_store_idx %arg7[%min3A_1377], %get3A_479 masked %ge3A_486 : memref<4096xf32, #tpu.memory_space<vmem>>[vector<16xi32>], vector<16xf32>, vector<16xi1>
      %add3A_1378 = vector.broadcast %add3A_1376 : i32 to vector<16xi32>
      %add3A_1379 = arith.addi %add3A_1378, %iota3A : vector<16xi32>
      tpu.vector_store_idx %arg8[%min3A_1377], %add3A_1379 masked %ge3A_486 : memref<4096xi32, #tpu.memory_space<vmem>>[vector<16xi32>], vector<16xi32>, vector<16xi1>
      %jit3A_1380 = arith.constant 16 : i32
      %jit3A_1381 = arith.constant 0 : i32
      %broadcast_in_dim3A_1382 = vector.broadcast %jit3A_1380 : i32 to vector<16xi32>
      %broadcast_in_dim3A_1383 = vector.broadcast %jit3A_1381 : i32 to vector<16xi32>
      %select_n3A_1384 = arith.select %ge3A_486, %broadcast_in_dim3A_1382, %broadcast_in_dim3A_1383 : vector<16xi1>, vector<16xi32>
      %add3A_1385 = arith.addi %add3A_1374, %select_n3A_1384 : vector<16xi32>
      %add3A_1386 = arith.constant 144 : i32
      %add3A_1387 = arith.addi %add3A_389, %add3A_1386 : i32
      %min3A_1388 = arith.minsi %add3A_1385, %add3A_275 : vector<16xi32>
      tpu.vector_store_idx %arg7[%min3A_1388], %get3A_490 masked %ge3A_497 : memref<4096xf32, #tpu.memory_space<vmem>>[vector<16xi32>], vector<16xf32>, vector<16xi1>
      %add3A_1389 = vector.broadcast %add3A_1387 : i32 to vector<16xi32>
      %add3A_1390 = arith.addi %add3A_1389, %iota3A : vector<16xi32>
      tpu.vector_store_idx %arg8[%min3A_1388], %add3A_1390 masked %ge3A_497 : memref<4096xi32, #tpu.memory_space<vmem>>[vector<16xi32>], vector<16xi32>, vector<16xi1>
      %jit3A_1391 = arith.constant 16 : i32
      %jit3A_1392 = arith.constant 0 : i32
      %broadcast_in_dim3A_1393 = vector.broadcast %jit3A_1391 : i32 to vector<16xi32>
      %broadcast_in_dim3A_1394 = vector.broadcast %jit3A_1392 : i32 to vector<16xi32>
      %select_n3A_1395 = arith.select %ge3A_497, %broadcast_in_dim3A_1393, %broadcast_in_dim3A_1394 : vector<16xi1>, vector<16xi32>
      %add3A_1396 = arith.addi %add3A_1385, %select_n3A_1395 : vector<16xi32>
      %swap3A_1397 = arith.constant 0 : index
      %swap3A_1398 = tpu.vector_load %arg11[%swap3A_1397] {strides = array<i32>} : memref<16xi32, #tpu.memory_space<vmem>>, vector<16xi32>,
      tpu.vector_store %arg11[%swap3A_1397], %add3A_1396 {strides = array<i32>} : memref<16xi32, #tpu.memory_space<vmem>>, vector<16xi32>,
    } else {
    }
    %scan3A_520 = arith.constant 1 : i32
    %add3A_521 = arith.addf %add3A_484, %add3A_495 : vector<16xf32>
    %add3A_522 = arith.addf %add3A_462, %add3A_473 : vector<16xf32>
    %add3A_523 = arith.addf %add3A_521, %add3A_522 : vector<16xf32>
    %reduce_sum3A = arith.constant true
    %reduce_sum3A_524 = vector.broadcast %reduce_sum3A : i1 to vector<16xi1>
    %reduce_sum3A_525 = tpu.scan <sum>, %add3A_523 masked %reduce_sum3A_524 : vector<16xf32>, vector<16xi1> -> vector<16xf32>
    %reduce_sum3A_526 = vector.extract %reduce_sum3A_525[15] : f32 from vector<16xf32>
    %get3A_527 = arith.constant 0 : index
    %get3A_528 = tpu.vector_load %arg11[%get3A_527] {strides = array<i32>} : memref<16xi32, #tpu.memory_space<vmem>>, vector<16xi32>,
    %sub3A_529 = arith.subi %get3A_528, %iota3A : vector<16xi32>
    %reduce_max3A_530 = arith.constant true
    %reduce_max3A_531 = vector.broadcast %reduce_max3A_530 : i1 to vector<16xi1>
    %reduce_max3A_532 = arith.constant -2147483648 : i32
    %reduce_max3A_533 = vector.broadcast %reduce_max3A_532 : i32 to vector<16xi32>
    %reduce_max3A_534 = arith.xori %sub3A_529, %reduce_max3A_533 : vector<16xi32>
    %reduce_max3A_535 = tpu.scan <max>, %reduce_max3A_534 masked %reduce_max3A_531 : vector<16xi32>, vector<16xi1> -> vector<16xi32>
    %reduce_max3A_536 = arith.xori %reduce_max3A_535, %reduce_max3A_533 : vector<16xi32>
    %reduce_max3A_537 = vector.extract %reduce_max3A_536[15] : i32 from vector<16xi32>
    %jit3A_538 = arith.constant 16 : i32
    %div3A = arith.divsi %reduce_max3A_537, %jit3A_538 : i32
    %sign3A = arith.constant 0 : i32
    %sign3A_539 = arith.cmpi sgt, %reduce_max3A_537, %sign3A : i32
    %sign3A_540 = arith.extui %sign3A_539 : i1 to i32
    %sign3A_541 = arith.constant 0 : i32
    %sign3A_542 = arith.cmpi slt, %reduce_max3A_537, %sign3A_541 : i32
    %sign3A_543 = arith.extui %sign3A_542 : i1 to i32
    %sign3A_544 = arith.subi %sign3A_540, %sign3A_543 : i32
    %sign3A_545 = arith.constant 0 : i32
    %sign3A_546 = arith.cmpi sgt, %jit3A_538, %sign3A_545 : i32
    %sign3A_547 = arith.extui %sign3A_546 : i1 to i32
    %sign3A_548 = arith.constant 0 : i32
    %sign3A_549 = arith.cmpi slt, %jit3A_538, %sign3A_548 : i32
    %sign3A_550 = arith.extui %sign3A_549 : i1 to i32
    %sign3A_551 = arith.subi %sign3A_547, %sign3A_550 : i32
    %ne3A = arith.cmpi ne, %sign3A_544, %sign3A_551 : i32
    %rem3A_552 = arith.remsi %reduce_max3A_537, %jit3A_538 : i32
    %ne3A_553 = arith.constant 0 : i32
    %ne3A_554 = arith.cmpi ne, %rem3A_552, %ne3A_553 : i32
    %and3A = arith.andi %ne3A, %ne3A_554 : i1
    %sub3A_555 = arith.constant 1 : i32
    %sub3A_556 = arith.subi %div3A, %sub3A_555 : i32
    %select_n3A_557 = arith.select %and3A, %sub3A_556, %div3A : i32
    %while3A = arith.constant 0 : i32
    %while3A_558 = arith.subi %select_n3A_557, %while3A : i32
    %while3A_559 = arith.addi %while3A, %while3A_558 : i32
    %while3A_560 = arith.constant 1 : i32
    %while3A_561 = arith.divsi %while3A_558, %while3A_560 : i32
    %while3A_562 = arith.muli %while3A_561, %while3A_560 : i32
    %while3A_563 = arith.addi %while3A, %while3A_562 : i32
    %while3A_564 = arith.constant 1 : i32
    %while3A_565:2 = scf.for %while3A_1285 = %while3A to %while3A_563 step %while3A_564 iter_args(%while3A_1286 = %broadcast_in_dim3A_95, %while3A_1287 = %broadcast_in_dim3A_97) -> (vector<16xf32>, vector<16xi32>)  : i32 {
      %mul3A_1288 = arith.constant 16 : i32
      %mul3A_1289 = arith.muli %while3A_1285, %mul3A_1288 : i32
      %get3A_1290 = arith.index_cast %mul3A_1289 : i32 to index
      %get3A_1291 = tpu.vector_load %arg7[%get3A_1290] {strides = array<i32>} : memref<4096xf32, #tpu.memory_space<vmem>>, vector<16xf32>,
      %mul3A_1292 = arith.constant 16 : i32
      %mul3A_1293 = arith.muli %while3A_1285, %mul3A_1292 : i32
      %get3A_1294 = arith.index_cast %mul3A_1293 : i32 to index
      %get3A_1295 = tpu.vector_load %arg8[%get3A_1294] {strides = array<i32>} : memref<4096xi32, #tpu.memory_space<vmem>>, vector<16xi32>,
      %gt3A_1296 = arith.cmpf ogt, %get3A_1291, %while3A_1286 : vector<16xf32>
      %eq3A_1297 = arith.cmpf oeq, %get3A_1291, %while3A_1286 : vector<16xf32>
      %lt3A_1298 = arith.cmpi slt, %get3A_1295, %while3A_1287 : vector<16xi32>
      %and3A_1299 = arith.andi %eq3A_1297, %lt3A_1298 : vector<16xi1>
      %or3A_1300 = arith.ori %gt3A_1296, %and3A_1299 : vector<16xi1>
      %select_n3A_1301 = arith.select %or3A_1300, %get3A_1291, %while3A_1286 : vector<16xi1>, vector<16xf32>
      %select_n3A_1302 = arith.select %or3A_1300, %get3A_1295, %while3A_1287 : vector<16xi1>, vector<16xi32>
      scf.yield %select_n3A_1301, %select_n3A_1302 : vector<16xf32>, vector<16xi32>
    }
    %while3A_566 = arith.constant 1 : i32
    %while3A_567:2 = scf.for %while3A_1285 = %while3A_563 to %while3A_559 step %while3A_566 iter_args(%while3A_1286 = %while3A_565#0, %while3A_1287 = %while3A_565#1) -> (vector<16xf32>, vector<16xi32>)  : i32 {
      %mul3A_1288 = arith.constant 16 : i32
      %mul3A_1289 = arith.muli %while3A_1285, %mul3A_1288 : i32
      %get3A_1290 = arith.index_cast %mul3A_1289 : i32 to index
      %get3A_1291 = tpu.vector_load %arg7[%get3A_1290] {strides = array<i32>} : memref<4096xf32, #tpu.memory_space<vmem>>, vector<16xf32>,
      %mul3A_1292 = arith.constant 16 : i32
      %mul3A_1293 = arith.muli %while3A_1285, %mul3A_1292 : i32
      %get3A_1294 = arith.index_cast %mul3A_1293 : i32 to index
      %get3A_1295 = tpu.vector_load %arg8[%get3A_1294] {strides = array<i32>} : memref<4096xi32, #tpu.memory_space<vmem>>, vector<16xi32>,
      %gt3A_1296 = arith.cmpf ogt, %get3A_1291, %while3A_1286 : vector<16xf32>
      %eq3A_1297 = arith.cmpf oeq, %get3A_1291, %while3A_1286 : vector<16xf32>
      %lt3A_1298 = arith.cmpi slt, %get3A_1295, %while3A_1287 : vector<16xi32>
      %and3A_1299 = arith.andi %eq3A_1297, %lt3A_1298 : vector<16xi1>
      %or3A_1300 = arith.ori %gt3A_1296, %and3A_1299 : vector<16xi1>
      %select_n3A_1301 = arith.select %or3A_1300, %get3A_1291, %while3A_1286 : vector<16xi1>, vector<16xf32>
      %select_n3A_1302 = arith.select %or3A_1300, %get3A_1295, %while3A_1287 : vector<16xi1>, vector<16xi32>
      scf.yield %select_n3A_1301, %select_n3A_1302 : vector<16xf32>, vector<16xi32>
    }
    %reduce_max3A_568 = arith.constant true
    %reduce_max3A_569 = vector.broadcast %reduce_max3A_568 : i1 to vector<16xi1>
    %reduce_max3A_570 = tpu.scan <max>, %while3A_567#0 masked %reduce_max3A_569 : vector<16xf32>, vector<16xi1> -> vector<16xf32>
    %reduce_max3A_571 = vector.extract %reduce_max3A_570[15] : f32 from vector<16xf32>
    %eq3A_572 = vector.broadcast %reduce_max3A_571 : f32 to vector<16xf32>
    %eq3A_573 = arith.cmpf oeq, %while3A_567#0, %eq3A_572 : vector<16xf32>
    %select_n3A_574 = arith.select %eq3A_573, %while3A_567#1, %broadcast_in_dim3A_97 : vector<16xi1>, vector<16xi32>
    %reduce_min3A = arith.constant true
    %reduce_min3A_575 = vector.broadcast %reduce_min3A : i1 to vector<16xi1>
    %reduce_min3A_576 = arith.constant -2147483648 : i32
    %reduce_min3A_577 = vector.broadcast %reduce_min3A_576 : i32 to vector<16xi32>
    %reduce_min3A_578 = arith.xori %select_n3A_574, %reduce_min3A_577 : vector<16xi32>
    %reduce_min3A_579 = tpu.scan <min>, %reduce_min3A_578 masked %reduce_min3A_575 : vector<16xi32>, vector<16xi1> -> vector<16xi32>
    %reduce_min3A_580 = arith.xori %reduce_min3A_579, %reduce_min3A_577 : vector<16xi32>
    %reduce_min3A_581 = vector.extract %reduce_min3A_580[15] : i32 from vector<16xi32>
    %while3A_582 = arith.constant 0 : i32
    %while3A_583 = arith.subi %select_n3A_557, %while3A_582 : i32
    %while3A_584 = arith.addi %while3A_582, %while3A_583 : i32
    %while3A_585 = arith.constant 1 : i32
    %while3A_586 = arith.divsi %while3A_583, %while3A_585 : i32
    %while3A_587 = arith.muli %while3A_586, %while3A_585 : i32
    %while3A_588 = arith.addi %while3A_582, %while3A_587 : i32
    %while3A_589 = arith.constant 1 : i32
    %while3A_590:2 = scf.for %while3A_1285 = %while3A_582 to %while3A_588 step %while3A_589 iter_args(%while3A_1286 = %broadcast_in_dim3A_95, %while3A_1287 = %broadcast_in_dim3A_97) -> (vector<16xf32>, vector<16xi32>)  : i32 {
      %mul3A_1288 = arith.constant 16 : i32
      %mul3A_1289 = arith.muli %while3A_1285, %mul3A_1288 : i32
      %get3A_1290 = arith.index_cast %mul3A_1289 : i32 to index
      %get3A_1291 = tpu.vector_load %arg7[%get3A_1290] {strides = array<i32>} : memref<4096xf32, #tpu.memory_space<vmem>>, vector<16xf32>,
      %mul3A_1292 = arith.constant 16 : i32
      %mul3A_1293 = arith.muli %while3A_1285, %mul3A_1292 : i32
      %get3A_1294 = arith.index_cast %mul3A_1293 : i32 to index
      %get3A_1295 = tpu.vector_load %arg8[%get3A_1294] {strides = array<i32>} : memref<4096xi32, #tpu.memory_space<vmem>>, vector<16xi32>,
      %gt3A_1296 = arith.cmpf ogt, %get3A_1291, %while3A_1286 : vector<16xf32>
      %eq3A_1297 = arith.cmpf oeq, %get3A_1291, %while3A_1286 : vector<16xf32>
      %lt3A_1298 = arith.cmpi slt, %get3A_1295, %while3A_1287 : vector<16xi32>
      %and3A_1299 = arith.andi %eq3A_1297, %lt3A_1298 : vector<16xi1>
      %or3A_1300 = arith.ori %gt3A_1296, %and3A_1299 : vector<16xi1>
      %ne3A_1301 = vector.broadcast %reduce_min3A_581 : i32 to vector<16xi32>
      %ne3A_1302 = arith.cmpi ne, %get3A_1295, %ne3A_1301 : vector<16xi32>
      %and3A_1303 = arith.andi %or3A_1300, %ne3A_1302 : vector<16xi1>
      %select_n3A_1304 = arith.select %and3A_1303, %get3A_1291, %while3A_1286 : vector<16xi1>, vector<16xf32>
      %select_n3A_1305 = arith.select %and3A_1303, %get3A_1295, %while3A_1287 : vector<16xi1>, vector<16xi32>
      scf.yield %select_n3A_1304, %select_n3A_1305 : vector<16xf32>, vector<16xi32>
    }
    %while3A_591 = arith.constant 1 : i32
    %while3A_592:2 = scf.for %while3A_1285 = %while3A_588 to %while3A_584 step %while3A_591 iter_args(%while3A_1286 = %while3A_590#0, %while3A_1287 = %while3A_590#1) -> (vector<16xf32>, vector<16xi32>)  : i32 {
      %mul3A_1288 = arith.constant 16 : i32
      %mul3A_1289 = arith.muli %while3A_1285, %mul3A_1288 : i32
      %get3A_1290 = arith.index_cast %mul3A_1289 : i32 to index
      %get3A_1291 = tpu.vector_load %arg7[%get3A_1290] {strides = array<i32>} : memref<4096xf32, #tpu.memory_space<vmem>>, vector<16xf32>,
      %mul3A_1292 = arith.constant 16 : i32
      %mul3A_1293 = arith.muli %while3A_1285, %mul3A_1292 : i32
      %get3A_1294 = arith.index_cast %mul3A_1293 : i32 to index
      %get3A_1295 = tpu.vector_load %arg8[%get3A_1294] {strides = array<i32>} : memref<4096xi32, #tpu.memory_space<vmem>>, vector<16xi32>,
      %gt3A_1296 = arith.cmpf ogt, %get3A_1291, %while3A_1286 : vector<16xf32>
      %eq3A_1297 = arith.cmpf oeq, %get3A_1291, %while3A_1286 : vector<16xf32>
      %lt3A_1298 = arith.cmpi slt, %get3A_1295, %while3A_1287 : vector<16xi32>
      %and3A_1299 = arith.andi %eq3A_1297, %lt3A_1298 : vector<16xi1>
      %or3A_1300 = arith.ori %gt3A_1296, %and3A_1299 : vector<16xi1>
      %ne3A_1301 = vector.broadcast %reduce_min3A_581 : i32 to vector<16xi32>
      %ne3A_1302 = arith.cmpi ne, %get3A_1295, %ne3A_1301 : vector<16xi32>
      %and3A_1303 = arith.andi %or3A_1300, %ne3A_1302 : vector<16xi1>
      %select_n3A_1304 = arith.select %and3A_1303, %get3A_1291, %while3A_1286 : vector<16xi1>, vector<16xf32>
      %select_n3A_1305 = arith.select %and3A_1303, %get3A_1295, %while3A_1287 : vector<16xi1>, vector<16xi32>
      scf.yield %select_n3A_1304, %select_n3A_1305 : vector<16xf32>, vector<16xi32>
    }
    %reduce_max3A_593 = arith.constant true
    %reduce_max3A_594 = vector.broadcast %reduce_max3A_593 : i1 to vector<16xi1>
    %reduce_max3A_595 = tpu.scan <max>, %while3A_592#0 masked %reduce_max3A_594 : vector<16xf32>, vector<16xi1> -> vector<16xf32>
    %reduce_max3A_596 = vector.extract %reduce_max3A_595[15] : f32 from vector<16xf32>
    %eq3A_597 = vector.broadcast %reduce_max3A_596 : f32 to vector<16xf32>
    %eq3A_598 = arith.cmpf oeq, %while3A_592#0, %eq3A_597 : vector<16xf32>
    %select_n3A_599 = arith.select %eq3A_598, %while3A_592#1, %broadcast_in_dim3A_97 : vector<16xi1>, vector<16xi32>
    %reduce_min3A_600 = arith.constant true
    %reduce_min3A_601 = vector.broadcast %reduce_min3A_600 : i1 to vector<16xi1>
    %reduce_min3A_602 = arith.constant -2147483648 : i32
    %reduce_min3A_603 = vector.broadcast %reduce_min3A_602 : i32 to vector<16xi32>
    %reduce_min3A_604 = arith.xori %select_n3A_599, %reduce_min3A_603 : vector<16xi32>
    %reduce_min3A_605 = tpu.scan <min>, %reduce_min3A_604 masked %reduce_min3A_601 : vector<16xi32>, vector<16xi1> -> vector<16xi32>
    %reduce_min3A_606 = arith.xori %reduce_min3A_605, %reduce_min3A_603 : vector<16xi32>
    %reduce_min3A_607 = vector.extract %reduce_min3A_606[15] : i32 from vector<16xi32>
    %while3A_608 = arith.constant 0 : i32
    %while3A_609 = arith.subi %select_n3A_557, %while3A_608 : i32
    %while3A_610 = arith.addi %while3A_608, %while3A_609 : i32
    %while3A_611 = arith.constant 1 : i32
    %while3A_612 = arith.divsi %while3A_609, %while3A_611 : i32
    %while3A_613 = arith.muli %while3A_612, %while3A_611 : i32
    %while3A_614 = arith.addi %while3A_608, %while3A_613 : i32
    %while3A_615 = arith.constant 1 : i32
    %while3A_616:2 = scf.for %while3A_1285 = %while3A_608 to %while3A_614 step %while3A_615 iter_args(%while3A_1286 = %broadcast_in_dim3A_95, %while3A_1287 = %broadcast_in_dim3A_97) -> (vector<16xf32>, vector<16xi32>)  : i32 {
      %mul3A_1288 = arith.constant 16 : i32
      %mul3A_1289 = arith.muli %while3A_1285, %mul3A_1288 : i32
      %get3A_1290 = arith.index_cast %mul3A_1289 : i32 to index
      %get3A_1291 = tpu.vector_load %arg7[%get3A_1290] {strides = array<i32>} : memref<4096xf32, #tpu.memory_space<vmem>>, vector<16xf32>,
      %mul3A_1292 = arith.constant 16 : i32
      %mul3A_1293 = arith.muli %while3A_1285, %mul3A_1292 : i32
      %get3A_1294 = arith.index_cast %mul3A_1293 : i32 to index
      %get3A_1295 = tpu.vector_load %arg8[%get3A_1294] {strides = array<i32>} : memref<4096xi32, #tpu.memory_space<vmem>>, vector<16xi32>,
      %gt3A_1296 = arith.cmpf ogt, %get3A_1291, %while3A_1286 : vector<16xf32>
      %eq3A_1297 = arith.cmpf oeq, %get3A_1291, %while3A_1286 : vector<16xf32>
      %lt3A_1298 = arith.cmpi slt, %get3A_1295, %while3A_1287 : vector<16xi32>
      %and3A_1299 = arith.andi %eq3A_1297, %lt3A_1298 : vector<16xi1>
      %or3A_1300 = arith.ori %gt3A_1296, %and3A_1299 : vector<16xi1>
      %ne3A_1301 = vector.broadcast %reduce_min3A_581 : i32 to vector<16xi32>
      %ne3A_1302 = arith.cmpi ne, %get3A_1295, %ne3A_1301 : vector<16xi32>
      %and3A_1303 = arith.andi %or3A_1300, %ne3A_1302 : vector<16xi1>
      %ne3A_1304 = vector.broadcast %reduce_min3A_607 : i32 to vector<16xi32>
      %ne3A_1305 = arith.cmpi ne, %get3A_1295, %ne3A_1304 : vector<16xi32>
      %and3A_1306 = arith.andi %and3A_1303, %ne3A_1305 : vector<16xi1>
      %select_n3A_1307 = arith.select %and3A_1306, %get3A_1291, %while3A_1286 : vector<16xi1>, vector<16xf32>
      %select_n3A_1308 = arith.select %and3A_1306, %get3A_1295, %while3A_1287 : vector<16xi1>, vector<16xi32>
      scf.yield %select_n3A_1307, %select_n3A_1308 : vector<16xf32>, vector<16xi32>
    }
    %while3A_617 = arith.constant 1 : i32
    %while3A_618:2 = scf.for %while3A_1285 = %while3A_614 to %while3A_610 step %while3A_617 iter_args(%while3A_1286 = %while3A_616#0, %while3A_1287 = %while3A_616#1) -> (vector<16xf32>, vector<16xi32>)  : i32 {
      %mul3A_1288 = arith.constant 16 : i32
      %mul3A_1289 = arith.muli %while3A_1285, %mul3A_1288 : i32
      %get3A_1290 = arith.index_cast %mul3A_1289 : i32 to index
      %get3A_1291 = tpu.vector_load %arg7[%get3A_1290] {strides = array<i32>} : memref<4096xf32, #tpu.memory_space<vmem>>, vector<16xf32>,
      %mul3A_1292 = arith.constant 16 : i32
      %mul3A_1293 = arith.muli %while3A_1285, %mul3A_1292 : i32
      %get3A_1294 = arith.index_cast %mul3A_1293 : i32 to index
      %get3A_1295 = tpu.vector_load %arg8[%get3A_1294] {strides = array<i32>} : memref<4096xi32, #tpu.memory_space<vmem>>, vector<16xi32>,
      %gt3A_1296 = arith.cmpf ogt, %get3A_1291, %while3A_1286 : vector<16xf32>
      %eq3A_1297 = arith.cmpf oeq, %get3A_1291, %while3A_1286 : vector<16xf32>
      %lt3A_1298 = arith.cmpi slt, %get3A_1295, %while3A_1287 : vector<16xi32>
      %and3A_1299 = arith.andi %eq3A_1297, %lt3A_1298 : vector<16xi1>
      %or3A_1300 = arith.ori %gt3A_1296, %and3A_1299 : vector<16xi1>
      %ne3A_1301 = vector.broadcast %reduce_min3A_581 : i32 to vector<16xi32>
      %ne3A_1302 = arith.cmpi ne, %get3A_1295, %ne3A_1301 : vector<16xi32>
      %and3A_1303 = arith.andi %or3A_1300, %ne3A_1302 : vector<16xi1>
      %ne3A_1304 = vector.broadcast %reduce_min3A_607 : i32 to vector<16xi32>
      %ne3A_1305 = arith.cmpi ne, %get3A_1295, %ne3A_1304 : vector<16xi32>
      %and3A_1306 = arith.andi %and3A_1303, %ne3A_1305 : vector<16xi1>
      %select_n3A_1307 = arith.select %and3A_1306, %get3A_1291, %while3A_1286 : vector<16xi1>, vector<16xf32>
      %select_n3A_1308 = arith.select %and3A_1306, %get3A_1295, %while3A_1287 : vector<16xi1>, vector<16xi32>
      scf.yield %select_n3A_1307, %select_n3A_1308 : vector<16xf32>, vector<16xi32>
    }
    %reduce_max3A_619 = arith.constant true
    %reduce_max3A_620 = vector.broadcast %reduce_max3A_619 : i1 to vector<16xi1>
    %reduce_max3A_621 = tpu.scan <max>, %while3A_618#0 masked %reduce_max3A_620 : vector<16xf32>, vector<16xi1> -> vector<16xf32>
    %reduce_max3A_622 = vector.extract %reduce_max3A_621[15] : f32 from vector<16xf32>
    %eq3A_623 = vector.broadcast %reduce_max3A_622 : f32 to vector<16xf32>
    %eq3A_624 = arith.cmpf oeq, %while3A_618#0, %eq3A_623 : vector<16xf32>
    %select_n3A_625 = arith.select %eq3A_624, %while3A_618#1, %broadcast_in_dim3A_97 : vector<16xi1>, vector<16xi32>
    %reduce_min3A_626 = arith.constant true
    %reduce_min3A_627 = vector.broadcast %reduce_min3A_626 : i1 to vector<16xi1>
    %reduce_min3A_628 = arith.constant -2147483648 : i32
    %reduce_min3A_629 = vector.broadcast %reduce_min3A_628 : i32 to vector<16xi32>
    %reduce_min3A_630 = arith.xori %select_n3A_625, %reduce_min3A_629 : vector<16xi32>
    %reduce_min3A_631 = tpu.scan <min>, %reduce_min3A_630 masked %reduce_min3A_627 : vector<16xi32>, vector<16xi1> -> vector<16xi32>
    %reduce_min3A_632 = arith.xori %reduce_min3A_631, %reduce_min3A_629 : vector<16xi32>
    %reduce_min3A_633 = vector.extract %reduce_min3A_632[15] : i32 from vector<16xi32>
    %while3A_634 = arith.constant 0 : i32
    %while3A_635 = arith.subi %select_n3A_557, %while3A_634 : i32
    %while3A_636 = arith.addi %while3A_634, %while3A_635 : i32
    %while3A_637 = arith.constant 1 : i32
    %while3A_638 = arith.divsi %while3A_635, %while3A_637 : i32
    %while3A_639 = arith.muli %while3A_638, %while3A_637 : i32
    %while3A_640 = arith.addi %while3A_634, %while3A_639 : i32
    %while3A_641 = arith.constant 1 : i32
    %while3A_642:2 = scf.for %while3A_1285 = %while3A_634 to %while3A_640 step %while3A_641 iter_args(%while3A_1286 = %broadcast_in_dim3A_95, %while3A_1287 = %broadcast_in_dim3A_97) -> (vector<16xf32>, vector<16xi32>)  : i32 {
      %mul3A_1288 = arith.constant 16 : i32
      %mul3A_1289 = arith.muli %while3A_1285, %mul3A_1288 : i32
      %get3A_1290 = arith.index_cast %mul3A_1289 : i32 to index
      %get3A_1291 = tpu.vector_load %arg7[%get3A_1290] {strides = array<i32>} : memref<4096xf32, #tpu.memory_space<vmem>>, vector<16xf32>,
      %mul3A_1292 = arith.constant 16 : i32
      %mul3A_1293 = arith.muli %while3A_1285, %mul3A_1292 : i32
      %get3A_1294 = arith.index_cast %mul3A_1293 : i32 to index
      %get3A_1295 = tpu.vector_load %arg8[%get3A_1294] {strides = array<i32>} : memref<4096xi32, #tpu.memory_space<vmem>>, vector<16xi32>,
      %gt3A_1296 = arith.cmpf ogt, %get3A_1291, %while3A_1286 : vector<16xf32>
      %eq3A_1297 = arith.cmpf oeq, %get3A_1291, %while3A_1286 : vector<16xf32>
      %lt3A_1298 = arith.cmpi slt, %get3A_1295, %while3A_1287 : vector<16xi32>
      %and3A_1299 = arith.andi %eq3A_1297, %lt3A_1298 : vector<16xi1>
      %or3A_1300 = arith.ori %gt3A_1296, %and3A_1299 : vector<16xi1>
      %ne3A_1301 = vector.broadcast %reduce_min3A_581 : i32 to vector<16xi32>
      %ne3A_1302 = arith.cmpi ne, %get3A_1295, %ne3A_1301 : vector<16xi32>
      %and3A_1303 = arith.andi %or3A_1300, %ne3A_1302 : vector<16xi1>
      %ne3A_1304 = vector.broadcast %reduce_min3A_607 : i32 to vector<16xi32>
      %ne3A_1305 = arith.cmpi ne, %get3A_1295, %ne3A_1304 : vector<16xi32>
      %and3A_1306 = arith.andi %and3A_1303, %ne3A_1305 : vector<16xi1>
      %ne3A_1307 = vector.broadcast %reduce_min3A_633 : i32 to vector<16xi32>
      %ne3A_1308 = arith.cmpi ne, %get3A_1295, %ne3A_1307 : vector<16xi32>
      %and3A_1309 = arith.andi %and3A_1306, %ne3A_1308 : vector<16xi1>
      %select_n3A_1310 = arith.select %and3A_1309, %get3A_1291, %while3A_1286 : vector<16xi1>, vector<16xf32>
      %select_n3A_1311 = arith.select %and3A_1309, %get3A_1295, %while3A_1287 : vector<16xi1>, vector<16xi32>
      scf.yield %select_n3A_1310, %select_n3A_1311 : vector<16xf32>, vector<16xi32>
    }
    %while3A_643 = arith.constant 1 : i32
    %while3A_644:2 = scf.for %while3A_1285 = %while3A_640 to %while3A_636 step %while3A_643 iter_args(%while3A_1286 = %while3A_642#0, %while3A_1287 = %while3A_642#1) -> (vector<16xf32>, vector<16xi32>)  : i32 {
      %mul3A_1288 = arith.constant 16 : i32
      %mul3A_1289 = arith.muli %while3A_1285, %mul3A_1288 : i32
      %get3A_1290 = arith.index_cast %mul3A_1289 : i32 to index
      %get3A_1291 = tpu.vector_load %arg7[%get3A_1290] {strides = array<i32>} : memref<4096xf32, #tpu.memory_space<vmem>>, vector<16xf32>,
      %mul3A_1292 = arith.constant 16 : i32
      %mul3A_1293 = arith.muli %while3A_1285, %mul3A_1292 : i32
      %get3A_1294 = arith.index_cast %mul3A_1293 : i32 to index
      %get3A_1295 = tpu.vector_load %arg8[%get3A_1294] {strides = array<i32>} : memref<4096xi32, #tpu.memory_space<vmem>>, vector<16xi32>,
      %gt3A_1296 = arith.cmpf ogt, %get3A_1291, %while3A_1286 : vector<16xf32>
      %eq3A_1297 = arith.cmpf oeq, %get3A_1291, %while3A_1286 : vector<16xf32>
      %lt3A_1298 = arith.cmpi slt, %get3A_1295, %while3A_1287 : vector<16xi32>
      %and3A_1299 = arith.andi %eq3A_1297, %lt3A_1298 : vector<16xi1>
      %or3A_1300 = arith.ori %gt3A_1296, %and3A_1299 : vector<16xi1>
      %ne3A_1301 = vector.broadcast %reduce_min3A_581 : i32 to vector<16xi32>
      %ne3A_1302 = arith.cmpi ne, %get3A_1295, %ne3A_1301 : vector<16xi32>
      %and3A_1303 = arith.andi %or3A_1300, %ne3A_1302 : vector<16xi1>
      %ne3A_1304 = vector.broadcast %reduce_min3A_607 : i32 to vector<16xi32>
      %ne3A_1305 = arith.cmpi ne, %get3A_1295, %ne3A_1304 : vector<16xi32>
      %and3A_1306 = arith.andi %and3A_1303, %ne3A_1305 : vector<16xi1>
      %ne3A_1307 = vector.broadcast %reduce_min3A_633 : i32 to vector<16xi32>
      %ne3A_1308 = arith.cmpi ne, %get3A_1295, %ne3A_1307 : vector<16xi32>
      %and3A_1309 = arith.andi %and3A_1306, %ne3A_1308 : vector<16xi1>
      %select_n3A_1310 = arith.select %and3A_1309, %get3A_1291, %while3A_1286 : vector<16xi1>, vector<16xf32>
      %select_n3A_1311 = arith.select %and3A_1309, %get3A_1295, %while3A_1287 : vector<16xi1>, vector<16xi32>
      scf.yield %select_n3A_1310, %select_n3A_1311 : vector<16xf32>, vector<16xi32>
    }
    %reduce_max3A_645 = arith.constant true
    %reduce_max3A_646 = vector.broadcast %reduce_max3A_645 : i1 to vector<16xi1>
    %reduce_max3A_647 = tpu.scan <max>, %while3A_644#0 masked %reduce_max3A_646 : vector<16xf32>, vector<16xi1> -> vector<16xf32>
    %reduce_max3A_648 = vector.extract %reduce_max3A_647[15] : f32 from vector<16xf32>
    %eq3A_649 = vector.broadcast %reduce_max3A_648 : f32 to vector<16xf32>
    %eq3A_650 = arith.cmpf oeq, %while3A_644#0, %eq3A_649 : vector<16xf32>
    %select_n3A_651 = arith.select %eq3A_650, %while3A_644#1, %broadcast_in_dim3A_97 : vector<16xi1>, vector<16xi32>
    %reduce_min3A_652 = arith.constant true
    %reduce_min3A_653 = vector.broadcast %reduce_min3A_652 : i1 to vector<16xi1>
    %reduce_min3A_654 = arith.constant -2147483648 : i32
    %reduce_min3A_655 = vector.broadcast %reduce_min3A_654 : i32 to vector<16xi32>
    %reduce_min3A_656 = arith.xori %select_n3A_651, %reduce_min3A_655 : vector<16xi32>
    %reduce_min3A_657 = tpu.scan <min>, %reduce_min3A_656 masked %reduce_min3A_653 : vector<16xi32>, vector<16xi1> -> vector<16xi32>
    %reduce_min3A_658 = arith.xori %reduce_min3A_657, %reduce_min3A_655 : vector<16xi32>
    %reduce_min3A_659 = vector.extract %reduce_min3A_658[15] : i32 from vector<16xi32>
    %while3A_660 = arith.constant 0 : i32
    %while3A_661 = arith.subi %select_n3A_557, %while3A_660 : i32
    %while3A_662 = arith.addi %while3A_660, %while3A_661 : i32
    %while3A_663 = arith.constant 1 : i32
    %while3A_664 = arith.divsi %while3A_661, %while3A_663 : i32
    %while3A_665 = arith.muli %while3A_664, %while3A_663 : i32
    %while3A_666 = arith.addi %while3A_660, %while3A_665 : i32
    %while3A_667 = arith.constant 1 : i32
    %while3A_668:2 = scf.for %while3A_1285 = %while3A_660 to %while3A_666 step %while3A_667 iter_args(%while3A_1286 = %broadcast_in_dim3A_95, %while3A_1287 = %broadcast_in_dim3A_97) -> (vector<16xf32>, vector<16xi32>)  : i32 {
      %mul3A_1288 = arith.constant 16 : i32
      %mul3A_1289 = arith.muli %while3A_1285, %mul3A_1288 : i32
      %get3A_1290 = arith.index_cast %mul3A_1289 : i32 to index
      %get3A_1291 = tpu.vector_load %arg7[%get3A_1290] {strides = array<i32>} : memref<4096xf32, #tpu.memory_space<vmem>>, vector<16xf32>,
      %mul3A_1292 = arith.constant 16 : i32
      %mul3A_1293 = arith.muli %while3A_1285, %mul3A_1292 : i32
      %get3A_1294 = arith.index_cast %mul3A_1293 : i32 to index
      %get3A_1295 = tpu.vector_load %arg8[%get3A_1294] {strides = array<i32>} : memref<4096xi32, #tpu.memory_space<vmem>>, vector<16xi32>,
      %gt3A_1296 = arith.cmpf ogt, %get3A_1291, %while3A_1286 : vector<16xf32>
      %eq3A_1297 = arith.cmpf oeq, %get3A_1291, %while3A_1286 : vector<16xf32>
      %lt3A_1298 = arith.cmpi slt, %get3A_1295, %while3A_1287 : vector<16xi32>
      %and3A_1299 = arith.andi %eq3A_1297, %lt3A_1298 : vector<16xi1>
      %or3A_1300 = arith.ori %gt3A_1296, %and3A_1299 : vector<16xi1>
      %ne3A_1301 = vector.broadcast %reduce_min3A_581 : i32 to vector<16xi32>
      %ne3A_1302 = arith.cmpi ne, %get3A_1295, %ne3A_1301 : vector<16xi32>
      %and3A_1303 = arith.andi %or3A_1300, %ne3A_1302 : vector<16xi1>
      %ne3A_1304 = vector.broadcast %reduce_min3A_607 : i32 to vector<16xi32>
      %ne3A_1305 = arith.cmpi ne, %get3A_1295, %ne3A_1304 : vector<16xi32>
      %and3A_1306 = arith.andi %and3A_1303, %ne3A_1305 : vector<16xi1>
      %ne3A_1307 = vector.broadcast %reduce_min3A_633 : i32 to vector<16xi32>
      %ne3A_1308 = arith.cmpi ne, %get3A_1295, %ne3A_1307 : vector<16xi32>
      %and3A_1309 = arith.andi %and3A_1306, %ne3A_1308 : vector<16xi1>
      %ne3A_1310 = vector.broadcast %reduce_min3A_659 : i32 to vector<16xi32>
      %ne3A_1311 = arith.cmpi ne, %get3A_1295, %ne3A_1310 : vector<16xi32>
      %and3A_1312 = arith.andi %and3A_1309, %ne3A_1311 : vector<16xi1>
      %select_n3A_1313 = arith.select %and3A_1312, %get3A_1291, %while3A_1286 : vector<16xi1>, vector<16xf32>
      %select_n3A_1314 = arith.select %and3A_1312, %get3A_1295, %while3A_1287 : vector<16xi1>, vector<16xi32>
      scf.yield %select_n3A_1313, %select_n3A_1314 : vector<16xf32>, vector<16xi32>
    }
    %while3A_669 = arith.constant 1 : i32
    %while3A_670:2 = scf.for %while3A_1285 = %while3A_666 to %while3A_662 step %while3A_669 iter_args(%while3A_1286 = %while3A_668#0, %while3A_1287 = %while3A_668#1) -> (vector<16xf32>, vector<16xi32>)  : i32 {
      %mul3A_1288 = arith.constant 16 : i32
      %mul3A_1289 = arith.muli %while3A_1285, %mul3A_1288 : i32
      %get3A_1290 = arith.index_cast %mul3A_1289 : i32 to index
      %get3A_1291 = tpu.vector_load %arg7[%get3A_1290] {strides = array<i32>} : memref<4096xf32, #tpu.memory_space<vmem>>, vector<16xf32>,
      %mul3A_1292 = arith.constant 16 : i32
      %mul3A_1293 = arith.muli %while3A_1285, %mul3A_1292 : i32
      %get3A_1294 = arith.index_cast %mul3A_1293 : i32 to index
      %get3A_1295 = tpu.vector_load %arg8[%get3A_1294] {strides = array<i32>} : memref<4096xi32, #tpu.memory_space<vmem>>, vector<16xi32>,
      %gt3A_1296 = arith.cmpf ogt, %get3A_1291, %while3A_1286 : vector<16xf32>
      %eq3A_1297 = arith.cmpf oeq, %get3A_1291, %while3A_1286 : vector<16xf32>
      %lt3A_1298 = arith.cmpi slt, %get3A_1295, %while3A_1287 : vector<16xi32>
      %and3A_1299 = arith.andi %eq3A_1297, %lt3A_1298 : vector<16xi1>
      %or3A_1300 = arith.ori %gt3A_1296, %and3A_1299 : vector<16xi1>
      %ne3A_1301 = vector.broadcast %reduce_min3A_581 : i32 to vector<16xi32>
      %ne3A_1302 = arith.cmpi ne, %get3A_1295, %ne3A_1301 : vector<16xi32>
      %and3A_1303 = arith.andi %or3A_1300, %ne3A_1302 : vector<16xi1>
      %ne3A_1304 = vector.broadcast %reduce_min3A_607 : i32 to vector<16xi32>
      %ne3A_1305 = arith.cmpi ne, %get3A_1295, %ne3A_1304 : vector<16xi32>
      %and3A_1306 = arith.andi %and3A_1303, %ne3A_1305 : vector<16xi1>
      %ne3A_1307 = vector.broadcast %reduce_min3A_633 : i32 to vector<16xi32>
      %ne3A_1308 = arith.cmpi ne, %get3A_1295, %ne3A_1307 : vector<16xi32>
      %and3A_1309 = arith.andi %and3A_1306, %ne3A_1308 : vector<16xi1>
      %ne3A_1310 = vector.broadcast %reduce_min3A_659 : i32 to vector<16xi32>
      %ne3A_1311 = arith.cmpi ne, %get3A_1295, %ne3A_1310 : vector<16xi32>
      %and3A_1312 = arith.andi %and3A_1309, %ne3A_1311 : vector<16xi1>
      %select_n3A_1313 = arith.select %and3A_1312, %get3A_1291, %while3A_1286 : vector<16xi1>, vector<16xf32>
      %select_n3A_1314 = arith.select %and3A_1312, %get3A_1295, %while3A_1287 : vector<16xi1>, vector<16xi32>
      scf.yield %select_n3A_1313, %select_n3A_1314 : vector<16xf32>, vector<16xi32>
    }
    %reduce_max3A_671 = arith.constant true
    %reduce_max3A_672 = vector.broadcast %reduce_max3A_671 : i1 to vector<16xi1>
    %reduce_max3A_673 = tpu.scan <max>, %while3A_670#0 masked %reduce_max3A_672 : vector<16xf32>, vector<16xi1> -> vector<16xf32>
    %reduce_max3A_674 = vector.extract %reduce_max3A_673[15] : f32 from vector<16xf32>
    %eq3A_675 = vector.broadcast %reduce_max3A_674 : f32 to vector<16xf32>
    %eq3A_676 = arith.cmpf oeq, %while3A_670#0, %eq3A_675 : vector<16xf32>
    %select_n3A_677 = arith.select %eq3A_676, %while3A_670#1, %broadcast_in_dim3A_97 : vector<16xi1>, vector<16xi32>
    %reduce_min3A_678 = arith.constant true
    %reduce_min3A_679 = vector.broadcast %reduce_min3A_678 : i1 to vector<16xi1>
    %reduce_min3A_680 = arith.constant -2147483648 : i32
    %reduce_min3A_681 = vector.broadcast %reduce_min3A_680 : i32 to vector<16xi32>
    %reduce_min3A_682 = arith.xori %select_n3A_677, %reduce_min3A_681 : vector<16xi32>
    %reduce_min3A_683 = tpu.scan <min>, %reduce_min3A_682 masked %reduce_min3A_679 : vector<16xi32>, vector<16xi1> -> vector<16xi32>
    %reduce_min3A_684 = arith.xori %reduce_min3A_683, %reduce_min3A_681 : vector<16xi32>
    %reduce_min3A_685 = vector.extract %reduce_min3A_684[15] : i32 from vector<16xi32>
    %while3A_686 = arith.constant 0 : i32
    %while3A_687 = arith.subi %select_n3A_557, %while3A_686 : i32
    %while3A_688 = arith.addi %while3A_686, %while3A_687 : i32
    %while3A_689 = arith.constant 1 : i32
    %while3A_690 = arith.divsi %while3A_687, %while3A_689 : i32
    %while3A_691 = arith.muli %while3A_690, %while3A_689 : i32
    %while3A_692 = arith.addi %while3A_686, %while3A_691 : i32
    %while3A_693 = arith.constant 1 : i32
    %while3A_694:2 = scf.for %while3A_1285 = %while3A_686 to %while3A_692 step %while3A_693 iter_args(%while3A_1286 = %broadcast_in_dim3A_95, %while3A_1287 = %broadcast_in_dim3A_97) -> (vector<16xf32>, vector<16xi32>)  : i32 {
      %mul3A_1288 = arith.constant 16 : i32
      %mul3A_1289 = arith.muli %while3A_1285, %mul3A_1288 : i32
      %get3A_1290 = arith.index_cast %mul3A_1289 : i32 to index
      %get3A_1291 = tpu.vector_load %arg7[%get3A_1290] {strides = array<i32>} : memref<4096xf32, #tpu.memory_space<vmem>>, vector<16xf32>,
      %mul3A_1292 = arith.constant 16 : i32
      %mul3A_1293 = arith.muli %while3A_1285, %mul3A_1292 : i32
      %get3A_1294 = arith.index_cast %mul3A_1293 : i32 to index
      %get3A_1295 = tpu.vector_load %arg8[%get3A_1294] {strides = array<i32>} : memref<4096xi32, #tpu.memory_space<vmem>>, vector<16xi32>,
      %gt3A_1296 = arith.cmpf ogt, %get3A_1291, %while3A_1286 : vector<16xf32>
      %eq3A_1297 = arith.cmpf oeq, %get3A_1291, %while3A_1286 : vector<16xf32>
      %lt3A_1298 = arith.cmpi slt, %get3A_1295, %while3A_1287 : vector<16xi32>
      %and3A_1299 = arith.andi %eq3A_1297, %lt3A_1298 : vector<16xi1>
      %or3A_1300 = arith.ori %gt3A_1296, %and3A_1299 : vector<16xi1>
      %ne3A_1301 = vector.broadcast %reduce_min3A_581 : i32 to vector<16xi32>
      %ne3A_1302 = arith.cmpi ne, %get3A_1295, %ne3A_1301 : vector<16xi32>
      %and3A_1303 = arith.andi %or3A_1300, %ne3A_1302 : vector<16xi1>
      %ne3A_1304 = vector.broadcast %reduce_min3A_607 : i32 to vector<16xi32>
      %ne3A_1305 = arith.cmpi ne, %get3A_1295, %ne3A_1304 : vector<16xi32>
      %and3A_1306 = arith.andi %and3A_1303, %ne3A_1305 : vector<16xi1>
      %ne3A_1307 = vector.broadcast %reduce_min3A_633 : i32 to vector<16xi32>
      %ne3A_1308 = arith.cmpi ne, %get3A_1295, %ne3A_1307 : vector<16xi32>
      %and3A_1309 = arith.andi %and3A_1306, %ne3A_1308 : vector<16xi1>
      %ne3A_1310 = vector.broadcast %reduce_min3A_659 : i32 to vector<16xi32>
      %ne3A_1311 = arith.cmpi ne, %get3A_1295, %ne3A_1310 : vector<16xi32>
      %and3A_1312 = arith.andi %and3A_1309, %ne3A_1311 : vector<16xi1>
      %ne3A_1313 = vector.broadcast %reduce_min3A_685 : i32 to vector<16xi32>
      %ne3A_1314 = arith.cmpi ne, %get3A_1295, %ne3A_1313 : vector<16xi32>
      %and3A_1315 = arith.andi %and3A_1312, %ne3A_1314 : vector<16xi1>
      %select_n3A_1316 = arith.select %and3A_1315, %get3A_1291, %while3A_1286 : vector<16xi1>, vector<16xf32>
      %select_n3A_1317 = arith.select %and3A_1315, %get3A_1295, %while3A_1287 : vector<16xi1>, vector<16xi32>
      scf.yield %select_n3A_1316, %select_n3A_1317 : vector<16xf32>, vector<16xi32>
    }
    %while3A_695 = arith.constant 1 : i32
    %while3A_696:2 = scf.for %while3A_1285 = %while3A_692 to %while3A_688 step %while3A_695 iter_args(%while3A_1286 = %while3A_694#0, %while3A_1287 = %while3A_694#1) -> (vector<16xf32>, vector<16xi32>)  : i32 {
      %mul3A_1288 = arith.constant 16 : i32
      %mul3A_1289 = arith.muli %while3A_1285, %mul3A_1288 : i32
      %get3A_1290 = arith.index_cast %mul3A_1289 : i32 to index
      %get3A_1291 = tpu.vector_load %arg7[%get3A_1290] {strides = array<i32>} : memref<4096xf32, #tpu.memory_space<vmem>>, vector<16xf32>,
      %mul3A_1292 = arith.constant 16 : i32
      %mul3A_1293 = arith.muli %while3A_1285, %mul3A_1292 : i32
      %get3A_1294 = arith.index_cast %mul3A_1293 : i32 to index
      %get3A_1295 = tpu.vector_load %arg8[%get3A_1294] {strides = array<i32>} : memref<4096xi32, #tpu.memory_space<vmem>>, vector<16xi32>,
      %gt3A_1296 = arith.cmpf ogt, %get3A_1291, %while3A_1286 : vector<16xf32>
      %eq3A_1297 = arith.cmpf oeq, %get3A_1291, %while3A_1286 : vector<16xf32>
      %lt3A_1298 = arith.cmpi slt, %get3A_1295, %while3A_1287 : vector<16xi32>
      %and3A_1299 = arith.andi %eq3A_1297, %lt3A_1298 : vector<16xi1>
      %or3A_1300 = arith.ori %gt3A_1296, %and3A_1299 : vector<16xi1>
      %ne3A_1301 = vector.broadcast %reduce_min3A_581 : i32 to vector<16xi32>
      %ne3A_1302 = arith.cmpi ne, %get3A_1295, %ne3A_1301 : vector<16xi32>
      %and3A_1303 = arith.andi %or3A_1300, %ne3A_1302 : vector<16xi1>
      %ne3A_1304 = vector.broadcast %reduce_min3A_607 : i32 to vector<16xi32>
      %ne3A_1305 = arith.cmpi ne, %get3A_1295, %ne3A_1304 : vector<16xi32>
      %and3A_1306 = arith.andi %and3A_1303, %ne3A_1305 : vector<16xi1>
      %ne3A_1307 = vector.broadcast %reduce_min3A_633 : i32 to vector<16xi32>
      %ne3A_1308 = arith.cmpi ne, %get3A_1295, %ne3A_1307 : vector<16xi32>
      %and3A_1309 = arith.andi %and3A_1306, %ne3A_1308 : vector<16xi1>
      %ne3A_1310 = vector.broadcast %reduce_min3A_659 : i32 to vector<16xi32>
      %ne3A_1311 = arith.cmpi ne, %get3A_1295, %ne3A_1310 : vector<16xi32>
      %and3A_1312 = arith.andi %and3A_1309, %ne3A_1311 : vector<16xi1>
      %ne3A_1313 = vector.broadcast %reduce_min3A_685 : i32 to vector<16xi32>
      %ne3A_1314 = arith.cmpi ne, %get3A_1295, %ne3A_1313 : vector<16xi32>
      %and3A_1315 = arith.andi %and3A_1312, %ne3A_1314 : vector<16xi1>
      %select_n3A_1316 = arith.select %and3A_1315, %get3A_1291, %while3A_1286 : vector<16xi1>, vector<16xf32>
      %select_n3A_1317 = arith.select %and3A_1315, %get3A_1295, %while3A_1287 : vector<16xi1>, vector<16xi32>
      scf.yield %select_n3A_1316, %select_n3A_1317 : vector<16xf32>, vector<16xi32>
    }
    %reduce_max3A_697 = arith.constant true
    %reduce_max3A_698 = vector.broadcast %reduce_max3A_697 : i1 to vector<16xi1>
    %reduce_max3A_699 = tpu.scan <max>, %while3A_696#0 masked %reduce_max3A_698 : vector<16xf32>, vector<16xi1> -> vector<16xf32>
    %reduce_max3A_700 = vector.extract %reduce_max3A_699[15] : f32 from vector<16xf32>
    %eq3A_701 = vector.broadcast %reduce_max3A_700 : f32 to vector<16xf32>
    %eq3A_702 = arith.cmpf oeq, %while3A_696#0, %eq3A_701 : vector<16xf32>
    %select_n3A_703 = arith.select %eq3A_702, %while3A_696#1, %broadcast_in_dim3A_97 : vector<16xi1>, vector<16xi32>
    %reduce_min3A_704 = arith.constant true
    %reduce_min3A_705 = vector.broadcast %reduce_min3A_704 : i1 to vector<16xi1>
    %reduce_min3A_706 = arith.constant -2147483648 : i32
    %reduce_min3A_707 = vector.broadcast %reduce_min3A_706 : i32 to vector<16xi32>
    %reduce_min3A_708 = arith.xori %select_n3A_703, %reduce_min3A_707 : vector<16xi32>
    %reduce_min3A_709 = tpu.scan <min>, %reduce_min3A_708 masked %reduce_min3A_705 : vector<16xi32>, vector<16xi1> -> vector<16xi32>
    %reduce_min3A_710 = arith.xori %reduce_min3A_709, %reduce_min3A_707 : vector<16xi32>
    %reduce_min3A_711 = vector.extract %reduce_min3A_710[15] : i32 from vector<16xi32>
    %while3A_712 = arith.constant 0 : i32
    %while3A_713 = arith.subi %select_n3A_557, %while3A_712 : i32
    %while3A_714 = arith.addi %while3A_712, %while3A_713 : i32
    %while3A_715 = arith.constant 1 : i32
    %while3A_716 = arith.divsi %while3A_713, %while3A_715 : i32
    %while3A_717 = arith.muli %while3A_716, %while3A_715 : i32
    %while3A_718 = arith.addi %while3A_712, %while3A_717 : i32
    %while3A_719 = arith.constant 1 : i32
    %while3A_720:2 = scf.for %while3A_1285 = %while3A_712 to %while3A_718 step %while3A_719 iter_args(%while3A_1286 = %broadcast_in_dim3A_95, %while3A_1287 = %broadcast_in_dim3A_97) -> (vector<16xf32>, vector<16xi32>)  : i32 {
      %mul3A_1288 = arith.constant 16 : i32
      %mul3A_1289 = arith.muli %while3A_1285, %mul3A_1288 : i32
      %get3A_1290 = arith.index_cast %mul3A_1289 : i32 to index
      %get3A_1291 = tpu.vector_load %arg7[%get3A_1290] {strides = array<i32>} : memref<4096xf32, #tpu.memory_space<vmem>>, vector<16xf32>,
      %mul3A_1292 = arith.constant 16 : i32
      %mul3A_1293 = arith.muli %while3A_1285, %mul3A_1292 : i32
      %get3A_1294 = arith.index_cast %mul3A_1293 : i32 to index
      %get3A_1295 = tpu.vector_load %arg8[%get3A_1294] {strides = array<i32>} : memref<4096xi32, #tpu.memory_space<vmem>>, vector<16xi32>,
      %gt3A_1296 = arith.cmpf ogt, %get3A_1291, %while3A_1286 : vector<16xf32>
      %eq3A_1297 = arith.cmpf oeq, %get3A_1291, %while3A_1286 : vector<16xf32>
      %lt3A_1298 = arith.cmpi slt, %get3A_1295, %while3A_1287 : vector<16xi32>
      %and3A_1299 = arith.andi %eq3A_1297, %lt3A_1298 : vector<16xi1>
      %or3A_1300 = arith.ori %gt3A_1296, %and3A_1299 : vector<16xi1>
      %ne3A_1301 = vector.broadcast %reduce_min3A_581 : i32 to vector<16xi32>
      %ne3A_1302 = arith.cmpi ne, %get3A_1295, %ne3A_1301 : vector<16xi32>
      %and3A_1303 = arith.andi %or3A_1300, %ne3A_1302 : vector<16xi1>
      %ne3A_1304 = vector.broadcast %reduce_min3A_607 : i32 to vector<16xi32>
      %ne3A_1305 = arith.cmpi ne, %get3A_1295, %ne3A_1304 : vector<16xi32>
      %and3A_1306 = arith.andi %and3A_1303, %ne3A_1305 : vector<16xi1>
      %ne3A_1307 = vector.broadcast %reduce_min3A_633 : i32 to vector<16xi32>
      %ne3A_1308 = arith.cmpi ne, %get3A_1295, %ne3A_1307 : vector<16xi32>
      %and3A_1309 = arith.andi %and3A_1306, %ne3A_1308 : vector<16xi1>
      %ne3A_1310 = vector.broadcast %reduce_min3A_659 : i32 to vector<16xi32>
      %ne3A_1311 = arith.cmpi ne, %get3A_1295, %ne3A_1310 : vector<16xi32>
      %and3A_1312 = arith.andi %and3A_1309, %ne3A_1311 : vector<16xi1>
      %ne3A_1313 = vector.broadcast %reduce_min3A_685 : i32 to vector<16xi32>
      %ne3A_1314 = arith.cmpi ne, %get3A_1295, %ne3A_1313 : vector<16xi32>
      %and3A_1315 = arith.andi %and3A_1312, %ne3A_1314 : vector<16xi1>
      %ne3A_1316 = vector.broadcast %reduce_min3A_711 : i32 to vector<16xi32>
      %ne3A_1317 = arith.cmpi ne, %get3A_1295, %ne3A_1316 : vector<16xi32>
      %and3A_1318 = arith.andi %and3A_1315, %ne3A_1317 : vector<16xi1>
      %select_n3A_1319 = arith.select %and3A_1318, %get3A_1291, %while3A_1286 : vector<16xi1>, vector<16xf32>
      %select_n3A_1320 = arith.select %and3A_1318, %get3A_1295, %while3A_1287 : vector<16xi1>, vector<16xi32>
      scf.yield %select_n3A_1319, %select_n3A_1320 : vector<16xf32>, vector<16xi32>
    }
    %while3A_721 = arith.constant 1 : i32
    %while3A_722:2 = scf.for %while3A_1285 = %while3A_718 to %while3A_714 step %while3A_721 iter_args(%while3A_1286 = %while3A_720#0, %while3A_1287 = %while3A_720#1) -> (vector<16xf32>, vector<16xi32>)  : i32 {
      %mul3A_1288 = arith.constant 16 : i32
      %mul3A_1289 = arith.muli %while3A_1285, %mul3A_1288 : i32
      %get3A_1290 = arith.index_cast %mul3A_1289 : i32 to index
      %get3A_1291 = tpu.vector_load %arg7[%get3A_1290] {strides = array<i32>} : memref<4096xf32, #tpu.memory_space<vmem>>, vector<16xf32>,
      %mul3A_1292 = arith.constant 16 : i32
      %mul3A_1293 = arith.muli %while3A_1285, %mul3A_1292 : i32
      %get3A_1294 = arith.index_cast %mul3A_1293 : i32 to index
      %get3A_1295 = tpu.vector_load %arg8[%get3A_1294] {strides = array<i32>} : memref<4096xi32, #tpu.memory_space<vmem>>, vector<16xi32>,
      %gt3A_1296 = arith.cmpf ogt, %get3A_1291, %while3A_1286 : vector<16xf32>
      %eq3A_1297 = arith.cmpf oeq, %get3A_1291, %while3A_1286 : vector<16xf32>
      %lt3A_1298 = arith.cmpi slt, %get3A_1295, %while3A_1287 : vector<16xi32>
      %and3A_1299 = arith.andi %eq3A_1297, %lt3A_1298 : vector<16xi1>
      %or3A_1300 = arith.ori %gt3A_1296, %and3A_1299 : vector<16xi1>
      %ne3A_1301 = vector.broadcast %reduce_min3A_581 : i32 to vector<16xi32>
      %ne3A_1302 = arith.cmpi ne, %get3A_1295, %ne3A_1301 : vector<16xi32>
      %and3A_1303 = arith.andi %or3A_1300, %ne3A_1302 : vector<16xi1>
      %ne3A_1304 = vector.broadcast %reduce_min3A_607 : i32 to vector<16xi32>
      %ne3A_1305 = arith.cmpi ne, %get3A_1295, %ne3A_1304 : vector<16xi32>
      %and3A_1306 = arith.andi %and3A_1303, %ne3A_1305 : vector<16xi1>
      %ne3A_1307 = vector.broadcast %reduce_min3A_633 : i32 to vector<16xi32>
      %ne3A_1308 = arith.cmpi ne, %get3A_1295, %ne3A_1307 : vector<16xi32>
      %and3A_1309 = arith.andi %and3A_1306, %ne3A_1308 : vector<16xi1>
      %ne3A_1310 = vector.broadcast %reduce_min3A_659 : i32 to vector<16xi32>
      %ne3A_1311 = arith.cmpi ne, %get3A_1295, %ne3A_1310 : vector<16xi32>
      %and3A_1312 = arith.andi %and3A_1309, %ne3A_1311 : vector<16xi1>
      %ne3A_1313 = vector.broadcast %reduce_min3A_685 : i32 to vector<16xi32>
      %ne3A_1314 = arith.cmpi ne, %get3A_1295, %ne3A_1313 : vector<16xi32>
      %and3A_1315 = arith.andi %and3A_1312, %ne3A_1314 : vector<16xi1>
      %ne3A_1316 = vector.broadcast %reduce_min3A_711 : i32 to vector<16xi32>
      %ne3A_1317 = arith.cmpi ne, %get3A_1295, %ne3A_1316 : vector<16xi32>
      %and3A_1318 = arith.andi %and3A_1315, %ne3A_1317 : vector<16xi1>
      %select_n3A_1319 = arith.select %and3A_1318, %get3A_1291, %while3A_1286 : vector<16xi1>, vector<16xf32>
      %select_n3A_1320 = arith.select %and3A_1318, %get3A_1295, %while3A_1287 : vector<16xi1>, vector<16xi32>
      scf.yield %select_n3A_1319, %select_n3A_1320 : vector<16xf32>, vector<16xi32>
    }
    %reduce_max3A_723 = arith.constant true
    %reduce_max3A_724 = vector.broadcast %reduce_max3A_723 : i1 to vector<16xi1>
    %reduce_max3A_725 = tpu.scan <max>, %while3A_722#0 masked %reduce_max3A_724 : vector<16xf32>, vector<16xi1> -> vector<16xf32>
    %reduce_max3A_726 = vector.extract %reduce_max3A_725[15] : f32 from vector<16xf32>
    %eq3A_727 = vector.broadcast %reduce_max3A_726 : f32 to vector<16xf32>
    %eq3A_728 = arith.cmpf oeq, %while3A_722#0, %eq3A_727 : vector<16xf32>
    %select_n3A_729 = arith.select %eq3A_728, %while3A_722#1, %broadcast_in_dim3A_97 : vector<16xi1>, vector<16xi32>
    %reduce_min3A_730 = arith.constant true
    %reduce_min3A_731 = vector.broadcast %reduce_min3A_730 : i1 to vector<16xi1>
    %reduce_min3A_732 = arith.constant -2147483648 : i32
    %reduce_min3A_733 = vector.broadcast %reduce_min3A_732 : i32 to vector<16xi32>
    %reduce_min3A_734 = arith.xori %select_n3A_729, %reduce_min3A_733 : vector<16xi32>
    %reduce_min3A_735 = tpu.scan <min>, %reduce_min3A_734 masked %reduce_min3A_731 : vector<16xi32>, vector<16xi1> -> vector<16xi32>
    %reduce_min3A_736 = arith.xori %reduce_min3A_735, %reduce_min3A_733 : vector<16xi32>
    %reduce_min3A_737 = vector.extract %reduce_min3A_736[15] : i32 from vector<16xi32>
    %while3A_738 = arith.constant 0 : i32
    %while3A_739 = arith.subi %select_n3A_557, %while3A_738 : i32
    %while3A_740 = arith.addi %while3A_738, %while3A_739 : i32
    %while3A_741 = arith.constant 1 : i32
    %while3A_742 = arith.divsi %while3A_739, %while3A_741 : i32
    %while3A_743 = arith.muli %while3A_742, %while3A_741 : i32
    %while3A_744 = arith.addi %while3A_738, %while3A_743 : i32
    %while3A_745 = arith.constant 1 : i32
    %while3A_746:2 = scf.for %while3A_1285 = %while3A_738 to %while3A_744 step %while3A_745 iter_args(%while3A_1286 = %broadcast_in_dim3A_95, %while3A_1287 = %broadcast_in_dim3A_97) -> (vector<16xf32>, vector<16xi32>)  : i32 {
      %mul3A_1288 = arith.constant 16 : i32
      %mul3A_1289 = arith.muli %while3A_1285, %mul3A_1288 : i32
      %get3A_1290 = arith.index_cast %mul3A_1289 : i32 to index
      %get3A_1291 = tpu.vector_load %arg7[%get3A_1290] {strides = array<i32>} : memref<4096xf32, #tpu.memory_space<vmem>>, vector<16xf32>,
      %mul3A_1292 = arith.constant 16 : i32
      %mul3A_1293 = arith.muli %while3A_1285, %mul3A_1292 : i32
      %get3A_1294 = arith.index_cast %mul3A_1293 : i32 to index
      %get3A_1295 = tpu.vector_load %arg8[%get3A_1294] {strides = array<i32>} : memref<4096xi32, #tpu.memory_space<vmem>>, vector<16xi32>,
      %gt3A_1296 = arith.cmpf ogt, %get3A_1291, %while3A_1286 : vector<16xf32>
      %eq3A_1297 = arith.cmpf oeq, %get3A_1291, %while3A_1286 : vector<16xf32>
      %lt3A_1298 = arith.cmpi slt, %get3A_1295, %while3A_1287 : vector<16xi32>
      %and3A_1299 = arith.andi %eq3A_1297, %lt3A_1298 : vector<16xi1>
      %or3A_1300 = arith.ori %gt3A_1296, %and3A_1299 : vector<16xi1>
      %ne3A_1301 = vector.broadcast %reduce_min3A_581 : i32 to vector<16xi32>
      %ne3A_1302 = arith.cmpi ne, %get3A_1295, %ne3A_1301 : vector<16xi32>
      %and3A_1303 = arith.andi %or3A_1300, %ne3A_1302 : vector<16xi1>
      %ne3A_1304 = vector.broadcast %reduce_min3A_607 : i32 to vector<16xi32>
      %ne3A_1305 = arith.cmpi ne, %get3A_1295, %ne3A_1304 : vector<16xi32>
      %and3A_1306 = arith.andi %and3A_1303, %ne3A_1305 : vector<16xi1>
      %ne3A_1307 = vector.broadcast %reduce_min3A_633 : i32 to vector<16xi32>
      %ne3A_1308 = arith.cmpi ne, %get3A_1295, %ne3A_1307 : vector<16xi32>
      %and3A_1309 = arith.andi %and3A_1306, %ne3A_1308 : vector<16xi1>
      %ne3A_1310 = vector.broadcast %reduce_min3A_659 : i32 to vector<16xi32>
      %ne3A_1311 = arith.cmpi ne, %get3A_1295, %ne3A_1310 : vector<16xi32>
      %and3A_1312 = arith.andi %and3A_1309, %ne3A_1311 : vector<16xi1>
      %ne3A_1313 = vector.broadcast %reduce_min3A_685 : i32 to vector<16xi32>
      %ne3A_1314 = arith.cmpi ne, %get3A_1295, %ne3A_1313 : vector<16xi32>
      %and3A_1315 = arith.andi %and3A_1312, %ne3A_1314 : vector<16xi1>
      %ne3A_1316 = vector.broadcast %reduce_min3A_711 : i32 to vector<16xi32>
      %ne3A_1317 = arith.cmpi ne, %get3A_1295, %ne3A_1316 : vector<16xi32>
      %and3A_1318 = arith.andi %and3A_1315, %ne3A_1317 : vector<16xi1>
      %ne3A_1319 = vector.broadcast %reduce_min3A_737 : i32 to vector<16xi32>
      %ne3A_1320 = arith.cmpi ne, %get3A_1295, %ne3A_1319 : vector<16xi32>
      %and3A_1321 = arith.andi %and3A_1318, %ne3A_1320 : vector<16xi1>
      %select_n3A_1322 = arith.select %and3A_1321, %get3A_1291, %while3A_1286 : vector<16xi1>, vector<16xf32>
      %select_n3A_1323 = arith.select %and3A_1321, %get3A_1295, %while3A_1287 : vector<16xi1>, vector<16xi32>
      scf.yield %select_n3A_1322, %select_n3A_1323 : vector<16xf32>, vector<16xi32>
    }
    %while3A_747 = arith.constant 1 : i32
    %while3A_748:2 = scf.for %while3A_1285 = %while3A_744 to %while3A_740 step %while3A_747 iter_args(%while3A_1286 = %while3A_746#0, %while3A_1287 = %while3A_746#1) -> (vector<16xf32>, vector<16xi32>)  : i32 {
      %mul3A_1288 = arith.constant 16 : i32
      %mul3A_1289 = arith.muli %while3A_1285, %mul3A_1288 : i32
      %get3A_1290 = arith.index_cast %mul3A_1289 : i32 to index
      %get3A_1291 = tpu.vector_load %arg7[%get3A_1290] {strides = array<i32>} : memref<4096xf32, #tpu.memory_space<vmem>>, vector<16xf32>,
      %mul3A_1292 = arith.constant 16 : i32
      %mul3A_1293 = arith.muli %while3A_1285, %mul3A_1292 : i32
      %get3A_1294 = arith.index_cast %mul3A_1293 : i32 to index
      %get3A_1295 = tpu.vector_load %arg8[%get3A_1294] {strides = array<i32>} : memref<4096xi32, #tpu.memory_space<vmem>>, vector<16xi32>,
      %gt3A_1296 = arith.cmpf ogt, %get3A_1291, %while3A_1286 : vector<16xf32>
      %eq3A_1297 = arith.cmpf oeq, %get3A_1291, %while3A_1286 : vector<16xf32>
      %lt3A_1298 = arith.cmpi slt, %get3A_1295, %while3A_1287 : vector<16xi32>
      %and3A_1299 = arith.andi %eq3A_1297, %lt3A_1298 : vector<16xi1>
      %or3A_1300 = arith.ori %gt3A_1296, %and3A_1299 : vector<16xi1>
      %ne3A_1301 = vector.broadcast %reduce_min3A_581 : i32 to vector<16xi32>
      %ne3A_1302 = arith.cmpi ne, %get3A_1295, %ne3A_1301 : vector<16xi32>
      %and3A_1303 = arith.andi %or3A_1300, %ne3A_1302 : vector<16xi1>
      %ne3A_1304 = vector.broadcast %reduce_min3A_607 : i32 to vector<16xi32>
      %ne3A_1305 = arith.cmpi ne, %get3A_1295, %ne3A_1304 : vector<16xi32>
      %and3A_1306 = arith.andi %and3A_1303, %ne3A_1305 : vector<16xi1>
      %ne3A_1307 = vector.broadcast %reduce_min3A_633 : i32 to vector<16xi32>
      %ne3A_1308 = arith.cmpi ne, %get3A_1295, %ne3A_1307 : vector<16xi32>
      %and3A_1309 = arith.andi %and3A_1306, %ne3A_1308 : vector<16xi1>
      %ne3A_1310 = vector.broadcast %reduce_min3A_659 : i32 to vector<16xi32>
      %ne3A_1311 = arith.cmpi ne, %get3A_1295, %ne3A_1310 : vector<16xi32>
      %and3A_1312 = arith.andi %and3A_1309, %ne3A_1311 : vector<16xi1>
      %ne3A_1313 = vector.broadcast %reduce_min3A_685 : i32 to vector<16xi32>
      %ne3A_1314 = arith.cmpi ne, %get3A_1295, %ne3A_1313 : vector<16xi32>
      %and3A_1315 = arith.andi %and3A_1312, %ne3A_1314 : vector<16xi1>
      %ne3A_1316 = vector.broadcast %reduce_min3A_711 : i32 to vector<16xi32>
      %ne3A_1317 = arith.cmpi ne, %get3A_1295, %ne3A_1316 : vector<16xi32>
      %and3A_1318 = arith.andi %and3A_1315, %ne3A_1317 : vector<16xi1>
      %ne3A_1319 = vector.broadcast %reduce_min3A_737 : i32 to vector<16xi32>
      %ne3A_1320 = arith.cmpi ne, %get3A_1295, %ne3A_1319 : vector<16xi32>
      %and3A_1321 = arith.andi %and3A_1318, %ne3A_1320 : vector<16xi1>
      %select_n3A_1322 = arith.select %and3A_1321, %get3A_1291, %while3A_1286 : vector<16xi1>, vector<16xf32>
      %select_n3A_1323 = arith.select %and3A_1321, %get3A_1295, %while3A_1287 : vector<16xi1>, vector<16xi32>
      scf.yield %select_n3A_1322, %select_n3A_1323 : vector<16xf32>, vector<16xi32>
    }
    %reduce_max3A_749 = arith.constant true
    %reduce_max3A_750 = vector.broadcast %reduce_max3A_749 : i1 to vector<16xi1>
    %reduce_max3A_751 = tpu.scan <max>, %while3A_748#0 masked %reduce_max3A_750 : vector<16xf32>, vector<16xi1> -> vector<16xf32>
    %reduce_max3A_752 = vector.extract %reduce_max3A_751[15] : f32 from vector<16xf32>
    %eq3A_753 = vector.broadcast %reduce_max3A_752 : f32 to vector<16xf32>
    %eq3A_754 = arith.cmpf oeq, %while3A_748#0, %eq3A_753 : vector<16xf32>
    %select_n3A_755 = arith.select %eq3A_754, %while3A_748#1, %broadcast_in_dim3A_97 : vector<16xi1>, vector<16xi32>
    %reduce_min3A_756 = arith.constant true
    %reduce_min3A_757 = vector.broadcast %reduce_min3A_756 : i1 to vector<16xi1>
    %reduce_min3A_758 = arith.constant -2147483648 : i32
    %reduce_min3A_759 = vector.broadcast %reduce_min3A_758 : i32 to vector<16xi32>
    %reduce_min3A_760 = arith.xori %select_n3A_755, %reduce_min3A_759 : vector<16xi32>
    %reduce_min3A_761 = tpu.scan <min>, %reduce_min3A_760 masked %reduce_min3A_757 : vector<16xi32>, vector<16xi1> -> vector<16xi32>
    %reduce_min3A_762 = arith.xori %reduce_min3A_761, %reduce_min3A_759 : vector<16xi32>
    %reduce_min3A_763 = vector.extract %reduce_min3A_762[15] : i32 from vector<16xi32>
    %broadcast_in_dim3A_764 = arith.constant 0 : i32
    %broadcast_in_dim3A_765 = vector.broadcast %broadcast_in_dim3A_764 : i32 to vector<16xi32>
    %eq3A_766 = arith.constant 0 : i32
    %eq3A_767 = vector.broadcast %eq3A_766 : i32 to vector<16xi32>
    %eq3A_768 = arith.cmpi eq, %iota3A, %eq3A_767 : vector<16xi32>
    %broadcast_in_dim3A_769 = vector.broadcast %reduce_max3A_571 : f32 to vector<16xf32>
    %select_n3A_770 = arith.select %eq3A_768, %broadcast_in_dim3A_769, %broadcast_in_dim3A_95 : vector<16xi1>, vector<16xf32>
    %broadcast_in_dim3A_771 = vector.broadcast %reduce_min3A_581 : i32 to vector<16xi32>
    %select_n3A_772 = arith.select %eq3A_768, %broadcast_in_dim3A_771, %broadcast_in_dim3A_765 : vector<16xi1>, vector<16xi32>
    %eq3A_773 = arith.constant 1 : i32
    %eq3A_774 = vector.broadcast %eq3A_773 : i32 to vector<16xi32>
    %eq3A_775 = arith.cmpi eq, %iota3A, %eq3A_774 : vector<16xi32>
    %broadcast_in_dim3A_776 = vector.broadcast %reduce_max3A_596 : f32 to vector<16xf32>
    %select_n3A_777 = arith.select %eq3A_775, %broadcast_in_dim3A_776, %select_n3A_770 : vector<16xi1>, vector<16xf32>
    %broadcast_in_dim3A_778 = vector.broadcast %reduce_min3A_607 : i32 to vector<16xi32>
    %select_n3A_779 = arith.select %eq3A_775, %broadcast_in_dim3A_778, %select_n3A_772 : vector<16xi1>, vector<16xi32>
    %eq3A_780 = arith.constant 2 : i32
    %eq3A_781 = vector.broadcast %eq3A_780 : i32 to vector<16xi32>
    %eq3A_782 = arith.cmpi eq, %iota3A, %eq3A_781 : vector<16xi32>
    %broadcast_in_dim3A_783 = vector.broadcast %reduce_max3A_622 : f32 to vector<16xf32>
    %select_n3A_784 = arith.select %eq3A_782, %broadcast_in_dim3A_783, %select_n3A_777 : vector<16xi1>, vector<16xf32>
    %broadcast_in_dim3A_785 = vector.broadcast %reduce_min3A_633 : i32 to vector<16xi32>
    %select_n3A_786 = arith.select %eq3A_782, %broadcast_in_dim3A_785, %select_n3A_779 : vector<16xi1>, vector<16xi32>
    %eq3A_787 = arith.constant 3 : i32
    %eq3A_788 = vector.broadcast %eq3A_787 : i32 to vector<16xi32>
    %eq3A_789 = arith.cmpi eq, %iota3A, %eq3A_788 : vector<16xi32>
    %broadcast_in_dim3A_790 = vector.broadcast %reduce_max3A_648 : f32 to vector<16xf32>
    %select_n3A_791 = arith.select %eq3A_789, %broadcast_in_dim3A_790, %select_n3A_784 : vector<16xi1>, vector<16xf32>
    %broadcast_in_dim3A_792 = vector.broadcast %reduce_min3A_659 : i32 to vector<16xi32>
    %select_n3A_793 = arith.select %eq3A_789, %broadcast_in_dim3A_792, %select_n3A_786 : vector<16xi1>, vector<16xi32>
    %eq3A_794 = arith.constant 4 : i32
    %eq3A_795 = vector.broadcast %eq3A_794 : i32 to vector<16xi32>
    %eq3A_796 = arith.cmpi eq, %iota3A, %eq3A_795 : vector<16xi32>
    %broadcast_in_dim3A_797 = vector.broadcast %reduce_max3A_674 : f32 to vector<16xf32>
    %select_n3A_798 = arith.select %eq3A_796, %broadcast_in_dim3A_797, %select_n3A_791 : vector<16xi1>, vector<16xf32>
    %broadcast_in_dim3A_799 = vector.broadcast %reduce_min3A_685 : i32 to vector<16xi32>
    %select_n3A_800 = arith.select %eq3A_796, %broadcast_in_dim3A_799, %select_n3A_793 : vector<16xi1>, vector<16xi32>
    %eq3A_801 = arith.constant 5 : i32
    %eq3A_802 = vector.broadcast %eq3A_801 : i32 to vector<16xi32>
    %eq3A_803 = arith.cmpi eq, %iota3A, %eq3A_802 : vector<16xi32>
    %broadcast_in_dim3A_804 = vector.broadcast %reduce_max3A_700 : f32 to vector<16xf32>
    %select_n3A_805 = arith.select %eq3A_803, %broadcast_in_dim3A_804, %select_n3A_798 : vector<16xi1>, vector<16xf32>
    %broadcast_in_dim3A_806 = vector.broadcast %reduce_min3A_711 : i32 to vector<16xi32>
    %select_n3A_807 = arith.select %eq3A_803, %broadcast_in_dim3A_806, %select_n3A_800 : vector<16xi1>, vector<16xi32>
    %eq3A_808 = arith.constant 6 : i32
    %eq3A_809 = vector.broadcast %eq3A_808 : i32 to vector<16xi32>
    %eq3A_810 = arith.cmpi eq, %iota3A, %eq3A_809 : vector<16xi32>
    %broadcast_in_dim3A_811 = vector.broadcast %reduce_max3A_726 : f32 to vector<16xf32>
    %select_n3A_812 = arith.select %eq3A_810, %broadcast_in_dim3A_811, %select_n3A_805 : vector<16xi1>, vector<16xf32>
    %broadcast_in_dim3A_813 = vector.broadcast %reduce_min3A_737 : i32 to vector<16xi32>
    %select_n3A_814 = arith.select %eq3A_810, %broadcast_in_dim3A_813, %select_n3A_807 : vector<16xi1>, vector<16xi32>
    %eq3A_815 = arith.constant 7 : i32
    %eq3A_816 = vector.broadcast %eq3A_815 : i32 to vector<16xi32>
    %eq3A_817 = arith.cmpi eq, %iota3A, %eq3A_816 : vector<16xi32>
    %broadcast_in_dim3A_818 = vector.broadcast %reduce_max3A_752 : f32 to vector<16xf32>
    %select_n3A_819 = arith.select %eq3A_817, %broadcast_in_dim3A_818, %select_n3A_812 : vector<16xi1>, vector<16xf32>
    %broadcast_in_dim3A_820 = vector.broadcast %reduce_min3A_763 : i32 to vector<16xi32>
    %select_n3A_821 = arith.select %eq3A_817, %broadcast_in_dim3A_820, %select_n3A_814 : vector<16xi1>, vector<16xi32>
    %mul3A_822 = arith.constant 5.000000e-01 : f32
    %mul3A_823 = vector.broadcast %mul3A_822 : f32 to vector<16xf32>
    %mul3A_824 = arith.mulf %select_n3A_819, %mul3A_823 : vector<16xf32>
    %exp3A_825 = math.exp %mul3A_824 : vector<16xf32>
    %broadcast_in_dim3A_826 = arith.constant true
    %broadcast_in_dim3A_827 = vector.broadcast %broadcast_in_dim3A_826 : i1 to vector<16xi1>
    %masked_cumsum3A = tpu.scan <sum>, %exp3A_825 masked %broadcast_in_dim3A_827 : vector<16xf32>, vector<16xi1> -> vector<16xf32>
    %sub3A_828 = arith.subf %masked_cumsum3A, %exp3A_825 : vector<16xf32>
    %sub3A_829 = vector.broadcast %reduce_sum3A_526 : f32 to vector<16xf32>
    %sub3A_830 = arith.subf %sub3A_829, %sub3A_828 : vector<16xf32>
    %div3A_831 = arith.divf %exp3A_825, %sub3A_830 : vector<16xf32>
    %dma_wait3A_832 = arith.constant 0 : i32
    %dma_wait3A_833 = tpu.memref_slice %arg4[%add3A, %dma_wait3A_832] : memref<32x100096xf32, #tpu.memory_space<hbm>> -> memref<1x100096xf32, #tpu.memory_space<hbm>>
    %dma_wait3A_834 = tpu.memref_squeeze %dma_wait3A_833 : memref<1x100096xf32, #tpu.memory_space<hbm>> -> memref<100096xf32, #tpu.memory_space<hbm>>
    %dma_wait3A_835 = arith.constant 0 : i32
    %dma_wait3A_836 = tpu.memref_slice %dma_wait3A_834[%dma_wait3A_835] : memref<100096xf32, #tpu.memory_space<hbm>> -> memref<12800xf32, #tpu.memory_space<hbm>>
    %dma_wait3A_837 = arith.constant 0 : i32
    %dma_wait3A_838 = tpu.memref_slice %arg4[%add3A, %dma_wait3A_837] : memref<32x100096xf32, #tpu.memory_space<hbm>> -> memref<1x100096xf32, #tpu.memory_space<hbm>>
    %dma_wait3A_839 = tpu.memref_squeeze %dma_wait3A_838 : memref<1x100096xf32, #tpu.memory_space<hbm>> -> memref<100096xf32, #tpu.memory_space<hbm>>
    %dma_wait3A_840 = arith.constant 0 : i32
    %dma_wait3A_841 = tpu.memref_slice %dma_wait3A_839[%dma_wait3A_840] : memref<100096xf32, #tpu.memory_space<hbm>> -> memref<12800xf32, #tpu.memory_space<hbm>>
    tpu.wait_dma2 semaphore(%arg13 : memref<!tpu.dma_semaphore, #tpu.memory_space<semaphore_mem>>) src(%arg6 : memref<12800xf32, #tpu.memory_space<vmem>>) dst(%dma_wait3A_841 : memref<12800xf32, #tpu.memory_space<hbm>>)
    %dma_wait3A_842 = arith.constant 0 : i32
    %dma_wait3A_843 = tpu.memref_slice %arg4[%add3A, %dma_wait3A_842] : memref<32x100096xf32, #tpu.memory_space<hbm>> -> memref<1x100096xf32, #tpu.memory_space<hbm>>
    %dma_wait3A_844 = tpu.memref_squeeze %dma_wait3A_843 : memref<1x100096xf32, #tpu.memory_space<hbm>> -> memref<100096xf32, #tpu.memory_space<hbm>>
    %dma_wait3A_845 = arith.constant 12800 : i32
    %dma_wait3A_846 = tpu.memref_slice %dma_wait3A_844[%dma_wait3A_845] : memref<100096xf32, #tpu.memory_space<hbm>> -> memref<12800xf32, #tpu.memory_space<hbm>>
    %dma_wait3A_847 = arith.constant 0 : i32
    %dma_wait3A_848 = tpu.memref_slice %arg4[%add3A, %dma_wait3A_847] : memref<32x100096xf32, #tpu.memory_space<hbm>> -> memref<1x100096xf32, #tpu.memory_space<hbm>>
    %dma_wait3A_849 = tpu.memref_squeeze %dma_wait3A_848 : memref<1x100096xf32, #tpu.memory_space<hbm>> -> memref<100096xf32, #tpu.memory_space<hbm>>
    %dma_wait3A_850 = arith.constant 12800 : i32
    %dma_wait3A_851 = tpu.memref_slice %dma_wait3A_849[%dma_wait3A_850] : memref<100096xf32, #tpu.memory_space<hbm>> -> memref<12800xf32, #tpu.memory_space<hbm>>
    tpu.wait_dma2 semaphore(%arg13 : memref<!tpu.dma_semaphore, #tpu.memory_space<semaphore_mem>>) src(%arg6 : memref<12800xf32, #tpu.memory_space<vmem>>) dst(%dma_wait3A_851 : memref<12800xf32, #tpu.memory_space<hbm>>)
    %dma_wait3A_852 = arith.constant 0 : i32
    %dma_wait3A_853 = tpu.memref_slice %arg4[%add3A, %dma_wait3A_852] : memref<32x100096xf32, #tpu.memory_space<hbm>> -> memref<1x100096xf32, #tpu.memory_space<hbm>>
    %dma_wait3A_854 = tpu.memref_squeeze %dma_wait3A_853 : memref<1x100096xf32, #tpu.memory_space<hbm>> -> memref<100096xf32, #tpu.memory_space<hbm>>
    %dma_wait3A_855 = arith.constant 25600 : i32
    %dma_wait3A_856 = tpu.memref_slice %dma_wait3A_854[%dma_wait3A_855] : memref<100096xf32, #tpu.memory_space<hbm>> -> memref<12800xf32, #tpu.memory_space<hbm>>
    %dma_wait3A_857 = arith.constant 0 : i32
    %dma_wait3A_858 = tpu.memref_slice %arg4[%add3A, %dma_wait3A_857] : memref<32x100096xf32, #tpu.memory_space<hbm>> -> memref<1x100096xf32, #tpu.memory_space<hbm>>
    %dma_wait3A_859 = tpu.memref_squeeze %dma_wait3A_858 : memref<1x100096xf32, #tpu.memory_space<hbm>> -> memref<100096xf32, #tpu.memory_space<hbm>>
    %dma_wait3A_860 = arith.constant 25600 : i32
    %dma_wait3A_861 = tpu.memref_slice %dma_wait3A_859[%dma_wait3A_860] : memref<100096xf32, #tpu.memory_space<hbm>> -> memref<12800xf32, #tpu.memory_space<hbm>>
    tpu.wait_dma2 semaphore(%arg13 : memref<!tpu.dma_semaphore, #tpu.memory_space<semaphore_mem>>) src(%arg6 : memref<12800xf32, #tpu.memory_space<vmem>>) dst(%dma_wait3A_861 : memref<12800xf32, #tpu.memory_space<hbm>>)
    %dma_wait3A_862 = arith.constant 0 : i32
    %dma_wait3A_863 = tpu.memref_slice %arg4[%add3A, %dma_wait3A_862] : memref<32x100096xf32, #tpu.memory_space<hbm>> -> memref<1x100096xf32, #tpu.memory_space<hbm>>
    %dma_wait3A_864 = tpu.memref_squeeze %dma_wait3A_863 : memref<1x100096xf32, #tpu.memory_space<hbm>> -> memref<100096xf32, #tpu.memory_space<hbm>>
    %dma_wait3A_865 = arith.constant 38400 : i32
    %dma_wait3A_866 = tpu.memref_slice %dma_wait3A_864[%dma_wait3A_865] : memref<100096xf32, #tpu.memory_space<hbm>> -> memref<12800xf32, #tpu.memory_space<hbm>>
    %dma_wait3A_867 = arith.constant 0 : i32
    %dma_wait3A_868 = tpu.memref_slice %arg4[%add3A, %dma_wait3A_867] : memref<32x100096xf32, #tpu.memory_space<hbm>> -> memref<1x100096xf32, #tpu.memory_space<hbm>>
    %dma_wait3A_869 = tpu.memref_squeeze %dma_wait3A_868 : memref<1x100096xf32, #tpu.memory_space<hbm>> -> memref<100096xf32, #tpu.memory_space<hbm>>
    %dma_wait3A_870 = arith.constant 38400 : i32
    %dma_wait3A_871 = tpu.memref_slice %dma_wait3A_869[%dma_wait3A_870] : memref<100096xf32, #tpu.memory_space<hbm>> -> memref<12800xf32, #tpu.memory_space<hbm>>
    tpu.wait_dma2 semaphore(%arg13 : memref<!tpu.dma_semaphore, #tpu.memory_space<semaphore_mem>>) src(%arg6 : memref<12800xf32, #tpu.memory_space<vmem>>) dst(%dma_wait3A_871 : memref<12800xf32, #tpu.memory_space<hbm>>)
    %dma_wait3A_872 = arith.constant 0 : i32
    %dma_wait3A_873 = tpu.memref_slice %arg4[%add3A, %dma_wait3A_872] : memref<32x100096xf32, #tpu.memory_space<hbm>> -> memref<1x100096xf32, #tpu.memory_space<hbm>>
    %dma_wait3A_874 = tpu.memref_squeeze %dma_wait3A_873 : memref<1x100096xf32, #tpu.memory_space<hbm>> -> memref<100096xf32, #tpu.memory_space<hbm>>
    %dma_wait3A_875 = arith.constant 51200 : i32
    %dma_wait3A_876 = tpu.memref_slice %dma_wait3A_874[%dma_wait3A_875] : memref<100096xf32, #tpu.memory_space<hbm>> -> memref<12800xf32, #tpu.memory_space<hbm>>
    %dma_wait3A_877 = arith.constant 0 : i32
    %dma_wait3A_878 = tpu.memref_slice %arg4[%add3A, %dma_wait3A_877] : memref<32x100096xf32, #tpu.memory_space<hbm>> -> memref<1x100096xf32, #tpu.memory_space<hbm>>
    %dma_wait3A_879 = tpu.memref_squeeze %dma_wait3A_878 : memref<1x100096xf32, #tpu.memory_space<hbm>> -> memref<100096xf32, #tpu.memory_space<hbm>>
    %dma_wait3A_880 = arith.constant 51200 : i32
    %dma_wait3A_881 = tpu.memref_slice %dma_wait3A_879[%dma_wait3A_880] : memref<100096xf32, #tpu.memory_space<hbm>> -> memref<12800xf32, #tpu.memory_space<hbm>>
    tpu.wait_dma2 semaphore(%arg13 : memref<!tpu.dma_semaphore, #tpu.memory_space<semaphore_mem>>) src(%arg6 : memref<12800xf32, #tpu.memory_space<vmem>>) dst(%dma_wait3A_881 : memref<12800xf32, #tpu.memory_space<hbm>>)
    %dma_wait3A_882 = arith.constant 0 : i32
    %dma_wait3A_883 = tpu.memref_slice %arg4[%add3A, %dma_wait3A_882] : memref<32x100096xf32, #tpu.memory_space<hbm>> -> memref<1x100096xf32, #tpu.memory_space<hbm>>
    %dma_wait3A_884 = tpu.memref_squeeze %dma_wait3A_883 : memref<1x100096xf32, #tpu.memory_space<hbm>> -> memref<100096xf32, #tpu.memory_space<hbm>>
    %dma_wait3A_885 = arith.constant 64000 : i32
    %dma_wait3A_886 = tpu.memref_slice %dma_wait3A_884[%dma_wait3A_885] : memref<100096xf32, #tpu.memory_space<hbm>> -> memref<12800xf32, #tpu.memory_space<hbm>>
    %dma_wait3A_887 = arith.constant 0 : i32
    %dma_wait3A_888 = tpu.memref_slice %arg4[%add3A, %dma_wait3A_887] : memref<32x100096xf32, #tpu.memory_space<hbm>> -> memref<1x100096xf32, #tpu.memory_space<hbm>>
    %dma_wait3A_889 = tpu.memref_squeeze %dma_wait3A_888 : memref<1x100096xf32, #tpu.memory_space<hbm>> -> memref<100096xf32, #tpu.memory_space<hbm>>
    %dma_wait3A_890 = arith.constant 64000 : i32
    %dma_wait3A_891 = tpu.memref_slice %dma_wait3A_889[%dma_wait3A_890] : memref<100096xf32, #tpu.memory_space<hbm>> -> memref<12800xf32, #tpu.memory_space<hbm>>
    tpu.wait_dma2 semaphore(%arg13 : memref<!tpu.dma_semaphore, #tpu.memory_space<semaphore_mem>>) src(%arg6 : memref<12800xf32, #tpu.memory_space<vmem>>) dst(%dma_wait3A_891 : memref<12800xf32, #tpu.memory_space<hbm>>)
    %dma_wait3A_892 = arith.constant 0 : i32
    %dma_wait3A_893 = tpu.memref_slice %arg4[%add3A, %dma_wait3A_892] : memref<32x100096xf32, #tpu.memory_space<hbm>> -> memref<1x100096xf32, #tpu.memory_space<hbm>>
    %dma_wait3A_894 = tpu.memref_squeeze %dma_wait3A_893 : memref<1x100096xf32, #tpu.memory_space<hbm>> -> memref<100096xf32, #tpu.memory_space<hbm>>
    %dma_wait3A_895 = arith.constant 76800 : i32
    %dma_wait3A_896 = tpu.memref_slice %dma_wait3A_894[%dma_wait3A_895] : memref<100096xf32, #tpu.memory_space<hbm>> -> memref<12800xf32, #tpu.memory_space<hbm>>
    %dma_wait3A_897 = arith.constant 0 : i32
    %dma_wait3A_898 = tpu.memref_slice %arg4[%add3A, %dma_wait3A_897] : memref<32x100096xf32, #tpu.memory_space<hbm>> -> memref<1x100096xf32, #tpu.memory_space<hbm>>
    %dma_wait3A_899 = tpu.memref_squeeze %dma_wait3A_898 : memref<1x100096xf32, #tpu.memory_space<hbm>> -> memref<100096xf32, #tpu.memory_space<hbm>>
    %dma_wait3A_900 = arith.constant 76800 : i32
    %dma_wait3A_901 = tpu.memref_slice %dma_wait3A_899[%dma_wait3A_900] : memref<100096xf32, #tpu.memory_space<hbm>> -> memref<12800xf32, #tpu.memory_space<hbm>>
    tpu.wait_dma2 semaphore(%arg13 : memref<!tpu.dma_semaphore, #tpu.memory_space<semaphore_mem>>) src(%arg6 : memref<12800xf32, #tpu.memory_space<vmem>>) dst(%dma_wait3A_901 : memref<12800xf32, #tpu.memory_space<hbm>>)
    %dma_wait3A_902 = arith.constant 0 : i32
    %dma_wait3A_903 = tpu.memref_slice %arg6[%dma_wait3A_902] : memref<12800xf32, #tpu.memory_space<vmem>> -> memref<10496xf32, #tpu.memory_space<vmem>>
    %dma_wait3A_904 = arith.constant 0 : i32
    %dma_wait3A_905 = tpu.memref_slice %arg4[%add3A, %dma_wait3A_904] : memref<32x100096xf32, #tpu.memory_space<hbm>> -> memref<1x100096xf32, #tpu.memory_space<hbm>>
    %dma_wait3A_906 = tpu.memref_squeeze %dma_wait3A_905 : memref<1x100096xf32, #tpu.memory_space<hbm>> -> memref<100096xf32, #tpu.memory_space<hbm>>
    %dma_wait3A_907 = arith.constant 89600 : i32
    %dma_wait3A_908 = tpu.memref_slice %dma_wait3A_906[%dma_wait3A_907] : memref<100096xf32, #tpu.memory_space<hbm>> -> memref<10496xf32, #tpu.memory_space<hbm>>
    %dma_wait3A_909 = arith.constant 0 : i32
    %dma_wait3A_910 = tpu.memref_slice %arg4[%add3A, %dma_wait3A_909] : memref<32x100096xf32, #tpu.memory_space<hbm>> -> memref<1x100096xf32, #tpu.memory_space<hbm>>
    %dma_wait3A_911 = tpu.memref_squeeze %dma_wait3A_910 : memref<1x100096xf32, #tpu.memory_space<hbm>> -> memref<100096xf32, #tpu.memory_space<hbm>>
    %dma_wait3A_912 = arith.constant 89600 : i32
    %dma_wait3A_913 = tpu.memref_slice %dma_wait3A_911[%dma_wait3A_912] : memref<100096xf32, #tpu.memory_space<hbm>> -> memref<10496xf32, #tpu.memory_space<hbm>>
    %dma_wait3A_914 = arith.constant 0 : i32
    %dma_wait3A_915 = tpu.memref_slice %arg6[%dma_wait3A_914] : memref<12800xf32, #tpu.memory_space<vmem>> -> memref<10496xf32, #tpu.memory_space<vmem>>
    tpu.wait_dma2 semaphore(%arg13 : memref<!tpu.dma_semaphore, #tpu.memory_space<semaphore_mem>>) src(%dma_wait3A_915 : memref<10496xf32, #tpu.memory_space<vmem>>) dst(%dma_wait3A_913 : memref<10496xf32, #tpu.memory_space<hbm>>)
    %lt3A = arith.constant 8 : i32
    %lt3A_916 = vector.broadcast %lt3A : i32 to vector<16xi32>
    %lt3A_917 = arith.cmpi slt, %iota3A, %lt3A_916 : vector<16xi32>
    %and3A_918 = arith.constant -128 : i32
    %and3A_919 = arith.andi %reduce_min3A_581, %and3A_918 : i32
    %sub3A_920 = vector.broadcast %and3A_919 : i32 to vector<16xi32>
    %sub3A_921 = arith.subi %select_n3A_821, %sub3A_920 : vector<16xi32>
    %ge3A_922 = arith.constant 0 : i32
    %ge3A_923 = vector.broadcast %ge3A_922 : i32 to vector<16xi32>
    %ge3A_924 = arith.cmpi sge, %sub3A_921, %ge3A_923 : vector<16xi32>
    %and3A_925 = arith.andi %lt3A_917, %ge3A_924 : vector<16xi1>
    %lt3A_926 = arith.constant 128 : i32
    %lt3A_927 = vector.broadcast %lt3A_926 : i32 to vector<16xi32>
    %lt3A_928 = arith.cmpi slt, %sub3A_921, %lt3A_927 : vector<16xi32>
    %and3A_929 = arith.andi %and3A_925, %lt3A_928 : vector<16xi1>
    %max3A_930 = arith.constant 0 : i32
    %max3A_931 = vector.broadcast %max3A_930 : i32 to vector<16xi32>
    %max3A_932 = arith.maxsi %sub3A_921, %max3A_931 : vector<16xi32>
    %min3A = arith.constant 127 : i32
    %min3A_933 = vector.broadcast %min3A : i32 to vector<16xi32>
    %min3A_934 = arith.minsi %max3A_932, %min3A_933 : vector<16xi32>
    %add3A_935 = arith.constant 0 : i32
    %add3A_936 = vector.broadcast %add3A_935 : i32 to vector<16xi32>
    %add3A_937 = arith.addi %add3A_936, %min3A_934 : vector<16xi32>
    tpu.vector_store_idx %arg9[%add3A_937], %div3A_831 masked %and3A_929 : memref<1024xf32, #tpu.memory_space<vmem>>[vector<16xi32>], vector<16xf32>, vector<16xi1>
    %multiple_of3A_938 = tpu.assume_multiple %and3A_919, 128 : i32
    %dma_start3A_939 = arith.constant 0 : i32
    %dma_start3A_940 = tpu.memref_slice %arg9[%dma_start3A_939] : memref<1024xf32, #tpu.memory_space<vmem>> -> memref<128xf32, #tpu.memory_space<vmem>>
    %dma_start3A_941 = arith.constant 0 : i32
    %dma_start3A_942 = tpu.memref_slice %arg4[%add3A, %dma_start3A_941] : memref<32x100096xf32, #tpu.memory_space<hbm>> -> memref<1x100096xf32, #tpu.memory_space<hbm>>
    %dma_start3A_943 = tpu.memref_squeeze %dma_start3A_942 : memref<1x100096xf32, #tpu.memory_space<hbm>> -> memref<100096xf32, #tpu.memory_space<hbm>>
    %dma_start3A_944 = tpu.memref_slice %dma_start3A_943[%multiple_of3A_938] : memref<100096xf32, #tpu.memory_space<hbm>> -> memref<128xf32, #tpu.memory_space<hbm>>
    %dma_start3A_945 = arith.constant 0 : i32
    %dma_start3A_946 = tpu.memref_slice %arg4[%add3A, %dma_start3A_945] : memref<32x100096xf32, #tpu.memory_space<hbm>> -> memref<1x100096xf32, #tpu.memory_space<hbm>>
    %dma_start3A_947 = tpu.memref_squeeze %dma_start3A_946 : memref<1x100096xf32, #tpu.memory_space<hbm>> -> memref<100096xf32, #tpu.memory_space<hbm>>
    %dma_start3A_948 = tpu.memref_slice %dma_start3A_947[%multiple_of3A_938] : memref<100096xf32, #tpu.memory_space<hbm>> -> memref<128xf32, #tpu.memory_space<hbm>>
    %dma_start3A_949 = arith.constant 0 : i32
    %dma_start3A_950 = tpu.memref_slice %arg9[%dma_start3A_949] : memref<1024xf32, #tpu.memory_space<vmem>> -> memref<128xf32, #tpu.memory_space<vmem>>
    tpu.enqueue_dma source(%dma_start3A_950 : memref<128xf32, #tpu.memory_space<vmem>>) target(%dma_start3A_948 : memref<128xf32, #tpu.memory_space<hbm>>) target_semaphore(%arg14 : memref<!tpu.dma_semaphore, #tpu.memory_space<semaphore_mem>>)
    %and3A_951 = arith.constant -128 : i32
    %and3A_952 = arith.andi %reduce_min3A_607, %and3A_951 : i32
    %sub3A_953 = vector.broadcast %and3A_952 : i32 to vector<16xi32>
    %sub3A_954 = arith.subi %select_n3A_821, %sub3A_953 : vector<16xi32>
    %ge3A_955 = arith.constant 0 : i32
    %ge3A_956 = vector.broadcast %ge3A_955 : i32 to vector<16xi32>
    %ge3A_957 = arith.cmpi sge, %sub3A_954, %ge3A_956 : vector<16xi32>
    %and3A_958 = arith.andi %lt3A_917, %ge3A_957 : vector<16xi1>
    %lt3A_959 = arith.constant 128 : i32
    %lt3A_960 = vector.broadcast %lt3A_959 : i32 to vector<16xi32>
    %lt3A_961 = arith.cmpi slt, %sub3A_954, %lt3A_960 : vector<16xi32>
    %and3A_962 = arith.andi %and3A_958, %lt3A_961 : vector<16xi1>
    %max3A_963 = arith.constant 0 : i32
    %max3A_964 = vector.broadcast %max3A_963 : i32 to vector<16xi32>
    %max3A_965 = arith.maxsi %sub3A_954, %max3A_964 : vector<16xi32>
    %min3A_966 = arith.constant 127 : i32
    %min3A_967 = vector.broadcast %min3A_966 : i32 to vector<16xi32>
    %min3A_968 = arith.minsi %max3A_965, %min3A_967 : vector<16xi32>
    %add3A_969 = arith.constant 128 : i32
    %add3A_970 = vector.broadcast %add3A_969 : i32 to vector<16xi32>
    %add3A_971 = arith.addi %add3A_970, %min3A_968 : vector<16xi32>
    tpu.vector_store_idx %arg9[%add3A_971], %div3A_831 masked %and3A_962 : memref<1024xf32, #tpu.memory_space<vmem>>[vector<16xi32>], vector<16xf32>, vector<16xi1>
    %multiple_of3A_972 = tpu.assume_multiple %and3A_952, 128 : i32
    %dma_start3A_973 = arith.constant 128 : i32
    %dma_start3A_974 = tpu.memref_slice %arg9[%dma_start3A_973] : memref<1024xf32, #tpu.memory_space<vmem>> -> memref<128xf32, #tpu.memory_space<vmem>>
    %dma_start3A_975 = arith.constant 0 : i32
    %dma_start3A_976 = tpu.memref_slice %arg4[%add3A, %dma_start3A_975] : memref<32x100096xf32, #tpu.memory_space<hbm>> -> memref<1x100096xf32, #tpu.memory_space<hbm>>
    %dma_start3A_977 = tpu.memref_squeeze %dma_start3A_976 : memref<1x100096xf32, #tpu.memory_space<hbm>> -> memref<100096xf32, #tpu.memory_space<hbm>>
    %dma_start3A_978 = tpu.memref_slice %dma_start3A_977[%multiple_of3A_972] : memref<100096xf32, #tpu.memory_space<hbm>> -> memref<128xf32, #tpu.memory_space<hbm>>
    %dma_start3A_979 = arith.constant 0 : i32
    %dma_start3A_980 = tpu.memref_slice %arg4[%add3A, %dma_start3A_979] : memref<32x100096xf32, #tpu.memory_space<hbm>> -> memref<1x100096xf32, #tpu.memory_space<hbm>>
    %dma_start3A_981 = tpu.memref_squeeze %dma_start3A_980 : memref<1x100096xf32, #tpu.memory_space<hbm>> -> memref<100096xf32, #tpu.memory_space<hbm>>
    %dma_start3A_982 = tpu.memref_slice %dma_start3A_981[%multiple_of3A_972] : memref<100096xf32, #tpu.memory_space<hbm>> -> memref<128xf32, #tpu.memory_space<hbm>>
    %dma_start3A_983 = arith.constant 128 : i32
    %dma_start3A_984 = tpu.memref_slice %arg9[%dma_start3A_983] : memref<1024xf32, #tpu.memory_space<vmem>> -> memref<128xf32, #tpu.memory_space<vmem>>
    tpu.enqueue_dma source(%dma_start3A_984 : memref<128xf32, #tpu.memory_space<vmem>>) target(%dma_start3A_982 : memref<128xf32, #tpu.memory_space<hbm>>) target_semaphore(%arg14 : memref<!tpu.dma_semaphore, #tpu.memory_space<semaphore_mem>>)
    %and3A_985 = arith.constant -128 : i32
    %and3A_986 = arith.andi %reduce_min3A_633, %and3A_985 : i32
    %sub3A_987 = vector.broadcast %and3A_986 : i32 to vector<16xi32>
    %sub3A_988 = arith.subi %select_n3A_821, %sub3A_987 : vector<16xi32>
    %ge3A_989 = arith.constant 0 : i32
    %ge3A_990 = vector.broadcast %ge3A_989 : i32 to vector<16xi32>
    %ge3A_991 = arith.cmpi sge, %sub3A_988, %ge3A_990 : vector<16xi32>
    %and3A_992 = arith.andi %lt3A_917, %ge3A_991 : vector<16xi1>
    %lt3A_993 = arith.constant 128 : i32
    %lt3A_994 = vector.broadcast %lt3A_993 : i32 to vector<16xi32>
    %lt3A_995 = arith.cmpi slt, %sub3A_988, %lt3A_994 : vector<16xi32>
    %and3A_996 = arith.andi %and3A_992, %lt3A_995 : vector<16xi1>
    %max3A_997 = arith.constant 0 : i32
    %max3A_998 = vector.broadcast %max3A_997 : i32 to vector<16xi32>
    %max3A_999 = arith.maxsi %sub3A_988, %max3A_998 : vector<16xi32>
    %min3A_1000 = arith.constant 127 : i32
    %min3A_1001 = vector.broadcast %min3A_1000 : i32 to vector<16xi32>
    %min3A_1002 = arith.minsi %max3A_999, %min3A_1001 : vector<16xi32>
    %add3A_1003 = arith.constant 256 : i32
    %add3A_1004 = vector.broadcast %add3A_1003 : i32 to vector<16xi32>
    %add3A_1005 = arith.addi %add3A_1004, %min3A_1002 : vector<16xi32>
    tpu.vector_store_idx %arg9[%add3A_1005], %div3A_831 masked %and3A_996 : memref<1024xf32, #tpu.memory_space<vmem>>[vector<16xi32>], vector<16xf32>, vector<16xi1>
    %multiple_of3A_1006 = tpu.assume_multiple %and3A_986, 128 : i32
    %dma_start3A_1007 = arith.constant 256 : i32
    %dma_start3A_1008 = tpu.memref_slice %arg9[%dma_start3A_1007] : memref<1024xf32, #tpu.memory_space<vmem>> -> memref<128xf32, #tpu.memory_space<vmem>>
    %dma_start3A_1009 = arith.constant 0 : i32
    %dma_start3A_1010 = tpu.memref_slice %arg4[%add3A, %dma_start3A_1009] : memref<32x100096xf32, #tpu.memory_space<hbm>> -> memref<1x100096xf32, #tpu.memory_space<hbm>>
    %dma_start3A_1011 = tpu.memref_squeeze %dma_start3A_1010 : memref<1x100096xf32, #tpu.memory_space<hbm>> -> memref<100096xf32, #tpu.memory_space<hbm>>
    %dma_start3A_1012 = tpu.memref_slice %dma_start3A_1011[%multiple_of3A_1006] : memref<100096xf32, #tpu.memory_space<hbm>> -> memref<128xf32, #tpu.memory_space<hbm>>
    %dma_start3A_1013 = arith.constant 0 : i32
    %dma_start3A_1014 = tpu.memref_slice %arg4[%add3A, %dma_start3A_1013] : memref<32x100096xf32, #tpu.memory_space<hbm>> -> memref<1x100096xf32, #tpu.memory_space<hbm>>
    %dma_start3A_1015 = tpu.memref_squeeze %dma_start3A_1014 : memref<1x100096xf32, #tpu.memory_space<hbm>> -> memref<100096xf32, #tpu.memory_space<hbm>>
    %dma_start3A_1016 = tpu.memref_slice %dma_start3A_1015[%multiple_of3A_1006] : memref<100096xf32, #tpu.memory_space<hbm>> -> memref<128xf32, #tpu.memory_space<hbm>>
    %dma_start3A_1017 = arith.constant 256 : i32
    %dma_start3A_1018 = tpu.memref_slice %arg9[%dma_start3A_1017] : memref<1024xf32, #tpu.memory_space<vmem>> -> memref<128xf32, #tpu.memory_space<vmem>>
    tpu.enqueue_dma source(%dma_start3A_1018 : memref<128xf32, #tpu.memory_space<vmem>>) target(%dma_start3A_1016 : memref<128xf32, #tpu.memory_space<hbm>>) target_semaphore(%arg14 : memref<!tpu.dma_semaphore, #tpu.memory_space<semaphore_mem>>)
    %and3A_1019 = arith.constant -128 : i32
    %and3A_1020 = arith.andi %reduce_min3A_659, %and3A_1019 : i32
    %sub3A_1021 = vector.broadcast %and3A_1020 : i32 to vector<16xi32>
    %sub3A_1022 = arith.subi %select_n3A_821, %sub3A_1021 : vector<16xi32>
    %ge3A_1023 = arith.constant 0 : i32
    %ge3A_1024 = vector.broadcast %ge3A_1023 : i32 to vector<16xi32>
    %ge3A_1025 = arith.cmpi sge, %sub3A_1022, %ge3A_1024 : vector<16xi32>
    %and3A_1026 = arith.andi %lt3A_917, %ge3A_1025 : vector<16xi1>
    %lt3A_1027 = arith.constant 128 : i32
    %lt3A_1028 = vector.broadcast %lt3A_1027 : i32 to vector<16xi32>
    %lt3A_1029 = arith.cmpi slt, %sub3A_1022, %lt3A_1028 : vector<16xi32>
    %and3A_1030 = arith.andi %and3A_1026, %lt3A_1029 : vector<16xi1>
    %max3A_1031 = arith.constant 0 : i32
    %max3A_1032 = vector.broadcast %max3A_1031 : i32 to vector<16xi32>
    %max3A_1033 = arith.maxsi %sub3A_1022, %max3A_1032 : vector<16xi32>
    %min3A_1034 = arith.constant 127 : i32
    %min3A_1035 = vector.broadcast %min3A_1034 : i32 to vector<16xi32>
    %min3A_1036 = arith.minsi %max3A_1033, %min3A_1035 : vector<16xi32>
    %add3A_1037 = arith.constant 384 : i32
    %add3A_1038 = vector.broadcast %add3A_1037 : i32 to vector<16xi32>
    %add3A_1039 = arith.addi %add3A_1038, %min3A_1036 : vector<16xi32>
    tpu.vector_store_idx %arg9[%add3A_1039], %div3A_831 masked %and3A_1030 : memref<1024xf32, #tpu.memory_space<vmem>>[vector<16xi32>], vector<16xf32>, vector<16xi1>
    %multiple_of3A_1040 = tpu.assume_multiple %and3A_1020, 128 : i32
    %dma_start3A_1041 = arith.constant 384 : i32
    %dma_start3A_1042 = tpu.memref_slice %arg9[%dma_start3A_1041] : memref<1024xf32, #tpu.memory_space<vmem>> -> memref<128xf32, #tpu.memory_space<vmem>>
    %dma_start3A_1043 = arith.constant 0 : i32
    %dma_start3A_1044 = tpu.memref_slice %arg4[%add3A, %dma_start3A_1043] : memref<32x100096xf32, #tpu.memory_space<hbm>> -> memref<1x100096xf32, #tpu.memory_space<hbm>>
    %dma_start3A_1045 = tpu.memref_squeeze %dma_start3A_1044 : memref<1x100096xf32, #tpu.memory_space<hbm>> -> memref<100096xf32, #tpu.memory_space<hbm>>
    %dma_start3A_1046 = tpu.memref_slice %dma_start3A_1045[%multiple_of3A_1040] : memref<100096xf32, #tpu.memory_space<hbm>> -> memref<128xf32, #tpu.memory_space<hbm>>
    %dma_start3A_1047 = arith.constant 0 : i32
    %dma_start3A_1048 = tpu.memref_slice %arg4[%add3A, %dma_start3A_1047] : memref<32x100096xf32, #tpu.memory_space<hbm>> -> memref<1x100096xf32, #tpu.memory_space<hbm>>
    %dma_start3A_1049 = tpu.memref_squeeze %dma_start3A_1048 : memref<1x100096xf32, #tpu.memory_space<hbm>> -> memref<100096xf32, #tpu.memory_space<hbm>>
    %dma_start3A_1050 = tpu.memref_slice %dma_start3A_1049[%multiple_of3A_1040] : memref<100096xf32, #tpu.memory_space<hbm>> -> memref<128xf32, #tpu.memory_space<hbm>>
    %dma_start3A_1051 = arith.constant 384 : i32
    %dma_start3A_1052 = tpu.memref_slice %arg9[%dma_start3A_1051] : memref<1024xf32, #tpu.memory_space<vmem>> -> memref<128xf32, #tpu.memory_space<vmem>>
    tpu.enqueue_dma source(%dma_start3A_1052 : memref<128xf32, #tpu.memory_space<vmem>>) target(%dma_start3A_1050 : memref<128xf32, #tpu.memory_space<hbm>>) target_semaphore(%arg14 : memref<!tpu.dma_semaphore, #tpu.memory_space<semaphore_mem>>)
    %and3A_1053 = arith.constant -128 : i32
    %and3A_1054 = arith.andi %reduce_min3A_685, %and3A_1053 : i32
    %sub3A_1055 = vector.broadcast %and3A_1054 : i32 to vector<16xi32>
    %sub3A_1056 = arith.subi %select_n3A_821, %sub3A_1055 : vector<16xi32>
    %ge3A_1057 = arith.constant 0 : i32
    %ge3A_1058 = vector.broadcast %ge3A_1057 : i32 to vector<16xi32>
    %ge3A_1059 = arith.cmpi sge, %sub3A_1056, %ge3A_1058 : vector<16xi32>
    %and3A_1060 = arith.andi %lt3A_917, %ge3A_1059 : vector<16xi1>
    %lt3A_1061 = arith.constant 128 : i32
    %lt3A_1062 = vector.broadcast %lt3A_1061 : i32 to vector<16xi32>
    %lt3A_1063 = arith.cmpi slt, %sub3A_1056, %lt3A_1062 : vector<16xi32>
    %and3A_1064 = arith.andi %and3A_1060, %lt3A_1063 : vector<16xi1>
    %max3A_1065 = arith.constant 0 : i32
    %max3A_1066 = vector.broadcast %max3A_1065 : i32 to vector<16xi32>
    %max3A_1067 = arith.maxsi %sub3A_1056, %max3A_1066 : vector<16xi32>
    %min3A_1068 = arith.constant 127 : i32
    %min3A_1069 = vector.broadcast %min3A_1068 : i32 to vector<16xi32>
    %min3A_1070 = arith.minsi %max3A_1067, %min3A_1069 : vector<16xi32>
    %add3A_1071 = arith.constant 512 : i32
    %add3A_1072 = vector.broadcast %add3A_1071 : i32 to vector<16xi32>
    %add3A_1073 = arith.addi %add3A_1072, %min3A_1070 : vector<16xi32>
    tpu.vector_store_idx %arg9[%add3A_1073], %div3A_831 masked %and3A_1064 : memref<1024xf32, #tpu.memory_space<vmem>>[vector<16xi32>], vector<16xf32>, vector<16xi1>
    %multiple_of3A_1074 = tpu.assume_multiple %and3A_1054, 128 : i32
    %dma_start3A_1075 = arith.constant 512 : i32
    %dma_start3A_1076 = tpu.memref_slice %arg9[%dma_start3A_1075] : memref<1024xf32, #tpu.memory_space<vmem>> -> memref<128xf32, #tpu.memory_space<vmem>>
    %dma_start3A_1077 = arith.constant 0 : i32
    %dma_start3A_1078 = tpu.memref_slice %arg4[%add3A, %dma_start3A_1077] : memref<32x100096xf32, #tpu.memory_space<hbm>> -> memref<1x100096xf32, #tpu.memory_space<hbm>>
    %dma_start3A_1079 = tpu.memref_squeeze %dma_start3A_1078 : memref<1x100096xf32, #tpu.memory_space<hbm>> -> memref<100096xf32, #tpu.memory_space<hbm>>
    %dma_start3A_1080 = tpu.memref_slice %dma_start3A_1079[%multiple_of3A_1074] : memref<100096xf32, #tpu.memory_space<hbm>> -> memref<128xf32, #tpu.memory_space<hbm>>
    %dma_start3A_1081 = arith.constant 0 : i32
    %dma_start3A_1082 = tpu.memref_slice %arg4[%add3A, %dma_start3A_1081] : memref<32x100096xf32, #tpu.memory_space<hbm>> -> memref<1x100096xf32, #tpu.memory_space<hbm>>
    %dma_start3A_1083 = tpu.memref_squeeze %dma_start3A_1082 : memref<1x100096xf32, #tpu.memory_space<hbm>> -> memref<100096xf32, #tpu.memory_space<hbm>>
    %dma_start3A_1084 = tpu.memref_slice %dma_start3A_1083[%multiple_of3A_1074] : memref<100096xf32, #tpu.memory_space<hbm>> -> memref<128xf32, #tpu.memory_space<hbm>>
    %dma_start3A_1085 = arith.constant 512 : i32
    %dma_start3A_1086 = tpu.memref_slice %arg9[%dma_start3A_1085] : memref<1024xf32, #tpu.memory_space<vmem>> -> memref<128xf32, #tpu.memory_space<vmem>>
    tpu.enqueue_dma source(%dma_start3A_1086 : memref<128xf32, #tpu.memory_space<vmem>>) target(%dma_start3A_1084 : memref<128xf32, #tpu.memory_space<hbm>>) target_semaphore(%arg14 : memref<!tpu.dma_semaphore, #tpu.memory_space<semaphore_mem>>)
    %and3A_1087 = arith.constant -128 : i32
    %and3A_1088 = arith.andi %reduce_min3A_711, %and3A_1087 : i32
    %sub3A_1089 = vector.broadcast %and3A_1088 : i32 to vector<16xi32>
    %sub3A_1090 = arith.subi %select_n3A_821, %sub3A_1089 : vector<16xi32>
    %ge3A_1091 = arith.constant 0 : i32
    %ge3A_1092 = vector.broadcast %ge3A_1091 : i32 to vector<16xi32>
    %ge3A_1093 = arith.cmpi sge, %sub3A_1090, %ge3A_1092 : vector<16xi32>
    %and3A_1094 = arith.andi %lt3A_917, %ge3A_1093 : vector<16xi1>
    %lt3A_1095 = arith.constant 128 : i32
    %lt3A_1096 = vector.broadcast %lt3A_1095 : i32 to vector<16xi32>
    %lt3A_1097 = arith.cmpi slt, %sub3A_1090, %lt3A_1096 : vector<16xi32>
    %and3A_1098 = arith.andi %and3A_1094, %lt3A_1097 : vector<16xi1>
    %max3A_1099 = arith.constant 0 : i32
    %max3A_1100 = vector.broadcast %max3A_1099 : i32 to vector<16xi32>
    %max3A_1101 = arith.maxsi %sub3A_1090, %max3A_1100 : vector<16xi32>
    %min3A_1102 = arith.constant 127 : i32
    %min3A_1103 = vector.broadcast %min3A_1102 : i32 to vector<16xi32>
    %min3A_1104 = arith.minsi %max3A_1101, %min3A_1103 : vector<16xi32>
    %add3A_1105 = arith.constant 640 : i32
    %add3A_1106 = vector.broadcast %add3A_1105 : i32 to vector<16xi32>
    %add3A_1107 = arith.addi %add3A_1106, %min3A_1104 : vector<16xi32>
    tpu.vector_store_idx %arg9[%add3A_1107], %div3A_831 masked %and3A_1098 : memref<1024xf32, #tpu.memory_space<vmem>>[vector<16xi32>], vector<16xf32>, vector<16xi1>
    %multiple_of3A_1108 = tpu.assume_multiple %and3A_1088, 128 : i32
    %dma_start3A_1109 = arith.constant 640 : i32
    %dma_start3A_1110 = tpu.memref_slice %arg9[%dma_start3A_1109] : memref<1024xf32, #tpu.memory_space<vmem>> -> memref<128xf32, #tpu.memory_space<vmem>>
    %dma_start3A_1111 = arith.constant 0 : i32
    %dma_start3A_1112 = tpu.memref_slice %arg4[%add3A, %dma_start3A_1111] : memref<32x100096xf32, #tpu.memory_space<hbm>> -> memref<1x100096xf32, #tpu.memory_space<hbm>>
    %dma_start3A_1113 = tpu.memref_squeeze %dma_start3A_1112 : memref<1x100096xf32, #tpu.memory_space<hbm>> -> memref<100096xf32, #tpu.memory_space<hbm>>
    %dma_start3A_1114 = tpu.memref_slice %dma_start3A_1113[%multiple_of3A_1108] : memref<100096xf32, #tpu.memory_space<hbm>> -> memref<128xf32, #tpu.memory_space<hbm>>
    %dma_start3A_1115 = arith.constant 0 : i32
    %dma_start3A_1116 = tpu.memref_slice %arg4[%add3A, %dma_start3A_1115] : memref<32x100096xf32, #tpu.memory_space<hbm>> -> memref<1x100096xf32, #tpu.memory_space<hbm>>
    %dma_start3A_1117 = tpu.memref_squeeze %dma_start3A_1116 : memref<1x100096xf32, #tpu.memory_space<hbm>> -> memref<100096xf32, #tpu.memory_space<hbm>>
    %dma_start3A_1118 = tpu.memref_slice %dma_start3A_1117[%multiple_of3A_1108] : memref<100096xf32, #tpu.memory_space<hbm>> -> memref<128xf32, #tpu.memory_space<hbm>>
    %dma_start3A_1119 = arith.constant 640 : i32
    %dma_start3A_1120 = tpu.memref_slice %arg9[%dma_start3A_1119] : memref<1024xf32, #tpu.memory_space<vmem>> -> memref<128xf32, #tpu.memory_space<vmem>>
    tpu.enqueue_dma source(%dma_start3A_1120 : memref<128xf32, #tpu.memory_space<vmem>>) target(%dma_start3A_1118 : memref<128xf32, #tpu.memory_space<hbm>>) target_semaphore(%arg14 : memref<!tpu.dma_semaphore, #tpu.memory_space<semaphore_mem>>)
    %and3A_1121 = arith.constant -128 : i32
    %and3A_1122 = arith.andi %reduce_min3A_737, %and3A_1121 : i32
    %sub3A_1123 = vector.broadcast %and3A_1122 : i32 to vector<16xi32>
    %sub3A_1124 = arith.subi %select_n3A_821, %sub3A_1123 : vector<16xi32>
    %ge3A_1125 = arith.constant 0 : i32
    %ge3A_1126 = vector.broadcast %ge3A_1125 : i32 to vector<16xi32>
    %ge3A_1127 = arith.cmpi sge, %sub3A_1124, %ge3A_1126 : vector<16xi32>
    %and3A_1128 = arith.andi %lt3A_917, %ge3A_1127 : vector<16xi1>
    %lt3A_1129 = arith.constant 128 : i32
    %lt3A_1130 = vector.broadcast %lt3A_1129 : i32 to vector<16xi32>
    %lt3A_1131 = arith.cmpi slt, %sub3A_1124, %lt3A_1130 : vector<16xi32>
    %and3A_1132 = arith.andi %and3A_1128, %lt3A_1131 : vector<16xi1>
    %max3A_1133 = arith.constant 0 : i32
    %max3A_1134 = vector.broadcast %max3A_1133 : i32 to vector<16xi32>
    %max3A_1135 = arith.maxsi %sub3A_1124, %max3A_1134 : vector<16xi32>
    %min3A_1136 = arith.constant 127 : i32
    %min3A_1137 = vector.broadcast %min3A_1136 : i32 to vector<16xi32>
    %min3A_1138 = arith.minsi %max3A_1135, %min3A_1137 : vector<16xi32>
    %add3A_1139 = arith.constant 768 : i32
    %add3A_1140 = vector.broadcast %add3A_1139 : i32 to vector<16xi32>
    %add3A_1141 = arith.addi %add3A_1140, %min3A_1138 : vector<16xi32>
    tpu.vector_store_idx %arg9[%add3A_1141], %div3A_831 masked %and3A_1132 : memref<1024xf32, #tpu.memory_space<vmem>>[vector<16xi32>], vector<16xf32>, vector<16xi1>
    %multiple_of3A_1142 = tpu.assume_multiple %and3A_1122, 128 : i32
    %dma_start3A_1143 = arith.constant 768 : i32
    %dma_start3A_1144 = tpu.memref_slice %arg9[%dma_start3A_1143] : memref<1024xf32, #tpu.memory_space<vmem>> -> memref<128xf32, #tpu.memory_space<vmem>>
    %dma_start3A_1145 = arith.constant 0 : i32
    %dma_start3A_1146 = tpu.memref_slice %arg4[%add3A, %dma_start3A_1145] : memref<32x100096xf32, #tpu.memory_space<hbm>> -> memref<1x100096xf32, #tpu.memory_space<hbm>>
    %dma_start3A_1147 = tpu.memref_squeeze %dma_start3A_1146 : memref<1x100096xf32, #tpu.memory_space<hbm>> -> memref<100096xf32, #tpu.memory_space<hbm>>
    %dma_start3A_1148 = tpu.memref_slice %dma_start3A_1147[%multiple_of3A_1142] : memref<100096xf32, #tpu.memory_space<hbm>> -> memref<128xf32, #tpu.memory_space<hbm>>
    %dma_start3A_1149 = arith.constant 0 : i32
    %dma_start3A_1150 = tpu.memref_slice %arg4[%add3A, %dma_start3A_1149] : memref<32x100096xf32, #tpu.memory_space<hbm>> -> memref<1x100096xf32, #tpu.memory_space<hbm>>
    %dma_start3A_1151 = tpu.memref_squeeze %dma_start3A_1150 : memref<1x100096xf32, #tpu.memory_space<hbm>> -> memref<100096xf32, #tpu.memory_space<hbm>>
    %dma_start3A_1152 = tpu.memref_slice %dma_start3A_1151[%multiple_of3A_1142] : memref<100096xf32, #tpu.memory_space<hbm>> -> memref<128xf32, #tpu.memory_space<hbm>>
    %dma_start3A_1153 = arith.constant 768 : i32
    %dma_start3A_1154 = tpu.memref_slice %arg9[%dma_start3A_1153] : memref<1024xf32, #tpu.memory_space<vmem>> -> memref<128xf32, #tpu.memory_space<vmem>>
    tpu.enqueue_dma source(%dma_start3A_1154 : memref<128xf32, #tpu.memory_space<vmem>>) target(%dma_start3A_1152 : memref<128xf32, #tpu.memory_space<hbm>>) target_semaphore(%arg14 : memref<!tpu.dma_semaphore, #tpu.memory_space<semaphore_mem>>)
    %and3A_1155 = arith.constant -128 : i32
    %and3A_1156 = arith.andi %reduce_min3A_763, %and3A_1155 : i32
    %sub3A_1157 = vector.broadcast %and3A_1156 : i32 to vector<16xi32>
    %sub3A_1158 = arith.subi %select_n3A_821, %sub3A_1157 : vector<16xi32>
    %ge3A_1159 = arith.constant 0 : i32
    %ge3A_1160 = vector.broadcast %ge3A_1159 : i32 to vector<16xi32>
    %ge3A_1161 = arith.cmpi sge, %sub3A_1158, %ge3A_1160 : vector<16xi32>
    %and3A_1162 = arith.andi %lt3A_917, %ge3A_1161 : vector<16xi1>
    %lt3A_1163 = arith.constant 128 : i32
    %lt3A_1164 = vector.broadcast %lt3A_1163 : i32 to vector<16xi32>
    %lt3A_1165 = arith.cmpi slt, %sub3A_1158, %lt3A_1164 : vector<16xi32>
    %and3A_1166 = arith.andi %and3A_1162, %lt3A_1165 : vector<16xi1>
    %max3A_1167 = arith.constant 0 : i32
    %max3A_1168 = vector.broadcast %max3A_1167 : i32 to vector<16xi32>
    %max3A_1169 = arith.maxsi %sub3A_1158, %max3A_1168 : vector<16xi32>
    %min3A_1170 = arith.constant 127 : i32
    %min3A_1171 = vector.broadcast %min3A_1170 : i32 to vector<16xi32>
    %min3A_1172 = arith.minsi %max3A_1169, %min3A_1171 : vector<16xi32>
    %add3A_1173 = arith.constant 896 : i32
    %add3A_1174 = vector.broadcast %add3A_1173 : i32 to vector<16xi32>
    %add3A_1175 = arith.addi %add3A_1174, %min3A_1172 : vector<16xi32>
    tpu.vector_store_idx %arg9[%add3A_1175], %div3A_831 masked %and3A_1166 : memref<1024xf32, #tpu.memory_space<vmem>>[vector<16xi32>], vector<16xf32>, vector<16xi1>
    %multiple_of3A_1176 = tpu.assume_multiple %and3A_1156, 128 : i32
    %dma_start3A_1177 = arith.constant 896 : i32
    %dma_start3A_1178 = tpu.memref_slice %arg9[%dma_start3A_1177] : memref<1024xf32, #tpu.memory_space<vmem>> -> memref<128xf32, #tpu.memory_space<vmem>>
    %dma_start3A_1179 = arith.constant 0 : i32
    %dma_start3A_1180 = tpu.memref_slice %arg4[%add3A, %dma_start3A_1179] : memref<32x100096xf32, #tpu.memory_space<hbm>> -> memref<1x100096xf32, #tpu.memory_space<hbm>>
    %dma_start3A_1181 = tpu.memref_squeeze %dma_start3A_1180 : memref<1x100096xf32, #tpu.memory_space<hbm>> -> memref<100096xf32, #tpu.memory_space<hbm>>
    %dma_start3A_1182 = tpu.memref_slice %dma_start3A_1181[%multiple_of3A_1176] : memref<100096xf32, #tpu.memory_space<hbm>> -> memref<128xf32, #tpu.memory_space<hbm>>
    %dma_start3A_1183 = arith.constant 0 : i32
    %dma_start3A_1184 = tpu.memref_slice %arg4[%add3A, %dma_start3A_1183] : memref<32x100096xf32, #tpu.memory_space<hbm>> -> memref<1x100096xf32, #tpu.memory_space<hbm>>
    %dma_start3A_1185 = tpu.memref_squeeze %dma_start3A_1184 : memref<1x100096xf32, #tpu.memory_space<hbm>> -> memref<100096xf32, #tpu.memory_space<hbm>>
    %dma_start3A_1186 = tpu.memref_slice %dma_start3A_1185[%multiple_of3A_1176] : memref<100096xf32, #tpu.memory_space<hbm>> -> memref<128xf32, #tpu.memory_space<hbm>>
    %dma_start3A_1187 = arith.constant 896 : i32
    %dma_start3A_1188 = tpu.memref_slice %arg9[%dma_start3A_1187] : memref<1024xf32, #tpu.memory_space<vmem>> -> memref<128xf32, #tpu.memory_space<vmem>>
    tpu.enqueue_dma source(%dma_start3A_1188 : memref<128xf32, #tpu.memory_space<vmem>>) target(%dma_start3A_1186 : memref<128xf32, #tpu.memory_space<hbm>>) target_semaphore(%arg14 : memref<!tpu.dma_semaphore, #tpu.memory_space<semaphore_mem>>)
    %dma_wait3A_1189 = arith.constant 0 : i32
    %dma_wait3A_1190 = tpu.memref_slice %arg9[%dma_wait3A_1189] : memref<1024xf32, #tpu.memory_space<vmem>> -> memref<128xf32, #tpu.memory_space<vmem>>
    %dma_wait3A_1191 = arith.constant 0 : i32
    %dma_wait3A_1192 = tpu.memref_slice %arg4[%add3A, %dma_wait3A_1191] : memref<32x100096xf32, #tpu.memory_space<hbm>> -> memref<1x100096xf32, #tpu.memory_space<hbm>>
    %dma_wait3A_1193 = tpu.memref_squeeze %dma_wait3A_1192 : memref<1x100096xf32, #tpu.memory_space<hbm>> -> memref<100096xf32, #tpu.memory_space<hbm>>
    %dma_wait3A_1194 = tpu.memref_slice %dma_wait3A_1193[%multiple_of3A_938] : memref<100096xf32, #tpu.memory_space<hbm>> -> memref<128xf32, #tpu.memory_space<hbm>>
    %dma_wait3A_1195 = arith.constant 0 : i32
    %dma_wait3A_1196 = tpu.memref_slice %arg4[%add3A, %dma_wait3A_1195] : memref<32x100096xf32, #tpu.memory_space<hbm>> -> memref<1x100096xf32, #tpu.memory_space<hbm>>
    %dma_wait3A_1197 = tpu.memref_squeeze %dma_wait3A_1196 : memref<1x100096xf32, #tpu.memory_space<hbm>> -> memref<100096xf32, #tpu.memory_space<hbm>>
    %dma_wait3A_1198 = tpu.memref_slice %dma_wait3A_1197[%multiple_of3A_938] : memref<100096xf32, #tpu.memory_space<hbm>> -> memref<128xf32, #tpu.memory_space<hbm>>
    %dma_wait3A_1199 = arith.constant 0 : i32
    %dma_wait3A_1200 = tpu.memref_slice %arg9[%dma_wait3A_1199] : memref<1024xf32, #tpu.memory_space<vmem>> -> memref<128xf32, #tpu.memory_space<vmem>>
    tpu.wait_dma2 semaphore(%arg14 : memref<!tpu.dma_semaphore, #tpu.memory_space<semaphore_mem>>) src(%dma_wait3A_1200 : memref<128xf32, #tpu.memory_space<vmem>>) dst(%dma_wait3A_1198 : memref<128xf32, #tpu.memory_space<hbm>>)
    %dma_wait3A_1201 = arith.constant 128 : i32
    %dma_wait3A_1202 = tpu.memref_slice %arg9[%dma_wait3A_1201] : memref<1024xf32, #tpu.memory_space<vmem>> -> memref<128xf32, #tpu.memory_space<vmem>>
    %dma_wait3A_1203 = arith.constant 0 : i32
    %dma_wait3A_1204 = tpu.memref_slice %arg4[%add3A, %dma_wait3A_1203] : memref<32x100096xf32, #tpu.memory_space<hbm>> -> memref<1x100096xf32, #tpu.memory_space<hbm>>
    %dma_wait3A_1205 = tpu.memref_squeeze %dma_wait3A_1204 : memref<1x100096xf32, #tpu.memory_space<hbm>> -> memref<100096xf32, #tpu.memory_space<hbm>>
    %dma_wait3A_1206 = tpu.memref_slice %dma_wait3A_1205[%multiple_of3A_972] : memref<100096xf32, #tpu.memory_space<hbm>> -> memref<128xf32, #tpu.memory_space<hbm>>
    %dma_wait3A_1207 = arith.constant 0 : i32
    %dma_wait3A_1208 = tpu.memref_slice %arg4[%add3A, %dma_wait3A_1207] : memref<32x100096xf32, #tpu.memory_space<hbm>> -> memref<1x100096xf32, #tpu.memory_space<hbm>>
    %dma_wait3A_1209 = tpu.memref_squeeze %dma_wait3A_1208 : memref<1x100096xf32, #tpu.memory_space<hbm>> -> memref<100096xf32, #tpu.memory_space<hbm>>
    %dma_wait3A_1210 = tpu.memref_slice %dma_wait3A_1209[%multiple_of3A_972] : memref<100096xf32, #tpu.memory_space<hbm>> -> memref<128xf32, #tpu.memory_space<hbm>>
    %dma_wait3A_1211 = arith.constant 128 : i32
    %dma_wait3A_1212 = tpu.memref_slice %arg9[%dma_wait3A_1211] : memref<1024xf32, #tpu.memory_space<vmem>> -> memref<128xf32, #tpu.memory_space<vmem>>
    tpu.wait_dma2 semaphore(%arg14 : memref<!tpu.dma_semaphore, #tpu.memory_space<semaphore_mem>>) src(%dma_wait3A_1212 : memref<128xf32, #tpu.memory_space<vmem>>) dst(%dma_wait3A_1210 : memref<128xf32, #tpu.memory_space<hbm>>)
    %dma_wait3A_1213 = arith.constant 256 : i32
    %dma_wait3A_1214 = tpu.memref_slice %arg9[%dma_wait3A_1213] : memref<1024xf32, #tpu.memory_space<vmem>> -> memref<128xf32, #tpu.memory_space<vmem>>
    %dma_wait3A_1215 = arith.constant 0 : i32
    %dma_wait3A_1216 = tpu.memref_slice %arg4[%add3A, %dma_wait3A_1215] : memref<32x100096xf32, #tpu.memory_space<hbm>> -> memref<1x100096xf32, #tpu.memory_space<hbm>>
    %dma_wait3A_1217 = tpu.memref_squeeze %dma_wait3A_1216 : memref<1x100096xf32, #tpu.memory_space<hbm>> -> memref<100096xf32, #tpu.memory_space<hbm>>
    %dma_wait3A_1218 = tpu.memref_slice %dma_wait3A_1217[%multiple_of3A_1006] : memref<100096xf32, #tpu.memory_space<hbm>> -> memref<128xf32, #tpu.memory_space<hbm>>
    %dma_wait3A_1219 = arith.constant 0 : i32
    %dma_wait3A_1220 = tpu.memref_slice %arg4[%add3A, %dma_wait3A_1219] : memref<32x100096xf32, #tpu.memory_space<hbm>> -> memref<1x100096xf32, #tpu.memory_space<hbm>>
    %dma_wait3A_1221 = tpu.memref_squeeze %dma_wait3A_1220 : memref<1x100096xf32, #tpu.memory_space<hbm>> -> memref<100096xf32, #tpu.memory_space<hbm>>
    %dma_wait3A_1222 = tpu.memref_slice %dma_wait3A_1221[%multiple_of3A_1006] : memref<100096xf32, #tpu.memory_space<hbm>> -> memref<128xf32, #tpu.memory_space<hbm>>
    %dma_wait3A_1223 = arith.constant 256 : i32
    %dma_wait3A_1224 = tpu.memref_slice %arg9[%dma_wait3A_1223] : memref<1024xf32, #tpu.memory_space<vmem>> -> memref<128xf32, #tpu.memory_space<vmem>>
    tpu.wait_dma2 semaphore(%arg14 : memref<!tpu.dma_semaphore, #tpu.memory_space<semaphore_mem>>) src(%dma_wait3A_1224 : memref<128xf32, #tpu.memory_space<vmem>>) dst(%dma_wait3A_1222 : memref<128xf32, #tpu.memory_space<hbm>>)
    %dma_wait3A_1225 = arith.constant 384 : i32
    %dma_wait3A_1226 = tpu.memref_slice %arg9[%dma_wait3A_1225] : memref<1024xf32, #tpu.memory_space<vmem>> -> memref<128xf32, #tpu.memory_space<vmem>>
    %dma_wait3A_1227 = arith.constant 0 : i32
    %dma_wait3A_1228 = tpu.memref_slice %arg4[%add3A, %dma_wait3A_1227] : memref<32x100096xf32, #tpu.memory_space<hbm>> -> memref<1x100096xf32, #tpu.memory_space<hbm>>
    %dma_wait3A_1229 = tpu.memref_squeeze %dma_wait3A_1228 : memref<1x100096xf32, #tpu.memory_space<hbm>> -> memref<100096xf32, #tpu.memory_space<hbm>>
    %dma_wait3A_1230 = tpu.memref_slice %dma_wait3A_1229[%multiple_of3A_1040] : memref<100096xf32, #tpu.memory_space<hbm>> -> memref<128xf32, #tpu.memory_space<hbm>>
    %dma_wait3A_1231 = arith.constant 0 : i32
    %dma_wait3A_1232 = tpu.memref_slice %arg4[%add3A, %dma_wait3A_1231] : memref<32x100096xf32, #tpu.memory_space<hbm>> -> memref<1x100096xf32, #tpu.memory_space<hbm>>
    %dma_wait3A_1233 = tpu.memref_squeeze %dma_wait3A_1232 : memref<1x100096xf32, #tpu.memory_space<hbm>> -> memref<100096xf32, #tpu.memory_space<hbm>>
    %dma_wait3A_1234 = tpu.memref_slice %dma_wait3A_1233[%multiple_of3A_1040] : memref<100096xf32, #tpu.memory_space<hbm>> -> memref<128xf32, #tpu.memory_space<hbm>>
    %dma_wait3A_1235 = arith.constant 384 : i32
    %dma_wait3A_1236 = tpu.memref_slice %arg9[%dma_wait3A_1235] : memref<1024xf32, #tpu.memory_space<vmem>> -> memref<128xf32, #tpu.memory_space<vmem>>
    tpu.wait_dma2 semaphore(%arg14 : memref<!tpu.dma_semaphore, #tpu.memory_space<semaphore_mem>>) src(%dma_wait3A_1236 : memref<128xf32, #tpu.memory_space<vmem>>) dst(%dma_wait3A_1234 : memref<128xf32, #tpu.memory_space<hbm>>)
    %dma_wait3A_1237 = arith.constant 512 : i32
    %dma_wait3A_1238 = tpu.memref_slice %arg9[%dma_wait3A_1237] : memref<1024xf32, #tpu.memory_space<vmem>> -> memref<128xf32, #tpu.memory_space<vmem>>
    %dma_wait3A_1239 = arith.constant 0 : i32
    %dma_wait3A_1240 = tpu.memref_slice %arg4[%add3A, %dma_wait3A_1239] : memref<32x100096xf32, #tpu.memory_space<hbm>> -> memref<1x100096xf32, #tpu.memory_space<hbm>>
    %dma_wait3A_1241 = tpu.memref_squeeze %dma_wait3A_1240 : memref<1x100096xf32, #tpu.memory_space<hbm>> -> memref<100096xf32, #tpu.memory_space<hbm>>
    %dma_wait3A_1242 = tpu.memref_slice %dma_wait3A_1241[%multiple_of3A_1074] : memref<100096xf32, #tpu.memory_space<hbm>> -> memref<128xf32, #tpu.memory_space<hbm>>
    %dma_wait3A_1243 = arith.constant 0 : i32
    %dma_wait3A_1244 = tpu.memref_slice %arg4[%add3A, %dma_wait3A_1243] : memref<32x100096xf32, #tpu.memory_space<hbm>> -> memref<1x100096xf32, #tpu.memory_space<hbm>>
    %dma_wait3A_1245 = tpu.memref_squeeze %dma_wait3A_1244 : memref<1x100096xf32, #tpu.memory_space<hbm>> -> memref<100096xf32, #tpu.memory_space<hbm>>
    %dma_wait3A_1246 = tpu.memref_slice %dma_wait3A_1245[%multiple_of3A_1074] : memref<100096xf32, #tpu.memory_space<hbm>> -> memref<128xf32, #tpu.memory_space<hbm>>
    %dma_wait3A_1247 = arith.constant 512 : i32
    %dma_wait3A_1248 = tpu.memref_slice %arg9[%dma_wait3A_1247] : memref<1024xf32, #tpu.memory_space<vmem>> -> memref<128xf32, #tpu.memory_space<vmem>>
    tpu.wait_dma2 semaphore(%arg14 : memref<!tpu.dma_semaphore, #tpu.memory_space<semaphore_mem>>) src(%dma_wait3A_1248 : memref<128xf32, #tpu.memory_space<vmem>>) dst(%dma_wait3A_1246 : memref<128xf32, #tpu.memory_space<hbm>>)
    %dma_wait3A_1249 = arith.constant 640 : i32
    %dma_wait3A_1250 = tpu.memref_slice %arg9[%dma_wait3A_1249] : memref<1024xf32, #tpu.memory_space<vmem>> -> memref<128xf32, #tpu.memory_space<vmem>>
    %dma_wait3A_1251 = arith.constant 0 : i32
    %dma_wait3A_1252 = tpu.memref_slice %arg4[%add3A, %dma_wait3A_1251] : memref<32x100096xf32, #tpu.memory_space<hbm>> -> memref<1x100096xf32, #tpu.memory_space<hbm>>
    %dma_wait3A_1253 = tpu.memref_squeeze %dma_wait3A_1252 : memref<1x100096xf32, #tpu.memory_space<hbm>> -> memref<100096xf32, #tpu.memory_space<hbm>>
    %dma_wait3A_1254 = tpu.memref_slice %dma_wait3A_1253[%multiple_of3A_1108] : memref<100096xf32, #tpu.memory_space<hbm>> -> memref<128xf32, #tpu.memory_space<hbm>>
    %dma_wait3A_1255 = arith.constant 0 : i32
    %dma_wait3A_1256 = tpu.memref_slice %arg4[%add3A, %dma_wait3A_1255] : memref<32x100096xf32, #tpu.memory_space<hbm>> -> memref<1x100096xf32, #tpu.memory_space<hbm>>
    %dma_wait3A_1257 = tpu.memref_squeeze %dma_wait3A_1256 : memref<1x100096xf32, #tpu.memory_space<hbm>> -> memref<100096xf32, #tpu.memory_space<hbm>>
    %dma_wait3A_1258 = tpu.memref_slice %dma_wait3A_1257[%multiple_of3A_1108] : memref<100096xf32, #tpu.memory_space<hbm>> -> memref<128xf32, #tpu.memory_space<hbm>>
    %dma_wait3A_1259 = arith.constant 640 : i32
    %dma_wait3A_1260 = tpu.memref_slice %arg9[%dma_wait3A_1259] : memref<1024xf32, #tpu.memory_space<vmem>> -> memref<128xf32, #tpu.memory_space<vmem>>
    tpu.wait_dma2 semaphore(%arg14 : memref<!tpu.dma_semaphore, #tpu.memory_space<semaphore_mem>>) src(%dma_wait3A_1260 : memref<128xf32, #tpu.memory_space<vmem>>) dst(%dma_wait3A_1258 : memref<128xf32, #tpu.memory_space<hbm>>)
    %dma_wait3A_1261 = arith.constant 768 : i32
    %dma_wait3A_1262 = tpu.memref_slice %arg9[%dma_wait3A_1261] : memref<1024xf32, #tpu.memory_space<vmem>> -> memref<128xf32, #tpu.memory_space<vmem>>
    %dma_wait3A_1263 = arith.constant 0 : i32
    %dma_wait3A_1264 = tpu.memref_slice %arg4[%add3A, %dma_wait3A_1263] : memref<32x100096xf32, #tpu.memory_space<hbm>> -> memref<1x100096xf32, #tpu.memory_space<hbm>>
    %dma_wait3A_1265 = tpu.memref_squeeze %dma_wait3A_1264 : memref<1x100096xf32, #tpu.memory_space<hbm>> -> memref<100096xf32, #tpu.memory_space<hbm>>
    %dma_wait3A_1266 = tpu.memref_slice %dma_wait3A_1265[%multiple_of3A_1142] : memref<100096xf32, #tpu.memory_space<hbm>> -> memref<128xf32, #tpu.memory_space<hbm>>
    %dma_wait3A_1267 = arith.constant 0 : i32
    %dma_wait3A_1268 = tpu.memref_slice %arg4[%add3A, %dma_wait3A_1267] : memref<32x100096xf32, #tpu.memory_space<hbm>> -> memref<1x100096xf32, #tpu.memory_space<hbm>>
    %dma_wait3A_1269 = tpu.memref_squeeze %dma_wait3A_1268 : memref<1x100096xf32, #tpu.memory_space<hbm>> -> memref<100096xf32, #tpu.memory_space<hbm>>
    %dma_wait3A_1270 = tpu.memref_slice %dma_wait3A_1269[%multiple_of3A_1142] : memref<100096xf32, #tpu.memory_space<hbm>> -> memref<128xf32, #tpu.memory_space<hbm>>
    %dma_wait3A_1271 = arith.constant 768 : i32
    %dma_wait3A_1272 = tpu.memref_slice %arg9[%dma_wait3A_1271] : memref<1024xf32, #tpu.memory_space<vmem>> -> memref<128xf32, #tpu.memory_space<vmem>>
    tpu.wait_dma2 semaphore(%arg14 : memref<!tpu.dma_semaphore, #tpu.memory_space<semaphore_mem>>) src(%dma_wait3A_1272 : memref<128xf32, #tpu.memory_space<vmem>>) dst(%dma_wait3A_1270 : memref<128xf32, #tpu.memory_space<hbm>>)
    %dma_wait3A_1273 = arith.constant 896 : i32
    %dma_wait3A_1274 = tpu.memref_slice %arg9[%dma_wait3A_1273] : memref<1024xf32, #tpu.memory_space<vmem>> -> memref<128xf32, #tpu.memory_space<vmem>>
    %dma_wait3A_1275 = arith.constant 0 : i32
    %dma_wait3A_1276 = tpu.memref_slice %arg4[%add3A, %dma_wait3A_1275] : memref<32x100096xf32, #tpu.memory_space<hbm>> -> memref<1x100096xf32, #tpu.memory_space<hbm>>
    %dma_wait3A_1277 = tpu.memref_squeeze %dma_wait3A_1276 : memref<1x100096xf32, #tpu.memory_space<hbm>> -> memref<100096xf32, #tpu.memory_space<hbm>>
    %dma_wait3A_1278 = tpu.memref_slice %dma_wait3A_1277[%multiple_of3A_1176] : memref<100096xf32, #tpu.memory_space<hbm>> -> memref<128xf32, #tpu.memory_space<hbm>>
    %dma_wait3A_1279 = arith.constant 0 : i32
    %dma_wait3A_1280 = tpu.memref_slice %arg4[%add3A, %dma_wait3A_1279] : memref<32x100096xf32, #tpu.memory_space<hbm>> -> memref<1x100096xf32, #tpu.memory_space<hbm>>
    %dma_wait3A_1281 = tpu.memref_squeeze %dma_wait3A_1280 : memref<1x100096xf32, #tpu.memory_space<hbm>> -> memref<100096xf32, #tpu.memory_space<hbm>>
    %dma_wait3A_1282 = tpu.memref_slice %dma_wait3A_1281[%multiple_of3A_1176] : memref<100096xf32, #tpu.memory_space<hbm>> -> memref<128xf32, #tpu.memory_space<hbm>>
    %dma_wait3A_1283 = arith.constant 896 : i32
    %dma_wait3A_1284 = tpu.memref_slice %arg9[%dma_wait3A_1283] : memref<1024xf32, #tpu.memory_space<vmem>> -> memref<128xf32, #tpu.memory_space<vmem>>
    tpu.wait_dma2 semaphore(%arg14 : memref<!tpu.dma_semaphore, #tpu.memory_space<semaphore_mem>>) src(%dma_wait3A_1284 : memref<128xf32, #tpu.memory_space<vmem>>) dst(%dma_wait3A_1282 : memref<128xf32, #tpu.memory_space<hbm>>)
    return
  }
}

</mosaic_0001>

<sc_bundles>
// kernel: kernel.3.cloned.1.call-start
scs
__scs_entry_jumppad:
0x0: {  	(pc) =	sbr.rel $0x88, $3  }
0x1: {  	(tag) =	ssettag $0x0;
	lr =	simm.s32 $0x1  }
0x2: {  	[smem:$0x3F9F] =	sst lr;
	_ =	strace $0xD0000000  }
0x3: {  	_ = 	snop  }
0x4: {  	_ = 	snop  }
0x5: {  	_ = 	snop  }
0x6: {  	_ = 	snop  }
0x7: {  	_ = 	snop  }
__scs_overlays_trampoline_lowered:
0x8: {  	[smem:$0x3FAE] =	sst s0  }
0x9: {  	[smem:$0x3FAF] =	sst s1  }
0xa: {  	[smem:$0x3FB0] =	sst s2  }
0xb: {  	[smem:$0x3FB1] =	sst s3  }
0xc: {  	[smem:$0x3FB2] =	sst s4  }
0xd: {  	[smem:$0x3FB3] =	sst s5  }
0xe: {  	[smem:$0x3FB4] =	sst s6  }
0xf: {  	[smem:$0x3FB5] =	sst s7  }
0x10: {  	[smem:$0x3FB6] =	sst s8  }
0x11: {  	[smem:$0x3FB7] =	sst s9;
	s0 =	simm.s32 @!p0 $0x0  }
0x12: {  	s1 =	sld [smem:$0x3F9D];
	s0 =	simm.s32 @p0 $0x1  }
0x13: {  	[smem:$0x3FB8] =	sst s0;
	s0 =	simm.s32 @!p1 $0x0  }
0x14: {  	s2 =	sld [smem:$0x3F9C];
	s0 =	simm.s32 @p1 $0x1  }
0x15: {  	[smem:$0x3FB9] =	sst s0;
	s0 =	simm.s32 @!p2 $0x0  }
0x16: {  	s3 =	sld [smem:$0x3FDB];
	s0 =	simm.s32 @p2 $0x1  }
0x17: {  	s4 =	simm.s32 $0x1BF5;
	[smem:$0x3FBB] =	sst s0  }
0x18: {  	s0 =	sld [smem:$0x3F9E];
	_ =	swait.ge [sflag:s4], $0x0  }
0x19: {  	s7 =	sld [smem:$0x3F9F]  }
0x1a: {  	s8 =	sadd.s32 $0xFFFFE003, lr  }
0x1b: {  	s9 =	sadd.s32 $0xFFFFFEF7, lr;
	s5 =	simm.s32 $0xFFFFFFFF;
	p2 =	slt.u32 s8, $0xFFFFF086  }
0x1c: {  	p1 =	slt.u32 s9, $0xF7A;
	s5 =	simm.s32 @!p2 $0x0  }
0x1d: {  	s5 =	simm.s32 @p1 $0x1;
	p0 =	seq.s32 s7, s2  }
0x1e: {  	s7 =	smul.u32 @!p0 $0xF7A, s2;
	p2 =	seq.s32 @!p0 s5, $0x0  }
0x1f: {  	s9 =	smul.u32 $0xF7A, s1;
	s8 =	simm.s32 @!p0 $0x1BF5;
	p2 =	por !p2, p0  }
0x20: {  	[sflag:s8] =	ssyncset.s32 @!p0 $0xFFFFF086;
	s6 =	sadd.s32 @!p0 s3, s7;
	s7 =	simm.s32 @!p0 $0x108  }
0x21: {  	s3 =	sadd.s32 s3, s9;
	s6 =	sadd.s32 @!p0 $0x88, s6;
	s7 =	simm.s32 @p2 $0x1082  }
0x22: {  	[simem:s7], [sflag:s8] =	dma.local @!p0 [hbm:s6], $0xF7A  }
0x23: {  	s9 =	sor.u32 $0xD0000000, s2;
	s6 =	simm.s32 $0x108;
	_ =	swait.ge @!p0 [sflag:s8], $0x0  }
0x24: {  	s3 =	sadd.s32 $0x88, s3;
	s6 =	simm.s32 @!p1 $0x1082;
	[sflag:s4] =	ssyncset.s32 $0xFFFFF086  }
0x25: {  	[simem:s6], [sflag:s4] =	dma.local [hbm:s3], $0xF7A  }
0x26: {  	[smem:$0x3F9F] =	sst s1;
	(tag) =	ssettag s2;
	_ =	strace s9  }
0x27: {  	s1 =	sld [smem:$0x3FAF]  }
0x28: {  	s2 =	sld [smem:$0x3FB0]  }
0x29: {  	s4 =	sld [smem:$0x3FB2]  }
0x2a: {  	p0 =	seq.s32 s5, $0x0;
	s5 =	sld [smem:$0x3FB3]  }
0x2b: {  	s6 =	sld [smem:$0x3FB4]  }
0x2c: {  	s7 =	sld [smem:$0x3FB5]  }
0x2d: {  	s3 =	simm.s32 $0x108;
	s8 =	sld [smem:$0x3FB6]  }
0x2e: {  	s3 =	simm.s32 @!p0 $0x1082;
	s9 =	sld [smem:$0x3FB7]  }
0x2f: {  	lr =	sadd.s32 s0, s3;
	s0 =	sld [smem:$0x3FAE]  }
0x30: {  	s3 =	sld [smem:$0x3FB1]  }
0x31: {  	[smem:$0x3FBA] =	sst s10  }
0x32: {  	s10 =	sld [smem:$0x3FB8];
	_ =	sdelay $0x3  }
0x33: {  	p0 =	seq.s32 s10, $0x1;
	s10 =	sld [smem:$0x3FBA];
	_ =	sdelay $0x3  }
0x34: {  	[smem:$0x3FBA] =	sst s10  }
0x35: {  	s10 =	sld [smem:$0x3FB9];
	_ =	sdelay $0x3  }
0x36: {  	p1 =	seq.s32 s10, $0x1;
	s10 =	sld [smem:$0x3FBA];
	_ =	sdelay $0x3  }
0x37: {  	[smem:$0x3FBA] =	sst s10  }
0x38: {  	s10 =	sld [smem:$0x3FBB]  }
0x39: {  	_ = 	snop;
	(pc) =	sbr.ind lr, $3  }
0x3a: {  	_ = 	snop  }
0x3b: {  	_ = 	snop  }
0x3c: {  	p2 =	seq.s32 s10, $0x1;
	s10 =	sld [smem:$0x3FBA]  }
0x3d: {  	_ =	shalt  }
0x3e: {  	_ =	shalt  }
0x3f: {  	_ =	shalt  }
0x40: {  	_ =	shalt  }
0x41: {  	_ =	shalt  }
0x42: {  	_ =	shalt  }
0x43: {  	_ =	shalt  }
0x44: {  	_ =	shalt  }
0x45: {  	_ =	shalt  }
0x46: {  	_ =	shalt  }
0x47: {  	_ =	shalt  }
0x48: {  	_ =	shalt  }
0x49: {  	_ =	shalt  }
0x4a: {  	_ =	shalt  }
0x4b: {  	_ =	shalt  }
0x4c: {  	_ =	shalt  }
0x4d: {  	_ =	shalt  }
0x4e: {  	_ =	shalt  }
0x4f: {  	_ =	shalt  }
0x50: {  	_ =	shalt  }
0x51: {  	_ =	shalt  }
0x52: {  	_ =	shalt  }
0x53: {  	_ =	shalt  }
0x54: {  	_ =	shalt  }
0x55: {  	_ =	shalt  }
0x56: {  	_ =	shalt  }
0x57: {  	_ =	shalt  }
0x58: {  	_ =	shalt  }
0x59: {  	_ =	shalt  }
0x5a: {  	_ =	shalt  }
0x5b: {  	_ =	shalt  }
0x5c: {  	_ =	shalt  }
0x5d: {  	_ =	shalt  }
0x5e: {  	_ =	shalt  }
0x5f: {  	_ =	shalt  }
0x60: {  	_ =	shalt  }
0x61: {  	_ =	shalt  }
0x62: {  	_ =	shalt  }
0x63: {  	_ =	shalt  }
0x64: {  	_ =	shalt  }
0x65: {  	_ =	shalt  }
0x66: {  	_ =	shalt  }
0x67: {  	_ =	shalt  }
0x68: {  	_ =	shalt  }
0x69: {  	_ =	shalt  }
0x6a: {  	_ =	shalt  }
0x6b: {  	_ =	shalt  }
0x6c: {  	_ =	shalt  }
0x6d: {  	_ =	shalt  }
0x6e: {  	_ =	shalt  }
0x6f: {  	_ =	shalt  }
0x70: {  	_ =	shalt  }
0x71: {  	_ =	shalt  }
0x72: {  	_ =	shalt  }
0x73: {  	_ =	shalt  }
0x74: {  	_ =	shalt  }
0x75: {  	_ =	shalt  }
0x76: {  	_ =	shalt  }
0x77: {  	_ =	shalt  }
0x78: {  	_ =	shalt  }
0x79: {  	_ =	shalt  }
0x7a: {  	_ =	shalt  }
0x7b: {  	_ =	shalt  }
0x7c: {  	_ =	shalt  }
0x7d: {  	_ =	shalt  }
0x7e: {  	_ =	shalt  }
0x7f: {  	_ =	shalt  }
0x80: {  	_ =	shalt  }
0x81: {  	_ =	shalt  }
0x82: {  	_ =	shalt  }
0x83: {  	_ =	shalt  }
0x84: {  	_ =	shalt  }
0x85: {  	_ =	shalt  }
0x86: {  	_ =	shalt  }
0x87: {  	_ =	shalt  }
.Lfunc_end0:
.L_simem_size_0:
called_computation_lowered:
.L_overlay_start_0:
0x88: {  	s2 =	sld [smem:$0x3FD9]  }
0x89: {  	s3 =	sld [smem:$0x3FFE];
	_ =	sdelay $0x1  }
0x8a: {  	s1 =	srdreg.scid  }
0x8b: {  	s0 =	sand.u32 $0x1, s1  }
0x8c: {  	s14 =	sshll.u32 s0, $0xA;
	s2 =	sadd.s32 s3, s2  }
0x8d: {  	s2 =	sadd.s32 s2, s14  }
0x8e: {  	[smem:$0x3FC6] =	sst s2  }
0x8f: {  	_ = 	snop  }
0x90: {  	s2 =	sld [smem:$0x3FD0];
	_ =	sdelay $0x2  }
0x91: {  	s4 =	simm.s32 $0xA;
	s5 =	simm.s32 $0x10;
	s15 =	sld [smem:$0x3FC8]  }
0x92: {  	[smem:s5], [sflag:s4] =	dma.local [hbm:s2], $0x1  }
0x93: {  	_ =	swait.eq [sflag:s4], $0x1  }
0x94: {  	[sflag:s4] =	ssyncset.done $0x0  }
0x95: {  	[sflag:s4] =	ssyncadd.s32 $0xFFFFFFFF  }
0x96: {  	s16 =	sld [smem:$0x11];
	(tm) =	ssettm $0x1  }
0x97: {  	s17 =	sld [smem:$0x3FFB];
	_ =	sdelay $0x3  }
0x98: {  	_ =	strace s17  }
0x99: {  	s4 =	sld [smem:$0x3FFC];
	_ =	sdelay $0x3  }
0x9a: {  	_ =	strace s4  }
0x9b: {  	s4 =	sld [smem:$0x3FFD];
	_ =	sdelay $0x3  }
0x9c: {  	_ =	strace s4  }
0x9d: {  	_ =	strace $0x8FFFFFFF  }
0x9e: {  	s18 =	sld [smem:$0x3FDB];
	_ =	sdelay $0x1  }
0x9f: {  	s19 =	simm.s32 $_scs_section_size  }
0xa0: {  	s6 =	simm.s32 $_size__tile_overlayer_lowered;
	s7 =	simm.s32 $_tile_overlayer_lowered  }
0xa1: {  	s22 =	simm.s32 $0x1BFF;
	s21 =	sshll.u32 s7, $0x1;
	s4 =	sadd.s32 s19, s18  }
0xa2: {  	s8 =	simm.s32 $0x0;
	s20 =	sshll.u32 s6, $0x1;
	s6 =	sadd.s32 s21, s4  }
0xa3: {  	[timem:s8], [sflag:s22] =	dma.local [hbm:s6], s20  }
0xa4: {  	_ =	swait.ge [sflag:s22], s20  }
0xa5: {  	s5 =	ssub.s32 $0x0, s20;
	[sflag:s22] =	ssyncset.done $0x0  }
0xa6: {  	[sflag:s22] =	ssyncadd.s32 s5;
	_ =	sdelay $0x1  }
0xa7: {  	s23 =	simm.s32 $0x1B8B  }
0xa8: {  	_ =	swait.ge [sflag:s23], $0x1  }
0xa9: {  	[sflag:s23] =	ssyncset.done $0x0  }
0xaa: {  	s25 =	simm.s32 $0x1B8E;
	s24 =	sld [smem:$0x3FFE];
	[sflag:s23] =	ssyncadd.s32 $0xFFFFFFFF  }
0xab: {  	s26 =	simm.s32 $execute0_lowered;
	[smem:$0x3FD2] =	sst s25  }
0xac: {  	s6 =	sshll.u32 s26, $0x1;
	_ =	strace $0x80000046;
	[dreg:$0x1] =	wrdreg $0xFFFFFFFF  }
0xad: {  	s28 =	simm.s32 $_size_execute0_lowered;
	s4 =	sadd.s32 s4, s6;
	[dreg:$0x0] =	wrdreg $0x0  }
0xae: {  	s6 =	sshll.u32 s28, $0x1;
	[dreg:$0x2] =	wrdreg s4  }
0xaf: {  	[dreg:$0x3] =	wrdreg s6  }
0xb0: {  	[dreg:$0x4] =	wrdreg $0xC0  }
0xb1: {  	_ =	task [dreg:s8], $0x5FFFF  }
0xb2: {  	[dreg:$0x1] =	wrdreg $0xFFFFFFFF  }
0xb3: {  	[dreg:$0x0] =	wrdreg $0x60  }
0xb4: {  	[dreg:$0x2] =	wrdreg s15  }
0xb5: {  	[dreg:$0x3] =	wrdreg s24  }
0xb6: {  	[dreg:$0x4] =	wrdreg s16  }
0xb7: {  	[dreg:$0x5] =	wrdreg $0x9  }
0xb8: {  	_ =	task.clear_ibuf [dreg:s8], $0x6FFFF;
	_ =	strace $0x90000046  }
0xb9: {  	s29 =	simm.s32 $0x9;
	_ =	strace $0x80000048  }
0xba: {  	_ =	swait.ge [sflag:s29], $0x1  }
0xbb: {  	[sflag:s29] =	ssyncadd.s32 $0xFFFFFFFF  }
0xbc: {  	_ =	strace $0x90000048  }
0xbd: {  	_ =	sfence  }
0xbe: {  	s30 =	sld [smem:$0x0];
	_ =	sdelay $0x2  }
0xbf: {  	s31 =	sshll.u32 s1, $0xD;
	s1 =	sshrl.u32 s1, $0x2  }
0xc0: {  	s3 =	sand.u32 $0x4000, s31;
	s1 =	sadd.s32 s1, s30  }
0xc1: {  	s0 =	sor.u32 s3, s0;
	s1 =	sshll.u32 s1, $0x11  }
0xc2: {  	s0 =	sor.u32 s1, s0  }
0xc3: {  	s0 =	sadd.s32 $0x8F2B, s0  }
0xc4: {  	[sflag:s0] =	ssyncadd.remote.s32 $0x1  }
0xc5: {  	_ =	sfence.sel $0xFFFF  }
0xc6: {  	[dreg:$0x0] =	wrdreg $0xFFFFFFFF;
	(pc) =	sbr.abs _section_cstart, $3  }
0xc7: {  	[dreg:$0x1] =	wrdreg $0xFFFFFFFF  }
0xc8: {  	_ =	task.clear_ibuf [dreg:s8], $0x2FFFF;
	_ =	strace $0x9FFFFFFF  }
0xc9: {  	(tm) =	ssettm $0x7FFFFFFF  }
tec
execute0_lowered:
.L_overlay_start_1:
0x0: {  	(tag) =	ssettag $0x1  }
0x1: {  	s0 =	rddreg [dreg:$0x0]  }
0x2: {  	s2 =	srdreg.scid;
	s7 =	stileid.u32  }
0x3: {  	s4 =	sand.u32 $0x1, s2;
	s14 =	sshll.u32 s7, $0x1;
	s7 =	sshrl.u32 s7, $0x2  }
0x4: {  	s1 =	rddreg [dreg:$0x1];
	s5 =	sor.u32 s4, s14;
	s7 =	smul.u32 $0xC3800, s7  }
0x5: {  	s4 =	ssub.s32 $0x2, s4;
	s6 =	smul.u32 $0x186A0, s5;
	s5 =	sshll.u32 s5, $0x7  }
0x6: {  	s3 =	rddreg [dreg:$0x2];
	s16 =	sshrl.u32 s4, $0x1;
	s5 =	sand.u32 $0x380, s5  }
0x7: {  	s2 =	simm.s32 $0x0;
	s4 =	ssub.s32 s4, s16;
	s5 =	sor.u32 s7, s5  }
0x8: {  	[smem:$0x7FF] =	sst s2;
	s31 =	smax.u32 s4, $0x1;
	s5 =	sshrl.u32 s5, $0x3  }
0x9: {  	_ =	strace $0x80000047;
	[dreg:$0x11] =	wrdreg s31;
	s0 =	sadd.s32 s0, s5  }
0xa: {  	s17 =	sadd.s32 $0xF00, s0;
	[dreg:$0x4] =	wrdreg s0  }
0xb: {  	s18 =	sadd.s32 $0x8C00, s0;
	[dreg:$0x5] =	wrdreg s17  }
0xc: {  	s29 =	simm.s32 $0x1B900;
	s19 =	sadd.s32 $0x10900, s0;
	[dreg:$0x6] =	wrdreg s18  }
0xd: {  	s9 =	sadd.s32 s3, s5;
	s0 =	sadd.s32 $0x18600, s0;
	[dreg:$0x7] =	wrdreg s19  }
0xe: {  	s30 =	simm.s32 $0x1C900;
	s21 =	sadd.s32 $0x3200, s9;
	[dreg:$0x8] =	wrdreg s0  }
0xf: {  	s8 =	sshrl.u32 s6, $0x3;
	s22 =	sadd.s32 $0x6400, s9;
	[dreg:$0xa] =	wrdreg s21  }
0x10: {  	s4 =	simm.s32 $0x0;
	s23 =	sadd.s32 $0x9600, s9;
	[dreg:$0xb] =	wrdreg s22  }
0x11: {  	s8 =	sadd.s32 $0x30D0, s8;
	s24 =	sadd.s32 $0xC800, s9;
	[dreg:$0xc] =	wrdreg s23  }
0x12: {  	s15 =	sand.u32 $0xFFFF0, s8;
	s25 =	sadd.s32 $0xFA00, s9;
	[dreg:$0xd] =	wrdreg s24  }
0x13: {  	s1 =	sadd.s32 s15, s1;
	s26 =	sadd.s32 $0x12C00, s9;
	[dreg:$0xe] =	wrdreg s25  }
.Ltmp0:
0x14: {  	s28 =	sadd.s32 $0x15E00, s9;
	[dreg:$0xf] =	wrdreg s26;
	(pc) =	sbr.rel .LBB2_1-.Ltmp0, $4  }
0x15: {  	v0 =	vimm.f32 $-3.000000010e+38;
	v1 =	vimm.s32 $0x7FFFFFFF;
	s8 =	sand.u32 $0x60, s6;
	s20 =	sadd.s32 $0x600, s1;
	[dreg:$0x10] =	wrdreg s28  }
0x16: {  	v2 =	vlaneseq.u32;
	v3 =	vimm.f32 $0.0e+00;
	v4 =	vimm.s32 $0x0;
	s19 =	simm.s32 $0x80;
	s26 =	simm.s32 $0x18700;
	s21 =	simm.s32 $0x5  }
0x17: {  	vm10 =	vcmask $0xF0C;
	vm11 =	vcmask $0x1310;
	vm12 =	vcmask $0x1714;
	s22 =	simm.s32 $0x6;
	s23 =	simm.s32 $0x7;
	s24 =	simm.s32 $0x1D900  }
0x18: {  	vm13 =	vcmask $0x1B18;
	vm14 =	vcmask $0x1F1C;
	v5 =	vor.u32 $0xFF0, v2;
	s25 =	simm.s32 $0x8;
	[dreg:$0x9] =	wrdreg s20;
	s20 =	simm.s32 $0x400  }
.LBB2_73:
0x19: {  	v25 =	vimm.f32 $-3.000000010e+38;
	v26 =	vimm.s32 $0x7FFFFFFF  }
.LBB2_78:
0x1a: {  	vm0 =	vmand @p0 vm1, vm0;
	vm1 =	vne.s32 @p0 v29, v18  }
0x1b: {  	vm0 =	vmand @p0 vm1, vm0;
	vm1 =	vne.s32 @p0 v29, v19  }
0x1c: {  	vm0 =	vmand @p0 vm1, vm0  }
0x1d: {  	v25 =	vsel @p0 vm0, v30, v25;
	v26 =	vsel @p0 vm0, v29, v26  }
0x1e: {  	v24 =	vpsel p0, v25, v24;
	v23 =	vpsel p0, v26, v23  }
0x1f: {  	vm7 =	veq.f32 v20, v24;
	vm4 =	vlt.s32 v22, v23  }
0x20: {  	vm2 =	vgt.f32 v20, v24;
	vm0 =	vmand vm7, vm4  }
0x21: {  	vm5 =	vne.s32 v22, v7;
	vm0 =	vmor vm2, vm0  }
0x22: {  	vm6 =	vne.s32 v22, v10;
	vm0 =	vmand vm5, vm0  }
0x23: {  	vm7 =	vne.s32 v22, v12;
	vm0 =	vmand vm6, vm0  }
0x24: {  	vm4 =	vne.s32 v22, v14;
	vm0 =	vmand vm7, vm0  }
0x25: {  	vm5 =	vne.s32 v22, v16;
	vm0 =	vmand vm4, vm0  }
0x26: {  	vm6 =	vne.s32 v22, v18;
	vm0 =	vmand vm5, vm0  }
0x27: {  	vm7 =	vne.s32 v22, v19;
	vm0 =	vmand vm6, vm0  }
0x28: {  	vm0 =	vmand vm7, vm0  }
0x29: {  	v10 =	vsel vm0, v22, v23  }
0x2a: {  	v20 =	vsel vm0, v20, v24;
	v19 =	vxor.u32 $0x80000000, v10  }
.LBB2_79:
0x2b: {  	(xrf0) =	vmax.scan.msk.f32 $0xffff, v20  }
0x2c: {  	vm0 =	vmmov $0x1  }
0x2d: {  	vm7 =	vcmask $0x320;
	v8 =	vnsel vm0, $0xFF61B1E6, v8  }
0x2e: {  	vm4 =	vcmask $0x720;
	v8 =	vsel vm7, v8, v9  }
0x2f: {  	vm5 =	vcmask $0xB20;
	v8 =	vsel vm4, v8, v11  }
0x30: {  	vm6 =	vcmask $0xF20;
	v8 =	vsel vm5, v8, v13  }
0x31: {  	vm7 =	vcmask $0x1320;
	v8 =	vsel vm6, v8, v15;
	v44, _, _ =	vpop (xrf0)  }
0x32: {  	vm4 =	vcmask $0x1720;
	v8 =	vsel vm7, v8, v17;
	v9 =	vbroadcast v44, $0xF  }
0x33: {  	vm5 =	vcmask $0x1B20;
	v8 =	vsel vm4, v8, v21  }
0x34: {  	v8 =	vsel vm5, v8, v9  }
0x35: {  	v8 =	vmul.f32 $5.000000000e-01, v8;
	_ =	sdelay $0x1  }
0x36: {  	v8 =	vmul.f32 $1.442695020e+00, v8;
	_ =	sdelay $0x1  }
0x37: {  	(erf) = vpow2.f32 v8;
	_ =	sdelay $0x8  }
0x38: {  	v8 =	vpop (erf)  }
0x39: {  	vm6 =	veq.f32 v20, v9;
	(xrf2) =	vadd.scan.msk.f32 $0xffff, v8  }
0x3a: {  	v9 =	vnsel vm6, $0xFFFFFFFF, v19  }
0x3b: {  	(xrf0) =	vmin.scan.msk.u32 $0xffff, v9;
	_ =	sdelay $0x5  }
0x3c: {  	v9, _, _ =	vpop (xrf0)  }
0x3d: {  	(v2sf) =	vpush v9, $0xF  }
0x3e: {  	v45, _, _ =	vpop (xrf2)  }
0x3f: {  	v6 =	vbroadcast v6, $0xF;
	v9 =	vsub.f32 v45, v8;
	_ =	sdelay $0x1  }
0x40: {  	v6 =	vsub.f32 v6, v9;
	_ =	sdelay $0x1  }
0x41: {  	(erf) = vrcp.f32 v6;
	_ =	sdelay $0x8  }
0x42: {  	s12 =	spop (v2sf);
	v6 =	vpop (erf)  }
0x43: {  	_ =	swait.ge [sflag:s23], $0x3200  }
0x44: {  	[sflag:s23] =	ssyncset.done $0x0  }
0x45: {  	[sflag:s23] =	ssyncadd.s32 $0xFFFFCE00  }
0x46: {  	_ =	swait.ge [sflag:s23], $0x3200  }
0x47: {  	[sflag:s23] =	ssyncset.done $0x0  }
0x48: {  	[sflag:s23] =	ssyncadd.s32 $0xFFFFCE00  }
0x49: {  	_ =	swait.ge [sflag:s23], $0x3200  }
0x4a: {  	vm7 =	vcmask $0x300;
	[sflag:s23] =	ssyncset.done $0x0  }
0x4b: {  	v7 =	vnsel vm7, $0x0, v7;
	vm4 =	vcmask $0x704;
	[sflag:s23] =	ssyncadd.s32 $0xFFFFCE00  }
0x4c: {  	v7 =	vsel vm4, s10, v7;
	vm5 =	vcmask $0xB08;
	_ =	swait.ge [sflag:s23], $0x3200  }
0x4d: {  	v7 =	vsel vm5, s13, v7;
	[sflag:s23] =	ssyncset.done $0x0  }
0x4e: {  	v7 =	vsel vm10, s15, v7;
	[sflag:s23] =	ssyncadd.s32 $0xFFFFCE00  }
0x4f: {  	v7 =	vsel vm11, s17, v7;
	_ =	swait.ge [sflag:s23], $0x3200  }
0x50: {  	v7 =	vsel vm12, s3, v7;
	[sflag:s23] =	ssyncset.done $0x0  }
0x51: {  	s0 =	sand.u32 $0xFFFFFF80, s6;
	v7 =	vsel vm13, s31, v7;
	s1 =	sxor.u32 $0x80000000, s12;
	[sflag:s23] =	ssyncadd.s32 $0xFFFFCE00  }
0x52: {  	v46 =	vmov s0;
	v7 =	vsel vm14, s1, v7;
	_ =	swait.ge [sflag:s23], $0x3200  }
0x53: {  	v9 =	vsub.s32 v7, v46;
	[sflag:s23] =	ssyncset.done $0x0  }
0x54: {  	vm0 =	vmmov $0xff;
	s10 =	sand.u32 $0xFFFFFF80, s10;
	vm1 =	vlt.u32 v9, $0x80;
	vm2 =	vgt.s32 v9, $0x0;
	[sflag:s23] =	ssyncadd.s32 $0xFFFFCE00  }
0x55: {  	v10 =	vmov s10;
	s13 =	sand.u32 $0xFFFFFF80, s13;
	vm1 =	vmand vm1, vm0;
	v9 =	vnsel vm2, $0x0, v9;
	_ =	swait.ge [sflag:s23], $0x3200  }
0x56: {  	v47 =	vmov s13;
	v10 =	vsub.s32 v7, v10;
	v9 =	vmin.u32 v9, $0x7F;
	[sflag:s23] =	ssyncset.done $0x0  }
0x57: {  	v11 =	vsub.s32 v7, v47;
	vm6 =	vgt.s32 v10, $0x0;
	[sflag:s23] =	ssyncadd.s32 $0xFFFFCE00  }
0x58: {  	vm3 =	vlt.u32 v10, $0x80;
	vm7 =	vgt.s32 v11, $0x0;
	v10 =	vnsel vm6, $0x0, v10;
	_ =	swait.ge [sflag:s23], $0x2900  }
0x59: {  	vm2 =	vmand vm3, vm0;
	v10 =	vmin.u32 v10, $0x7F;
	v6 =	vmul.f32 v6, v8;
	[sflag:s23] =	ssyncset.done $0x0  }
0x5a: {  	s15 =	sand.u32 $0xFFFFFF80, s15;
	v12 =	vnsel vm7, $0x0, v11;
	vm6 =	vlt.u32 v11, $0x80;
	v48 =	vor.u32 $0x80, v10;
	[sflag:s23] =	ssyncadd.s32 $0xFFFFD700  }
0x5b: {  	v49 =	vmov s15;
	v50 =	vmin.u32 v12, $0x7F;
	[tilespmem:v9+s24+$0x0] =	vst.idx.msk vm1, v6;
	vm1 =	vmand vm6, vm0  }
0x5c: {  	s5 =	sand.u32 $0xFFFFF80, s5;
	s6 =	sand.u32 $0xFFFFF80, s7;
	s7 =	sand.u32 $0xFFFFFF80, s17;
	v10 =	vsub.s32 v7, v49;
	v9 =	vor.u32 $0x100, v50  }
0x5d: {  	s0 =	sadd.s32 s9, s5;
	v52 =	vmov s7;
	vm7 =	vgt.s32 v10, $0x0  }
0x5e: {  	v51 =	vnsel vm7, $0x0, v10;
	vm6 =	vlt.u32 v10, $0x80;
	v10 =	vsub.s32 v7, v52;
	[hbm4b:s0+s2] =	stream.linear.scatter [tilespmem:s24], [sflag:$0x8], $0x80, $0x38;
	[tilespmem:$0x1DE00] =	vst v63  }
0x5f: {  	s10 =	simm.s32 $0x1D980;
	s15 =	sand.u32 $0xFFFFFF80, s3;
	v53 =	vmin.u32 v51, $0x7F;
	s0 =	sadd.s32 s9, s6;
	vm7 =	vgt.s32 v10, $0x0;
	[tilespmem:v48+s24+$0x0] =	vst.idx.msk vm2, v6;
	vm2 =	vmand vm6, vm0  }
0x60: {  	v8 =	vor.u32 $0x180, v53;
	vm6 =	vlt.u32 v10, $0x80;
	v55 =	vnsel vm7, $0x0, v10;
	[hbm4b:s0+s2] =	stream.linear.scatter [tilespmem:s10], [sflag:$0x8], $0x80, $0x38;
	[tilespmem:$0x1DE00] =	vst v63  }
0x61: {  	v54 =	vmov s15;
	s6 =	sand.u32 $0xFFFFFF80, s31;
	[tilespmem:v9+s24+$0x0] =	vst.idx.msk vm1, v6;
	vm1 =	vmand vm6, vm0;
	v9 =	vmin.u32 v55, $0x7F  }
0x62: {  	s5 =	sand.u32 $0xFFFFF80, s14;
	s13 =	sand.u32 $0xFFFFF80, s11;
	v56 =	vsub.s32 v7, v54;
	v57 =	vmov s6;
	v9 =	vor.u32 $0x200, v9  }
0x63: {  	s17 =	simm.s32 $0x1DA00;
	vm5 =	vlt.u32 v56, $0x80;
	vm7 =	vgt.s32 v56, $0x0;
	s0 =	sadd.s32 s9, s13;
	v59 =	vsub.s32 v7, v57;
	s10 =	sand.u32 $0xFFFFFF80, s1  }
0x64: {  	v58 =	vnsel vm7, $0x0, v56;
	v60 =	vmov s10;
	vm7 =	vlt.u32 v59, $0x80;
	[hbm4b:s0+s2] =	stream.linear.scatter [tilespmem:s17], [sflag:$0x8], $0x80, $0x38;
	[tilespmem:$0x1DE00] =	vst v63  }
0x65: {  	s7 =	simm.s32 $0x1DA80;
	vm6 =	vgt.s32 v59, $0x0;
	s0 =	sadd.s32 s9, s5;
	[tilespmem:v8+s24+$0x0] =	vst.idx.msk vm2, v6;
	vm2 =	vmand vm5, vm0;
	v8 =	vmin.u32 v58, $0x7F  }
0x66: {  	v7 =	vsub.s32 v7, v60;
	v61 =	vnsel vm6, $0x0, v59;
	[hbm4b:s0+s2] =	stream.linear.scatter [tilespmem:s7], [sflag:$0x8], $0x80, $0x38;
	v8 =	vor.u32 $0x280, v8;
	[tilespmem:$0x1DE00] =	vst v63  }
0x67: {  	vm6 =	vgt.s32 v7, $0x0;
	v62 =	vmin.u32 v61, $0x7F;
	[tilespmem:v9+s24+$0x0] =	vst.idx.msk vm1, v6;
	vm1 =	vmand vm7, vm0  }
0x68: {  	s11 =	sand.u32 $0xFFFFF80, s16;
	v63 =	vnsel vm6, $0x0, v7;
	v9 =	vor.u32 $0x300, v62;
	vm7 =	vlt.u32 v7, $0x80  }
0x69: {  	s14 =	sand.u32 $0xFFFFF80, s18;
	s13 =	simm.s32 $0x1DB00;
	s0 =	sadd.s32 s9, s11;
	v7 =	vmin.u32 v63, $0x7F;
	vm0 =	vmand vm7, vm0  }
0x6a: {  	[hbm4b:s0+s2] =	stream.linear.scatter [tilespmem:s13], [sflag:$0x8], $0x80, $0x38;
	v7 =	vor.u32 $0x380, v7;
	[tilespmem:$0x1DE00] =	vst v63  }
0x6b: {  	s16 =	sand.u32 $0xFFFFF80, s28;
	s15 =	simm.s32 $0x1DB80;
	s0 =	sadd.s32 s9, s14;
	[tilespmem:v8+s24+$0x0] =	vst.idx.msk vm2, v6  }
0x6c: {  	[hbm4b:s0+s2] =	stream.linear.scatter [tilespmem:s15], [sflag:$0x8], $0x80, $0x38;
	[tilespmem:$0x1DE00] =	vst v63  }
0x6d: {  	s18 =	sand.u32 $0xFFFFF80, s12;
	s17 =	simm.s32 $0x1DC00;
	s0 =	sadd.s32 s9, s16;
	[tilespmem:v9+s24+$0x0] =	vst.idx.msk vm1, v6  }
0x6e: {  	[hbm4b:s0+s2] =	stream.linear.scatter [tilespmem:s17], [sflag:$0x8], $0x80, $0x38;
	[tilespmem:$0x1DE00] =	vst v63  }
0x6f: {  	s28 =	simm.s32 $0x1DC80;
	s0 =	sadd.s32 s9, s18;
	[tilespmem:v7+s24+$0x0] =	vst.idx.msk vm0, v6  }
0x70: {  	[hbm4b:s0+s2] =	stream.linear.scatter [tilespmem:s28], [sflag:$0x8], $0x80, $0x38;
	[tilespmem:$0x1DE00] =	vst v63  }
0x71: {  	_ =	swait.ge [sflag:s25], $0x80  }
0x72: {  	[sflag:s25] =	ssyncset.done $0x0  }
0x73: {  	[sflag:s25] =	ssyncadd.s32 $0xFFFFFF80  }
0x74: {  	_ =	swait.ge [sflag:s25], $0x80  }
0x75: {  	[sflag:s25] =	ssyncset.done $0x0  }
0x76: {  	[sflag:s25] =	ssyncadd.s32 $0xFFFFFF80  }
0x77: {  	_ =	swait.ge [sflag:s25], $0x80  }
0x78: {  	[sflag:s25] =	ssyncset.done $0x0  }
0x79: {  	[sflag:s25] =	ssyncadd.s32 $0xFFFFFF80  }
0x7a: {  	_ =	swait.ge [sflag:s25], $0x80  }
0x7b: {  	[sflag:s25] =	ssyncset.done $0x0  }
0x7c: {  	[sflag:s25] =	ssyncadd.s32 $0xFFFFFF80  }
0x7d: {  	_ =	swait.ge [sflag:s25], $0x80  }
0x7e: {  	[sflag:s25] =	ssyncset.done $0x0  }
0x7f: {  	[sflag:s25] =	ssyncadd.s32 $0xFFFFFF80  }
0x80: {  	_ =	swait.ge [sflag:s25], $0x80  }
0x81: {  	[sflag:s25] =	ssyncset.done $0x0  }
0x82: {  	[sflag:s25] =	ssyncadd.s32 $0xFFFFFF80  }
0x83: {  	_ =	swait.ge [sflag:s25], $0x80  }
0x84: {  	[sflag:s25] =	ssyncset.done $0x0  }
0x85: {  	[sflag:s25] =	ssyncadd.s32 $0xFFFFFF80  }
0x86: {  	_ =	swait.ge [sflag:s25], $0x80  }
0x87: {  	s4 =	sadd.s32 $0x1, s4;
	s31 =	rddreg [dreg:$0x11]  }
0x88: {  	p0 =	sne.s32 s4, s31  }
.Ltmp1:
0x89: {  	_ = 	snop;
	(pc) =	sbr.rel @!p0 .LBB2_80-.Ltmp1, $3  }
0x8a: {  	_ =	sdelay $0x1  }
0x8b: {  	[sflag:s25] =	ssyncset.done $0x0  }
0x8c: {  	[sflag:s25] =	ssyncadd.s32 $0xFFFFFF80  }
.LBB2_1:
0x8d: {  	s0 =	rddreg [dreg:$0x4]  }
0x8e: {  	[tilespmem:s2], [sflag:$0x1] =	stream.strided.gather [hbm4b:s0+s19], $0xF00, s20, s19, $0x38;
	[tilespmem:$0x1DE00] =	vst v63  }
0x8f: {  	s12 =	rddreg [dreg:$0x5];
	s1 =	simm.s32 $0xF00  }
0x90: {  	[tilespmem:s1], [sflag:$0x2] =	stream.strided.gather [hbm4b:s12+s19], $0x7D00, s20, s19, $0x38;
	[tilespmem:$0x1DE00] =	vst v63  }
0x91: {  	s13 =	rddreg [dreg:$0x6];
	s14 =	simm.s32 $0x8C00  }
0x92: {  	[tilespmem:s14], [sflag:$0x3] =	stream.strided.gather [hbm4b:s13+s19], $0x7D00, s20, s19, $0x38;
	[tilespmem:$0x1DE00] =	vst v63  }
0x93: {  	s15 =	rddreg [dreg:$0x7];
	s16 =	simm.s32 $0x10900  }
0x94: {  	[tilespmem:s16], [sflag:$0x4] =	stream.strided.gather [hbm4b:s15+s19], $0x7D00, s20, s19, $0x38;
	[tilespmem:$0x1DE00] =	vst v63  }
0x95: {  	s17 =	rddreg [dreg:$0x8];
	s18 =	simm.s32 $0x18600  }
0x96: {  	[tilespmem:s18], [sflag:$0x5] =	stream.linear.gather [hbm4b:s17+s2], $0x80, $0x38;
	[tilespmem:$0x1DE00] =	vst v63  }
0x97: {  	s28 =	rddreg [dreg:$0x9];
	s31 =	simm.s32 $0x1DD00;
	s0 =	simm.s32 $0x0  }
0x98: {  	[tilespmem:s31], [sflag:$0x6] =	stream.linear.gather [hbm4b:s28+s2], $0x80, $0x38;
	[tilespmem:$0x1DE00] =	vst v63  }
.LBB2_2:
0x99: {  	p0 =	sne.s32 s0, $0x3FC0  }
.Ltmp2:
0x9a: {  	_ = 	snop;
	(pc) =	sbr.rel @p0 .LBB2_2-.Ltmp2, $4  }
0x9b: {  	_ = 	snop  }
0x9c: {  	s1 =	sshra.s32 s0, $0x2  }
0x9d: {  	[tilespmem:s1+$0x1B900] =	vst v0  }
0x9e: {  	s0 =	sadd.s32 $0x40, s0;
	[tilespmem:s1+$0x1C900] =	vst v1  }
0x9f: {  	s0 =	simm.s32 $0x18750  }
0xa0: {  	[tilespmem:s0+$0xFFFFFFC0] =	vst v3  }
0xa1: {  	[tilespmem:s0+$0xFFFFFFD0] =	vst v3  }
0xa2: {  	[tilespmem:s0+$0xFFFFFFE0] =	vst v3  }
0xa3: {  	[tilespmem:s0+$0xFFFFFFF0] =	vst v3  }
0xa4: {  	[tilespmem:s0+$0x0] =	vst v3  }
0xa5: {  	[tilespmem:s0+$0x10] =	vst v3  }
0xa6: {  	s1 =	simm.s32 $0x0;
	[tilespmem:s0+$0x20] =	vst v3  }
0xa7: {  	[tilespmem:s0+$0xFFFFFFB0] =	vst v3;
	s3 =	sand.u32 $0x7FE0, s1;
	s1 =	simm.s32 $0xA0  }
.LBB2_4:
0xa8: {  	p0 =	sne.s32 s1, $0x3160;
	[tilespmem:s3+$0x18780] =	vst v3  }
0xa9: {  	[tilespmem:s0+$0x40] =	vst v3;
	s0 =	sadd.s32 $0xA0, s0  }
0xaa: {  	[tilespmem:s0+$0xFFFFFFC0] =	vst v3  }
0xab: {  	[tilespmem:s0+$0xFFFFFFD0] =	vst v3  }
0xac: {  	[tilespmem:s0+$0xFFFFFFE0] =	vst v3  }
.Ltmp3:
0xad: {  	[tilespmem:s0+$0xFFFFFFF0] =	vst v3;
	(pc) =	sbr.rel @p0 .LBB2_4-.Ltmp3, $4  }
0xae: {  	[tilespmem:s0+$0x0] =	vst v3  }
0xaf: {  	[tilespmem:s0+$0x10] =	vst v3  }
0xb0: {  	[tilespmem:s0+$0x20] =	vst v3  }
0xb1: {  	s3 =	sand.u32 $0x7FE0, s1;
	s1 =	sadd.s32 $0xA0, s1;
	[tilespmem:s0+$0xFFFFFFB0] =	vst v3  }
0xb2: {  	[tilespmem:s3+$0x18780] =	vst v3  }
0xb3: {  	s1 =	simm.s32 $0x0;
	[tilespmem:s0+$0x40] =	vst v3;
	s0 =	simm.s32 $0x40  }
.LBB2_6:
0xb4: {  	p0 =	sne.s32 s0, $0xFC0;
	[tilespmem:s1+$0x1D900] =	vst v3;
	s1 =	smov.u32 s0;
	s0 =	sadd.s32 $0x40, s0  }
.Ltmp4:
0xb5: {  	(pc) =	sbr.rel @p0 .LBB2_6-.Ltmp4, $2  }
0xb6: {  	_ =	sdelay $0x2  }
0xb7: {  	s1 =	sshra.s32 s1, $0x2  }
0xb8: {  	[tilespmem:s1+$0x1D900] =	vst v3  }
0xb9: {  	[hbm4b:s9+s19] =	stream.strided.scatter [tilespmem:s26], [sflag:$0x7], $0x3200, s20, s19, $0x38;
	[tilespmem:$0x1DE00] =	vst v63  }
0xba: {  	s0 =	rddreg [dreg:$0xa]  }
0xbb: {  	[hbm4b:s0+s19] =	stream.strided.scatter [tilespmem:s26], [sflag:$0x7], $0x3200, s20, s19, $0x38;
	[tilespmem:$0x1DE00] =	vst v63  }
0xbc: {  	s14 =	rddreg [dreg:$0xb]  }
0xbd: {  	[hbm4b:s14+s19] =	stream.strided.scatter [tilespmem:s26], [sflag:$0x7], $0x3200, s20, s19, $0x38;
	[tilespmem:$0x1DE00] =	vst v63  }
0xbe: {  	s15 =	rddreg [dreg:$0xc]  }
0xbf: {  	[hbm4b:s15+s19] =	stream.strided.scatter [tilespmem:s26], [sflag:$0x7], $0x3200, s20, s19, $0x38;
	[tilespmem:$0x1DE00] =	vst v63  }
0xc0: {  	s16 =	rddreg [dreg:$0xd]  }
0xc1: {  	[hbm4b:s16+s19] =	stream.strided.scatter [tilespmem:s26], [sflag:$0x7], $0x3200, s20, s19, $0x38;
	[tilespmem:$0x1DE00] =	vst v63  }
0xc2: {  	s17 =	rddreg [dreg:$0xe]  }
0xc3: {  	[hbm4b:s17+s19] =	stream.strided.scatter [tilespmem:s26], [sflag:$0x7], $0x3200, s20, s19, $0x38;
	[tilespmem:$0x1DE00] =	vst v63  }
0xc4: {  	s18 =	rddreg [dreg:$0xf]  }
0xc5: {  	[hbm4b:s18+s19] =	stream.strided.scatter [tilespmem:s26], [sflag:$0x7], $0x3200, s20, s19, $0x38;
	[tilespmem:$0x1DE00] =	vst v63  }
0xc6: {  	s28 =	rddreg [dreg:$0x10];
	s31 =	simm.s32 $0x1  }
0xc7: {  	[hbm4b:s28+s19] =	stream.strided.scatter [tilespmem:s26], [sflag:$0x7], $0x2900, s20, s19, $0x38;
	[tilespmem:$0x1DE00] =	vst v63  }
0xc8: {  	_ =	swait.ge [sflag:s31], $0xF00  }
0xc9: {  	[sflag:s31] =	ssyncset.done $0x0  }
0xca: {  	s1 =	simm.s32 $0x50;
	[sflag:s31] =	ssyncadd.s32 $0xFFFFF100  }
0xcb: {  	v6 =	vld [tilespmem:s1+$0x40]  }
0xcc: {  	v9 =	vld [tilespmem:s1+$0x10]  }
0xcd: {  	v7 =	vld [tilespmem:s1+$0xFFFFFFF0]  }
0xce: {  	v8 =	vld [tilespmem:s1+$0xFFFFFFD0]  }
0xcf: {  	v10 =	vld [tilespmem:s1+$0xFFFFFFB0]  }
0xd0: {  	v11 =	vimm.f32 $-3.000000010e+38;
	s3 =	simm.s32 $0xA0;
	v12 =	vimm.f32 $-3.000000010e+38;
	s0 =	simm.s32 $0x0;
	v13 =	vld [tilespmem:s1+$0xFFFFFFC0]  }
.LBB2_8:
0xd1: {  	p0 =	sne.s32 s3, $0xE60;
	v14 =	vld [tilespmem:s1+$0xFFFFFFE0];
	v15 =	vmov v9  }
0xd2: {  	v16 =	vld [tilespmem:s1+$0x0]  }
0xd3: {  	s5 =	sand.u32 $0x1FE0, s0;
	s0 =	smov.u32 s3;
	v17 =	vld [tilespmem:s1+$0x20]  }
0xd4: {  	s1 =	sadd.s32 $0xA0, s1;
	v18 =	vld [tilespmem:s5+$0x80]  }
0xd5: {  	v10 =	vmax.f32 v11, v10;
	v19 =	vld [tilespmem:s1+$0x40];
	v11 =	vmax.f32 v12, v13  }
.Ltmp5:
0xd6: {  	v8 =	vmax.f32 v10, v8;
	v9 =	vld [tilespmem:s1+$0x10];
	v10 =	vmax.f32 v11, v14;
	(pc) =	sbr.rel @p0 .LBB2_8-.Ltmp5, $4  }
0xd7: {  	v11 =	vmax.f32 v8, v7;
	v7 =	vld [tilespmem:s1+$0xFFFFFFF0];
	v10 =	vmax.f32 v10, v16  }
0xd8: {  	v11 =	vmax.f32 v11, v15;
	v8 =	vld [tilespmem:s1+$0xFFFFFFD0];
	v12 =	vmax.f32 v10, v17  }
0xd9: {  	v10 =	vld [tilespmem:s1+$0xFFFFFFB0];
	v11 =	vmax.f32 v11, v18;
	v12 =	vmax.f32 v12, v6  }
0xda: {  	s3 =	sadd.s32 $0xA0, s3;
	v13 =	vld [tilespmem:s1+$0xFFFFFFC0];
	v6 =	vmov v19  }
0xdb: {  	v14 =	vld [tilespmem:s1+$0xFFFFFFE0]  }
0xdc: {  	v15 =	vld [tilespmem:s1+$0x0]  }
0xdd: {  	v16 =	vld [tilespmem:s1+$0x20];
	s0 =	sand.u32 $0x1FE0, s0  }
0xde: {  	v17 =	vld [tilespmem:s0+$0x80]  }
0xdf: {  	v10 =	vmax.f32 v11, v10;
	v11 =	vmax.f32 v12, v13  }
0xe0: {  	v8 =	vmax.f32 v10, v8;
	v10 =	vmax.f32 v11, v14  }
0xe1: {  	v7 =	vmax.f32 v8, v7;
	v8 =	vmax.f32 v10, v15  }
0xe2: {  	v7 =	vmax.f32 v7, v9;
	v8 =	vmax.f32 v8, v16  }
0xe3: {  	v7 =	vmax.f32 v7, v17;
	v6 =	vmax.f32 v8, v6  }
0xe4: {  	v6 =	vmax.f32 v7, v6  }
0xe5: {  	(xrf0) =	vmax.scan.msk.f32 $0xffff, v6;
	_ =	sdelay $0x5  }
0xe6: {  	v7, _, _ =	vpop (xrf0)  }
0xe7: {  	v7 =	vbroadcast v7, $0xF;
	_ =	sdelay $0x1  }
0xe8: {  	vm0 =	veq.f32 v6, v7  }
0xe9: {  	v6 =	vsel vm0, $0xFF61B1E6, v6  }
0xea: {  	(xrf0) =	vmax.scan.msk.f32 $0xffff, v6;
	_ =	sdelay $0x5  }
0xeb: {  	v7, _, _ =	vpop (xrf0)  }
0xec: {  	v7 =	vbroadcast v7, $0xF;
	_ =	sdelay $0x1  }
0xed: {  	vm0 =	veq.f32 v6, v7  }
0xee: {  	v6 =	vsel vm0, $0xFF61B1E6, v6  }
0xef: {  	(xrf0) =	vmax.scan.msk.f32 $0xffff, v6;
	_ =	sdelay $0x5  }
0xf0: {  	v7, _, _ =	vpop (xrf0)  }
0xf1: {  	v7 =	vbroadcast v7, $0xF;
	_ =	sdelay $0x1  }
0xf2: {  	vm0 =	veq.f32 v6, v7  }
0xf3: {  	v6 =	vsel vm0, $0xFF61B1E6, v6  }
0xf4: {  	(xrf0) =	vmax.scan.msk.f32 $0xffff, v6;
	_ =	sdelay $0x5  }
0xf5: {  	v7, _, _ =	vpop (xrf0)  }
0xf6: {  	v7 =	vbroadcast v7, $0xF;
	_ =	sdelay $0x1  }
0xf7: {  	vm0 =	veq.f32 v6, v7  }
0xf8: {  	v6 =	vsel vm0, $0xFF61B1E6, v6  }
0xf9: {  	(xrf0) =	vmax.scan.msk.f32 $0xffff, v6;
	_ =	sdelay $0x5  }
0xfa: {  	v7, _, _ =	vpop (xrf0)  }
0xfb: {  	v7 =	vbroadcast v7, $0xF;
	_ =	sdelay $0x1  }
0xfc: {  	vm0 =	veq.f32 v6, v7  }
0xfd: {  	v6 =	vsel vm0, $0xFF61B1E6, v6  }
0xfe: {  	(xrf0) =	vmax.scan.msk.f32 $0xffff, v6;
	_ =	sdelay $0x5  }
0xff: {  	v7, _, _ =	vpop (xrf0)  }
0x100: {  	v7 =	vbroadcast v7, $0xF;
	_ =	sdelay $0x1  }
0x101: {  	vm0 =	veq.f32 v6, v7  }
0x102: {  	v6 =	vsel vm0, $0xFF61B1E6, v6  }
0x103: {  	(xrf0) =	vmax.scan.msk.f32 $0xffff, v6;
	_ =	sdelay $0x5  }
0x104: {  	v7, _, _ =	vpop (xrf0)  }
0x105: {  	v7 =	vbroadcast v7, $0xF;
	_ =	sdelay $0x1  }
0x106: {  	vm0 =	veq.f32 v6, v7  }
0x107: {  	v6 =	vsel vm0, $0xFF61B1E6, v6  }
0x108: {  	(xrf0) =	vmax.scan.msk.f32 $0xffff, v6;
	_ =	sdelay $0x2  }
.Ltmp6:
0x109: {  	_ = 	snop;
	(pc) =	sbr.rel .LBB2_10-.Ltmp6, $3  }
0x10a: {  	_ =	sdelay $0x1  }
0x10b: {  	v9 =	vimm.f32 $0.0e+00;
	v8 =	vimm.f32 $0.0e+00;
	v6, _, _ =	vpop (xrf0)  }
0x10c: {  	s3 =	simm.s32 $0x0;
	s5 =	simm.s32 $0x50;
	[tilespmem:$0x1DD80] =	vst v2;
	v7 =	vimm.f32 $0.0e+00;
	v10 =	vbroadcast v6, $0xF;
	v6 =	vimm.f32 $0.0e+00  }
.LBB2_12:
0x10d: {  	s3 =	sadd.s32 $0xA0, s3  }
0x10e: {  	p0 =	sne.s32 s3, $0xF00  }
.Ltmp7:
0x10f: {  	v9 =	vadd.f32 v20, v9;
	v8 =	vadd.f32 v25, v8;
	(pc) =	sbr.rel @!p0 .LBB2_13-.Ltmp7, $4  }
0x110: {  	v7 =	vadd.f32 v26, v7;
	v6 =	vadd.f32 v27, v6  }
0x111: {  	v9 =	vadd.f32 v28, v9;
	v8 =	vadd.f32 v29, v8  }
0x112: {  	v7 =	vadd.f32 v21, v7;
	v6 =	vadd.f32 v22, v6  }
0x113: {  	s5 =	sadd.s32 $0xA0, s5;
	v9 =	vadd.f32 v23, v9;
	v8 =	vadd.f32 v30, v8  }
.LBB2_10:
0x114: {  	v24 =	vld [tilespmem:s5+$0xFFFFFFB0]  }
0x115: {  	v19 =	vld [tilespmem:s5+$0xFFFFFFC0]  }
0x116: {  	v18 =	vld [tilespmem:s5+$0xFFFFFFD0]  }
0x117: {  	v17 =	vld [tilespmem:s5+$0xFFFFFFE0]  }
0x118: {  	v16 =	vld [tilespmem:s5+$0xFFFFFFF0]  }
0x119: {  	v15 =	vld [tilespmem:s5+$0x0];
	s6 =	sadd.s32 $0x80, s3  }
0x11a: {  	v14 =	vld [tilespmem:s5+$0x10];
	s1 =	sand.u32 $0x60, s3;
	s0 =	sand.u32 $0x3F80, s6;
	vm8 =	vge.f32 v24, v10;
	vm7 =	vge.f32 v19, v10  }
0x11b: {  	v11 =	vld [tilespmem:s5+$0x20];
	s0 =	sor.u32 s1, s0;
	vm6 =	vge.f32 v18, v10;
	vm0 =	vmor vm8, vm7  }
0x11c: {  	v13 =	vld [tilespmem:s0+$0x0];
	vm5 =	vge.f32 v17, v10;
	vm0 =	vmor vm0, vm6  }
0x11d: {  	v12 =	vld [tilespmem:s5+$0x40];
	vm4 =	vge.f32 v16, v10;
	vm0 =	vmor vm0, vm5  }
0x11e: {  	vm3 =	vge.f32 v15, v10;
	vm0 =	vmor vm0, vm4  }
0x11f: {  	vm2 =	vge.f32 v14, v10;
	vm0 =	vmor vm0, vm3  }
0x120: {  	vm1 =	vge.f32 v11, v10;
	vm15 =	vmor vm0, vm2  }
0x121: {  	vm0 =	vge.f32 v13, v10;
	vm9 =	vmor vm15, vm1  }
0x122: {  	vm15 =	vge.f32 v12, v10;
	vm9 =	vmor vm9, vm0  }
0x123: {  	v20 =	vmul.f32 $5.000000000e-01, v24;
	vm9 =	vmor vm9, vm15  }
0x124: {  	v21 =	vsel vm9, $0x1, v4  }
0x125: {  	v20 =	vmul.f32 $1.442695020e+00, v20;
	v21 =	vor.u32 $0x80000000, v21  }
0x126: {  	v22 =	vmul.f32 $5.000000000e-01, v19;
	(xrf0) =	vmax.scan.msk.u32 $0xffff, v21  }
0x127: {  	(erf) = vpow2.f32 v20;
	v20 =	vmul.f32 $5.000000000e-01, v18  }
0x128: {  	v21 =	vmul.f32 $1.442695020e+00, v22;
	v22 =	vmul.f32 $5.000000000e-01, v16;
	_ =	sdelay $0x1  }
0x129: {  	v20 =	vmul.f32 $1.442695020e+00, v20  }
0x12a: {  	(erf) = vpow2.f32 v21;
	v21 =	vmul.f32 $5.000000000e-01, v17  }
0x12b: {  	(erf) = vpow2.f32 v20;
	v20 =	vmul.f32 $1.442695020e+00, v22;
	v22, _, _ =	vpop (xrf0)  }
0x12c: {  	(v2sf) =	vpush v22, $0xF  }
0x12d: {  	v23 =	vmul.f32 $5.000000000e-01, v15;
	v21 =	vmul.f32 $1.442695020e+00, v21;
	_ =	sdelay $0x1  }
0x12e: {  	(erf) = vpow2.f32 v21;
	v21 =	vmul.f32 $1.442695020e+00, v23  }
0x12f: {  	(erf) = vpow2.f32 v20;
	v20 =	vmul.f32 $5.000000000e-01, v14  }
0x130: {  	(erf) = vpow2.f32 v21;
	v21 =	vmul.f32 $5.000000000e-01, v11  }
0x131: {  	v22 =	vmul.f32 $5.000000000e-01, v13;
	v20 =	vmul.f32 $1.442695020e+00, v20  }
0x132: {  	v23 =	vmul.f32 $5.000000000e-01, v12;
	v21 =	vmul.f32 $1.442695020e+00, v21  }
0x133: {  	(erf) = vpow2.f32 v20;
	v20 =	vmul.f32 $1.442695020e+00, v22;
	_ =	sdelay $0x1  }
0x134: {  	(erf) = vpow2.f32 v21;
	v21 =	vmul.f32 $1.442695020e+00, v23  }
0x135: {  	(erf) = vpow2.f32 v20  }
0x136: {  	v20 =	vpop (erf);
	(erf) = vpow2.f32 v21  }
0x137: {  	v25 =	vpop (erf)  }
0x138: {  	v26 =	vpop (erf)  }
0x139: {  	v27 =	vpop (erf);
	s31 =	spop (v2sf)  }
0x13a: {  	v28 =	vpop (erf);
	p0 =	slt.u32 s31, $0x80000001  }
.Ltmp8:
0x13b: {  	v29 =	vpop (erf);
	(pc) =	sbr.rel @p0 .LBB2_12-.Ltmp8, $4  }
0x13c: {  	v21 =	vpop (erf)  }
0x13d: {  	v22 =	vpop (erf)  }
0x13e: {  	v23 =	vpop (erf)  }
0x13f: {  	v30 =	vpop (erf)  }
0x140: {  	v31 =	vld [tilespmem:$0x1DD80];
	_ =	sdelay $0x4  }
0x141: {  	v32 =	vsel vm8, $0x10, v4;
	vm9 =	vlt.s32 v31, v5  }
0x142: {  	v33 =	vsel vm9, v31, v5;
	v31 =	vadd.s32 v32, v31  }
0x143: {  	v49 =	vsel vm7, $0x10, v4;
	vm9 =	vlt.s32 v31, v5  }
0x144: {  	v34 =	vsel vm9, v31, v5;
	v31 =	vadd.s32 v49, v31  }
0x145: {  	v50 =	vsel vm6, $0x10, v4;
	vm9 =	vlt.s32 v31, v5  }
0x146: {  	v35 =	vsel vm9, v31, v5;
	v31 =	vadd.s32 v50, v31  }
0x147: {  	v51 =	vsel vm5, $0x10, v4;
	[tilespmem:v33+s29+$0x0] =	vst.idx.msk vm8, v24;
	v24 =	vor.u32 s3, v2;
	vm9 =	vlt.s32 v31, v5  }
0x148: {  	s0 =	sadd.s32 $0x10, s3;
	[tilespmem:v33+s30+$0x0] =	vst.idx.msk vm8, v24;
	v24 =	vsel vm9, v31, v5;
	v31 =	vadd.s32 v51, v31  }
0x149: {  	v52 =	vsel vm4, $0x10, v4;
	[tilespmem:v34+s29+$0x0] =	vst.idx.msk vm7, v19;
	v19 =	vor.u32 s0, v2;
	vm8 =	vlt.s32 v31, v5  }
0x14a: {  	s14 =	sadd.s32 $0x20, s3;
	[tilespmem:v34+s30+$0x0] =	vst.idx.msk vm7, v19;
	v19 =	vsel vm8, v31, v5;
	v31 =	vadd.s32 v52, v31  }
0x14b: {  	v53 =	vsel vm3, $0x10, v4;
	[tilespmem:v35+s29+$0x0] =	vst.idx.msk vm6, v18;
	v18 =	vor.u32 s14, v2;
	vm7 =	vlt.s32 v31, v5  }
0x14c: {  	s15 =	sadd.s32 $0x30, s3;
	[tilespmem:v35+s30+$0x0] =	vst.idx.msk vm6, v18;
	v18 =	vsel vm7, v31, v5;
	v31 =	vadd.s32 v53, v31  }
0x14d: {  	v55 =	vsel vm2, $0x10, v4;
	v54 =	vor.u32 s15, v2;
	[tilespmem:v24+s29+$0x0] =	vst.idx.msk vm5, v17;
	vm6 =	vlt.s32 v31, v5  }
0x14e: {  	s16 =	sadd.s32 $0x40, s3;
	[tilespmem:v24+s30+$0x0] =	vst.idx.msk vm5, v54;
	v56 =	vsel vm6, v31, v5;
	v24 =	vadd.s32 v55, v31  }
0x14f: {  	v57 =	vor.u32 s16, v2;
	v31 =	vsel vm1, $0x10, v4;
	[tilespmem:v19+s29+$0x0] =	vst.idx.msk vm4, v16;
	vm5 =	vlt.s32 v24, v5  }
0x150: {  	s17 =	sadd.s32 $0x50, s3;
	[tilespmem:v19+s30+$0x0] =	vst.idx.msk vm4, v57;
	v58 =	vsel vm5, v24, v5;
	v19 =	vadd.s32 v31, v24  }
0x151: {  	v59 =	vor.u32 s17, v2;
	v24 =	vsel vm0, $0x10, v4;
	[tilespmem:v18+s29+$0x0] =	vst.idx.msk vm3, v15;
	vm4 =	vlt.s32 v19, v5  }
0x152: {  	s18 =	sadd.s32 $0x60, s3;
	[tilespmem:v18+s30+$0x0] =	vst.idx.msk vm3, v59;
	v60 =	vsel vm4, v19, v5;
	v18 =	vadd.s32 v24, v19  }
0x153: {  	v61 =	vor.u32 s18, v2;
	[tilespmem:v56+s29+$0x0] =	vst.idx.msk vm2, v14;
	vm7 =	vlt.s32 v18, v5  }
0x154: {  	s28 =	sadd.s32 $0x70, s3;
	[tilespmem:v56+s30+$0x0] =	vst.idx.msk vm2, v61;
	v62 =	vsel vm7, v18, v5  }
0x155: {  	[tilespmem:v58+s29+$0x0] =	vst.idx.msk vm1, v11;
	v11 =	vor.u32 s28, v2  }
0x156: {  	[tilespmem:v58+s30+$0x0] =	vst.idx.msk vm1, v11  }
.Ltmp9:
0x157: {  	v11 =	vor.u32 s6, v2;
	[tilespmem:v60+s29+$0x0] =	vst.idx.msk vm0, v13;
	(pc) =	sbr.rel .LBB2_12-.Ltmp9, $4  }
0x158: {  	s31 =	sadd.s32 $0x90, s3;
	[tilespmem:v60+s30+$0x0] =	vst.idx.msk vm0, v11  }
0x159: {  	v63 =	vsel vm15, $0x10, v4;
	v11 =	vor.u32 s31, v2;
	[tilespmem:v62+s29+$0x0] =	vst.idx.msk vm15, v12  }
0x15a: {  	[tilespmem:v62+s30+$0x0] =	vst.idx.msk vm15, v11;
	v11 =	vadd.s32 v63, v18  }
0x15b: {  	[tilespmem:$0x1DD80] =	vst v11  }
.LBB2_13:
.Ltmp10:
0x15c: {  	(pc) =	sbr.rel .LBB2_14-.Ltmp10, $4  }
0x15d: {  	s0 =	simm.s32 $0x2  }
0x15e: {  	_ =	swait.ge [sflag:s0], $0x7D00  }
0x15f: {  	[sflag:s0] =	ssyncset.done $0x0  }
0x160: {  	s3 =	simm.s32 $0x0;
	s5 =	simm.s32 $0xF90;
	[sflag:s0] =	ssyncadd.s32 $0xFFFF8300  }
.LBB2_16:
0x161: {  	s3 =	sadd.s32 $0xA0, s3  }
0x162: {  	p0 =	sne.s32 s3, $0x7D00  }
.Ltmp11:
0x163: {  	v9 =	vadd.f32 v20, v9;
	v8 =	vadd.f32 v24, v8;
	(pc) =	sbr.rel @!p0 .LBB2_17-.Ltmp11, $4  }
0x164: {  	v7 =	vadd.f32 v25, v7;
	v6 =	vadd.f32 v26, v6  }
0x165: {  	v9 =	vadd.f32 v27, v9;
	v8 =	vadd.f32 v28, v8  }
0x166: {  	v7 =	vadd.f32 v21, v7;
	v6 =	vadd.f32 v22, v6  }
0x167: {  	s5 =	sadd.s32 $0xA0, s5;
	v9 =	vadd.f32 v23, v9;
	v8 =	vadd.f32 v29, v8  }
.LBB2_14:
0x168: {  	s7 =	sadd.s32 $0xF00, s3  }
0x169: {  	s1 =	sand.u32 $0x60, s3;
	s0 =	sand.u32 $0x1FF80, s7  }
0x16a: {  	v19 =	vld [tilespmem:s5+$0xFFFFFF80];
	s0 =	sor.u32 s1, s0  }
0x16b: {  	v30 =	vld [tilespmem:s0+$0x0]  }
0x16c: {  	v18 =	vld [tilespmem:s5+$0xFFFFFF90]  }
0x16d: {  	v17 =	vld [tilespmem:s5+$0xFFFFFFA0]  }
0x16e: {  	v16 =	vld [tilespmem:s5+$0xFFFFFFB0]  }
0x16f: {  	v15 =	vld [tilespmem:s5+$0xFFFFFFC0];
	s6 =	sadd.s32 $0xF80, s3  }
0x170: {  	v14 =	vld [tilespmem:s5+$0xFFFFFFD0];
	s28 =	sand.u32 $0x1FF80, s6;
	vm7 =	vge.f32 v19, v10;
	vm8 =	vge.f32 v30, v10  }
0x171: {  	v11 =	vld [tilespmem:s5+$0xFFFFFFE0];
	s0 =	sor.u32 s1, s28;
	vm6 =	vge.f32 v18, v10;
	vm0 =	vmor vm8, vm7  }
0x172: {  	v13 =	vld [tilespmem:s0+$0x0];
	vm5 =	vge.f32 v17, v10;
	vm0 =	vmor vm0, vm6  }
0x173: {  	v12 =	vld [tilespmem:s5+$0x0];
	vm4 =	vge.f32 v16, v10;
	vm0 =	vmor vm0, vm5  }
0x174: {  	vm3 =	vge.f32 v15, v10;
	vm0 =	vmor vm0, vm4  }
0x175: {  	vm2 =	vge.f32 v14, v10;
	vm0 =	vmor vm0, vm3  }
0x176: {  	vm1 =	vge.f32 v11, v10;
	vm9 =	vmor vm0, vm2  }
0x177: {  	vm0 =	vge.f32 v13, v10;
	vm9 =	vmor vm9, vm1  }
0x178: {  	vm15 =	vge.f32 v12, v10;
	vm9 =	vmor vm9, vm0  }
0x179: {  	v20 =	vmul.f32 $5.000000000e-01, v30;
	vm9 =	vmor vm9, vm15  }
0x17a: {  	v21 =	vsel vm9, $0x1, v4  }
0x17b: {  	v20 =	vmul.f32 $1.442695020e+00, v20;
	v21 =	vor.u32 $0x80000000, v21  }
0x17c: {  	v22 =	vmul.f32 $5.000000000e-01, v19;
	(xrf0) =	vmax.scan.msk.u32 $0xffff, v21  }
0x17d: {  	(erf) = vpow2.f32 v20;
	v20 =	vmul.f32 $5.000000000e-01, v18  }
0x17e: {  	v21 =	vmul.f32 $1.442695020e+00, v22;
	v22 =	vmul.f32 $5.000000000e-01, v16;
	_ =	sdelay $0x1  }
0x17f: {  	v20 =	vmul.f32 $1.442695020e+00, v20  }
0x180: {  	(erf) = vpow2.f32 v21;
	v21 =	vmul.f32 $5.000000000e-01, v17  }
0x181: {  	(erf) = vpow2.f32 v20;
	v20 =	vmul.f32 $1.442695020e+00, v22;
	v22, _, _ =	vpop (xrf0)  }
0x182: {  	(v2sf) =	vpush v22, $0xF  }
0x183: {  	v23 =	vmul.f32 $5.000000000e-01, v15;
	v21 =	vmul.f32 $1.442695020e+00, v21;
	_ =	sdelay $0x1  }
0x184: {  	(erf) = vpow2.f32 v21;
	v21 =	vmul.f32 $1.442695020e+00, v23  }
0x185: {  	(erf) = vpow2.f32 v20;
	v20 =	vmul.f32 $5.000000000e-01, v14  }
0x186: {  	(erf) = vpow2.f32 v21;
	v21 =	vmul.f32 $5.000000000e-01, v11  }
0x187: {  	v22 =	vmul.f32 $5.000000000e-01, v13;
	v20 =	vmul.f32 $1.442695020e+00, v20  }
0x188: {  	v23 =	vmul.f32 $5.000000000e-01, v12;
	v21 =	vmul.f32 $1.442695020e+00, v21  }
0x189: {  	(erf) = vpow2.f32 v20;
	v20 =	vmul.f32 $1.442695020e+00, v22;
	_ =	sdelay $0x1  }
0x18a: {  	(erf) = vpow2.f32 v21;
	v21 =	vmul.f32 $1.442695020e+00, v23  }
0x18b: {  	(erf) = vpow2.f32 v20  }
0x18c: {  	v20 =	vpop (erf);
	(erf) = vpow2.f32 v21  }
0x18d: {  	v24 =	vpop (erf)  }
0x18e: {  	v25 =	vpop (erf)  }
0x18f: {  	v26 =	vpop (erf);
	s31 =	spop (v2sf)  }
0x190: {  	v27 =	vpop (erf);
	p0 =	slt.u32 s31, $0x80000001  }
.Ltmp12:
0x191: {  	v28 =	vpop (erf);
	(pc) =	sbr.rel @p0 .LBB2_16-.Ltmp12, $4  }
0x192: {  	v21 =	vpop (erf)  }
0x193: {  	v22 =	vpop (erf)  }
0x194: {  	v23 =	vpop (erf)  }
0x195: {  	v29 =	vpop (erf)  }
0x196: {  	v31 =	vld [tilespmem:$0x1DD80];
	_ =	sdelay $0x4  }
0x197: {  	v32 =	vsel vm8, $0x10, v4;
	vm9 =	vlt.s32 v31, v5  }
0x198: {  	v33 =	vsel vm9, v31, v5;
	v31 =	vadd.s32 v32, v31  }
0x199: {  	v49 =	vsel vm7, $0x10, v4;
	vm9 =	vlt.s32 v31, v5  }
0x19a: {  	v34 =	vsel vm9, v31, v5;
	v31 =	vadd.s32 v49, v31  }
0x19b: {  	v50 =	vsel vm6, $0x10, v4;
	vm9 =	vlt.s32 v31, v5  }
0x19c: {  	v35 =	vsel vm9, v31, v5;
	v31 =	vadd.s32 v50, v31  }
0x19d: {  	v51 =	vsel vm5, $0x10, v4;
	[tilespmem:v33+s29+$0x0] =	vst.idx.msk vm8, v30;
	v30 =	vor.u32 s7, v2;
	vm9 =	vlt.s32 v31, v5  }
0x19e: {  	s0 =	sadd.s32 $0xF10, s3;
	[tilespmem:v33+s30+$0x0] =	vst.idx.msk vm8, v30;
	v30 =	vsel vm9, v31, v5;
	v31 =	vadd.s32 v51, v31  }
0x19f: {  	v52 =	vsel vm4, $0x10, v4;
	[tilespmem:v34+s29+$0x0] =	vst.idx.msk vm7, v19;
	v19 =	vor.u32 s0, v2;
	vm8 =	vlt.s32 v31, v5  }
0x1a0: {  	s14 =	sadd.s32 $0xF20, s3;
	[tilespmem:v34+s30+$0x0] =	vst.idx.msk vm7, v19;
	v19 =	vsel vm8, v31, v5;
	v31 =	vadd.s32 v52, v31  }
0x1a1: {  	v53 =	vsel vm3, $0x10, v4;
	[tilespmem:v35+s29+$0x0] =	vst.idx.msk vm6, v18;
	v18 =	vor.u32 s14, v2;
	vm7 =	vlt.s32 v31, v5  }
0x1a2: {  	s15 =	sadd.s32 $0xF30, s3;
	[tilespmem:v35+s30+$0x0] =	vst.idx.msk vm6, v18;
	v18 =	vsel vm7, v31, v5;
	v31 =	vadd.s32 v53, v31  }
0x1a3: {  	v55 =	vsel vm2, $0x10, v4;
	v54 =	vor.u32 s15, v2;
	[tilespmem:v30+s29+$0x0] =	vst.idx.msk vm5, v17;
	vm6 =	vlt.s32 v31, v5  }
0x1a4: {  	s16 =	sadd.s32 $0xF40, s3;
	[tilespmem:v30+s30+$0x0] =	vst.idx.msk vm5, v54;
	v56 =	vsel vm6, v31, v5;
	v30 =	vadd.s32 v55, v31  }
0x1a5: {  	v57 =	vor.u32 s16, v2;
	v31 =	vsel vm1, $0x10, v4;
	[tilespmem:v19+s29+$0x0] =	vst.idx.msk vm4, v16;
	vm5 =	vlt.s32 v30, v5  }
0x1a6: {  	s17 =	sadd.s32 $0xF50, s3;
	[tilespmem:v19+s30+$0x0] =	vst.idx.msk vm4, v57;
	v58 =	vsel vm5, v30, v5;
	v19 =	vadd.s32 v31, v30  }
0x1a7: {  	v59 =	vor.u32 s17, v2;
	v30 =	vsel vm0, $0x10, v4;
	[tilespmem:v18+s29+$0x0] =	vst.idx.msk vm3, v15;
	vm4 =	vlt.s32 v19, v5  }
0x1a8: {  	s18 =	sadd.s32 $0xF60, s3;
	[tilespmem:v18+s30+$0x0] =	vst.idx.msk vm3, v59;
	v60 =	vsel vm4, v19, v5;
	v18 =	vadd.s32 v30, v19  }
0x1a9: {  	v61 =	vor.u32 s18, v2;
	[tilespmem:v56+s29+$0x0] =	vst.idx.msk vm2, v14;
	vm7 =	vlt.s32 v18, v5  }
0x1aa: {  	s28 =	sadd.s32 $0xF70, s3;
	[tilespmem:v56+s30+$0x0] =	vst.idx.msk vm2, v61;
	v62 =	vsel vm7, v18, v5  }
0x1ab: {  	[tilespmem:v58+s29+$0x0] =	vst.idx.msk vm1, v11;
	v11 =	vor.u32 s28, v2  }
0x1ac: {  	[tilespmem:v58+s30+$0x0] =	vst.idx.msk vm1, v11  }
.Ltmp13:
0x1ad: {  	v11 =	vor.u32 s6, v2;
	[tilespmem:v60+s29+$0x0] =	vst.idx.msk vm0, v13;
	(pc) =	sbr.rel .LBB2_16-.Ltmp13, $4  }
0x1ae: {  	s31 =	sadd.s32 $0xF90, s3;
	[tilespmem:v60+s30+$0x0] =	vst.idx.msk vm0, v11  }
0x1af: {  	v63 =	vsel vm15, $0x10, v4;
	v11 =	vor.u32 s31, v2;
	[tilespmem:v62+s29+$0x0] =	vst.idx.msk vm15, v12  }
0x1b0: {  	[tilespmem:v62+s30+$0x0] =	vst.idx.msk vm15, v11;
	v11 =	vadd.s32 v63, v18  }
0x1b1: {  	[tilespmem:$0x1DD80] =	vst v11  }
.LBB2_17:
.Ltmp14:
0x1b2: {  	(pc) =	sbr.rel .LBB2_18-.Ltmp14, $4  }
0x1b3: {  	s0 =	simm.s32 $0x3  }
0x1b4: {  	_ =	swait.ge [sflag:s0], $0x7D00  }
0x1b5: {  	[sflag:s0] =	ssyncset.done $0x0  }
0x1b6: {  	s3 =	simm.s32 $0x0;
	s5 =	simm.s32 $0x8C90;
	[sflag:s0] =	ssyncadd.s32 $0xFFFF8300  }
.LBB2_20:
0x1b7: {  	s3 =	sadd.s32 $0xA0, s3  }
0x1b8: {  	p0 =	sne.s32 s3, $0x7D00  }
.Ltmp15:
0x1b9: {  	v9 =	vadd.f32 v20, v9;
	v8 =	vadd.f32 v24, v8;
	(pc) =	sbr.rel @!p0 .LBB2_21-.Ltmp15, $4  }
0x1ba: {  	v7 =	vadd.f32 v25, v7;
	v6 =	vadd.f32 v26, v6  }
0x1bb: {  	v9 =	vadd.f32 v27, v9;
	v8 =	vadd.f32 v28, v8  }
0x1bc: {  	v7 =	vadd.f32 v21, v7;
	v6 =	vadd.f32 v22, v6  }
0x1bd: {  	s5 =	sadd.s32 $0xA0, s5;
	v9 =	vadd.f32 v23, v9;
	v8 =	vadd.f32 v29, v8  }
.LBB2_18:
0x1be: {  	s7 =	sadd.s32 $0x8C00, s3  }
0x1bf: {  	s1 =	sand.u32 $0x60, s3;
	s0 =	sand.u32 $0x1FF80, s7  }
0x1c0: {  	v19 =	vld [tilespmem:s5+$0xFFFFFF80];
	s0 =	sor.u32 s1, s0  }
0x1c1: {  	v30 =	vld [tilespmem:s0+$0x0]  }
0x1c2: {  	v18 =	vld [tilespmem:s5+$0xFFFFFF90]  }
0x1c3: {  	v17 =	vld [tilespmem:s5+$0xFFFFFFA0]  }
0x1c4: {  	v16 =	vld [tilespmem:s5+$0xFFFFFFB0]  }
0x1c5: {  	v15 =	vld [tilespmem:s5+$0xFFFFFFC0];
	s6 =	sadd.s32 $0x8C80, s3  }
0x1c6: {  	v14 =	vld [tilespmem:s5+$0xFFFFFFD0];
	s28 =	sand.u32 $0x1FF80, s6;
	vm7 =	vge.f32 v19, v10;
	vm8 =	vge.f32 v30, v10  }
0x1c7: {  	v11 =	vld [tilespmem:s5+$0xFFFFFFE0];
	s0 =	sor.u32 s1, s28;
	vm6 =	vge.f32 v18, v10;
	vm0 =	vmor vm8, vm7  }
0x1c8: {  	v13 =	vld [tilespmem:s0+$0x0];
	vm5 =	vge.f32 v17, v10;
	vm0 =	vmor vm0, vm6  }
0x1c9: {  	v12 =	vld [tilespmem:s5+$0x0];
	vm4 =	vge.f32 v16, v10;
	vm0 =	vmor vm0, vm5  }
0x1ca: {  	vm3 =	vge.f32 v15, v10;
	vm0 =	vmor vm0, vm4  }
0x1cb: {  	vm2 =	vge.f32 v14, v10;
	vm0 =	vmor vm0, vm3  }
0x1cc: {  	vm1 =	vge.f32 v11, v10;
	vm9 =	vmor vm0, vm2  }
0x1cd: {  	vm0 =	vge.f32 v13, v10;
	vm9 =	vmor vm9, vm1  }
0x1ce: {  	vm15 =	vge.f32 v12, v10;
	vm9 =	vmor vm9, vm0  }
0x1cf: {  	v20 =	vmul.f32 $5.000000000e-01, v30;
	vm9 =	vmor vm9, vm15  }
0x1d0: {  	v21 =	vsel vm9, $0x1, v4  }
0x1d1: {  	v20 =	vmul.f32 $1.442695020e+00, v20;
	v21 =	vor.u32 $0x80000000, v21  }
0x1d2: {  	v22 =	vmul.f32 $5.000000000e-01, v19;
	(xrf0) =	vmax.scan.msk.u32 $0xffff, v21  }
0x1d3: {  	(erf) = vpow2.f32 v20;
	v20 =	vmul.f32 $5.000000000e-01, v18  }
0x1d4: {  	v21 =	vmul.f32 $1.442695020e+00, v22;
	v22 =	vmul.f32 $5.000000000e-01, v16;
	_ =	sdelay $0x1  }
0x1d5: {  	v20 =	vmul.f32 $1.442695020e+00, v20  }
0x1d6: {  	(erf) = vpow2.f32 v21;
	v21 =	vmul.f32 $5.000000000e-01, v17  }
0x1d7: {  	(erf) = vpow2.f32 v20;
	v20 =	vmul.f32 $1.442695020e+00, v22;
	v22, _, _ =	vpop (xrf0)  }
0x1d8: {  	(v2sf) =	vpush v22, $0xF  }
0x1d9: {  	v23 =	vmul.f32 $5.000000000e-01, v15;
	v21 =	vmul.f32 $1.442695020e+00, v21;
	_ =	sdelay $0x1  }
0x1da: {  	(erf) = vpow2.f32 v21;
	v21 =	vmul.f32 $1.442695020e+00, v23  }
0x1db: {  	(erf) = vpow2.f32 v20;
	v20 =	vmul.f32 $5.000000000e-01, v14  }
0x1dc: {  	(erf) = vpow2.f32 v21;
	v21 =	vmul.f32 $5.000000000e-01, v11  }
0x1dd: {  	v22 =	vmul.f32 $5.000000000e-01, v13;
	v20 =	vmul.f32 $1.442695020e+00, v20  }
0x1de: {  	v23 =	vmul.f32 $5.000000000e-01, v12;
	v21 =	vmul.f32 $1.442695020e+00, v21  }
0x1df: {  	(erf) = vpow2.f32 v20;
	v20 =	vmul.f32 $1.442695020e+00, v22;
	_ =	sdelay $0x1  }
0x1e0: {  	(erf) = vpow2.f32 v21;
	v21 =	vmul.f32 $1.442695020e+00, v23  }
0x1e1: {  	(erf) = vpow2.f32 v20  }
0x1e2: {  	v20 =	vpop (erf);
	(erf) = vpow2.f32 v21  }
0x1e3: {  	v24 =	vpop (erf)  }
0x1e4: {  	v25 =	vpop (erf)  }
0x1e5: {  	v26 =	vpop (erf);
	s31 =	spop (v2sf)  }
0x1e6: {  	v27 =	vpop (erf);
	p0 =	slt.u32 s31, $0x80000001  }
.Ltmp16:
0x1e7: {  	v28 =	vpop (erf);
	(pc) =	sbr.rel @p0 .LBB2_20-.Ltmp16, $4  }
0x1e8: {  	v21 =	vpop (erf)  }
0x1e9: {  	v22 =	vpop (erf)  }
0x1ea: {  	v23 =	vpop (erf)  }
0x1eb: {  	v29 =	vpop (erf)  }
0x1ec: {  	v31 =	vld [tilespmem:$0x1DD80];
	_ =	sdelay $0x4  }
0x1ed: {  	v32 =	vsel vm8, $0x10, v4;
	vm9 =	vlt.s32 v31, v5  }
0x1ee: {  	v33 =	vsel vm9, v31, v5;
	v31 =	vadd.s32 v32, v31  }
0x1ef: {  	v49 =	vsel vm7, $0x10, v4;
	vm9 =	vlt.s32 v31, v5  }
0x1f0: {  	v34 =	vsel vm9, v31, v5;
	v31 =	vadd.s32 v49, v31  }
0x1f1: {  	v50 =	vsel vm6, $0x10, v4;
	vm9 =	vlt.s32 v31, v5  }
0x1f2: {  	v35 =	vsel vm9, v31, v5;
	v31 =	vadd.s32 v50, v31  }
0x1f3: {  	v51 =	vsel vm5, $0x10, v4;
	[tilespmem:v33+s29+$0x0] =	vst.idx.msk vm8, v30;
	v30 =	vor.u32 s7, v2;
	vm9 =	vlt.s32 v31, v5  }
0x1f4: {  	s0 =	sadd.s32 $0x8C10, s3;
	[tilespmem:v33+s30+$0x0] =	vst.idx.msk vm8, v30;
	v30 =	vsel vm9, v31, v5;
	v31 =	vadd.s32 v51, v31  }
0x1f5: {  	v52 =	vsel vm4, $0x10, v4;
	[tilespmem:v34+s29+$0x0] =	vst.idx.msk vm7, v19;
	v19 =	vor.u32 s0, v2;
	vm8 =	vlt.s32 v31, v5  }
0x1f6: {  	s14 =	sadd.s32 $0x8C20, s3;
	[tilespmem:v34+s30+$0x0] =	vst.idx.msk vm7, v19;
	v19 =	vsel vm8, v31, v5;
	v31 =	vadd.s32 v52, v31  }
0x1f7: {  	v53 =	vsel vm3, $0x10, v4;
	[tilespmem:v35+s29+$0x0] =	vst.idx.msk vm6, v18;
	v18 =	vor.u32 s14, v2;
	vm7 =	vlt.s32 v31, v5  }
0x1f8: {  	s15 =	sadd.s32 $0x8C30, s3;
	[tilespmem:v35+s30+$0x0] =	vst.idx.msk vm6, v18;
	v18 =	vsel vm7, v31, v5;
	v31 =	vadd.s32 v53, v31  }
0x1f9: {  	v55 =	vsel vm2, $0x10, v4;
	v54 =	vor.u32 s15, v2;
	[tilespmem:v30+s29+$0x0] =	vst.idx.msk vm5, v17;
	vm6 =	vlt.s32 v31, v5  }
0x1fa: {  	s16 =	sadd.s32 $0x8C40, s3;
	[tilespmem:v30+s30+$0x0] =	vst.idx.msk vm5, v54;
	v56 =	vsel vm6, v31, v5;
	v30 =	vadd.s32 v55, v31  }
0x1fb: {  	v57 =	vor.u32 s16, v2;
	v31 =	vsel vm1, $0x10, v4;
	[tilespmem:v19+s29+$0x0] =	vst.idx.msk vm4, v16;
	vm5 =	vlt.s32 v30, v5  }
0x1fc: {  	s17 =	sadd.s32 $0x8C50, s3;
	[tilespmem:v19+s30+$0x0] =	vst.idx.msk vm4, v57;
	v58 =	vsel vm5, v30, v5;
	v19 =	vadd.s32 v31, v30  }
0x1fd: {  	v59 =	vor.u32 s17, v2;
	v30 =	vsel vm0, $0x10, v4;
	[tilespmem:v18+s29+$0x0] =	vst.idx.msk vm3, v15;
	vm4 =	vlt.s32 v19, v5  }
0x1fe: {  	s18 =	sadd.s32 $0x8C60, s3;
	[tilespmem:v18+s30+$0x0] =	vst.idx.msk vm3, v59;
	v60 =	vsel vm4, v19, v5;
	v18 =	vadd.s32 v30, v19  }
0x1ff: {  	v61 =	vor.u32 s18, v2;
	[tilespmem:v56+s29+$0x0] =	vst.idx.msk vm2, v14;
	vm7 =	vlt.s32 v18, v5  }
0x200: {  	s28 =	sadd.s32 $0x8C70, s3;
	[tilespmem:v56+s30+$0x0] =	vst.idx.msk vm2, v61;
	v62 =	vsel vm7, v18, v5  }
0x201: {  	[tilespmem:v58+s29+$0x0] =	vst.idx.msk vm1, v11;
	v11 =	vor.u32 s28, v2  }
0x202: {  	[tilespmem:v58+s30+$0x0] =	vst.idx.msk vm1, v11  }
.Ltmp17:
0x203: {  	v11 =	vor.u32 s6, v2;
	[tilespmem:v60+s29+$0x0] =	vst.idx.msk vm0, v13;
	(pc) =	sbr.rel .LBB2_20-.Ltmp17, $4  }
0x204: {  	s31 =	sadd.s32 $0x8C90, s3;
	[tilespmem:v60+s30+$0x0] =	vst.idx.msk vm0, v11  }
0x205: {  	v63 =	vsel vm15, $0x10, v4;
	v11 =	vor.u32 s31, v2;
	[tilespmem:v62+s29+$0x0] =	vst.idx.msk vm15, v12  }
0x206: {  	[tilespmem:v62+s30+$0x0] =	vst.idx.msk vm15, v11;
	v11 =	vadd.s32 v63, v18  }
0x207: {  	[tilespmem:$0x1DD80] =	vst v11  }
.LBB2_21:
.Ltmp18:
0x208: {  	(pc) =	sbr.rel .LBB2_22-.Ltmp18, $4  }
0x209: {  	s0 =	simm.s32 $0x4  }
0x20a: {  	_ =	swait.ge [sflag:s0], $0x7D00  }
0x20b: {  	[sflag:s0] =	ssyncset.done $0x0  }
0x20c: {  	s3 =	simm.s32 $0x0;
	s5 =	simm.s32 $0x10990;
	[sflag:s0] =	ssyncadd.s32 $0xFFFF8300  }
.LBB2_24:
0x20d: {  	s3 =	sadd.s32 $0xA0, s3  }
0x20e: {  	p0 =	sne.s32 s3, $0x7D00  }
.Ltmp19:
0x20f: {  	v9 =	vadd.f32 v20, v9;
	v8 =	vadd.f32 v24, v8;
	(pc) =	sbr.rel @!p0 .LBB2_25-.Ltmp19, $4  }
0x210: {  	v7 =	vadd.f32 v25, v7;
	v6 =	vadd.f32 v26, v6  }
0x211: {  	v9 =	vadd.f32 v27, v9;
	v8 =	vadd.f32 v28, v8  }
0x212: {  	v7 =	vadd.f32 v21, v7;
	v6 =	vadd.f32 v22, v6  }
0x213: {  	s5 =	sadd.s32 $0xA0, s5;
	v9 =	vadd.f32 v23, v9;
	v8 =	vadd.f32 v29, v8  }
.LBB2_22:
0x214: {  	s7 =	sadd.s32 $0x10900, s3  }
0x215: {  	s1 =	sand.u32 $0x60, s3;
	s0 =	sand.u32 $0x3FF80, s7  }
0x216: {  	v19 =	vld [tilespmem:s5+$0xFFFFFF80];
	s0 =	sor.u32 s1, s0  }
0x217: {  	v30 =	vld [tilespmem:s0+$0x0]  }
0x218: {  	v18 =	vld [tilespmem:s5+$0xFFFFFF90]  }
0x219: {  	v17 =	vld [tilespmem:s5+$0xFFFFFFA0]  }
0x21a: {  	v16 =	vld [tilespmem:s5+$0xFFFFFFB0]  }
0x21b: {  	v15 =	vld [tilespmem:s5+$0xFFFFFFC0];
	s6 =	sadd.s32 $0x10980, s3  }
0x21c: {  	v14 =	vld [tilespmem:s5+$0xFFFFFFD0];
	s28 =	sand.u32 $0x3FF80, s6;
	vm7 =	vge.f32 v19, v10;
	vm8 =	vge.f32 v30, v10  }
0x21d: {  	v11 =	vld [tilespmem:s5+$0xFFFFFFE0];
	s0 =	sor.u32 s1, s28;
	vm6 =	vge.f32 v18, v10;
	vm0 =	vmor vm8, vm7  }
0x21e: {  	v13 =	vld [tilespmem:s0+$0x0];
	vm5 =	vge.f32 v17, v10;
	vm0 =	vmor vm0, vm6  }
0x21f: {  	v12 =	vld [tilespmem:s5+$0x0];
	vm4 =	vge.f32 v16, v10;
	vm0 =	vmor vm0, vm5  }
0x220: {  	vm3 =	vge.f32 v15, v10;
	vm0 =	vmor vm0, vm4  }
0x221: {  	vm2 =	vge.f32 v14, v10;
	vm0 =	vmor vm0, vm3  }
0x222: {  	vm1 =	vge.f32 v11, v10;
	vm9 =	vmor vm0, vm2  }
0x223: {  	vm0 =	vge.f32 v13, v10;
	vm9 =	vmor vm9, vm1  }
0x224: {  	vm15 =	vge.f32 v12, v10;
	vm9 =	vmor vm9, vm0  }
0x225: {  	v20 =	vmul.f32 $5.000000000e-01, v30;
	vm9 =	vmor vm9, vm15  }
0x226: {  	v21 =	vsel vm9, $0x1, v4  }
0x227: {  	v20 =	vmul.f32 $1.442695020e+00, v20;
	v21 =	vor.u32 $0x80000000, v21  }
0x228: {  	v22 =	vmul.f32 $5.000000000e-01, v19;
	(xrf0) =	vmax.scan.msk.u32 $0xffff, v21  }
0x229: {  	(erf) = vpow2.f32 v20;
	v20 =	vmul.f32 $5.000000000e-01, v18  }
0x22a: {  	v21 =	vmul.f32 $1.442695020e+00, v22;
	v22 =	vmul.f32 $5.000000000e-01, v16;
	_ =	sdelay $0x1  }
0x22b: {  	v20 =	vmul.f32 $1.442695020e+00, v20  }
0x22c: {  	(erf) = vpow2.f32 v21;
	v21 =	vmul.f32 $5.000000000e-01, v17  }
0x22d: {  	(erf) = vpow2.f32 v20;
	v20 =	vmul.f32 $1.442695020e+00, v22;
	v22, _, _ =	vpop (xrf0)  }
0x22e: {  	(v2sf) =	vpush v22, $0xF  }
0x22f: {  	v23 =	vmul.f32 $5.000000000e-01, v15;
	v21 =	vmul.f32 $1.442695020e+00, v21;
	_ =	sdelay $0x1  }
0x230: {  	(erf) = vpow2.f32 v21;
	v21 =	vmul.f32 $1.442695020e+00, v23  }
0x231: {  	(erf) = vpow2.f32 v20;
	v20 =	vmul.f32 $5.000000000e-01, v14  }
0x232: {  	(erf) = vpow2.f32 v21;
	v21 =	vmul.f32 $5.000000000e-01, v11  }
0x233: {  	v22 =	vmul.f32 $5.000000000e-01, v13;
	v20 =	vmul.f32 $1.442695020e+00, v20  }
0x234: {  	v23 =	vmul.f32 $5.000000000e-01, v12;
	v21 =	vmul.f32 $1.442695020e+00, v21  }
0x235: {  	(erf) = vpow2.f32 v20;
	v20 =	vmul.f32 $1.442695020e+00, v22;
	_ =	sdelay $0x1  }
0x236: {  	(erf) = vpow2.f32 v21;
	v21 =	vmul.f32 $1.442695020e+00, v23  }
0x237: {  	(erf) = vpow2.f32 v20  }
0x238: {  	v20 =	vpop (erf);
	(erf) = vpow2.f32 v21  }
0x239: {  	v24 =	vpop (erf)  }
0x23a: {  	v25 =	vpop (erf)  }
0x23b: {  	v26 =	vpop (erf);
	s31 =	spop (v2sf)  }
0x23c: {  	v27 =	vpop (erf);
	p0 =	slt.u32 s31, $0x80000001  }
.Ltmp20:
0x23d: {  	v28 =	vpop (erf);
	(pc) =	sbr.rel @p0 .LBB2_24-.Ltmp20, $4  }
0x23e: {  	v21 =	vpop (erf)  }
0x23f: {  	v22 =	vpop (erf)  }
0x240: {  	v23 =	vpop (erf)  }
0x241: {  	v29 =	vpop (erf)  }
0x242: {  	v31 =	vld [tilespmem:$0x1DD80];
	_ =	sdelay $0x4  }
0x243: {  	v32 =	vsel vm8, $0x10, v4;
	vm9 =	vlt.s32 v31, v5  }
0x244: {  	v33 =	vsel vm9, v31, v5;
	v31 =	vadd.s32 v32, v31  }
0x245: {  	v49 =	vsel vm7, $0x10, v4;
	vm9 =	vlt.s32 v31, v5  }
0x246: {  	v34 =	vsel vm9, v31, v5;
	v31 =	vadd.s32 v49, v31  }
0x247: {  	v50 =	vsel vm6, $0x10, v4;
	vm9 =	vlt.s32 v31, v5  }
0x248: {  	v35 =	vsel vm9, v31, v5;
	v31 =	vadd.s32 v50, v31  }
0x249: {  	v51 =	vsel vm5, $0x10, v4;
	[tilespmem:v33+s29+$0x0] =	vst.idx.msk vm8, v30;
	v30 =	vor.u32 s7, v2;
	vm9 =	vlt.s32 v31, v5  }
0x24a: {  	s0 =	sadd.s32 $0x10910, s3;
	[tilespmem:v33+s30+$0x0] =	vst.idx.msk vm8, v30;
	v30 =	vsel vm9, v31, v5;
	v31 =	vadd.s32 v51, v31  }
0x24b: {  	v52 =	vsel vm4, $0x10, v4;
	[tilespmem:v34+s29+$0x0] =	vst.idx.msk vm7, v19;
	v19 =	vor.u32 s0, v2;
	vm8 =	vlt.s32 v31, v5  }
0x24c: {  	s14 =	sadd.s32 $0x10920, s3;
	[tilespmem:v34+s30+$0x0] =	vst.idx.msk vm7, v19;
	v19 =	vsel vm8, v31, v5;
	v31 =	vadd.s32 v52, v31  }
0x24d: {  	v53 =	vsel vm3, $0x10, v4;
	[tilespmem:v35+s29+$0x0] =	vst.idx.msk vm6, v18;
	v18 =	vor.u32 s14, v2;
	vm7 =	vlt.s32 v31, v5  }
0x24e: {  	s15 =	sadd.s32 $0x10930, s3;
	[tilespmem:v35+s30+$0x0] =	vst.idx.msk vm6, v18;
	v18 =	vsel vm7, v31, v5;
	v31 =	vadd.s32 v53, v31  }
0x24f: {  	v55 =	vsel vm2, $0x10, v4;
	v54 =	vor.u32 s15, v2;
	[tilespmem:v30+s29+$0x0] =	vst.idx.msk vm5, v17;
	vm6 =	vlt.s32 v31, v5  }
0x250: {  	s16 =	sadd.s32 $0x10940, s3;
	[tilespmem:v30+s30+$0x0] =	vst.idx.msk vm5, v54;
	v56 =	vsel vm6, v31, v5;
	v30 =	vadd.s32 v55, v31  }
0x251: {  	v57 =	vor.u32 s16, v2;
	v31 =	vsel vm1, $0x10, v4;
	[tilespmem:v19+s29+$0x0] =	vst.idx.msk vm4, v16;
	vm5 =	vlt.s32 v30, v5  }
0x252: {  	s17 =	sadd.s32 $0x10950, s3;
	[tilespmem:v19+s30+$0x0] =	vst.idx.msk vm4, v57;
	v58 =	vsel vm5, v30, v5;
	v19 =	vadd.s32 v31, v30  }
0x253: {  	v59 =	vor.u32 s17, v2;
	v30 =	vsel vm0, $0x10, v4;
	[tilespmem:v18+s29+$0x0] =	vst.idx.msk vm3, v15;
	vm4 =	vlt.s32 v19, v5  }
0x254: {  	s18 =	sadd.s32 $0x10960, s3;
	[tilespmem:v18+s30+$0x0] =	vst.idx.msk vm3, v59;
	v60 =	vsel vm4, v19, v5;
	v18 =	vadd.s32 v30, v19  }
0x255: {  	v61 =	vor.u32 s18, v2;
	[tilespmem:v56+s29+$0x0] =	vst.idx.msk vm2, v14;
	vm7 =	vlt.s32 v18, v5  }
0x256: {  	s28 =	sadd.s32 $0x10970, s3;
	[tilespmem:v56+s30+$0x0] =	vst.idx.msk vm2, v61;
	v62 =	vsel vm7, v18, v5  }
0x257: {  	[tilespmem:v58+s29+$0x0] =	vst.idx.msk vm1, v11;
	v11 =	vor.u32 s28, v2  }
0x258: {  	[tilespmem:v58+s30+$0x0] =	vst.idx.msk vm1, v11  }
.Ltmp21:
0x259: {  	v11 =	vor.u32 s6, v2;
	[tilespmem:v60+s29+$0x0] =	vst.idx.msk vm0, v13;
	(pc) =	sbr.rel .LBB2_24-.Ltmp21, $4  }
0x25a: {  	s31 =	sadd.s32 $0x10990, s3;
	[tilespmem:v60+s30+$0x0] =	vst.idx.msk vm0, v11  }
0x25b: {  	v63 =	vsel vm15, $0x10, v4;
	v11 =	vor.u32 s31, v2;
	[tilespmem:v62+s29+$0x0] =	vst.idx.msk vm15, v12  }
0x25c: {  	[tilespmem:v62+s30+$0x0] =	vst.idx.msk vm15, v11;
	v11 =	vadd.s32 v63, v18  }
0x25d: {  	[tilespmem:$0x1DD80] =	vst v11  }
.LBB2_25:
0x25e: {  	_ =	swait.ge [sflag:s21], $0x80  }
0x25f: {  	[sflag:s21] =	ssyncset.done $0x0  }
0x260: {  	[sflag:s21] =	ssyncadd.s32 $0xFFFFFF80  }
0x261: {  	_ =	swait.ge [sflag:s22], $0x80  }
0x262: {  	[sflag:s22] =	ssyncset.done $0x0  }
0x263: {  	[sflag:s22] =	ssyncadd.s32 $0xFFFFFF80  }
0x264: {  	v11 =	vld [tilespmem:s8+$0x1DD00]  }
0x265: {  	v28 =	vld [tilespmem:$0x18600]  }
0x266: {  	v19 =	vld [tilespmem:$0x18610]  }
0x267: {  	v18 =	vld [tilespmem:$0x18620]  }
0x268: {  	v17 =	vld [tilespmem:$0x18630]  }
0x269: {  	v16 =	vld [tilespmem:$0x18640]  }
0x26a: {  	v15 =	vld [tilespmem:$0x18650]  }
0x26b: {  	v14 =	vld [tilespmem:$0x18660];
	vm8 =	vge.f32 v28, v10;
	vm7 =	vge.f32 v19, v10  }
0x26c: {  	v13 =	vld [tilespmem:$0x18670];
	vm6 =	vge.f32 v18, v10;
	vm0 =	vmor vm8, vm7  }
0x26d: {  	[tilespmem:$0x18680] =	vst v11;
	vm15 =	vge.f32 v17, v10;
	vm0 =	vmor vm0, vm6  }
0x26e: {  	vm5 =	vge.f32 v16, v10;
	v12 =	vld [tilespmem:s8+$0x1DD10];
	vm0 =	vmor vm0, vm15  }
0x26f: {  	vm4 =	vge.f32 v15, v10;
	vm0 =	vmor vm0, vm5  }
0x270: {  	vm3 =	vge.f32 v14, v10;
	vm0 =	vmor vm0, vm4  }
0x271: {  	vm2 =	vge.f32 v13, v10;
	vm0 =	vmor vm0, vm3  }
0x272: {  	vm1 =	vge.f32 v11, v10;
	vm9 =	vmor vm0, vm2  }
0x273: {  	vm0 =	vge.f32 v12, v10;
	vm9 =	vmor vm1, vm9  }
0x274: {  	v10 =	vmul.f32 $5.000000000e-01, v28;
	vm9 =	vmor vm0, vm9  }
0x275: {  	v20 =	vsel vm9, $0x1, v4  }
0x276: {  	v10 =	vmul.f32 $1.442695020e+00, v10;
	v20 =	vor.u32 $0x80000000, v20  }
0x277: {  	v21 =	vmul.f32 $5.000000000e-01, v19;
	(xrf0) =	vmax.scan.msk.u32 $0xffff, v20  }
0x278: {  	(erf) = vpow2.f32 v10;
	v10 =	vmul.f32 $5.000000000e-01, v18  }
0x279: {  	v20 =	vmul.f32 $1.442695020e+00, v21;
	v21 =	vmul.f32 $5.000000000e-01, v16;
	_ =	sdelay $0x1  }
0x27a: {  	v10 =	vmul.f32 $1.442695020e+00, v10  }
0x27b: {  	(erf) = vpow2.f32 v20;
	v20 =	vmul.f32 $5.000000000e-01, v17  }
0x27c: {  	(erf) = vpow2.f32 v10;
	v10 =	vmul.f32 $1.442695020e+00, v21;
	v21, _, _ =	vpop (xrf0)  }
0x27d: {  	(v2sf) =	vpush v21, $0xF  }
0x27e: {  	v22 =	vmul.f32 $5.000000000e-01, v15;
	v20 =	vmul.f32 $1.442695020e+00, v20;
	_ =	sdelay $0x1  }
0x27f: {  	(erf) = vpow2.f32 v20;
	v20 =	vmul.f32 $1.442695020e+00, v22  }
0x280: {  	(erf) = vpow2.f32 v10;
	v10 =	vmul.f32 $5.000000000e-01, v14  }
0x281: {  	(erf) = vpow2.f32 v20;
	v20 =	vmul.f32 $5.000000000e-01, v13  }
0x282: {  	v21 =	vmul.f32 $5.000000000e-01, v11;
	v10 =	vmul.f32 $1.442695020e+00, v10  }
0x283: {  	v22 =	vmul.f32 $5.000000000e-01, v12;
	v20 =	vmul.f32 $1.442695020e+00, v20  }
0x284: {  	(erf) = vpow2.f32 v10;
	v10 =	vmul.f32 $1.442695020e+00, v21  }
0x285: {  	(erf) = vpow2.f32 v20;
	v20 =	vmul.f32 $1.442695020e+00, v22;
	_ =	sdelay $0x1  }
0x286: {  	(erf) = vpow2.f32 v10  }
0x287: {  	v10 =	vpop (erf);
	(erf) = vpow2.f32 v20  }
0x288: {  	v20 =	vpop (erf)  }
0x289: {  	v21 =	vpop (erf)  }
0x28a: {  	v22 =	vpop (erf);
	s0 =	spop (v2sf)  }
0x28b: {  	v23 =	vpop (erf);
	p0 =	slt.u32 s0, $0x80000001  }
.Ltmp22:
0x28c: {  	v24 =	vpop (erf);
	(pc) =	sbr.rel @p0 .LBB2_27-.Ltmp22, $4  }
0x28d: {  	v25 =	vpop (erf)  }
0x28e: {  	v26 =	vpop (erf)  }
0x28f: {  	v27 =	vpop (erf)  }
0x290: {  	[tilespmem:$0x18690] =	vst v12;
	v29 =	vpop (erf)  }
0x291: {  	v30 =	vld [tilespmem:$0x1DD80];
	_ =	sdelay $0x4  }
0x292: {  	v31 =	vsel vm8, $0x10, v4;
	vm9 =	vlt.s32 v30, v5  }
0x293: {  	v32 =	vsel vm9, v30, v5;
	v30 =	vadd.s32 v31, v30  }
0x294: {  	v31 =	vsel vm7, $0x10, v4;
	vm9 =	vlt.s32 v30, v5  }
0x295: {  	v33 =	vsel vm9, v30, v5;
	v30 =	vadd.s32 v31, v30  }
0x296: {  	v31 =	vsel vm6, $0x10, v4;
	vm9 =	vlt.s32 v30, v5  }
0x297: {  	v34 =	vsel vm9, v30, v5;
	v30 =	vadd.s32 v31, v30  }
0x298: {  	v31 =	vsel vm15, $0x10, v4;
	[tilespmem:v32+s29+$0x0] =	vst.idx.msk vm8, v28;
	v28 =	vor.u32 $0x18600, v2;
	vm9 =	vlt.s32 v30, v5  }
0x299: {  	[tilespmem:v32+s30+$0x0] =	vst.idx.msk vm8, v28;
	v28 =	vsel vm9, v30, v5;
	v30 =	vadd.s32 v31, v30  }
0x29a: {  	v31 =	vsel vm5, $0x10, v4;
	[tilespmem:v33+s29+$0x0] =	vst.idx.msk vm7, v19;
	v19 =	vor.u32 $0x18610, v2;
	vm8 =	vlt.s32 v30, v5  }
0x29b: {  	[tilespmem:v33+s30+$0x0] =	vst.idx.msk vm7, v19;
	v19 =	vsel vm8, v30, v5;
	v30 =	vadd.s32 v31, v30  }
0x29c: {  	v31 =	vsel vm4, $0x10, v4;
	[tilespmem:v34+s29+$0x0] =	vst.idx.msk vm6, v18;
	v18 =	vor.u32 $0x18620, v2;
	vm7 =	vlt.s32 v30, v5  }
0x29d: {  	[tilespmem:v34+s30+$0x0] =	vst.idx.msk vm6, v18;
	v18 =	vsel vm7, v30, v5;
	v30 =	vadd.s32 v31, v30  }
0x29e: {  	v54 =	vor.u32 $0x18630, v2;
	v31 =	vsel vm3, $0x10, v4;
	[tilespmem:v28+s29+$0x0] =	vst.idx.msk vm15, v17;
	vm6 =	vlt.s32 v30, v5  }
0x29f: {  	[tilespmem:v28+s30+$0x0] =	vst.idx.msk vm15, v54;
	v55 =	vsel vm6, v30, v5;
	v28 =	vadd.s32 v31, v30  }
0x2a0: {  	v56 =	vor.u32 $0x18640, v2;
	v30 =	vsel vm2, $0x10, v4;
	[tilespmem:v19+s29+$0x0] =	vst.idx.msk vm5, v16;
	vm6 =	vlt.s32 v28, v5  }
0x2a1: {  	[tilespmem:v19+s30+$0x0] =	vst.idx.msk vm5, v56;
	v57 =	vsel vm6, v28, v5;
	v19 =	vadd.s32 v30, v28  }
0x2a2: {  	v58 =	vor.u32 $0x18650, v2;
	v28 =	vsel vm1, $0x10, v4;
	[tilespmem:v18+s29+$0x0] =	vst.idx.msk vm4, v15;
	vm5 =	vlt.s32 v19, v5  }
0x2a3: {  	[tilespmem:v18+s30+$0x0] =	vst.idx.msk vm4, v58;
	v59 =	vsel vm5, v19, v5;
	v18 =	vadd.s32 v28, v19  }
0x2a4: {  	v60 =	vor.u32 $0x18660, v2;
	[tilespmem:v55+s29+$0x0] =	vst.idx.msk vm3, v14;
	vm4 =	vlt.s32 v18, v5  }
0x2a5: {  	[tilespmem:v55+s30+$0x0] =	vst.idx.msk vm3, v60;
	v61 =	vsel vm4, v18, v5  }
0x2a6: {  	v62 =	vor.u32 $0x18670, v2;
	[tilespmem:v57+s29+$0x0] =	vst.idx.msk vm2, v13  }
0x2a7: {  	[tilespmem:v57+s30+$0x0] =	vst.idx.msk vm2, v62  }
0x2a8: {  	[tilespmem:v59+s29+$0x0] =	vst.idx.msk vm1, v11;
	v11 =	vor.u32 $0x18680, v2  }
0x2a9: {  	[tilespmem:v59+s30+$0x0] =	vst.idx.msk vm1, v11  }
0x2aa: {  	v63 =	vsel vm0, $0x10, v4;
	v11 =	vor.u32 $0x18690, v2;
	[tilespmem:v61+s29+$0x0] =	vst.idx.msk vm0, v12  }
0x2ab: {  	[tilespmem:v61+s30+$0x0] =	vst.idx.msk vm0, v11;
	v11 =	vadd.s32 v63, v18  }
0x2ac: {  	[tilespmem:$0x1DD80] =	vst v11  }
.LBB2_27:
0x2ad: {  	v11 =	vld [tilespmem:$0x1DD80];
	_ =	sdelay $0x2  }
0x2ae: {  	v12 =	vmul.u32 $0xFFFFFFFF, v2;
	_ =	sdelay $0x1  }
0x2af: {  	v11 =	vadd.s32 v12, v11  }
0x2b0: {  	v11 =	vxor.u32 $0x80000000, v11  }
0x2b1: {  	(xrf0) =	vmax.scan.msk.u32 $0xffff, v11;
	_ =	sdelay $0x5  }
0x2b2: {  	v11, _, _ =	vpop (xrf0)  }
0x2b3: {  	(v2sf) =	vpush v11, $0xF;
	_ =	sdelay $0x7  }
0x2b4: {  	v9 =	vadd.f32 v10, v9;
	v8 =	vadd.f32 v20, v8  }
0x2b5: {  	v7 =	vadd.f32 v21, v7;
	v6 =	vadd.f32 v22, v6  }
0x2b6: {  	v9 =	vadd.f32 v23, v9;
	v8 =	vadd.f32 v24, v8  }
0x2b7: {  	v7 =	vadd.f32 v25, v7;
	v6 =	vadd.f32 v26, v6  }
0x2b8: {  	v9 =	vadd.f32 v9, v27;
	v8 =	vadd.f32 v8, v29;
	_ =	sdelay $0x1  }
0x2b9: {  	v6 =	vadd.f32 v6, v7;
	v8 =	vadd.f32 v8, v9  }
0x2ba: {  	s0 =	spop (v2sf)  }
0x2bb: {  	v6 =	vadd.f32 v6, v8;
	s1 =	sxor.u32 $0x80000000, s0  }
0x2bc: {  	p1 =	sgt.s32 s0, $0xFFFFFFFF;
	s0 =	sand.u32 $0xF, s0;
	p0 =	slt.s32 s1, $0x1  }
0x2bd: {  	(xrf2) =	vadd.scan.msk.f32 $0xffff, v6;
	s3 =	sshra.s32 s1, $0x1F;
	p6 =	sne.s32 s0, $0x0;
	p0 =	por p1, p0  }
0x2be: {  	s31 =	sshrl.u32 s3, $0x1C;
	p0 =	por !p6, !p0  }
0x2bf: {  	s0 =	sadd.s32 s31, s1;
	s1 =	simm.s32 $0x1;
	p0 =	por !p0, !p0  }
0x2c0: {  	s0 =	sshra.s32 s0, $0x4;
	s1 =	simm.s32 @!p0 $0x0  }
0x2c1: {  	s12 =	ssub.s32 s0, s1  }
0x2c2: {  	p0 =	slt.s32 s12, $0x1  }
.Ltmp23:
0x2c3: {  	_ = 	snop;
	(pc) =	sbr.rel @p0 .LBB2_31-.Ltmp23, $3  }
0x2c4: {  	_ =	sdelay $0x1  }
0x2c5: {  	v10 =	vimm.s32 $0xFFFFFFFF  }
0x2c6: {  	v7 =	vimm.f32 $-3.000000010e+38;
	v9 =	vimm.s32 $0xFFFFFFFF;
	v11 =	vimm.f32 $-3.000000010e+38;
	v6, _, _ =	vpop (xrf2)  }
0x2c7: {  	s1 =	simm.s32 $0x1B900  }
0x2c8: {  	s0 =	simm.s32 $0x1C900;
	p1 =	sne.s32 s12, $0x1;
	v8 =	vld [tilespmem:s1+$0x0]  }
.Ltmp24:
0x2c9: {  	v12 =	vld [tilespmem:s0+$0x0];
	(pc) =	sbr.rel @!p1 .LBB2_30-.Ltmp24, $2  }
0x2ca: {  	_ =	sdelay $0x2  }
0x2cb: {  	v7 =	vimm.s32 $0x7FFFFFFF;
	s3 =	simm.s32 $0x1B910;
	v9 =	vimm.f32 $-3.000000010e+38;
	s1 =	sadd.s32 $0xFFFFFFFF, s12  }
.LBB2_29:
0x2cc: {  	v13 =	vld [tilespmem:s3+$0x0];
	vm0 =	veq.f32 v8, v9;
	vm1 =	vlt.s32 v12, v7;
	s0 =	sadd.s32 $0x10, s0;
	v14 =	vmov v12;
	p1 =	sne.s32 s1, $0x1  }
.Ltmp25:
0x2cd: {  	s1 =	sadd.s32 $0xFFFFFFFF, s1;
	vm2 =	vgt.f32 v8, v9;
	v12 =	vld [tilespmem:s0+$0x0];
	vm0 =	vmand vm0, vm1;
	(pc) =	sbr.rel @p1 .LBB2_29-.Ltmp25, $3  }
0x2ce: {  	vm0 =	vmor vm2, vm0  }
0x2cf: {  	v9 =	vsel vm0, v8, v9;
	v7 =	vsel vm0, v14, v7;
	_ =	sdelay $0x1  }
0x2d0: {  	s3 =	sadd.s32 $0x10, s3;
	v8 =	vmov v13  }
.LBB2_30:
0x2d1: {  	vm0 =	veq.f32 v8, v9;
	vm1 =	vlt.s32 v12, v7  }
0x2d2: {  	vm2 =	vgt.f32 v8, v9;
	vm0 =	vmand vm0, vm1  }
0x2d3: {  	vm0 =	vmor vm2, vm0  }
0x2d4: {  	v63 =	vsel vm0, v12, v7  }
0x2d5: {  	v7 =	vsel vm0, v8, v9;
	v9 =	vxor.u32 $0x80000000, v63  }
.LBB2_31:
0x2d6: {  	(xrf0) =	vmax.scan.msk.f32 $0xffff, v7;
	_ =	sdelay $0x5  }
0x2d7: {  	v8, _, _ =	vpop (xrf0)  }
0x2d8: {  	v8 =	vbroadcast v8, $0xF;
	_ =	sdelay $0x1  }
0x2d9: {  	vm0 =	veq.f32 v7, v8  }
0x2da: {  	v7 =	vnsel vm0, $0xFFFFFFFF, v9  }
0x2db: {  	(xrf0) =	vmin.scan.msk.u32 $0xffff, v7;
	_ =	sdelay $0x5  }
0x2dc: {  	v7, _, _ =	vpop (xrf0)  }
0x2dd: {  	(v2sf) =	vpush v7, $0xF;
	_ =	sdelay $0xc  }
.Ltmp26:
0x2de: {  	_ = 	snop;
	(pc) =	sbr.rel @p0 .LBB2_35-.Ltmp26, $4  }
0x2df: {  	_ = 	snop  }
0x2e0: {  	s5 =	spop (v2sf)  }
0x2e1: {  	s6 =	sxor.u32 $0x80000000, s5  }
0x2e2: {  	v7 =	vmov s6  }
0x2e3: {  	s1 =	simm.s32 $0x1B900  }
0x2e4: {  	s0 =	simm.s32 $0x1C900;
	p1 =	sne.s32 s12, $0x1;
	v10 =	vld [tilespmem:s1+$0x0]  }
.Ltmp27:
0x2e5: {  	v12 =	vld [tilespmem:s0+$0x0];
	(pc) =	sbr.rel @!p1 .LBB2_34-.Ltmp27, $2  }
0x2e6: {  	_ =	sdelay $0x2  }
0x2e7: {  	v9 =	vimm.f32 $-3.000000010e+38;
	v11 =	vimm.s32 $0x7FFFFFFF;
	s3 =	simm.s32 $0x1B910;
	s1 =	sadd.s32 $0xFFFFFFFF, s12  }
.LBB2_33:
0x2e8: {  	v13 =	vld [tilespmem:s3+$0x0];
	vm0 =	veq.f32 v10, v9;
	vm1 =	vlt.s32 v12, v11;
	s0 =	sadd.s32 $0x10, s0;
	v14 =	vmov v12;
	p1 =	sne.s32 s1, $0x1  }
.Ltmp28:
0x2e9: {  	s1 =	sadd.s32 $0xFFFFFFFF, s1;
	vm2 =	vgt.f32 v10, v9;
	v12 =	vld [tilespmem:s0+$0x0];
	vm0 =	vmand vm0, vm1;
	(pc) =	sbr.rel @p1 .LBB2_33-.Ltmp28, $4  }
0x2ea: {  	vm1 =	vne.s32 v14, v7;
	vm0 =	vmor vm2, vm0  }
0x2eb: {  	vm0 =	vmand vm1, vm0  }
0x2ec: {  	v9 =	vsel vm0, v10, v9;
	v11 =	vsel vm0, v14, v11  }
0x2ed: {  	s3 =	sadd.s32 $0x10, s3;
	v10 =	vmov v13  }
.LBB2_34:
0x2ee: {  	vm0 =	veq.f32 v10, v9;
	vm1 =	vlt.s32 v12, v11  }
0x2ef: {  	vm2 =	vgt.f32 v10, v9;
	vm0 =	vmand vm0, vm1  }
0x2f0: {  	vm7 =	vne.s32 v12, v7;
	vm0 =	vmor vm2, vm0  }
0x2f1: {  	vm0 =	vmand vm7, vm0  }
0x2f2: {  	v63 =	vsel vm0, v12, v11  }
0x2f3: {  	v11 =	vsel vm0, v10, v9;
	v10 =	vxor.u32 $0x80000000, v63  }
.LBB2_35:
0x2f4: {  	(xrf0) =	vmax.scan.msk.f32 $0xffff, v11;
	_ =	sdelay $0x5  }
0x2f5: {  	v9, _, _ =	vpop (xrf0)  }
0x2f6: {  	v9 =	vbroadcast v9, $0xF;
	_ =	sdelay $0x1  }
0x2f7: {  	vm0 =	veq.f32 v11, v9  }
0x2f8: {  	v10 =	vnsel vm0, $0xFFFFFFFF, v10  }
0x2f9: {  	(xrf0) =	vmin.scan.msk.u32 $0xffff, v10;
	_ =	sdelay $0x5  }
0x2fa: {  	v10, _, _ =	vpop (xrf0)  }
0x2fb: {  	(v2sf) =	vpush v10, $0xF;
	_ =	sdelay $0xc  }
.Ltmp29:
0x2fc: {  	_ = 	snop;
	(pc) =	sbr.rel @p0 .LBB2_39-.Ltmp29, $4  }
0x2fd: {  	_ = 	snop  }
0x2fe: {  	s7 =	spop (v2sf)  }
0x2ff: {  	v14 =	vimm.s32 $0xFFFFFFFF;
	v15 =	vimm.f32 $-3.000000010e+38;
	s10 =	sxor.u32 $0x80000000, s7  }
0x300: {  	v12 =	vimm.f32 $-3.000000010e+38;
	v13 =	vimm.s32 $0xFFFFFFFF;
	v10 =	vmov s10  }
0x301: {  	s1 =	simm.s32 $0x1B900  }
0x302: {  	s0 =	simm.s32 $0x1C900;
	p1 =	sne.s32 s12, $0x1;
	v11 =	vld [tilespmem:s1+$0x0]  }
.Ltmp30:
0x303: {  	v16 =	vld [tilespmem:s0+$0x0];
	(pc) =	sbr.rel @!p1 .LBB2_38-.Ltmp30, $2  }
0x304: {  	_ =	sdelay $0x2  }
0x305: {  	v12 =	vimm.f32 $-3.000000010e+38;
	v13 =	vimm.s32 $0x7FFFFFFF;
	s3 =	simm.s32 $0x1B910;
	s1 =	sadd.s32 $0xFFFFFFFF, s12  }
.LBB2_37:
0x306: {  	v17 =	vld [tilespmem:s3+$0x0];
	vm0 =	veq.f32 v11, v12;
	vm1 =	vlt.s32 v16, v13;
	s0 =	sadd.s32 $0x10, s0;
	v18 =	vmov v16;
	p1 =	sne.s32 s1, $0x1  }
.Ltmp31:
0x307: {  	s1 =	sadd.s32 $0xFFFFFFFF, s1;
	vm2 =	vgt.f32 v11, v12;
	v16 =	vld [tilespmem:s0+$0x0];
	vm0 =	vmand vm0, vm1;
	(pc) =	sbr.rel @p1 .LBB2_37-.Ltmp31, $4  }
0x308: {  	vm1 =	vne.s32 v18, v7;
	vm0 =	vmor vm2, vm0  }
0x309: {  	vm0 =	vmand vm1, vm0;
	vm1 =	vne.s32 v18, v10  }
0x30a: {  	vm0 =	vmand vm1, vm0  }
0x30b: {  	s3 =	sadd.s32 $0x10, s3;
	v12 =	vsel vm0, v11, v12;
	v13 =	vsel vm0, v18, v13;
	v11 =	vmov v17  }
.LBB2_38:
0x30c: {  	vm0 =	veq.f32 v11, v12;
	vm1 =	vlt.s32 v16, v13  }
0x30d: {  	vm2 =	vgt.f32 v11, v12;
	vm0 =	vmand vm0, vm1  }
0x30e: {  	vm6 =	vne.s32 v16, v7;
	vm0 =	vmor vm2, vm0  }
0x30f: {  	vm7 =	vne.s32 v16, v10;
	vm0 =	vmand vm6, vm0  }
0x310: {  	vm0 =	vmand vm7, vm0  }
0x311: {  	v13 =	vsel vm0, v16, v13  }
0x312: {  	v12 =	vsel vm0, v11, v12;
	v13 =	vxor.u32 $0x80000000, v13  }
.LBB2_39:
0x313: {  	(xrf0) =	vmax.scan.msk.f32 $0xffff, v12;
	_ =	sdelay $0x5  }
0x314: {  	v11, _, _ =	vpop (xrf0)  }
0x315: {  	v11 =	vbroadcast v11, $0xF;
	_ =	sdelay $0x1  }
0x316: {  	vm0 =	veq.f32 v12, v11  }
0x317: {  	v12 =	vnsel vm0, $0xFFFFFFFF, v13  }
0x318: {  	(xrf0) =	vmin.scan.msk.u32 $0xffff, v12;
	_ =	sdelay $0x5  }
0x319: {  	v12, _, _ =	vpop (xrf0)  }
0x31a: {  	(v2sf) =	vpush v12, $0xF;
	_ =	sdelay $0xc  }
.Ltmp32:
0x31b: {  	_ = 	snop;
	(pc) =	sbr.rel @p0 .LBB2_47-.Ltmp32, $4  }
0x31c: {  	_ = 	snop  }
0x31d: {  	s11 =	spop (v2sf)  }
0x31e: {  	s13 =	sxor.u32 $0x80000000, s11  }
0x31f: {  	v12 =	vmov s13  }
0x320: {  	s1 =	simm.s32 $0x1C900;
	p2 =	sne.s32 s12, $0x1  }
.Ltmp33:
0x321: {  	v16 =	vld [tilespmem:s1+$0x0];
	(pc) =	sbr.rel @!p2 .LBB2_41-.Ltmp33, $4  }
0x322: {  	_ = 	snop  }
0x323: {  	s0 =	simm.s32 $0x1B900  }
0x324: {  	v13 =	vld [tilespmem:s0+$0x0]  }
0x325: {  	v15 =	vimm.f32 $-3.000000010e+38;
	v14 =	vimm.s32 $0x7FFFFFFF;
	s3 =	sadd.s32 $0xFFFFFFFF, s12;
	p1 =	por $0x0, $0x0  }
0x326: {  	p2 =	sne.s32 s3, $0x1  }
.Ltmp34:
0x327: {  	_ = 	snop;
	(pc) =	sbr.rel @!p2 .LBB2_43-.Ltmp34, $4  }
0x328: {  	_ = 	snop  }
0x329: {  	vm1 =	vlt.s32 v16, v14;
	s0 =	simm.s32 $0x1B910;
	vm0 =	veq.f32 v13, v15  }
0x32a: {  	s1 =	simm.s32 $0x1C910;
	v17 =	vimm.f32 $-3.000000010e+38;
	v19 =	vld [tilespmem:s0+$0x0];
	vm2 =	vgt.f32 v13, v15;
	vm0 =	vmand vm0, vm1  }
0x32b: {  	s3 =	sadd.s32 $0xFFFFFFFF, s3;
	p1 =	por $0x1, $0x1;
	v18 =	vimm.s32 $0x7FFFFFFF;
	v20 =	vld [tilespmem:s1+$0x0];
	vm1 =	vne.s32 v16, v7;
	vm0 =	vmor vm2, vm0  }
.LBB2_44:
0x32c: {  	p2 =	sne.s32 s3, $0x1;
	vm0 =	vmand vm1, vm0;
	vm1 =	vne.s32 v16, v10  }
0x32d: {  	vm0 =	vmand vm1, vm0;
	vm1 =	vne.s32 v16, v12  }
.Ltmp35:
0x32e: {  	vm0 =	vmand vm1, vm0;
	(pc) =	sbr.rel @p2 .LBB2_44-.Ltmp35, $4  }
0x32f: {  	v17 =	vsel vm0, v13, v17;
	v18 =	vsel vm0, v16, v18;
	v13 =	vmov v19  }
0x330: {  	s0 =	sadd.s32 $0x10, s0;
	vm0 =	veq.f32 v13, v17;
	vm1 =	vlt.s32 v20, v18;
	v16 =	vmov v20  }
0x331: {  	s1 =	sadd.s32 $0x10, s1;
	vm2 =	vgt.f32 v13, v17;
	v19 =	vld [tilespmem:s0+$0x0];
	vm0 =	vmand vm0, vm1  }
0x332: {  	s3 =	sadd.s32 $0xFFFFFFFF, s3;
	vm1 =	vne.s32 v16, v7;
	v20 =	vld [tilespmem:s1+$0x0];
	vm0 =	vmor vm2, vm0  }
0x333: {  	_ =	sdelay $0x3  }
0x334: {  	v21 =	vmovc v16;
	v22 =	vmov v13;
	v13 =	vmov v19;
	v16 =	vmov v20  }
.LBB2_46:
0x335: {  	vm0 =	vmand @p1 vm1, vm0;
	vm1 =	vne.s32 @p1 v21, v10  }
0x336: {  	vm0 =	vmand @p1 vm1, vm0;
	vm1 =	vne.s32 @p1 v21, v12  }
0x337: {  	vm0 =	vmand @p1 vm1, vm0  }
0x338: {  	v17 =	vsel @p1 vm0, v22, v17;
	v18 =	vsel @p1 vm0, v21, v18  }
0x339: {  	v15 =	vpsel p1, v17, v15;
	v14 =	vpsel p1, v18, v14  }
0x33a: {  	vm7 =	veq.f32 v13, v15;
	vm4 =	vlt.s32 v16, v14  }
0x33b: {  	vm2 =	vgt.f32 v13, v15;
	vm0 =	vmand vm7, vm4  }
0x33c: {  	vm5 =	vne.s32 v16, v7;
	vm0 =	vmor vm2, vm0  }
0x33d: {  	vm6 =	vne.s32 v16, v10;
	vm0 =	vmand vm5, vm0  }
0x33e: {  	vm7 =	vne.s32 v16, v12;
	vm0 =	vmand vm6, vm0  }
0x33f: {  	vm0 =	vmand vm7, vm0  }
0x340: {  	v14 =	vsel vm0, v16, v14  }
0x341: {  	v15 =	vsel vm0, v13, v15;
	v14 =	vxor.u32 $0x80000000, v14  }
.LBB2_47:
0x342: {  	(xrf0) =	vmax.scan.msk.f32 $0xffff, v15;
	_ =	sdelay $0x5  }
0x343: {  	v13, _, _ =	vpop (xrf0)  }
0x344: {  	v13 =	vbroadcast v13, $0xF;
	_ =	sdelay $0x1  }
0x345: {  	vm0 =	veq.f32 v15, v13  }
0x346: {  	v14 =	vnsel vm0, $0xFFFFFFFF, v14  }
0x347: {  	(xrf0) =	vmin.scan.msk.u32 $0xffff, v14;
	_ =	sdelay $0x5  }
0x348: {  	v14, _, _ =	vpop (xrf0)  }
0x349: {  	(v2sf) =	vpush v14, $0xF;
	_ =	sdelay $0xc  }
.Ltmp36:
0x34a: {  	_ = 	snop;
	(pc) =	sbr.rel @p0 .LBB2_55-.Ltmp36, $4  }
0x34b: {  	_ = 	snop  }
0x34c: {  	s14 =	spop (v2sf)  }
0x34d: {  	v18 =	vimm.s32 $0xFFFFFFFF;
	v19 =	vimm.f32 $-3.000000010e+38;
	s15 =	sxor.u32 $0x80000000, s14  }
0x34e: {  	v16 =	vimm.f32 $-3.000000010e+38;
	v17 =	vimm.s32 $0xFFFFFFFF;
	v14 =	vmov s15  }
0x34f: {  	s1 =	simm.s32 $0x1C900;
	p2 =	sne.s32 s12, $0x1  }
.Ltmp37:
0x350: {  	v16 =	vld [tilespmem:s1+$0x0];
	(pc) =	sbr.rel @!p2 .LBB2_49-.Ltmp37, $4  }
0x351: {  	_ = 	snop  }
0x352: {  	s0 =	simm.s32 $0x1B900  }
0x353: {  	v15 =	vld [tilespmem:s0+$0x0]  }
0x354: {  	v20 =	vimm.f32 $-3.000000010e+38;
	v17 =	vimm.s32 $0x7FFFFFFF;
	s3 =	sadd.s32 $0xFFFFFFFF, s12;
	p1 =	por $0x0, $0x0  }
0x355: {  	_ = 	snop  }
0x356: {  	p2 =	sne.s32 s3, $0x1  }
.Ltmp38:
0x357: {  	_ = 	snop;
	(pc) =	sbr.rel @!p2 .LBB2_51-.Ltmp38, $4  }
0x358: {  	vm1 =	vlt.s32 v16, v17;
	vm0 =	veq.f32 v15, v20  }
0x359: {  	s0 =	simm.s32 $0x1B910;
	vm2 =	vgt.f32 v15, v20;
	vm0 =	vmand vm0, vm1  }
0x35a: {  	s1 =	simm.s32 $0x1C910;
	v21 =	vimm.f32 $-3.000000010e+38;
	v23 =	vld [tilespmem:s0+$0x0];
	vm1 =	vne.s32 v16, v7;
	vm0 =	vmor vm2, vm0  }
0x35b: {  	s3 =	sadd.s32 $0xFFFFFFFF, s3;
	p1 =	por $0x1, $0x1;
	v22 =	vimm.s32 $0x7FFFFFFF;
	v24 =	vld [tilespmem:s1+$0x0];
	vm0 =	vmand vm1, vm0;
	vm1 =	vne.s32 v16, v10  }
.LBB2_52:
0x35c: {  	p2 =	sne.s32 s3, $0x1;
	vm0 =	vmand vm1, vm0;
	vm1 =	vne.s32 v16, v12  }
0x35d: {  	vm0 =	vmand vm1, vm0;
	vm1 =	vne.s32 v16, v14  }
0x35e: {  	vm0 =	vmand vm1, vm0  }
.Ltmp39:
0x35f: {  	v21 =	vsel vm0, v15, v21;
	v22 =	vsel vm0, v16, v22;
	v15 =	vmov v23;
	(pc) =	sbr.rel @p2 .LBB2_52-.Ltmp39, $4  }
0x360: {  	vm0 =	veq.f32 v15, v21;
	vm1 =	vlt.s32 v24, v22;
	v16 =	vmov v24  }
0x361: {  	s0 =	sadd.s32 $0x10, s0;
	vm2 =	vgt.f32 v15, v21;
	vm0 =	vmand vm0, vm1  }
0x362: {  	s1 =	sadd.s32 $0x10, s1;
	vm1 =	vne.s32 v16, v7;
	v23 =	vld [tilespmem:s0+$0x0];
	vm0 =	vmor vm2, vm0  }
0x363: {  	s3 =	sadd.s32 $0xFFFFFFFF, s3;
	v24 =	vld [tilespmem:s1+$0x0];
	vm0 =	vmand vm1, vm0;
	vm1 =	vne.s32 v16, v10  }
0x364: {  	_ =	sdelay $0x3  }
0x365: {  	v25 =	vmovc v16;
	v26 =	vmov v15;
	v15 =	vmov v23;
	v16 =	vmov v24  }
.LBB2_54:
0x366: {  	vm0 =	vmand @p1 vm1, vm0;
	vm1 =	vne.s32 @p1 v25, v12  }
0x367: {  	vm0 =	vmand @p1 vm1, vm0;
	vm1 =	vne.s32 @p1 v25, v14  }
0x368: {  	vm0 =	vmand @p1 vm1, vm0  }
0x369: {  	v21 =	vsel @p1 vm0, v26, v21;
	v22 =	vsel @p1 vm0, v25, v22  }
0x36a: {  	v20 =	vpsel p1, v21, v20;
	v17 =	vpsel p1, v22, v17  }
0x36b: {  	vm6 =	veq.f32 v15, v20;
	vm7 =	vlt.s32 v16, v17  }
0x36c: {  	vm2 =	vgt.f32 v15, v20;
	vm0 =	vmand vm6, vm7  }
0x36d: {  	vm4 =	vne.s32 v16, v7;
	vm0 =	vmor vm2, vm0  }
0x36e: {  	vm5 =	vne.s32 v16, v10;
	vm0 =	vmand vm4, vm0  }
0x36f: {  	vm6 =	vne.s32 v16, v12;
	vm0 =	vmand vm5, vm0  }
0x370: {  	vm7 =	vne.s32 v16, v14;
	vm0 =	vmand vm6, vm0  }
0x371: {  	vm0 =	vmand vm7, vm0  }
0x372: {  	v17 =	vsel vm0, v16, v17  }
0x373: {  	v16 =	vsel vm0, v15, v20;
	v17 =	vxor.u32 $0x80000000, v17  }
.LBB2_55:
0x374: {  	(xrf0) =	vmax.scan.msk.f32 $0xffff, v16;
	_ =	sdelay $0x5  }
0x375: {  	v15, _, _ =	vpop (xrf0)  }
0x376: {  	v15 =	vbroadcast v15, $0xF;
	_ =	sdelay $0x1  }
0x377: {  	vm0 =	veq.f32 v16, v15  }
0x378: {  	v16 =	vnsel vm0, $0xFFFFFFFF, v17  }
0x379: {  	(xrf0) =	vmin.scan.msk.u32 $0xffff, v16;
	_ =	sdelay $0x5  }
0x37a: {  	v16, _, _ =	vpop (xrf0)  }
0x37b: {  	(v2sf) =	vpush v16, $0xF;
	_ =	sdelay $0xc  }
.Ltmp40:
0x37c: {  	_ = 	snop;
	(pc) =	sbr.rel @p0 .LBB2_63-.Ltmp40, $4  }
0x37d: {  	_ = 	snop  }
0x37e: {  	s16 =	spop (v2sf)  }
0x37f: {  	s17 =	sxor.u32 $0x80000000, s16  }
0x380: {  	v16 =	vmov s17  }
0x381: {  	s1 =	simm.s32 $0x1C900;
	p2 =	sne.s32 s12, $0x1  }
.Ltmp41:
0x382: {  	v18 =	vld [tilespmem:s1+$0x0];
	(pc) =	sbr.rel @!p2 .LBB2_57-.Ltmp41, $4  }
0x383: {  	_ = 	snop  }
0x384: {  	s0 =	simm.s32 $0x1B900  }
0x385: {  	v17 =	vld [tilespmem:s0+$0x0]  }
0x386: {  	v20 =	vimm.f32 $-3.000000010e+38;
	v19 =	vimm.s32 $0x7FFFFFFF;
	s3 =	sadd.s32 $0xFFFFFFFF, s12;
	p1 =	por $0x0, $0x0  }
0x387: {  	_ =	sdelay $0x1  }
0x388: {  	p2 =	sne.s32 s3, $0x1  }
.Ltmp42:
0x389: {  	vm1 =	vlt.s32 v18, v19;
	vm0 =	veq.f32 v17, v20;
	(pc) =	sbr.rel @!p2 .LBB2_59-.Ltmp42, $4  }
0x38a: {  	vm2 =	vgt.f32 v17, v20;
	vm0 =	vmand vm0, vm1  }
0x38b: {  	s1 =	simm.s32 $0x1B910;
	vm1 =	vne.s32 v18, v7;
	vm0 =	vmor vm2, vm0  }
0x38c: {  	s0 =	simm.s32 $0x1C910;
	v21 =	vimm.f32 $-3.000000010e+38;
	v23 =	vld [tilespmem:s1+$0x0];
	vm0 =	vmand vm1, vm0;
	vm1 =	vne.s32 v18, v10  }
0x38d: {  	s3 =	sadd.s32 $0xFFFFFFFF, s3;
	p1 =	por $0x1, $0x1;
	v22 =	vimm.s32 $0x7FFFFFFF;
	v24 =	vld [tilespmem:s0+$0x0];
	vm0 =	vmand vm1, vm0;
	vm1 =	vne.s32 v18, v12  }
.LBB2_60:
0x38e: {  	p2 =	sne.s32 s3, $0x1;
	vm0 =	vmand vm1, vm0;
	vm1 =	vne.s32 v18, v14  }
0x38f: {  	vm0 =	vmand vm1, vm0;
	vm1 =	vne.s32 v18, v16  }
0x390: {  	vm0 =	vmand vm1, vm0  }
0x391: {  	v21 =	vsel vm0, v17, v21;
	v22 =	vsel vm0, v18, v22;
	v17 =	vmov v23  }
.Ltmp43:
0x392: {  	vm0 =	veq.f32 v17, v21;
	vm1 =	vlt.s32 v24, v22;
	v18 =	vmov v24;
	(pc) =	sbr.rel @p2 .LBB2_60-.Ltmp43, $4  }
0x393: {  	vm2 =	vgt.f32 v17, v21;
	vm0 =	vmand vm0, vm1  }
0x394: {  	s1 =	sadd.s32 $0x10, s1;
	vm1 =	vne.s32 v18, v7;
	vm0 =	vmor vm2, vm0  }
0x395: {  	s0 =	sadd.s32 $0x10, s0;
	v23 =	vld [tilespmem:s1+$0x0];
	vm0 =	vmand vm1, vm0;
	vm1 =	vne.s32 v18, v10  }
0x396: {  	s3 =	sadd.s32 $0xFFFFFFFF, s3;
	v24 =	vld [tilespmem:s0+$0x0];
	vm0 =	vmand vm1, vm0;
	vm1 =	vne.s32 v18, v12  }
0x397: {  	_ =	sdelay $0x3  }
0x398: {  	v25 =	vmovc v18;
	v26 =	vmov v17;
	v17 =	vmov v23;
	v18 =	vmov v24  }
.LBB2_62:
0x399: {  	vm0 =	vmand @p1 vm1, vm0;
	vm1 =	vne.s32 @p1 v25, v14  }
0x39a: {  	vm0 =	vmand @p1 vm1, vm0;
	vm1 =	vne.s32 @p1 v25, v16  }
0x39b: {  	vm0 =	vmand @p1 vm1, vm0  }
0x39c: {  	v21 =	vsel @p1 vm0, v26, v21;
	v22 =	vsel @p1 vm0, v25, v22  }
0x39d: {  	v20 =	vpsel p1, v21, v20;
	v19 =	vpsel p1, v22, v19  }
0x39e: {  	vm5 =	veq.f32 v17, v20;
	vm6 =	vlt.s32 v18, v19  }
0x39f: {  	vm2 =	vgt.f32 v17, v20;
	vm0 =	vmand vm5, vm6  }
0x3a0: {  	vm7 =	vne.s32 v18, v7;
	vm0 =	vmor vm2, vm0  }
0x3a1: {  	vm4 =	vne.s32 v18, v10;
	vm0 =	vmand vm7, vm0  }
0x3a2: {  	vm5 =	vne.s32 v18, v12;
	vm0 =	vmand vm4, vm0  }
0x3a3: {  	vm6 =	vne.s32 v18, v14;
	vm0 =	vmand vm5, vm0  }
0x3a4: {  	vm7 =	vne.s32 v18, v16;
	vm0 =	vmand vm6, vm0  }
0x3a5: {  	vm0 =	vmand vm7, vm0  }
0x3a6: {  	v18 =	vsel vm0, v18, v19  }
0x3a7: {  	v19 =	vsel vm0, v17, v20;
	v18 =	vxor.u32 $0x80000000, v18  }
.LBB2_63:
0x3a8: {  	(xrf0) =	vmax.scan.msk.f32 $0xffff, v19;
	_ =	sdelay $0x5  }
0x3a9: {  	v17, _, _ =	vpop (xrf0)  }
0x3aa: {  	v17 =	vbroadcast v17, $0xF;
	_ =	sdelay $0x1  }
0x3ab: {  	vm0 =	veq.f32 v19, v17  }
0x3ac: {  	v18 =	vnsel vm0, $0xFFFFFFFF, v18  }
0x3ad: {  	(xrf0) =	vmin.scan.msk.u32 $0xffff, v18;
	_ =	sdelay $0x5  }
0x3ae: {  	v18, _, _ =	vpop (xrf0)  }
0x3af: {  	(v2sf) =	vpush v18, $0xF;
	_ =	sdelay $0xc  }
.Ltmp44:
0x3b0: {  	_ = 	snop;
	(pc) =	sbr.rel @p0 .LBB2_71-.Ltmp44, $4  }
0x3b1: {  	_ = 	snop  }
0x3b2: {  	s18 =	spop (v2sf)  }
0x3b3: {  	v20 =	vimm.f32 $-3.000000010e+38;
	v22 =	vimm.f32 $-3.000000010e+38;
	s3 =	sxor.u32 $0x80000000, s18  }
0x3b4: {  	v23 =	vimm.s32 $0xFFFFFFFF;
	v19 =	vimm.s32 $0xFFFFFFFF;
	v18 =	vmov s3  }
0x3b5: {  	s1 =	simm.s32 $0x1C900;
	p2 =	sne.s32 s12, $0x1  }
.Ltmp45:
0x3b6: {  	v22 =	vld [tilespmem:s1+$0x0];
	(pc) =	sbr.rel @!p2 .LBB2_65-.Ltmp45, $4  }
0x3b7: {  	_ = 	snop  }
0x3b8: {  	s0 =	simm.s32 $0x1B900  }
0x3b9: {  	v21 =	vld [tilespmem:s0+$0x0]  }
0x3ba: {  	v24 =	vimm.f32 $-3.000000010e+38;
	v23 =	vimm.s32 $0x7FFFFFFF;
	p1 =	por $0x0, $0x0;
	s0 =	sadd.s32 $0xFFFFFFFF, s12  }
0x3bb: {  	_ =	sdelay $0x2  }
0x3bc: {  	vm1 =	vlt.s32 v22, v23;
	p2 =	sne.s32 s0, $0x1;
	vm0 =	veq.f32 v21, v24  }
.Ltmp46:
0x3bd: {  	vm2 =	vgt.f32 v21, v24;
	vm0 =	vmand vm0, vm1;
	(pc) =	sbr.rel @!p2 .LBB2_67-.Ltmp46, $4  }
0x3be: {  	vm1 =	vne.s32 v22, v7;
	vm0 =	vmor vm2, vm0  }
0x3bf: {  	s1 =	simm.s32 $0x1B910;
	vm0 =	vmand vm1, vm0;
	vm1 =	vne.s32 v22, v10  }
0x3c0: {  	s28 =	simm.s32 $0x1C910;
	v25 =	vimm.f32 $-3.000000010e+38;
	v27 =	vld [tilespmem:s1+$0x0];
	vm0 =	vmand vm1, vm0;
	vm1 =	vne.s32 v22, v12  }
0x3c1: {  	s0 =	sadd.s32 $0xFFFFFFFF, s0;
	p1 =	por $0x1, $0x1;
	v26 =	vimm.s32 $0x7FFFFFFF;
	v28 =	vld [tilespmem:s28+$0x0];
	vm0 =	vmand vm1, vm0;
	vm1 =	vne.s32 v22, v14  }
.LBB2_68:
0x3c2: {  	p2 =	sne.s32 s0, $0x1;
	vm0 =	vmand vm1, vm0;
	vm1 =	vne.s32 v22, v16  }
0x3c3: {  	vm0 =	vmand vm1, vm0;
	vm1 =	vne.s32 v22, v18  }
0x3c4: {  	vm0 =	vmand vm1, vm0  }
0x3c5: {  	v25 =	vsel vm0, v21, v25;
	v26 =	vsel vm0, v22, v26;
	v21 =	vmov v27  }
0x3c6: {  	vm0 =	veq.f32 v21, v25;
	vm1 =	vlt.s32 v28, v26;
	v22 =	vmov v28  }
.Ltmp47:
0x3c7: {  	vm2 =	vgt.f32 v21, v25;
	vm0 =	vmand vm0, vm1;
	(pc) =	sbr.rel @p2 .LBB2_68-.Ltmp47, $4  }
0x3c8: {  	vm1 =	vne.s32 v22, v7;
	vm0 =	vmor vm2, vm0  }
0x3c9: {  	s1 =	sadd.s32 $0x10, s1;
	vm0 =	vmand vm1, vm0;
	vm1 =	vne.s32 v22, v10  }
0x3ca: {  	s28 =	sadd.s32 $0x10, s28;
	v27 =	vld [tilespmem:s1+$0x0];
	vm0 =	vmand vm1, vm0;
	vm1 =	vne.s32 v22, v12  }
0x3cb: {  	s0 =	sadd.s32 $0xFFFFFFFF, s0;
	v28 =	vld [tilespmem:s28+$0x0];
	vm0 =	vmand vm1, vm0;
	vm1 =	vne.s32 v22, v14  }
0x3cc: {  	_ =	sdelay $0x3  }
0x3cd: {  	v29 =	vmovc v22;
	v30 =	vmov v21;
	v21 =	vmov v27;
	v22 =	vmov v28  }
.LBB2_70:
0x3ce: {  	vm0 =	vmand @p1 vm1, vm0;
	vm1 =	vne.s32 @p1 v29, v16  }
0x3cf: {  	vm0 =	vmand @p1 vm1, vm0;
	vm1 =	vne.s32 @p1 v29, v18  }
0x3d0: {  	vm0 =	vmand @p1 vm1, vm0  }
0x3d1: {  	v25 =	vsel @p1 vm0, v30, v25;
	v26 =	vsel @p1 vm0, v29, v26  }
0x3d2: {  	v24 =	vpsel p1, v25, v24;
	v23 =	vpsel p1, v26, v23  }
0x3d3: {  	vm4 =	veq.f32 v21, v24;
	vm5 =	vlt.s32 v22, v23  }
0x3d4: {  	vm2 =	vgt.f32 v21, v24;
	vm0 =	vmand vm4, vm5  }
0x3d5: {  	vm6 =	vne.s32 v22, v7;
	vm0 =	vmor vm2, vm0  }
0x3d6: {  	vm7 =	vne.s32 v22, v10;
	vm0 =	vmand vm6, vm0  }
0x3d7: {  	vm4 =	vne.s32 v22, v12;
	vm0 =	vmand vm7, vm0  }
0x3d8: {  	vm5 =	vne.s32 v22, v14;
	vm0 =	vmand vm4, vm0  }
0x3d9: {  	vm6 =	vne.s32 v22, v16;
	vm0 =	vmand vm5, vm0  }
0x3da: {  	vm7 =	vne.s32 v22, v18;
	vm0 =	vmand vm6, vm0  }
0x3db: {  	vm0 =	vmand vm7, vm0  }
0x3dc: {  	v23 =	vsel vm0, v22, v23  }
0x3dd: {  	v22 =	vsel vm0, v21, v24;
	v23 =	vxor.u32 $0x80000000, v23  }
.LBB2_71:
0x3de: {  	(xrf0) =	vmax.scan.msk.f32 $0xffff, v22;
	_ =	sdelay $0x5  }
0x3df: {  	v21, _, _ =	vpop (xrf0)  }
0x3e0: {  	v21 =	vbroadcast v21, $0xF;
	_ =	sdelay $0x1  }
0x3e1: {  	vm0 =	veq.f32 v22, v21  }
0x3e2: {  	v22 =	vnsel vm0, $0xFFFFFFFF, v23  }
0x3e3: {  	(xrf0) =	vmin.scan.msk.u32 $0xffff, v22;
	_ =	sdelay $0x5  }
0x3e4: {  	v22, _, _ =	vpop (xrf0)  }
0x3e5: {  	(v2sf) =	vpush v22, $0xF;
	_ =	sdelay $0xb  }
.Ltmp48:
0x3e6: {  	_ = 	snop;
	(pc) =	sbr.rel @p0 .LBB2_79-.Ltmp48, $3  }
0x3e7: {  	_ =	sdelay $0x1  }
0x3e8: {  	s28 =	spop (v2sf)  }
0x3e9: {  	s31 =	sxor.u32 $0x80000000, s28  }
0x3ea: {  	s1 =	simm.s32 $0x1C900;
	p1 =	sne.s32 s12, $0x1  }
.Ltmp49:
0x3eb: {  	v22 =	vld [tilespmem:s1+$0x0];
	(pc) =	sbr.rel @!p1 .LBB2_73-.Ltmp49, $4  }
0x3ec: {  	_ = 	snop  }
0x3ed: {  	s0 =	simm.s32 $0x1B900  }
0x3ee: {  	v20 =	vld [tilespmem:s0+$0x0]  }
0x3ef: {  	v19 =	vmov s31;
	v24 =	vimm.f32 $-3.000000010e+38;
	v23 =	vimm.s32 $0x7FFFFFFF;
	p0 =	por $0x0, $0x0;
	s0 =	sadd.s32 $0xFFFFFFFF, s12  }
0x3f0: {  	_ =	sdelay $0x2  }
0x3f1: {  	vm1 =	vlt.s32 v22, v23;
	vm0 =	veq.f32 v20, v24  }
0x3f2: {  	p1 =	sne.s32 s0, $0x1;
	vm2 =	vgt.f32 v20, v24;
	vm0 =	vmand vm0, vm1  }
.Ltmp50:
0x3f3: {  	vm1 =	vne.s32 v22, v7;
	vm0 =	vmor vm2, vm0;
	(pc) =	sbr.rel @!p1 .LBB2_75-.Ltmp50, $4  }
0x3f4: {  	vm0 =	vmand vm1, vm0;
	vm1 =	vne.s32 v22, v10  }
0x3f5: {  	s1 =	simm.s32 $0x1B910;
	vm0 =	vmand vm1, vm0;
	vm1 =	vne.s32 v22, v12  }
0x3f6: {  	s12 =	simm.s32 $0x1C910;
	v25 =	vimm.f32 $-3.000000010e+38;
	v27 =	vld [tilespmem:s1+$0x0];
	vm0 =	vmand vm1, vm0;
	vm1 =	vne.s32 v22, v14  }
0x3f7: {  	s0 =	sadd.s32 $0xFFFFFFFF, s0;
	p0 =	por $0x1, $0x1;
	v26 =	vimm.s32 $0x7FFFFFFF;
	v28 =	vld [tilespmem:s12+$0x0];
	vm0 =	vmand vm1, vm0;
	vm1 =	vne.s32 v22, v16  }
.LBB2_76:
0x3f8: {  	p1 =	sne.s32 s0, $0x1;
	vm0 =	vmand vm1, vm0;
	vm1 =	vne.s32 v22, v18  }
0x3f9: {  	vm0 =	vmand vm1, vm0;
	vm1 =	vne.s32 v22, v19  }
0x3fa: {  	vm0 =	vmand vm1, vm0  }
0x3fb: {  	v25 =	vsel vm0, v20, v25;
	v26 =	vsel vm0, v22, v26;
	v20 =	vmov v27  }
0x3fc: {  	vm0 =	veq.f32 v20, v25;
	vm1 =	vlt.s32 v28, v26;
	v22 =	vmov v28  }
0x3fd: {  	vm2 =	vgt.f32 v20, v25;
	vm0 =	vmand vm0, vm1  }
.Ltmp51:
0x3fe: {  	vm1 =	vne.s32 v22, v7;
	vm0 =	vmor vm2, vm0;
	(pc) =	sbr.rel @p1 .LBB2_76-.Ltmp51, $4  }
0x3ff: {  	vm0 =	vmand vm1, vm0;
	vm1 =	vne.s32 v22, v10  }
0x400: {  	s1 =	sadd.s32 $0x10, s1;
	vm0 =	vmand vm1, vm0;
	vm1 =	vne.s32 v22, v12  }
0x401: {  	s12 =	sadd.s32 $0x10, s12;
	v27 =	vld [tilespmem:s1+$0x0];
	vm0 =	vmand vm1, vm0;
	vm1 =	vne.s32 v22, v14  }
0x402: {  	s0 =	sadd.s32 $0xFFFFFFFF, s0;
	v28 =	vld [tilespmem:s12+$0x0];
	vm0 =	vmand vm1, vm0;
	vm1 =	vne.s32 v22, v16  }
.Ltmp52:
0x403: {  	_ = 	snop;
	(pc) =	sbr.rel .LBB2_78-.Ltmp52, $2  }
0x404: {  	_ =	sdelay $0x2  }
0x405: {  	v29 =	vmovc v22;
	v30 =	vmov v20;
	v20 =	vmov v27;
	v22 =	vmov v28  }
.LBB2_41:
.Ltmp53:
0x406: {  	(pc) =	sbr.rel .LBB2_46-.Ltmp53, $2  }
0x407: {  	_ =	sdelay $0x2  }
0x408: {  	v17 =	vimm.f32 $-3.000000010e+38;
	v18 =	vimm.s32 $0x7FFFFFFF  }
.LBB2_49:
.Ltmp54:
0x409: {  	(pc) =	sbr.rel .LBB2_54-.Ltmp54, $2  }
0x40a: {  	_ =	sdelay $0x2  }
0x40b: {  	v21 =	vimm.f32 $-3.000000010e+38;
	v22 =	vimm.s32 $0x7FFFFFFF  }
.LBB2_57:
.Ltmp55:
0x40c: {  	(pc) =	sbr.rel .LBB2_62-.Ltmp55, $2  }
0x40d: {  	_ =	sdelay $0x2  }
0x40e: {  	v21 =	vimm.f32 $-3.000000010e+38;
	v22 =	vimm.s32 $0x7FFFFFFF  }
.LBB2_65:
.Ltmp56:
0x40f: {  	(pc) =	sbr.rel .LBB2_70-.Ltmp56, $2  }
0x410: {  	_ =	sdelay $0x2  }
0x411: {  	v25 =	vimm.f32 $-3.000000010e+38;
	v26 =	vimm.s32 $0x7FFFFFFF  }
.LBB2_43:
.Ltmp57:
0x412: {  	_ = 	snop;
	(pc) =	sbr.rel .LBB2_46-.Ltmp57, $3  }
0x413: {  	_ =	sdelay $0x1  }
0x414: {  	v21 =	vmov v16  }
0x415: {  	v22 =	vmovc v13;
	v17 =	vimm.f32 $-3.000000010e+38;
	v18 =	vimm.s32 $0x7FFFFFFF;
	v13 =	vmovc v19;
	v16 =	vmov v20  }
.LBB2_51:
.Ltmp58:
0x416: {  	_ = 	snop;
	(pc) =	sbr.rel .LBB2_54-.Ltmp58, $3  }
0x417: {  	_ =	sdelay $0x1  }
0x418: {  	v25 =	vmov v16  }
0x419: {  	v26 =	vmovc v15;
	v21 =	vimm.f32 $-3.000000010e+38;
	v22 =	vimm.s32 $0x7FFFFFFF;
	v15 =	vmovc v23;
	v16 =	vmov v24  }
.LBB2_59:
.Ltmp59:
0x41a: {  	_ = 	snop;
	(pc) =	sbr.rel .LBB2_62-.Ltmp59, $3  }
0x41b: {  	_ =	sdelay $0x1  }
0x41c: {  	v25 =	vmov v18  }
0x41d: {  	v26 =	vmovc v17;
	v21 =	vimm.f32 $-3.000000010e+38;
	v22 =	vimm.s32 $0x7FFFFFFF;
	v17 =	vmovc v23;
	v18 =	vmov v24  }
.LBB2_67:
.Ltmp60:
0x41e: {  	_ = 	snop;
	(pc) =	sbr.rel .LBB2_70-.Ltmp60, $3  }
0x41f: {  	_ =	sdelay $0x1  }
0x420: {  	v29 =	vmov v22  }
0x421: {  	v30 =	vmovc v21;
	v25 =	vimm.f32 $-3.000000010e+38;
	v26 =	vimm.s32 $0x7FFFFFFF;
	v21 =	vmovc v27;
	v22 =	vmov v28  }
.LBB2_75:
.Ltmp61:
0x422: {  	_ = 	snop;
	(pc) =	sbr.rel .LBB2_78-.Ltmp61, $3  }
0x423: {  	_ =	sdelay $0x1  }
0x424: {  	v29 =	vmov v22  }
0x425: {  	v30 =	vmovc v20;
	v25 =	vimm.f32 $-3.000000010e+38;
	v26 =	vimm.s32 $0x7FFFFFFF;
	v20 =	vmovc v27;
	v22 =	vmov v28  }
.LBB2_80:
0x426: {  	_ =	sfence.sel $0x180000  }
0x427: {  	[bflag:$0x0] =	sbarrier.arrive $0xFFFF  }
0x428: {  	_ =	strace $0x90000047  }
0x429: {  	s0 =	stileid.u32;
	[bflag:$0x2] =	sbarrier.arrive $0xFFFF  }
0x42a: {  	p0 =	sne.s32 s0, $0x0;
	s0 =	rddreg [dreg:$0x3]  }
0x42b: {  	s0 =	sadd.s32 @!p0 $0x100000, s0  }
0x42c: {  	[sflag:s0] =	ssyncadd.tile.s32 @!p0 $0x1;
	_ =	shalt  }
.Lfunc_end2:
_tile_overlayer_lowered:
.L_overlay_start_2:
0x42d: {  	(tag) =	ssettag $0x2  }
0x42e: {  	s0 =	rddreg [dreg:$0x0];
	s2 =	stileid.u32  }
0x42f: {  	s1 =	rddreg [dreg:$0x1];
	p0 =	sne.s32 s2, $0x0  }
0x430: {  	s3 =	rddreg [dreg:$0x2];
	[bflag:$0x3] =	sbarrier.arrive $0xFFFF;
	s2 =	simm.s32 @!p0 $0x1C09  }
0x431: {  	[timem:s3], [sflag:s2] =	dma.local @!p0 [hbm:s0], s1  }
0x432: {  	s0 =	simm.s32 @!p0 $0x9  }
0x433: {  	_ =	swait.ge @!p0 [sflag:s0], s1  }
0x434: {  	s1 =	ssub.s32 @!p0 $0x0, s1;
	[sflag:s0] =	ssyncset.done @!p0 $0x0  }
0x435: {  	[sflag:s0] =	ssyncadd.s32 @!p0 s1  }
0x436: {  	[bflag:$0x3] =	sbarrier.arrive $0xFFFF  }
0x437: {  	_ =	shalt  }

</sc_bundles>
